<compile_context>
chip_gen: v7x
topology: tpu7x:2x2x1
jax: 0.10.2.dev20260603
libtpu: 0.0.44.dev20260713+nightly
codegen_flags: <defaults>
</compile_context>

<pallas_src>
import functools
import math

import jax
import jax.numpy as jnp
from jax import lax
from jax.experimental import pallas as pl
from jax.experimental.pallas import tpu as pltpu
from jax.experimental.pallas import tpu_sc as plsc

N = 10000
E = 320000
D_IN = 128
D_ATTR = 4
D_OUT = 128
N_BASIS = 10
RADIAL = 100

NORM_IN = 1.0 / math.sqrt(D_IN * D_ATTR)
C_S = math.sin(math.pi / 8.0)
C_X = math.cos(math.pi / 8.0)

GSTEPS = 50
BN2 = N // GSTEPS
BE2 = E // GSTEPS


def _mlp_rows(elem_t, ea_row, w1_ref, w2_ref):
    pre = lax.dot_general(elem_t, w1_ref[:], (((0,), (0,)), ((), ())),
                          preferred_element_type=jnp.float32)
    h = jax.nn.silu(pre * (1.0 / math.sqrt(N_BASIS)))
    ew = jnp.dot(h, w2_ref[:], preferred_element_type=jnp.float32)
    ea_col = lax.transpose(ea_row, (1, 0))
    w_all = ew * (1.0 / math.sqrt(RADIAL)) * ea_col
    u = lax.bitcast_convert_type(w_all, jnp.uint32)
    return (u + 0x7FFF + ((u >> 16) & 1)) >> 16


def _front_body(ni_ref, attr_ref, deg_ref, win_ref, elem_lo_ref, elem_hi_ref,
                ea_lo_ref, ea_hi_ref, w1_ref, w2_ref, nf_ref, w_ref):
    acc = jnp.zeros((BN2, D_IN), jnp.float32)
    for b in range(D_ATTR):
        acc += jnp.dot(ni_ref[:] * attr_ref[:, b:b + 1], win_ref[b],
                       preferred_element_type=jnp.float32)
    nf_ref[:] = acc * NORM_IN / jnp.sqrt(deg_ref[:])
    lo = _mlp_rows(elem_lo_ref[:], ea_lo_ref[0], w1_ref, w2_ref)
    hi = _mlp_rows(elem_hi_ref[:], ea_hi_ref[0], w1_ref, w2_ref)
    w_ref[:] = lax.bitcast_convert_type(lo | (hi << 16), jnp.int32)


def _front(node_input, node_attr, node_deg, W_in_t,
           edge_length_embedded, edge_attr, W1, W2):
    bp = BE2 // 2
    return pl.pallas_call(
        _front_body,
        grid=(GSTEPS,),
        in_specs=[
            pl.BlockSpec((BN2, D_IN), lambda i: (i, 0)),
            pl.BlockSpec((BN2, D_ATTR), lambda i: (i, 0)),
            pl.BlockSpec((BN2, 1), lambda i: (i, 0)),
            pl.BlockSpec((D_ATTR, D_IN, D_IN), lambda i: (0, 0, 0)),
            pl.BlockSpec((N_BASIS, bp), lambda i: (0, i)),
            pl.BlockSpec((N_BASIS, bp), lambda i: (0, i + GSTEPS)),
            pl.BlockSpec((1, 1, bp), lambda i: (i, 0, 0)),
            pl.BlockSpec((1, 1, bp), lambda i: (i + GSTEPS, 0, 0)),
            pl.BlockSpec((N_BASIS, RADIAL), lambda i: (0, 0)),
            pl.BlockSpec((RADIAL, D_IN), lambda i: (0, 0)),
        ],
        out_specs=[
            pl.BlockSpec((BN2, D_IN), lambda i: (i, 0)),
            pl.BlockSpec((bp, D_IN), lambda i: (i, 0)),
        ],
        out_shape=[
            jax.ShapeDtypeStruct((N, D_IN), jnp.float32),
            jax.ShapeDtypeStruct((E // 2, D_IN), jnp.int32),
        ],
    )(node_input, node_attr, node_deg, W_in_t,
      edge_length_embedded, edge_length_embedded, edge_attr, edge_attr,
      W1, W2)


def _front_wrap(node_input, node_attr, node_deg, W_in_t,
                edge_length_embedded, edge_attr, W1, W2):
    elem_t = jnp.transpose(edge_length_embedded, (1, 0))
    ea3 = edge_attr.reshape(2 * GSTEPS, 1, BE2 // 2)
    return _front(node_input, node_attr, node_deg, W_in_t, elem_t, ea3,
                  W1, W2)


NUM_CORES = 2
NUM_SUBCORES = 16
NUM_TILES = NUM_CORES * NUM_SUBCORES
EDGES_PER_TILE = E // NUM_TILES
CHUNK = 80
WROWS = CHUNK // 2
HALF = CHUNK // 2
PB = BE2 // 2
PROWS_PER_TILE = (E // 2) // NUM_TILES
NCHUNK = PROWS_PER_TILE // WROWS
NSLOT = 2
NIDX = 4
ROWS_PER_TILE = N // NUM_SUBCORES


def _sc_edge_kernel(nf_hbm, w_hbm, src_hbm, dst_hbm, zeros_hbm, out_hbm,
                    src_v, dst_v, g_v, w_v, agg_sh, *sems):
    sem_idx = sems[0:NIDX]
    sem_in = sems[NIDX:NIDX + NSLOT]
    sem_out = sems[NIDX + NSLOT:NIDX + NSLOT + 2]
    c = lax.axis_index("c")
    s = lax.axis_index("s")
    wid = c * NUM_SUBCORES + s
    base_p = wid * PROWS_PER_TILE

    pltpu.sync_copy(zeros_hbm, agg_sh.at[pl.ds(s * ROWS_PER_TILE, ROWS_PER_TILE)])
    plsc.subcore_barrier()

    def when(cond, fn):
        if isinstance(cond, bool):
            if cond:
                fn()
        else:
            pl.when(cond)(fn)

    def edge_offsets(i):
        lo = base_p + i * WROWS
        return lo, lo + (E // 2)

    def issue_idx(i, b):
        lo, hi = edge_offsets(i)
        pltpu.async_copy(src_hbm.at[pl.ds(lo, HALF)],
                         src_v.at[2 * b], sem_idx[b])
        pltpu.async_copy(src_hbm.at[pl.ds(hi, HALF)],
                         src_v.at[2 * b + 1], sem_idx[b])
        pltpu.async_copy(dst_hbm.at[pl.ds(lo, HALF)],
                         dst_v.at[2 * b], sem_idx[b])
        pltpu.async_copy(dst_hbm.at[pl.ds(hi, HALF)],
                         dst_v.at[2 * b + 1], sem_idx[b])

    def wait_idx(b):
        for _ in range(4):
            pltpu.make_async_copy(src_hbm.at[pl.ds(0, HALF)],
                                  src_v.at[2 * b], sem_idx[b]).wait()

    def issue_in(i, b, bi):
        pltpu.async_copy(nf_hbm.at[src_v.at[2 * bi]],
                         g_v.at[b, pl.ds(0, HALF)], sem_in[b])
        pltpu.async_copy(nf_hbm.at[src_v.at[2 * bi + 1]],
                         g_v.at[b, pl.ds(HALF, HALF)], sem_in[b])
        pltpu.async_copy(w_hbm.at[pl.ds(base_p + i * WROWS, WROWS)],
                         w_v.at[b], sem_in[b])

    def wait_in(b):
        for _ in range(2):
            pltpu.make_async_copy(nf_hbm.at[pl.ds(0, HALF)],
                                  g_v.at[b, pl.ds(0, HALF)],
                                  sem_in[b]).wait()
        pltpu.make_async_copy(w_hbm.at[pl.ds(0, WROWS)], w_v.at[b],
                              sem_in[b]).wait()

    def compute(b):
        def rowfn(r, carry2):
            for j in range(D_IN // 16):
                sl = pl.ds(j * 16, 16)
                wv = w_v[b, r, sl]
                wlo = lax.bitcast_convert_type(lax.shift_left(wv, 16),
                                               jnp.float32)
                whi = lax.bitcast_convert_type(wv & jnp.int32(-65536),
                                               jnp.float32)
                g_v[b, r, sl] = g_v[b, r, sl] * wlo
                g_v[b, HALF + r, sl] = g_v[b, HALF + r, sl] * whi
            return carry2

        lax.fori_loop(0, WROWS, rowfn, 0)

    def scatter(i_b, h, b):
        pltpu.async_copy(g_v.at[b, pl.ds(h * HALF, HALF)],
                         agg_sh.at[dst_v.at[2 * i_b + h]], sem_out[h],
                         add=True)

    def wait_out(h):
        pltpu.make_async_copy(nf_hbm.at[pl.ds(0, HALF)],
                              g_v.at[0, pl.ds(0, HALF)], sem_out[h]).wait()

    def step(i, u2, u4):
        def prefetch_data():
            wait_idx((u4 + 1) % NIDX)
            when(i >= 1, lambda: wait_out(0))
            when(i >= 1, lambda: wait_out(1))
            issue_in(i + 1, 1 - u2, (u4 + 1) % NIDX)

        when(i + 1 < NCHUNK, prefetch_data)
        wait_in(u2)
        compute(u2)
        scatter(u4, 0, u2)
        scatter(u4, 1, u2)
        when(i + 2 < NCHUNK, lambda: issue_idx(i + 2, (u4 + 2) % NIDX))

    issue_idx(0, 0)
    issue_idx(1, 1)
    wait_idx(0)
    issue_in(0, 0, 0)

    n_main = (NCHUNK - 1) // NIDX

    def body(k, carry):
        for u in range(NIDX):
            step(k * NIDX + u, u % NSLOT, u)
        return carry

    lax.fori_loop(0, n_main, body, 0)
    for i in range(n_main * NIDX, NCHUNK):
        step(i, i % NSLOT, i % NIDX)
    for _ in range(2):
        wait_out(0)
        wait_out(1)

    plsc.subcore_barrier()

    @pl.when(s == 0)
    def _():
        pltpu.sync_copy(agg_sh, out_hbm.at[c])


def _sc_aggregate(nf, w_pack, edge_src, edge_dst):
    mesh = plsc.VectorSubcoreMesh(core_axis_name="c", subcore_axis_name="s",
                                  num_cores=NUM_CORES,
                                  num_subcores=NUM_SUBCORES)
    zeros = jnp.zeros((ROWS_PER_TILE, D_IN), jnp.float32)
    call = functools.partial(
        pl.kernel,
        out_type=jax.ShapeDtypeStruct((NUM_CORES, N, D_IN), jnp.float32),
        mesh=mesh,
        scratch_types=(
            [
                pltpu.VMEM((2 * NIDX, HALF), jnp.int32),
                pltpu.VMEM((2 * NIDX, HALF), jnp.int32),
                pltpu.VMEM((NSLOT, CHUNK, D_IN), jnp.float32),
                pltpu.VMEM((NSLOT, WROWS, D_IN), jnp.int32),
                pltpu.VMEM_SHARED((N, D_IN), jnp.float32),
            ]
            + [pltpu.SemaphoreType.DMA] * (NIDX + NSLOT + 2)
        ),
    )(_sc_edge_kernel)
    return call(nf, w_pack, edge_src, edge_dst, zeros)


BN = 400

def _output_body(agg_ref, ni_ref, attr_ref, deg_ref, wm_ref, wo_ref, out_ref):
    a = (agg_ref[0] + agg_ref[1]) / jnp.sqrt(deg_ref[:])
    accm = jnp.zeros((BN, D_OUT), jnp.float32)
    acco = jnp.zeros((BN, D_OUT), jnp.float32)
    for b in range(D_ATTR):
        ab = attr_ref[:, b:b + 1]
        accm += jnp.dot(ni_ref[:] * ab, wm_ref[b],
                        preferred_element_type=jnp.float32)
        acco += jnp.dot(a * ab, wo_ref[b],
                        preferred_element_type=jnp.float32)
    out_ref[:] = (C_S * NORM_IN) * accm + (C_X * NORM_IN) * acco


def _output(agg2, node_input, node_attr, node_deg, W_mask_t, W_out_t):
    return pl.pallas_call(
        _output_body,
        grid=(N // BN,),
        in_specs=[
            pl.BlockSpec((2, BN, D_IN), lambda i: (0, i, 0)),
            pl.BlockSpec((BN, D_IN), lambda i: (i, 0)),
            pl.BlockSpec((BN, D_ATTR), lambda i: (i, 0)),
            pl.BlockSpec((BN, 1), lambda i: (i, 0)),
            pl.BlockSpec((D_ATTR, D_IN, D_OUT), lambda i: (0, 0, 0)),
            pl.BlockSpec((D_ATTR, D_IN, D_OUT), lambda i: (0, 0, 0)),
        ],
        out_specs=pl.BlockSpec((BN, D_OUT), lambda i: (i, 0)),
        out_shape=jax.ShapeDtypeStruct((N, D_OUT), jnp.float32),
    )(agg2, node_input, node_attr, node_deg, W_mask_t, W_out_t)


def kernel(node_input, node_attr, node_deg, edge_src, edge_dst, edge_attr,
           edge_length_embedded, numb, n, W_in, W_mask, W1, W2, W_out):
    edge_src = edge_src.astype(jnp.int32)
    edge_dst = edge_dst.astype(jnp.int32)
    W_in_t = jnp.transpose(W_in, (1, 0, 2))
    W_mask_t = jnp.transpose(W_mask, (1, 0, 2))
    W_out_t = jnp.transpose(W_out, (1, 0, 2))

    nf, w_edge = _front_wrap(node_input, node_attr, node_deg, W_in_t,
                             edge_length_embedded, edge_attr, W1, W2)
    agg2 = _sc_aggregate(nf, w_edge, edge_src, edge_dst)
    return _output(agg2, node_input, node_attr, node_deg, W_mask_t, W_out_t)

# --- scband reference (transcript-rebuilt; emitter-appended) ---
"""Pipeline reference for scband-graph-convolution-31593779429782 (READ-ONLY COPY).

The authoritative reference and input builder live on the scoring server;
editing this copy changes nothing except your own understanding.
"""

import jax, jax.numpy as jnp
import numpy as np
import math

N = 10000
E = 320000
D_IN = 128
D_ATTR = 4
D_OUT = 128
N_BASIS = 10
RADIAL = 100

# All irreps are chosen as even scalars (l=0), so every e3nn tensor product
# reduces exactly to a (per-path-normalized) bilinear contraction:
#   FullyConnectedTensorProduct(a x0e, b x0e -> c x0e): out_c = sum_{a,b} W[a,b,c] x_a y_b / sqrt(a*b)
#   TensorProduct 'uvu' (128x0e, 1x0e -> 128x0e, shared_weights=False): out_u = x_u * y_0 * w_u (per-edge w, path_weight=1/sqrt(mul2)=1)
#   FullyConnectedNet([10,100,128], silu): x @ W1/sqrt(10) -> silu -> @ W2/sqrt(100)
# The output_mask of linear_mask is all-ones for pure scalar irreps, so c_x = cos(pi/8) everywhere.

def setup_inputs(seed: int = 0) -> dict:
    key = jax.random.key(seed)
    ks = jax.random.split(key, 12)
    node_input = jax.random.normal(ks[0], (N, D_IN), dtype=jnp.float32)
    node_attr = jax.random.normal(ks[1], (N, D_ATTR), dtype=jnp.float32)
    node_deg = jnp.ones((N, 1), dtype=jnp.float32)
    edge_src = jax.random.randint(ks[2], (E,), 0, N, dtype=jnp.int64) if jax.config.jax_enable_x64 else jax.random.randint(ks[2], (E,), 0, N)
    edge_dst = jax.random.randint(ks[3], (E,), 0, N)
    edge_attr = jax.random.normal(ks[4], (E, 1), dtype=jnp.float32)
    edge_length_embedded = jax.random.uniform(ks[5], (E, N_BASIS), dtype=jnp.float32)
    W_in = jax.random.normal(ks[6], (D_IN, D_ATTR, D_IN), dtype=jnp.float32)
    W_mask = jax.random.normal(ks[7], (D_IN, D_ATTR, D_OUT), dtype=jnp.float32)
    W1 = jax.random.normal(ks[8], (N_BASIS, RADIAL), dtype=jnp.float32)
    W2 = jax.random.normal(ks[9], (RADIAL, D_IN), dtype=jnp.float32)
    W_out = jax.random.normal(ks[10], (D_IN, D_ATTR, D_OUT), dtype=jnp.float32)
    return {"node_input": node_input, "node_attr": node_attr, "node_deg": node_deg,
            "edge_src": edge_src, "edge_dst": edge_dst, "edge_attr": edge_attr,
            "edge_length_embedded": edge_length_embedded, "numb": N, "n": 1,
            "W_in": W_in, "W_mask": W_mask, "W1": W1, "W2": W2, "W_out": W_out}


def reference(node_input, node_attr, node_deg, edge_src, edge_dst, edge_attr,
              edge_length_embedded, numb, n, W_in, W_mask, W1, W2, W_out):
    norm_in = 1.0 / math.sqrt(D_IN * D_ATTR)
    # linear_input: FCTP(node_input, node_attr) -> irreps_in
    node_input_features = jnp.einsum('za,zb,abc->zc', node_input, node_attr, W_in) * norm_in
    node_features = node_input_features / jnp.sqrt(node_deg)
    # linear_mask: FCTP(node_input, node_attr) -> irreps_out
    node_mask = jnp.einsum('za,zb,abc->zc', node_input, node_attr, W_mask) * norm_in
    # edge2weight: FullyConnectedNet([10, 100, 128], silu)
    h = jax.nn.silu((edge_length_embedded @ W1) / math.sqrt(N_BASIS))
    edge_weight = (h @ W2) / math.sqrt(RADIAL)  # [E, 128] = tensor_edge.weight_numel
    # tensor_edge: 'uvu' TP of gathered node features with scalar edge_attr, per-edge weights
    gathered = jnp.take(node_features, edge_src, axis=0)  # gather [E, 128]
    edge_features = gathered * edge_attr * edge_weight
    # scatter-add over destination nodes
    agg = jnp.zeros((node_input.shape[0], D_IN), dtype=node_input.dtype).at[edge_dst].add(edge_features)
    agg = agg / jnp.sqrt(node_deg)
    # linear_output: FCTP(agg, node_attr) -> irreps_out
    node_output = jnp.einsum('za,zb,abc->zc', agg, node_attr, W_out) * norm_in
    c_s = math.sin(math.pi / 8.0)
    c_x = math.cos(math.pi / 8.0)  # output_mask is all-ones for pure scalar irreps
    return c_s * node_mask + c_x * node_output

if __name__ == "__main__":
    import jax
    _d = setup_inputs()
    print(jax.jit(kernel)(*tuple(_d.values())))

</pallas_src>

<mosaic_0001>
#map = affine_map<(d0, d1) -> (0, 0)>
#map1 = affine_map<(d0, d1) -> (0)>
#map2 = affine_map<(d0, d1) -> (0, 0, 0)>
module attributes {stable_mosaic.version = 14 : i64} {
  func.func @_sc_edge_kernel(%arg0: i32, %arg1: i32, %arg2: memref<10000x128xf32, #tpu.memory_space<hbm>>, %arg3: memref<160000x128xi32, #tpu.memory_space<hbm>>, %arg4: memref<320000xi32, #tpu.memory_space<hbm>>, %arg5: memref<320000xi32, #tpu.memory_space<hbm>>, %arg6: memref<625x128xf32, #tpu.memory_space<hbm>>, %arg7: memref<2x10000x128xf32, #tpu.memory_space<hbm>>, %arg8: memref<8x40xi32, #tpu.memory_space<vmem>>, %arg9: memref<8x40xi32, #tpu.memory_space<vmem>>, %arg10: memref<2x80x128xf32, #tpu.memory_space<vmem>>, %arg11: memref<2x40x128xi32, #tpu.memory_space<vmem>>, %arg12: memref<10000x128xf32, #tpu.memory_space<vmem_shared>>, %arg13: memref<!tpu.dma_semaphore, #tpu.memory_space<semaphore_mem>>, %arg14: memref<!tpu.dma_semaphore, #tpu.memory_space<semaphore_mem>>, %arg15: memref<!tpu.dma_semaphore, #tpu.memory_space<semaphore_mem>>, %arg16: memref<!tpu.dma_semaphore, #tpu.memory_space<semaphore_mem>>, %arg17: memref<!tpu.dma_semaphore, #tpu.memory_space<semaphore_mem>>, %arg18: memref<!tpu.dma_semaphore, #tpu.memory_space<semaphore_mem>>, %arg19: memref<!tpu.dma_semaphore, #tpu.memory_space<semaphore_mem>>, %arg20: memref<!tpu.dma_semaphore, #tpu.memory_space<semaphore_mem>>) attributes {dimension_semantics = [#tpu.dimension_semantics<core_parallel>, #tpu.dimension_semantics<subcore_parallel>], iteration_bounds = array<i64: 2, 16>, scalar_prefetch = 0 : i64, scratch_operands = 13 : i64, tpu.core_type = #tpu.core_type<sc_vector_subcore>, window_params = [{transform_indices = #map}, {transform_indices = #map}, {transform_indices = #map1}, {transform_indices = #map1}, {transform_indices = #map}, {transform_indices = #map2}]} {
    %mul3A = arith.constant 16 : i32
    %mul3A_0 = arith.muli %arg0, %mul3A : i32
    %add3A = arith.addi %mul3A_0, %arg1 : i32
    %mul3A_1 = arith.constant 5000 : i32
    %mul3A_2 = arith.muli %add3A, %mul3A_1 : i32
    %mul3A_3 = arith.constant 625 : i32
    %mul3A_4 = arith.muli %arg1, %mul3A_3 : i32
    "tpu.region"() ({
      %run_scoped3A = tpu.sem_alloc : memref<!tpu.dma_semaphore, #tpu.memory_space<semaphore_mem>>
      %dma_start3A_309 = arith.constant 0 : i32
      %dma_start3A_310 = tpu.memref_slice %arg12[%mul3A_4, %dma_start3A_309] : memref<10000x128xf32, #tpu.memory_space<vmem_shared>> -> memref<625x128xf32, #tpu.memory_space<vmem_shared>>
      tpu.enqueue_dma source(%arg6 : memref<625x128xf32, #tpu.memory_space<hbm>>) target(%dma_start3A_310 : memref<625x128xf32, #tpu.memory_space<vmem_shared>>) target_semaphore(%run_scoped3A : memref<!tpu.dma_semaphore, #tpu.memory_space<semaphore_mem>>)
      %dma_wait3A_311 = arith.constant 0 : i32
      %dma_wait3A_312 = tpu.memref_slice %arg12[%mul3A_4, %dma_wait3A_311] : memref<10000x128xf32, #tpu.memory_space<vmem_shared>> -> memref<625x128xf32, #tpu.memory_space<vmem_shared>>
      tpu.wait_dma2 semaphore(%run_scoped3A : memref<!tpu.dma_semaphore, #tpu.memory_space<semaphore_mem>>) src(%arg6 : memref<625x128xf32, #tpu.memory_space<hbm>>) dst(%dma_wait3A_312 : memref<625x128xf32, #tpu.memory_space<vmem_shared>>)
      tpu.yield
    }) : () -> ()
    %barrier3A = arith.constant 0 : index
    tpu.barrier barrier_id(%barrier3A)
    %add3A_5 = arith.constant 0 : i32
    %add3A_6 = arith.addi %mul3A_2, %add3A_5 : i32
    %add3A_7 = arith.constant 160000 : i32
    %add3A_8 = arith.addi %add3A_6, %add3A_7 : i32
    %dma_start3A = arith.constant 0 : i32
    %dma_start3A_9 = arith.constant 0 : i32
    %dma_start3A_10 = tpu.memref_slice %arg8[%dma_start3A, %dma_start3A_9] : memref<8x40xi32, #tpu.memory_space<vmem>> -> memref<1x40xi32, #tpu.memory_space<vmem>>
    %dma_start3A_11 = tpu.memref_squeeze %dma_start3A_10 : memref<1x40xi32, #tpu.memory_space<vmem>> -> memref<40xi32, #tpu.memory_space<vmem>>
    %dma_start3A_12 = tpu.memref_slice %arg4[%add3A_6] : memref<320000xi32, #tpu.memory_space<hbm>> -> memref<40xi32, #tpu.memory_space<hbm>>
    %dma_start3A_13 = arith.constant 0 : i32
    %dma_start3A_14 = tpu.memref_slice %arg8[%dma_start3A, %dma_start3A_13] : memref<8x40xi32, #tpu.memory_space<vmem>> -> memref<1x40xi32, #tpu.memory_space<vmem>>
    %dma_start3A_15 = tpu.memref_squeeze %dma_start3A_14 : memref<1x40xi32, #tpu.memory_space<vmem>> -> memref<40xi32, #tpu.memory_space<vmem>>
    %dma_start3A_16 = tpu.memref_slice %arg4[%add3A_6] : memref<320000xi32, #tpu.memory_space<hbm>> -> memref<40xi32, #tpu.memory_space<hbm>>
    tpu.enqueue_dma source(%dma_start3A_16 : memref<40xi32, #tpu.memory_space<hbm>>) target(%dma_start3A_15 : memref<40xi32, #tpu.memory_space<vmem>>) target_semaphore(%arg13 : memref<!tpu.dma_semaphore, #tpu.memory_space<semaphore_mem>>)
    %dma_start3A_17 = arith.constant 1 : i32
    %dma_start3A_18 = arith.constant 0 : i32
    %dma_start3A_19 = tpu.memref_slice %arg8[%dma_start3A_17, %dma_start3A_18] : memref<8x40xi32, #tpu.memory_space<vmem>> -> memref<1x40xi32, #tpu.memory_space<vmem>>
    %dma_start3A_20 = tpu.memref_squeeze %dma_start3A_19 : memref<1x40xi32, #tpu.memory_space<vmem>> -> memref<40xi32, #tpu.memory_space<vmem>>
    %dma_start3A_21 = tpu.memref_slice %arg4[%add3A_8] : memref<320000xi32, #tpu.memory_space<hbm>> -> memref<40xi32, #tpu.memory_space<hbm>>
    %dma_start3A_22 = arith.constant 0 : i32
    %dma_start3A_23 = tpu.memref_slice %arg8[%dma_start3A_17, %dma_start3A_22] : memref<8x40xi32, #tpu.memory_space<vmem>> -> memref<1x40xi32, #tpu.memory_space<vmem>>
    %dma_start3A_24 = tpu.memref_squeeze %dma_start3A_23 : memref<1x40xi32, #tpu.memory_space<vmem>> -> memref<40xi32, #tpu.memory_space<vmem>>
    %dma_start3A_25 = tpu.memref_slice %arg4[%add3A_8] : memref<320000xi32, #tpu.memory_space<hbm>> -> memref<40xi32, #tpu.memory_space<hbm>>
    tpu.enqueue_dma source(%dma_start3A_25 : memref<40xi32, #tpu.memory_space<hbm>>) target(%dma_start3A_24 : memref<40xi32, #tpu.memory_space<vmem>>) target_semaphore(%arg13 : memref<!tpu.dma_semaphore, #tpu.memory_space<semaphore_mem>>)
    %dma_start3A_26 = arith.constant 0 : i32
    %dma_start3A_27 = arith.constant 0 : i32
    %dma_start3A_28 = tpu.memref_slice %arg9[%dma_start3A_26, %dma_start3A_27] : memref<8x40xi32, #tpu.memory_space<vmem>> -> memref<1x40xi32, #tpu.memory_space<vmem>>
    %dma_start3A_29 = tpu.memref_squeeze %dma_start3A_28 : memref<1x40xi32, #tpu.memory_space<vmem>> -> memref<40xi32, #tpu.memory_space<vmem>>
    %dma_start3A_30 = tpu.memref_slice %arg5[%add3A_6] : memref<320000xi32, #tpu.memory_space<hbm>> -> memref<40xi32, #tpu.memory_space<hbm>>
    %dma_start3A_31 = arith.constant 0 : i32
    %dma_start3A_32 = tpu.memref_slice %arg9[%dma_start3A_26, %dma_start3A_31] : memref<8x40xi32, #tpu.memory_space<vmem>> -> memref<1x40xi32, #tpu.memory_space<vmem>>
    %dma_start3A_33 = tpu.memref_squeeze %dma_start3A_32 : memref<1x40xi32, #tpu.memory_space<vmem>> -> memref<40xi32, #tpu.memory_space<vmem>>
    %dma_start3A_34 = tpu.memref_slice %arg5[%add3A_6] : memref<320000xi32, #tpu.memory_space<hbm>> -> memref<40xi32, #tpu.memory_space<hbm>>
    tpu.enqueue_dma source(%dma_start3A_34 : memref<40xi32, #tpu.memory_space<hbm>>) target(%dma_start3A_33 : memref<40xi32, #tpu.memory_space<vmem>>) target_semaphore(%arg13 : memref<!tpu.dma_semaphore, #tpu.memory_space<semaphore_mem>>)
    %dma_start3A_35 = arith.constant 1 : i32
    %dma_start3A_36 = arith.constant 0 : i32
    %dma_start3A_37 = tpu.memref_slice %arg9[%dma_start3A_35, %dma_start3A_36] : memref<8x40xi32, #tpu.memory_space<vmem>> -> memref<1x40xi32, #tpu.memory_space<vmem>>
    %dma_start3A_38 = tpu.memref_squeeze %dma_start3A_37 : memref<1x40xi32, #tpu.memory_space<vmem>> -> memref<40xi32, #tpu.memory_space<vmem>>
    %dma_start3A_39 = tpu.memref_slice %arg5[%add3A_8] : memref<320000xi32, #tpu.memory_space<hbm>> -> memref<40xi32, #tpu.memory_space<hbm>>
    %dma_start3A_40 = arith.constant 0 : i32
    %dma_start3A_41 = tpu.memref_slice %arg9[%dma_start3A_35, %dma_start3A_40] : memref<8x40xi32, #tpu.memory_space<vmem>> -> memref<1x40xi32, #tpu.memory_space<vmem>>
    %dma_start3A_42 = tpu.memref_squeeze %dma_start3A_41 : memref<1x40xi32, #tpu.memory_space<vmem>> -> memref<40xi32, #tpu.memory_space<vmem>>
    %dma_start3A_43 = tpu.memref_slice %arg5[%add3A_8] : memref<320000xi32, #tpu.memory_space<hbm>> -> memref<40xi32, #tpu.memory_space<hbm>>
    tpu.enqueue_dma source(%dma_start3A_43 : memref<40xi32, #tpu.memory_space<hbm>>) target(%dma_start3A_42 : memref<40xi32, #tpu.memory_space<vmem>>) target_semaphore(%arg13 : memref<!tpu.dma_semaphore, #tpu.memory_space<semaphore_mem>>)
    %add3A_44 = arith.constant 40 : i32
    %add3A_45 = arith.addi %mul3A_2, %add3A_44 : i32
    %add3A_46 = arith.constant 160000 : i32
    %add3A_47 = arith.addi %add3A_45, %add3A_46 : i32
    %dma_start3A_48 = arith.constant 2 : i32
    %dma_start3A_49 = arith.constant 0 : i32
    %dma_start3A_50 = tpu.memref_slice %arg8[%dma_start3A_48, %dma_start3A_49] : memref<8x40xi32, #tpu.memory_space<vmem>> -> memref<1x40xi32, #tpu.memory_space<vmem>>
    %dma_start3A_51 = tpu.memref_squeeze %dma_start3A_50 : memref<1x40xi32, #tpu.memory_space<vmem>> -> memref<40xi32, #tpu.memory_space<vmem>>
    %dma_start3A_52 = tpu.memref_slice %arg4[%add3A_45] : memref<320000xi32, #tpu.memory_space<hbm>> -> memref<40xi32, #tpu.memory_space<hbm>>
    %dma_start3A_53 = arith.constant 0 : i32
    %dma_start3A_54 = tpu.memref_slice %arg8[%dma_start3A_48, %dma_start3A_53] : memref<8x40xi32, #tpu.memory_space<vmem>> -> memref<1x40xi32, #tpu.memory_space<vmem>>
    %dma_start3A_55 = tpu.memref_squeeze %dma_start3A_54 : memref<1x40xi32, #tpu.memory_space<vmem>> -> memref<40xi32, #tpu.memory_space<vmem>>
    %dma_start3A_56 = tpu.memref_slice %arg4[%add3A_45] : memref<320000xi32, #tpu.memory_space<hbm>> -> memref<40xi32, #tpu.memory_space<hbm>>
    tpu.enqueue_dma source(%dma_start3A_56 : memref<40xi32, #tpu.memory_space<hbm>>) target(%dma_start3A_55 : memref<40xi32, #tpu.memory_space<vmem>>) target_semaphore(%arg14 : memref<!tpu.dma_semaphore, #tpu.memory_space<semaphore_mem>>)
    %dma_start3A_57 = arith.constant 3 : i32
    %dma_start3A_58 = arith.constant 0 : i32
    %dma_start3A_59 = tpu.memref_slice %arg8[%dma_start3A_57, %dma_start3A_58] : memref<8x40xi32, #tpu.memory_space<vmem>> -> memref<1x40xi32, #tpu.memory_space<vmem>>
    %dma_start3A_60 = tpu.memref_squeeze %dma_start3A_59 : memref<1x40xi32, #tpu.memory_space<vmem>> -> memref<40xi32, #tpu.memory_space<vmem>>
    %dma_start3A_61 = tpu.memref_slice %arg4[%add3A_47] : memref<320000xi32, #tpu.memory_space<hbm>> -> memref<40xi32, #tpu.memory_space<hbm>>
    %dma_start3A_62 = arith.constant 0 : i32
    %dma_start3A_63 = tpu.memref_slice %arg8[%dma_start3A_57, %dma_start3A_62] : memref<8x40xi32, #tpu.memory_space<vmem>> -> memref<1x40xi32, #tpu.memory_space<vmem>>
    %dma_start3A_64 = tpu.memref_squeeze %dma_start3A_63 : memref<1x40xi32, #tpu.memory_space<vmem>> -> memref<40xi32, #tpu.memory_space<vmem>>
    %dma_start3A_65 = tpu.memref_slice %arg4[%add3A_47] : memref<320000xi32, #tpu.memory_space<hbm>> -> memref<40xi32, #tpu.memory_space<hbm>>
    tpu.enqueue_dma source(%dma_start3A_65 : memref<40xi32, #tpu.memory_space<hbm>>) target(%dma_start3A_64 : memref<40xi32, #tpu.memory_space<vmem>>) target_semaphore(%arg14 : memref<!tpu.dma_semaphore, #tpu.memory_space<semaphore_mem>>)
    %dma_start3A_66 = arith.constant 2 : i32
    %dma_start3A_67 = arith.constant 0 : i32
    %dma_start3A_68 = tpu.memref_slice %arg9[%dma_start3A_66, %dma_start3A_67] : memref<8x40xi32, #tpu.memory_space<vmem>> -> memref<1x40xi32, #tpu.memory_space<vmem>>
    %dma_start3A_69 = tpu.memref_squeeze %dma_start3A_68 : memref<1x40xi32, #tpu.memory_space<vmem>> -> memref<40xi32, #tpu.memory_space<vmem>>
    %dma_start3A_70 = tpu.memref_slice %arg5[%add3A_45] : memref<320000xi32, #tpu.memory_space<hbm>> -> memref<40xi32, #tpu.memory_space<hbm>>
    %dma_start3A_71 = arith.constant 0 : i32
    %dma_start3A_72 = tpu.memref_slice %arg9[%dma_start3A_66, %dma_start3A_71] : memref<8x40xi32, #tpu.memory_space<vmem>> -> memref<1x40xi32, #tpu.memory_space<vmem>>
    %dma_start3A_73 = tpu.memref_squeeze %dma_start3A_72 : memref<1x40xi32, #tpu.memory_space<vmem>> -> memref<40xi32, #tpu.memory_space<vmem>>
    %dma_start3A_74 = tpu.memref_slice %arg5[%add3A_45] : memref<320000xi32, #tpu.memory_space<hbm>> -> memref<40xi32, #tpu.memory_space<hbm>>
    tpu.enqueue_dma source(%dma_start3A_74 : memref<40xi32, #tpu.memory_space<hbm>>) target(%dma_start3A_73 : memref<40xi32, #tpu.memory_space<vmem>>) target_semaphore(%arg14 : memref<!tpu.dma_semaphore, #tpu.memory_space<semaphore_mem>>)
    %dma_start3A_75 = arith.constant 3 : i32
    %dma_start3A_76 = arith.constant 0 : i32
    %dma_start3A_77 = tpu.memref_slice %arg9[%dma_start3A_75, %dma_start3A_76] : memref<8x40xi32, #tpu.memory_space<vmem>> -> memref<1x40xi32, #tpu.memory_space<vmem>>
    %dma_start3A_78 = tpu.memref_squeeze %dma_start3A_77 : memref<1x40xi32, #tpu.memory_space<vmem>> -> memref<40xi32, #tpu.memory_space<vmem>>
    %dma_start3A_79 = tpu.memref_slice %arg5[%add3A_47] : memref<320000xi32, #tpu.memory_space<hbm>> -> memref<40xi32, #tpu.memory_space<hbm>>
    %dma_start3A_80 = arith.constant 0 : i32
    %dma_start3A_81 = tpu.memref_slice %arg9[%dma_start3A_75, %dma_start3A_80] : memref<8x40xi32, #tpu.memory_space<vmem>> -> memref<1x40xi32, #tpu.memory_space<vmem>>
    %dma_start3A_82 = tpu.memref_squeeze %dma_start3A_81 : memref<1x40xi32, #tpu.memory_space<vmem>> -> memref<40xi32, #tpu.memory_space<vmem>>
    %dma_start3A_83 = tpu.memref_slice %arg5[%add3A_47] : memref<320000xi32, #tpu.memory_space<hbm>> -> memref<40xi32, #tpu.memory_space<hbm>>
    tpu.enqueue_dma source(%dma_start3A_83 : memref<40xi32, #tpu.memory_space<hbm>>) target(%dma_start3A_82 : memref<40xi32, #tpu.memory_space<vmem>>) target_semaphore(%arg14 : memref<!tpu.dma_semaphore, #tpu.memory_space<semaphore_mem>>)
    %dma_wait3A = arith.constant 0 : i32
    %dma_wait3A_84 = arith.constant 0 : i32
    %dma_wait3A_85 = tpu.memref_slice %arg8[%dma_wait3A, %dma_wait3A_84] : memref<8x40xi32, #tpu.memory_space<vmem>> -> memref<1x40xi32, #tpu.memory_space<vmem>>
    %dma_wait3A_86 = tpu.memref_squeeze %dma_wait3A_85 : memref<1x40xi32, #tpu.memory_space<vmem>> -> memref<40xi32, #tpu.memory_space<vmem>>
    %dma_wait3A_87 = arith.constant 0 : i32
    %dma_wait3A_88 = tpu.memref_slice %arg4[%dma_wait3A_87] : memref<320000xi32, #tpu.memory_space<hbm>> -> memref<40xi32, #tpu.memory_space<hbm>>
    %dma_wait3A_89 = arith.constant 0 : i32
    %dma_wait3A_90 = tpu.memref_slice %arg8[%dma_wait3A, %dma_wait3A_89] : memref<8x40xi32, #tpu.memory_space<vmem>> -> memref<1x40xi32, #tpu.memory_space<vmem>>
    %dma_wait3A_91 = tpu.memref_squeeze %dma_wait3A_90 : memref<1x40xi32, #tpu.memory_space<vmem>> -> memref<40xi32, #tpu.memory_space<vmem>>
    %dma_wait3A_92 = arith.constant 0 : i32
    %dma_wait3A_93 = tpu.memref_slice %arg4[%dma_wait3A_92] : memref<320000xi32, #tpu.memory_space<hbm>> -> memref<40xi32, #tpu.memory_space<hbm>>
    tpu.wait_dma2 semaphore(%arg13 : memref<!tpu.dma_semaphore, #tpu.memory_space<semaphore_mem>>) src(%dma_wait3A_93 : memref<40xi32, #tpu.memory_space<hbm>>) dst(%dma_wait3A_91 : memref<40xi32, #tpu.memory_space<vmem>>)
    %dma_wait3A_94 = arith.constant 0 : i32
    %dma_wait3A_95 = arith.constant 0 : i32
    %dma_wait3A_96 = tpu.memref_slice %arg8[%dma_wait3A_94, %dma_wait3A_95] : memref<8x40xi32, #tpu.memory_space<vmem>> -> memref<1x40xi32, #tpu.memory_space<vmem>>
    %dma_wait3A_97 = tpu.memref_squeeze %dma_wait3A_96 : memref<1x40xi32, #tpu.memory_space<vmem>> -> memref<40xi32, #tpu.memory_space<vmem>>
    %dma_wait3A_98 = arith.constant 0 : i32
    %dma_wait3A_99 = tpu.memref_slice %arg4[%dma_wait3A_98] : memref<320000xi32, #tpu.memory_space<hbm>> -> memref<40xi32, #tpu.memory_space<hbm>>
    %dma_wait3A_100 = arith.constant 0 : i32
    %dma_wait3A_101 = tpu.memref_slice %arg8[%dma_wait3A_94, %dma_wait3A_100] : memref<8x40xi32, #tpu.memory_space<vmem>> -> memref<1x40xi32, #tpu.memory_space<vmem>>
    %dma_wait3A_102 = tpu.memref_squeeze %dma_wait3A_101 : memref<1x40xi32, #tpu.memory_space<vmem>> -> memref<40xi32, #tpu.memory_space<vmem>>
    %dma_wait3A_103 = arith.constant 0 : i32
    %dma_wait3A_104 = tpu.memref_slice %arg4[%dma_wait3A_103] : memref<320000xi32, #tpu.memory_space<hbm>> -> memref<40xi32, #tpu.memory_space<hbm>>
    tpu.wait_dma2 semaphore(%arg13 : memref<!tpu.dma_semaphore, #tpu.memory_space<semaphore_mem>>) src(%dma_wait3A_104 : memref<40xi32, #tpu.memory_space<hbm>>) dst(%dma_wait3A_102 : memref<40xi32, #tpu.memory_space<vmem>>)
    %dma_wait3A_105 = arith.constant 0 : i32
    %dma_wait3A_106 = arith.constant 0 : i32
    %dma_wait3A_107 = tpu.memref_slice %arg8[%dma_wait3A_105, %dma_wait3A_106] : memref<8x40xi32, #tpu.memory_space<vmem>> -> memref<1x40xi32, #tpu.memory_space<vmem>>
    %dma_wait3A_108 = tpu.memref_squeeze %dma_wait3A_107 : memref<1x40xi32, #tpu.memory_space<vmem>> -> memref<40xi32, #tpu.memory_space<vmem>>
    %dma_wait3A_109 = arith.constant 0 : i32
    %dma_wait3A_110 = tpu.memref_slice %arg4[%dma_wait3A_109] : memref<320000xi32, #tpu.memory_space<hbm>> -> memref<40xi32, #tpu.memory_space<hbm>>
    %dma_wait3A_111 = arith.constant 0 : i32
    %dma_wait3A_112 = tpu.memref_slice %arg8[%dma_wait3A_105, %dma_wait3A_111] : memref<8x40xi32, #tpu.memory_space<vmem>> -> memref<1x40xi32, #tpu.memory_space<vmem>>
    %dma_wait3A_113 = tpu.memref_squeeze %dma_wait3A_112 : memref<1x40xi32, #tpu.memory_space<vmem>> -> memref<40xi32, #tpu.memory_space<vmem>>
    %dma_wait3A_114 = arith.constant 0 : i32
    %dma_wait3A_115 = tpu.memref_slice %arg4[%dma_wait3A_114] : memref<320000xi32, #tpu.memory_space<hbm>> -> memref<40xi32, #tpu.memory_space<hbm>>
    tpu.wait_dma2 semaphore(%arg13 : memref<!tpu.dma_semaphore, #tpu.memory_space<semaphore_mem>>) src(%dma_wait3A_115 : memref<40xi32, #tpu.memory_space<hbm>>) dst(%dma_wait3A_113 : memref<40xi32, #tpu.memory_space<vmem>>)
    %dma_wait3A_116 = arith.constant 0 : i32
    %dma_wait3A_117 = arith.constant 0 : i32
    %dma_wait3A_118 = tpu.memref_slice %arg8[%dma_wait3A_116, %dma_wait3A_117] : memref<8x40xi32, #tpu.memory_space<vmem>> -> memref<1x40xi32, #tpu.memory_space<vmem>>
    %dma_wait3A_119 = tpu.memref_squeeze %dma_wait3A_118 : memref<1x40xi32, #tpu.memory_space<vmem>> -> memref<40xi32, #tpu.memory_space<vmem>>
    %dma_wait3A_120 = arith.constant 0 : i32
    %dma_wait3A_121 = tpu.memref_slice %arg4[%dma_wait3A_120] : memref<320000xi32, #tpu.memory_space<hbm>> -> memref<40xi32, #tpu.memory_space<hbm>>
    %dma_wait3A_122 = arith.constant 0 : i32
    %dma_wait3A_123 = tpu.memref_slice %arg8[%dma_wait3A_116, %dma_wait3A_122] : memref<8x40xi32, #tpu.memory_space<vmem>> -> memref<1x40xi32, #tpu.memory_space<vmem>>
    %dma_wait3A_124 = tpu.memref_squeeze %dma_wait3A_123 : memref<1x40xi32, #tpu.memory_space<vmem>> -> memref<40xi32, #tpu.memory_space<vmem>>
    %dma_wait3A_125 = arith.constant 0 : i32
    %dma_wait3A_126 = tpu.memref_slice %arg4[%dma_wait3A_125] : memref<320000xi32, #tpu.memory_space<hbm>> -> memref<40xi32, #tpu.memory_space<hbm>>
    tpu.wait_dma2 semaphore(%arg13 : memref<!tpu.dma_semaphore, #tpu.memory_space<semaphore_mem>>) src(%dma_wait3A_126 : memref<40xi32, #tpu.memory_space<hbm>>) dst(%dma_wait3A_124 : memref<40xi32, #tpu.memory_space<vmem>>)
    %dma_start3A_127 = arith.constant 0 : i32
    %dma_start3A_128 = arith.constant 0 : i32
    %dma_start3A_129 = arith.constant 0 : i32
    %dma_start3A_130 = arith.constant 0 : i32
    %dma_start3A_131 = tpu.memref_slice %arg10[%dma_start3A_128, %dma_start3A_129, %dma_start3A_130] : memref<2x80x128xf32, #tpu.memory_space<vmem>> -> memref<1x40x128xf32, #tpu.memory_space<vmem>>
    %dma_start3A_132 = tpu.memref_squeeze %dma_start3A_131 : memref<1x40x128xf32, #tpu.memory_space<vmem>> -> memref<40x128xf32, #tpu.memory_space<vmem>>
    %dma_start3A_133 = arith.constant 0 : i32
    %dma_start3A_134 = tpu.memref_slice %arg8[%dma_start3A_127, %dma_start3A_133] : memref<8x40xi32, #tpu.memory_space<vmem>> -> memref<1x40xi32, #tpu.memory_space<vmem>>
    %dma_start3A_135 = tpu.memref_squeeze %dma_start3A_134 : memref<1x40xi32, #tpu.memory_space<vmem>> -> memref<40xi32, #tpu.memory_space<vmem>>
    %dma_start3A_136 = arith.constant 0 : i32
    %dma_start3A_137 = arith.constant 0 : i32
    %dma_start3A_138 = tpu.memref_slice %arg2[%dma_start3A_136, %dma_start3A_137] : memref<10000x128xf32, #tpu.memory_space<hbm>> -> memref<10000x128xf32, #tpu.memory_space<hbm>>
    tpu.enqueue_indirect_dma source(%dma_start3A_138 : memref<10000x128xf32, #tpu.memory_space<hbm>>) target(%dma_start3A_132 : memref<40x128xf32, #tpu.memory_space<vmem>>) offsets(%dma_start3A_135 : memref<40xi32, #tpu.memory_space<vmem>>) semaphore(%arg17 : memref<!tpu.dma_semaphore, #tpu.memory_space<semaphore_mem>>)
    %dma_start3A_139 = arith.constant 1 : i32
    %dma_start3A_140 = arith.constant 0 : i32
    %dma_start3A_141 = arith.constant 40 : i32
    %dma_start3A_142 = arith.constant 0 : i32
    %dma_start3A_143 = tpu.memref_slice %arg10[%dma_start3A_140, %dma_start3A_141, %dma_start3A_142] : memref<2x80x128xf32, #tpu.memory_space<vmem>> -> memref<1x40x128xf32, #tpu.memory_space<vmem>>
    %dma_start3A_144 = tpu.memref_squeeze %dma_start3A_143 : memref<1x40x128xf32, #tpu.memory_space<vmem>> -> memref<40x128xf32, #tpu.memory_space<vmem>>
    %dma_start3A_145 = arith.constant 0 : i32
    %dma_start3A_146 = tpu.memref_slice %arg8[%dma_start3A_139, %dma_start3A_145] : memref<8x40xi32, #tpu.memory_space<vmem>> -> memref<1x40xi32, #tpu.memory_space<vmem>>
    %dma_start3A_147 = tpu.memref_squeeze %dma_start3A_146 : memref<1x40xi32, #tpu.memory_space<vmem>> -> memref<40xi32, #tpu.memory_space<vmem>>
    %dma_start3A_148 = arith.constant 0 : i32
    %dma_start3A_149 = arith.constant 0 : i32
    %dma_start3A_150 = tpu.memref_slice %arg2[%dma_start3A_148, %dma_start3A_149] : memref<10000x128xf32, #tpu.memory_space<hbm>> -> memref<10000x128xf32, #tpu.memory_space<hbm>>
    tpu.enqueue_indirect_dma source(%dma_start3A_150 : memref<10000x128xf32, #tpu.memory_space<hbm>>) target(%dma_start3A_144 : memref<40x128xf32, #tpu.memory_space<vmem>>) offsets(%dma_start3A_147 : memref<40xi32, #tpu.memory_space<vmem>>) semaphore(%arg17 : memref<!tpu.dma_semaphore, #tpu.memory_space<semaphore_mem>>)
    %add3A_151 = arith.constant 0 : i32
    %add3A_152 = arith.addi %mul3A_2, %add3A_151 : i32
    %dma_start3A_153 = arith.constant 0 : i32
    %dma_start3A_154 = arith.constant 0 : i32
    %dma_start3A_155 = arith.constant 0 : i32
    %dma_start3A_156 = tpu.memref_slice %arg11[%dma_start3A_153, %dma_start3A_154, %dma_start3A_155] : memref<2x40x128xi32, #tpu.memory_space<vmem>> -> memref<1x40x128xi32, #tpu.memory_space<vmem>>
    %dma_start3A_157 = tpu.memref_squeeze %dma_start3A_156 : memref<1x40x128xi32, #tpu.memory_space<vmem>> -> memref<40x128xi32, #tpu.memory_space<vmem>>
    %dma_start3A_158 = arith.constant 0 : i32
    %dma_start3A_159 = tpu.memref_slice %arg3[%add3A_152, %dma_start3A_158] : memref<160000x128xi32, #tpu.memory_space<hbm>> -> memref<40x128xi32, #tpu.memory_space<hbm>>
    %dma_start3A_160 = arith.constant 0 : i32
    %dma_start3A_161 = arith.constant 0 : i32
    %dma_start3A_162 = tpu.memref_slice %arg11[%dma_start3A_153, %dma_start3A_160, %dma_start3A_161] : memref<2x40x128xi32, #tpu.memory_space<vmem>> -> memref<1x40x128xi32, #tpu.memory_space<vmem>>
    %dma_start3A_163 = tpu.memref_squeeze %dma_start3A_162 : memref<1x40x128xi32, #tpu.memory_space<vmem>> -> memref<40x128xi32, #tpu.memory_space<vmem>>
    %dma_start3A_164 = arith.constant 0 : i32
    %dma_start3A_165 = tpu.memref_slice %arg3[%add3A_152, %dma_start3A_164] : memref<160000x128xi32, #tpu.memory_space<hbm>> -> memref<40x128xi32, #tpu.memory_space<hbm>>
    tpu.enqueue_dma source(%dma_start3A_165 : memref<40x128xi32, #tpu.memory_space<hbm>>) target(%dma_start3A_163 : memref<40x128xi32, #tpu.memory_space<vmem>>) target_semaphore(%arg17 : memref<!tpu.dma_semaphore, #tpu.memory_space<semaphore_mem>>)
    %scan3A = arith.constant 0 : i32
    %scan3A_166 = arith.constant 0 : i32
    %scan3A_167 = arith.constant 31 : i32
    %scan3A_168 = arith.addi %scan3A_166, %scan3A_167 : i32
    %scan3A_169 = arith.constant 1 : i32
    scf.for %scan3A_309 = %scan3A_166 to %scan3A_168 step %scan3A_169  : i32 {
      %mul3A_310 = arith.constant 4 : i32
      %mul3A_311 = arith.muli %scan3A_309, %mul3A_310 : i32
      %add3A_312 = arith.constant 0 : i32
      %add3A_313 = arith.addi %mul3A_311, %add3A_312 : i32
      %add3A_314 = arith.constant 1 : i32
      %add3A_315 = arith.addi %add3A_313, %add3A_314 : i32
      %lt3A = arith.constant 125 : i32
      %lt3A_316 = arith.cmpi slt, %add3A_315, %lt3A : i32
      %convert_element_type3A_317 = arith.extui %lt3A_316 : i1 to i32
      %cond3A_318 = arith.constant 0 : i32
      %cond3A_319 = arith.cmpi ne, %convert_element_type3A_317, %cond3A_318 : i32
      scf.if %cond3A_319 {
        %dma_wait3A_681 = arith.constant 2 : i32
        %dma_wait3A_682 = arith.constant 0 : i32
        %dma_wait3A_683 = tpu.memref_slice %arg8[%dma_wait3A_681, %dma_wait3A_682] : memref<8x40xi32, #tpu.memory_space<vmem>> -> memref<1x40xi32, #tpu.memory_space<vmem>>
        %dma_wait3A_684 = tpu.memref_squeeze %dma_wait3A_683 : memref<1x40xi32, #tpu.memory_space<vmem>> -> memref<40xi32, #tpu.memory_space<vmem>>
        %dma_wait3A_685 = arith.constant 0 : i32
        %dma_wait3A_686 = tpu.memref_slice %arg4[%dma_wait3A_685] : memref<320000xi32, #tpu.memory_space<hbm>> -> memref<40xi32, #tpu.memory_space<hbm>>
        %dma_wait3A_687 = arith.constant 0 : i32
        %dma_wait3A_688 = tpu.memref_slice %arg8[%dma_wait3A_681, %dma_wait3A_687] : memref<8x40xi32, #tpu.memory_space<vmem>> -> memref<1x40xi32, #tpu.memory_space<vmem>>
        %dma_wait3A_689 = tpu.memref_squeeze %dma_wait3A_688 : memref<1x40xi32, #tpu.memory_space<vmem>> -> memref<40xi32, #tpu.memory_space<vmem>>
        %dma_wait3A_690 = arith.constant 0 : i32
        %dma_wait3A_691 = tpu.memref_slice %arg4[%dma_wait3A_690] : memref<320000xi32, #tpu.memory_space<hbm>> -> memref<40xi32, #tpu.memory_space<hbm>>
        tpu.wait_dma2 semaphore(%arg14 : memref<!tpu.dma_semaphore, #tpu.memory_space<semaphore_mem>>) src(%dma_wait3A_691 : memref<40xi32, #tpu.memory_space<hbm>>) dst(%dma_wait3A_689 : memref<40xi32, #tpu.memory_space<vmem>>)
        %dma_wait3A_692 = arith.constant 2 : i32
        %dma_wait3A_693 = arith.constant 0 : i32
        %dma_wait3A_694 = tpu.memref_slice %arg8[%dma_wait3A_692, %dma_wait3A_693] : memref<8x40xi32, #tpu.memory_space<vmem>> -> memref<1x40xi32, #tpu.memory_space<vmem>>
        %dma_wait3A_695 = tpu.memref_squeeze %dma_wait3A_694 : memref<1x40xi32, #tpu.memory_space<vmem>> -> memref<40xi32, #tpu.memory_space<vmem>>
        %dma_wait3A_696 = arith.constant 0 : i32
        %dma_wait3A_697 = tpu.memref_slice %arg4[%dma_wait3A_696] : memref<320000xi32, #tpu.memory_space<hbm>> -> memref<40xi32, #tpu.memory_space<hbm>>
        %dma_wait3A_698 = arith.constant 0 : i32
        %dma_wait3A_699 = tpu.memref_slice %arg8[%dma_wait3A_692, %dma_wait3A_698] : memref<8x40xi32, #tpu.memory_space<vmem>> -> memref<1x40xi32, #tpu.memory_space<vmem>>
        %dma_wait3A_700 = tpu.memref_squeeze %dma_wait3A_699 : memref<1x40xi32, #tpu.memory_space<vmem>> -> memref<40xi32, #tpu.memory_space<vmem>>
        %dma_wait3A_701 = arith.constant 0 : i32
        %dma_wait3A_702 = tpu.memref_slice %arg4[%dma_wait3A_701] : memref<320000xi32, #tpu.memory_space<hbm>> -> memref<40xi32, #tpu.memory_space<hbm>>
        tpu.wait_dma2 semaphore(%arg14 : memref<!tpu.dma_semaphore, #tpu.memory_space<semaphore_mem>>) src(%dma_wait3A_702 : memref<40xi32, #tpu.memory_space<hbm>>) dst(%dma_wait3A_700 : memref<40xi32, #tpu.memory_space<vmem>>)
        %dma_wait3A_703 = arith.constant 2 : i32
        %dma_wait3A_704 = arith.constant 0 : i32
        %dma_wait3A_705 = tpu.memref_slice %arg8[%dma_wait3A_703, %dma_wait3A_704] : memref<8x40xi32, #tpu.memory_space<vmem>> -> memref<1x40xi32, #tpu.memory_space<vmem>>
        %dma_wait3A_706 = tpu.memref_squeeze %dma_wait3A_705 : memref<1x40xi32, #tpu.memory_space<vmem>> -> memref<40xi32, #tpu.memory_space<vmem>>
        %dma_wait3A_707 = arith.constant 0 : i32
        %dma_wait3A_708 = tpu.memref_slice %arg4[%dma_wait3A_707] : memref<320000xi32, #tpu.memory_space<hbm>> -> memref<40xi32, #tpu.memory_space<hbm>>
        %dma_wait3A_709 = arith.constant 0 : i32
        %dma_wait3A_710 = tpu.memref_slice %arg8[%dma_wait3A_703, %dma_wait3A_709] : memref<8x40xi32, #tpu.memory_space<vmem>> -> memref<1x40xi32, #tpu.memory_space<vmem>>
        %dma_wait3A_711 = tpu.memref_squeeze %dma_wait3A_710 : memref<1x40xi32, #tpu.memory_space<vmem>> -> memref<40xi32, #tpu.memory_space<vmem>>
        %dma_wait3A_712 = arith.constant 0 : i32
        %dma_wait3A_713 = tpu.memref_slice %arg4[%dma_wait3A_712] : memref<320000xi32, #tpu.memory_space<hbm>> -> memref<40xi32, #tpu.memory_space<hbm>>
        tpu.wait_dma2 semaphore(%arg14 : memref<!tpu.dma_semaphore, #tpu.memory_space<semaphore_mem>>) src(%dma_wait3A_713 : memref<40xi32, #tpu.memory_space<hbm>>) dst(%dma_wait3A_711 : memref<40xi32, #tpu.memory_space<vmem>>)
        %dma_wait3A_714 = arith.constant 2 : i32
        %dma_wait3A_715 = arith.constant 0 : i32
        %dma_wait3A_716 = tpu.memref_slice %arg8[%dma_wait3A_714, %dma_wait3A_715] : memref<8x40xi32, #tpu.memory_space<vmem>> -> memref<1x40xi32, #tpu.memory_space<vmem>>
        %dma_wait3A_717 = tpu.memref_squeeze %dma_wait3A_716 : memref<1x40xi32, #tpu.memory_space<vmem>> -> memref<40xi32, #tpu.memory_space<vmem>>
        %dma_wait3A_718 = arith.constant 0 : i32
        %dma_wait3A_719 = tpu.memref_slice %arg4[%dma_wait3A_718] : memref<320000xi32, #tpu.memory_space<hbm>> -> memref<40xi32, #tpu.memory_space<hbm>>
        %dma_wait3A_720 = arith.constant 0 : i32
        %dma_wait3A_721 = tpu.memref_slice %arg8[%dma_wait3A_714, %dma_wait3A_720] : memref<8x40xi32, #tpu.memory_space<vmem>> -> memref<1x40xi32, #tpu.memory_space<vmem>>
        %dma_wait3A_722 = tpu.memref_squeeze %dma_wait3A_721 : memref<1x40xi32, #tpu.memory_space<vmem>> -> memref<40xi32, #tpu.memory_space<vmem>>
        %dma_wait3A_723 = arith.constant 0 : i32
        %dma_wait3A_724 = tpu.memref_slice %arg4[%dma_wait3A_723] : memref<320000xi32, #tpu.memory_space<hbm>> -> memref<40xi32, #tpu.memory_space<hbm>>
        tpu.wait_dma2 semaphore(%arg14 : memref<!tpu.dma_semaphore, #tpu.memory_space<semaphore_mem>>) src(%dma_wait3A_724 : memref<40xi32, #tpu.memory_space<hbm>>) dst(%dma_wait3A_722 : memref<40xi32, #tpu.memory_space<vmem>>)
        %ge3A = arith.constant 1 : i32
        %ge3A_725 = arith.cmpi sge, %add3A_313, %ge3A : i32
        %convert_element_type3A_726 = arith.extui %ge3A_725 : i1 to i32
        %cond3A_727 = arith.constant 0 : i32
        %cond3A_728 = arith.cmpi ne, %convert_element_type3A_726, %cond3A_727 : i32
        scf.if %cond3A_728 {
          %dma_wait3A_776 = arith.constant 0 : i32
          %dma_wait3A_777 = arith.constant 0 : i32
          %dma_wait3A_778 = arith.constant 0 : i32
          %dma_wait3A_779 = tpu.memref_slice %arg10[%dma_wait3A_776, %dma_wait3A_777, %dma_wait3A_778] : memref<2x80x128xf32, #tpu.memory_space<vmem>> -> memref<1x40x128xf32, #tpu.memory_space<vmem>>
          %dma_wait3A_780 = tpu.memref_squeeze %dma_wait3A_779 : memref<1x40x128xf32, #tpu.memory_space<vmem>> -> memref<40x128xf32, #tpu.memory_space<vmem>>
          %dma_wait3A_781 = arith.constant 0 : i32
          %dma_wait3A_782 = arith.constant 0 : i32
          %dma_wait3A_783 = tpu.memref_slice %arg2[%dma_wait3A_781, %dma_wait3A_782] : memref<10000x128xf32, #tpu.memory_space<hbm>> -> memref<40x128xf32, #tpu.memory_space<hbm>>
          %dma_wait3A_784 = arith.constant 0 : i32
          %dma_wait3A_785 = arith.constant 0 : i32
          %dma_wait3A_786 = tpu.memref_slice %arg10[%dma_wait3A_776, %dma_wait3A_784, %dma_wait3A_785] : memref<2x80x128xf32, #tpu.memory_space<vmem>> -> memref<1x40x128xf32, #tpu.memory_space<vmem>>
          %dma_wait3A_787 = tpu.memref_squeeze %dma_wait3A_786 : memref<1x40x128xf32, #tpu.memory_space<vmem>> -> memref<40x128xf32, #tpu.memory_space<vmem>>
          %dma_wait3A_788 = arith.constant 0 : i32
          %dma_wait3A_789 = arith.constant 0 : i32
          %dma_wait3A_790 = tpu.memref_slice %arg2[%dma_wait3A_788, %dma_wait3A_789] : memref<10000x128xf32, #tpu.memory_space<hbm>> -> memref<40x128xf32, #tpu.memory_space<hbm>>
          tpu.wait_dma2 semaphore(%arg19 : memref<!tpu.dma_semaphore, #tpu.memory_space<semaphore_mem>>) src(%dma_wait3A_790 : memref<40x128xf32, #tpu.memory_space<hbm>>) dst(%dma_wait3A_787 : memref<40x128xf32, #tpu.memory_space<vmem>>)
        } else {
        }
        %ge3A_729 = arith.constant 1 : i32
        %ge3A_730 = arith.cmpi sge, %add3A_313, %ge3A_729 : i32
        %convert_element_type3A_731 = arith.extui %ge3A_730 : i1 to i32
        %cond3A_732 = arith.constant 0 : i32
        %cond3A_733 = arith.cmpi ne, %convert_element_type3A_731, %cond3A_732 : i32
        scf.if %cond3A_733 {
          %dma_wait3A_776 = arith.constant 0 : i32
          %dma_wait3A_777 = arith.constant 0 : i32
          %dma_wait3A_778 = arith.constant 0 : i32
          %dma_wait3A_779 = tpu.memref_slice %arg10[%dma_wait3A_776, %dma_wait3A_777, %dma_wait3A_778] : memref<2x80x128xf32, #tpu.memory_space<vmem>> -> memref<1x40x128xf32, #tpu.memory_space<vmem>>
          %dma_wait3A_780 = tpu.memref_squeeze %dma_wait3A_779 : memref<1x40x128xf32, #tpu.memory_space<vmem>> -> memref<40x128xf32, #tpu.memory_space<vmem>>
          %dma_wait3A_781 = arith.constant 0 : i32
          %dma_wait3A_782 = arith.constant 0 : i32
          %dma_wait3A_783 = tpu.memref_slice %arg2[%dma_wait3A_781, %dma_wait3A_782] : memref<10000x128xf32, #tpu.memory_space<hbm>> -> memref<40x128xf32, #tpu.memory_space<hbm>>
          %dma_wait3A_784 = arith.constant 0 : i32
          %dma_wait3A_785 = arith.constant 0 : i32
          %dma_wait3A_786 = tpu.memref_slice %arg10[%dma_wait3A_776, %dma_wait3A_784, %dma_wait3A_785] : memref<2x80x128xf32, #tpu.memory_space<vmem>> -> memref<1x40x128xf32, #tpu.memory_space<vmem>>
          %dma_wait3A_787 = tpu.memref_squeeze %dma_wait3A_786 : memref<1x40x128xf32, #tpu.memory_space<vmem>> -> memref<40x128xf32, #tpu.memory_space<vmem>>
          %dma_wait3A_788 = arith.constant 0 : i32
          %dma_wait3A_789 = arith.constant 0 : i32
          %dma_wait3A_790 = tpu.memref_slice %arg2[%dma_wait3A_788, %dma_wait3A_789] : memref<10000x128xf32, #tpu.memory_space<hbm>> -> memref<40x128xf32, #tpu.memory_space<hbm>>
          tpu.wait_dma2 semaphore(%arg20 : memref<!tpu.dma_semaphore, #tpu.memory_space<semaphore_mem>>) src(%dma_wait3A_790 : memref<40x128xf32, #tpu.memory_space<hbm>>) dst(%dma_wait3A_787 : memref<40x128xf32, #tpu.memory_space<vmem>>)
        } else {
        }
        %add3A_734 = arith.constant 1 : i32
        %add3A_735 = arith.addi %add3A_313, %add3A_734 : i32
        %dma_start3A_736 = arith.constant 2 : i32
        %dma_start3A_737 = arith.constant 1 : i32
        %dma_start3A_738 = arith.constant 0 : i32
        %dma_start3A_739 = arith.constant 0 : i32
        %dma_start3A_740 = tpu.memref_slice %arg10[%dma_start3A_737, %dma_start3A_738, %dma_start3A_739] : memref<2x80x128xf32, #tpu.memory_space<vmem>> -> memref<1x40x128xf32, #tpu.memory_space<vmem>>
        %dma_start3A_741 = tpu.memref_squeeze %dma_start3A_740 : memref<1x40x128xf32, #tpu.memory_space<vmem>> -> memref<40x128xf32, #tpu.memory_space<vmem>>
        %dma_start3A_742 = arith.constant 0 : i32
        %dma_start3A_743 = tpu.memref_slice %arg8[%dma_start3A_736, %dma_start3A_742] : memref<8x40xi32, #tpu.memory_space<vmem>> -> memref<1x40xi32, #tpu.memory_space<vmem>>
        %dma_start3A_744 = tpu.memref_squeeze %dma_start3A_743 : memref<1x40xi32, #tpu.memory_space<vmem>> -> memref<40xi32, #tpu.memory_space<vmem>>
        %dma_start3A_745 = arith.constant 0 : i32
        %dma_start3A_746 = arith.constant 0 : i32
        %dma_start3A_747 = tpu.memref_slice %arg2[%dma_start3A_745, %dma_start3A_746] : memref<10000x128xf32, #tpu.memory_space<hbm>> -> memref<10000x128xf32, #tpu.memory_space<hbm>>
        tpu.enqueue_indirect_dma source(%dma_start3A_747 : memref<10000x128xf32, #tpu.memory_space<hbm>>) target(%dma_start3A_741 : memref<40x128xf32, #tpu.memory_space<vmem>>) offsets(%dma_start3A_744 : memref<40xi32, #tpu.memory_space<vmem>>) semaphore(%arg18 : memref<!tpu.dma_semaphore, #tpu.memory_space<semaphore_mem>>)
        %dma_start3A_748 = arith.constant 3 : i32
        %dma_start3A_749 = arith.constant 1 : i32
        %dma_start3A_750 = arith.constant 40 : i32
        %dma_start3A_751 = arith.constant 0 : i32
        %dma_start3A_752 = tpu.memref_slice %arg10[%dma_start3A_749, %dma_start3A_750, %dma_start3A_751] : memref<2x80x128xf32, #tpu.memory_space<vmem>> -> memref<1x40x128xf32, #tpu.memory_space<vmem>>
        %dma_start3A_753 = tpu.memref_squeeze %dma_start3A_752 : memref<1x40x128xf32, #tpu.memory_space<vmem>> -> memref<40x128xf32, #tpu.memory_space<vmem>>
        %dma_start3A_754 = arith.constant 0 : i32
        %dma_start3A_755 = tpu.memref_slice %arg8[%dma_start3A_748, %dma_start3A_754] : memref<8x40xi32, #tpu.memory_space<vmem>> -> memref<1x40xi32, #tpu.memory_space<vmem>>
        %dma_start3A_756 = tpu.memref_squeeze %dma_start3A_755 : memref<1x40xi32, #tpu.memory_space<vmem>> -> memref<40xi32, #tpu.memory_space<vmem>>
        %dma_start3A_757 = arith.constant 0 : i32
        %dma_start3A_758 = arith.constant 0 : i32
        %dma_start3A_759 = tpu.memref_slice %arg2[%dma_start3A_757, %dma_start3A_758] : memref<10000x128xf32, #tpu.memory_space<hbm>> -> memref<10000x128xf32, #tpu.memory_space<hbm>>
        tpu.enqueue_indirect_dma source(%dma_start3A_759 : memref<10000x128xf32, #tpu.memory_space<hbm>>) target(%dma_start3A_753 : memref<40x128xf32, #tpu.memory_space<vmem>>) offsets(%dma_start3A_756 : memref<40xi32, #tpu.memory_space<vmem>>) semaphore(%arg18 : memref<!tpu.dma_semaphore, #tpu.memory_space<semaphore_mem>>)
        %mul3A_760 = arith.constant 40 : i32
        %mul3A_761 = arith.muli %add3A_735, %mul3A_760 : i32
        %add3A_762 = arith.addi %mul3A_2, %mul3A_761 : i32
        %dma_start3A_763 = arith.constant 1 : i32
        %dma_start3A_764 = arith.constant 0 : i32
        %dma_start3A_765 = arith.constant 0 : i32
        %dma_start3A_766 = tpu.memref_slice %arg11[%dma_start3A_763, %dma_start3A_764, %dma_start3A_765] : memref<2x40x128xi32, #tpu.memory_space<vmem>> -> memref<1x40x128xi32, #tpu.memory_space<vmem>>
        %dma_start3A_767 = tpu.memref_squeeze %dma_start3A_766 : memref<1x40x128xi32, #tpu.memory_space<vmem>> -> memref<40x128xi32, #tpu.memory_space<vmem>>
        %dma_start3A_768 = arith.constant 0 : i32
        %dma_start3A_769 = tpu.memref_slice %arg3[%add3A_762, %dma_start3A_768] : memref<160000x128xi32, #tpu.memory_space<hbm>> -> memref<40x128xi32, #tpu.memory_space<hbm>>
        %dma_start3A_770 = arith.constant 0 : i32
        %dma_start3A_771 = arith.constant 0 : i32
        %dma_start3A_772 = tpu.memref_slice %arg11[%dma_start3A_763, %dma_start3A_770, %dma_start3A_771] : memref<2x40x128xi32, #tpu.memory_space<vmem>> -> memref<1x40x128xi32, #tpu.memory_space<vmem>>
        %dma_start3A_773 = tpu.memref_squeeze %dma_start3A_772 : memref<1x40x128xi32, #tpu.memory_space<vmem>> -> memref<40x128xi32, #tpu.memory_space<vmem>>
        %dma_start3A_774 = arith.constant 0 : i32
        %dma_start3A_775 = tpu.memref_slice %arg3[%add3A_762, %dma_start3A_774] : memref<160000x128xi32, #tpu.memory_space<hbm>> -> memref<40x128xi32, #tpu.memory_space<hbm>>
        tpu.enqueue_dma source(%dma_start3A_775 : memref<40x128xi32, #tpu.memory_space<hbm>>) target(%dma_start3A_773 : memref<40x128xi32, #tpu.memory_space<vmem>>) target_semaphore(%arg18 : memref<!tpu.dma_semaphore, #tpu.memory_space<semaphore_mem>>)
      } else {
      }
      %dma_wait3A_320 = arith.constant 0 : i32
      %dma_wait3A_321 = arith.constant 0 : i32
      %dma_wait3A_322 = arith.constant 0 : i32
      %dma_wait3A_323 = tpu.memref_slice %arg10[%dma_wait3A_320, %dma_wait3A_321, %dma_wait3A_322] : memref<2x80x128xf32, #tpu.memory_space<vmem>> -> memref<1x40x128xf32, #tpu.memory_space<vmem>>
      %dma_wait3A_324 = tpu.memref_squeeze %dma_wait3A_323 : memref<1x40x128xf32, #tpu.memory_space<vmem>> -> memref<40x128xf32, #tpu.memory_space<vmem>>
      %dma_wait3A_325 = arith.constant 0 : i32
      %dma_wait3A_326 = arith.constant 0 : i32
      %dma_wait3A_327 = tpu.memref_slice %arg2[%dma_wait3A_325, %dma_wait3A_326] : memref<10000x128xf32, #tpu.memory_space<hbm>> -> memref<40x128xf32, #tpu.memory_space<hbm>>
      %dma_wait3A_328 = arith.constant 0 : i32
      %dma_wait3A_329 = arith.constant 0 : i32
      %dma_wait3A_330 = tpu.memref_slice %arg10[%dma_wait3A_320, %dma_wait3A_328, %dma_wait3A_329] : memref<2x80x128xf32, #tpu.memory_space<vmem>> -> memref<1x40x128xf32, #tpu.memory_space<vmem>>
      %dma_wait3A_331 = tpu.memref_squeeze %dma_wait3A_330 : memref<1x40x128xf32, #tpu.memory_space<vmem>> -> memref<40x128xf32, #tpu.memory_space<vmem>>
      %dma_wait3A_332 = arith.constant 0 : i32
      %dma_wait3A_333 = arith.constant 0 : i32
      %dma_wait3A_334 = tpu.memref_slice %arg2[%dma_wait3A_332, %dma_wait3A_333] : memref<10000x128xf32, #tpu.memory_space<hbm>> -> memref<40x128xf32, #tpu.memory_space<hbm>>
      tpu.wait_dma2 semaphore(%arg17 : memref<!tpu.dma_semaphore, #tpu.memory_space<semaphore_mem>>) src(%dma_wait3A_334 : memref<40x128xf32, #tpu.memory_space<hbm>>) dst(%dma_wait3A_331 : memref<40x128xf32, #tpu.memory_space<vmem>>)
      %dma_wait3A_335 = arith.constant 0 : i32
      %dma_wait3A_336 = arith.constant 0 : i32
      %dma_wait3A_337 = arith.constant 0 : i32
      %dma_wait3A_338 = tpu.memref_slice %arg10[%dma_wait3A_335, %dma_wait3A_336, %dma_wait3A_337] : memref<2x80x128xf32, #tpu.memory_space<vmem>> -> memref<1x40x128xf32, #tpu.memory_space<vmem>>
      %dma_wait3A_339 = tpu.memref_squeeze %dma_wait3A_338 : memref<1x40x128xf32, #tpu.memory_space<vmem>> -> memref<40x128xf32, #tpu.memory_space<vmem>>
      %dma_wait3A_340 = arith.constant 0 : i32
      %dma_wait3A_341 = arith.constant 0 : i32
      %dma_wait3A_342 = tpu.memref_slice %arg2[%dma_wait3A_340, %dma_wait3A_341] : memref<10000x128xf32, #tpu.memory_space<hbm>> -> memref<40x128xf32, #tpu.memory_space<hbm>>
      %dma_wait3A_343 = arith.constant 0 : i32
      %dma_wait3A_344 = arith.constant 0 : i32
      %dma_wait3A_345 = tpu.memref_slice %arg10[%dma_wait3A_335, %dma_wait3A_343, %dma_wait3A_344] : memref<2x80x128xf32, #tpu.memory_space<vmem>> -> memref<1x40x128xf32, #tpu.memory_space<vmem>>
      %dma_wait3A_346 = tpu.memref_squeeze %dma_wait3A_345 : memref<1x40x128xf32, #tpu.memory_space<vmem>> -> memref<40x128xf32, #tpu.memory_space<vmem>>
      %dma_wait3A_347 = arith.constant 0 : i32
      %dma_wait3A_348 = arith.constant 0 : i32
      %dma_wait3A_349 = tpu.memref_slice %arg2[%dma_wait3A_347, %dma_wait3A_348] : memref<10000x128xf32, #tpu.memory_space<hbm>> -> memref<40x128xf32, #tpu.memory_space<hbm>>
      tpu.wait_dma2 semaphore(%arg17 : memref<!tpu.dma_semaphore, #tpu.memory_space<semaphore_mem>>) src(%dma_wait3A_349 : memref<40x128xf32, #tpu.memory_space<hbm>>) dst(%dma_wait3A_346 : memref<40x128xf32, #tpu.memory_space<vmem>>)
      %dma_wait3A_350 = arith.constant 0 : i32
      %dma_wait3A_351 = arith.constant 0 : i32
      %dma_wait3A_352 = arith.constant 0 : i32
      %dma_wait3A_353 = tpu.memref_slice %arg11[%dma_wait3A_350, %dma_wait3A_351, %dma_wait3A_352] : memref<2x40x128xi32, #tpu.memory_space<vmem>> -> memref<1x40x128xi32, #tpu.memory_space<vmem>>
      %dma_wait3A_354 = tpu.memref_squeeze %dma_wait3A_353 : memref<1x40x128xi32, #tpu.memory_space<vmem>> -> memref<40x128xi32, #tpu.memory_space<vmem>>
      %dma_wait3A_355 = arith.constant 0 : i32
      %dma_wait3A_356 = arith.constant 0 : i32
      %dma_wait3A_357 = tpu.memref_slice %arg3[%dma_wait3A_355, %dma_wait3A_356] : memref<160000x128xi32, #tpu.memory_space<hbm>> -> memref<40x128xi32, #tpu.memory_space<hbm>>
      %dma_wait3A_358 = arith.constant 0 : i32
      %dma_wait3A_359 = arith.constant 0 : i32
      %dma_wait3A_360 = tpu.memref_slice %arg11[%dma_wait3A_350, %dma_wait3A_358, %dma_wait3A_359] : memref<2x40x128xi32, #tpu.memory_space<vmem>> -> memref<1x40x128xi32, #tpu.memory_space<vmem>>
      %dma_wait3A_361 = tpu.memref_squeeze %dma_wait3A_360 : memref<1x40x128xi32, #tpu.memory_space<vmem>> -> memref<40x128xi32, #tpu.memory_space<vmem>>
      %dma_wait3A_362 = arith.constant 0 : i32
      %dma_wait3A_363 = arith.constant 0 : i32
      %dma_wait3A_364 = tpu.memref_slice %arg3[%dma_wait3A_362, %dma_wait3A_363] : memref<160000x128xi32, #tpu.memory_space<hbm>> -> memref<40x128xi32, #tpu.memory_space<hbm>>
      tpu.wait_dma2 semaphore(%arg17 : memref<!tpu.dma_semaphore, #tpu.memory_space<semaphore_mem>>) src(%dma_wait3A_364 : memref<40x128xi32, #tpu.memory_space<hbm>>) dst(%dma_wait3A_361 : memref<40x128xi32, #tpu.memory_space<vmem>>)
      %scan3A_365 = arith.constant 0 : i32
      %scan3A_366 = arith.constant 0 : i32
      %scan3A_367 = arith.constant 40 : i32
      %scan3A_368 = arith.addi %scan3A_366, %scan3A_367 : i32
      %scan3A_369 = arith.constant 1 : i32
      scf.for %scan3A_681 = %scan3A_366 to %scan3A_368 step %scan3A_369  : i32 {
        %get3A = arith.constant 0 : i32
        %get3A_682 = arith.index_cast %get3A : i32 to index
        %get3A_683 = arith.index_cast %scan3A_681 : i32 to index
        %get3A_684 = arith.constant 0 : index
        %get3A_685 = tpu.vector_load %arg11[%get3A_682, %get3A_683, %get3A_684] {strides = array<i32>} : memref<2x40x128xi32, #tpu.memory_space<vmem>>, vector<1x1x16xi32>,
        %get3A_686 = vector.shape_cast %get3A_685 : vector<1x1x16xi32> to vector<16xi32>
        %shift_left3A = arith.constant 16 : i32
        %shift_left3A_687 = vector.broadcast %shift_left3A : i32 to vector<16xi32>
        %shift_left3A_688 = arith.shli %get3A_686, %shift_left3A_687 : vector<16xi32>
        %bitcast_convert_type3A = tpu.bitcast %shift_left3A_688 : vector<16xi32> -> vector<16xf32>
        %and3A = arith.constant -65536 : i32
        %and3A_689 = vector.broadcast %and3A : i32 to vector<16xi32>
        %and3A_690 = arith.andi %get3A_686, %and3A_689 : vector<16xi32>
        %bitcast_convert_type3A_691 = tpu.bitcast %and3A_690 : vector<16xi32> -> vector<16xf32>
        %get3A_692 = arith.constant 0 : i32
        %get3A_693 = arith.index_cast %get3A_692 : i32 to index
        %get3A_694 = arith.index_cast %scan3A_681 : i32 to index
        %get3A_695 = arith.constant 0 : index
        %get3A_696 = tpu.vector_load %arg10[%get3A_693, %get3A_694, %get3A_695] {strides = array<i32>} : memref<2x80x128xf32, #tpu.memory_space<vmem>>, vector<1x1x16xf32>,
        %get3A_697 = vector.shape_cast %get3A_696 : vector<1x1x16xf32> to vector<16xf32>
        %mul3A_698 = arith.mulf %get3A_697, %bitcast_convert_type3A : vector<16xf32>
        %swap3A = arith.constant 0 : i32
        %swap3A_699 = arith.index_cast %swap3A : i32 to index
        %swap3A_700 = arith.index_cast %scan3A_681 : i32 to index
        %swap3A_701 = arith.constant 0 : index
        %swap3A_702 = tpu.vector_load %arg10[%swap3A_699, %swap3A_700, %swap3A_701] {strides = array<i32>} : memref<2x80x128xf32, #tpu.memory_space<vmem>>, vector<1x1x16xf32>,
        %swap3A_703 = vector.shape_cast %swap3A_702 : vector<1x1x16xf32> to vector<16xf32>
        %swap3A_704 = vector.shape_cast %mul3A_698 : vector<16xf32> to vector<1x1x16xf32>
        tpu.vector_store %arg10[%swap3A_699, %swap3A_700, %swap3A_701], %swap3A_704 {strides = array<i32>} : memref<2x80x128xf32, #tpu.memory_space<vmem>>, vector<1x1x16xf32>,
        %add3A_705 = arith.constant 40 : i32
        %add3A_706 = arith.addi %add3A_705, %scan3A_681 : i32
        %get3A_707 = arith.constant 0 : i32
        %get3A_708 = arith.index_cast %get3A_707 : i32 to index
        %get3A_709 = arith.index_cast %add3A_706 : i32 to index
        %get3A_710 = arith.constant 0 : index
        %get3A_711 = tpu.vector_load %arg10[%get3A_708, %get3A_709, %get3A_710] {strides = array<i32>} : memref<2x80x128xf32, #tpu.memory_space<vmem>>, vector<1x1x16xf32>,
        %get3A_712 = vector.shape_cast %get3A_711 : vector<1x1x16xf32> to vector<16xf32>
        %mul3A_713 = arith.mulf %get3A_712, %bitcast_convert_type3A_691 : vector<16xf32>
        %add3A_714 = arith.constant 40 : i32
        %add3A_715 = arith.addi %add3A_714, %scan3A_681 : i32
        %swap3A_716 = arith.constant 0 : i32
        %swap3A_717 = arith.index_cast %swap3A_716 : i32 to index
        %swap3A_718 = arith.index_cast %add3A_715 : i32 to index
        %swap3A_719 = arith.constant 0 : index
        %swap3A_720 = tpu.vector_load %arg10[%swap3A_717, %swap3A_718, %swap3A_719] {strides = array<i32>} : memref<2x80x128xf32, #tpu.memory_space<vmem>>, vector<1x1x16xf32>,
        %swap3A_721 = vector.shape_cast %swap3A_720 : vector<1x1x16xf32> to vector<16xf32>
        %swap3A_722 = vector.shape_cast %mul3A_713 : vector<16xf32> to vector<1x1x16xf32>
        tpu.vector_store %arg10[%swap3A_717, %swap3A_718, %swap3A_719], %swap3A_722 {strides = array<i32>} : memref<2x80x128xf32, #tpu.memory_space<vmem>>, vector<1x1x16xf32>,
        %get3A_723 = arith.constant 0 : i32
        %get3A_724 = arith.index_cast %get3A_723 : i32 to index
        %get3A_725 = arith.index_cast %scan3A_681 : i32 to index
        %get3A_726 = arith.constant 16 : index
        %get3A_727 = tpu.vector_load %arg11[%get3A_724, %get3A_725, %get3A_726] {strides = array<i32>} : memref<2x40x128xi32, #tpu.memory_space<vmem>>, vector<1x1x16xi32>,
        %get3A_728 = vector.shape_cast %get3A_727 : vector<1x1x16xi32> to vector<16xi32>
        %shift_left3A_729 = arith.constant 16 : i32
        %shift_left3A_730 = vector.broadcast %shift_left3A_729 : i32 to vector<16xi32>
        %shift_left3A_731 = arith.shli %get3A_728, %shift_left3A_730 : vector<16xi32>
        %bitcast_convert_type3A_732 = tpu.bitcast %shift_left3A_731 : vector<16xi32> -> vector<16xf32>
        %and3A_733 = arith.constant -65536 : i32
        %and3A_734 = vector.broadcast %and3A_733 : i32 to vector<16xi32>
        %and3A_735 = arith.andi %get3A_728, %and3A_734 : vector<16xi32>
        %bitcast_convert_type3A_736 = tpu.bitcast %and3A_735 : vector<16xi32> -> vector<16xf32>
        %get3A_737 = arith.constant 0 : i32
        %get3A_738 = arith.index_cast %get3A_737 : i32 to index
        %get3A_739 = arith.index_cast %scan3A_681 : i32 to index
        %get3A_740 = arith.constant 16 : index
        %get3A_741 = tpu.vector_load %arg10[%get3A_738, %get3A_739, %get3A_740] {strides = array<i32>} : memref<2x80x128xf32, #tpu.memory_space<vmem>>, vector<1x1x16xf32>,
        %get3A_742 = vector.shape_cast %get3A_741 : vector<1x1x16xf32> to vector<16xf32>
        %mul3A_743 = arith.mulf %get3A_742, %bitcast_convert_type3A_732 : vector<16xf32>
        %swap3A_744 = arith.constant 0 : i32
        %swap3A_745 = arith.index_cast %swap3A_744 : i32 to index
        %swap3A_746 = arith.index_cast %scan3A_681 : i32 to index
        %swap3A_747 = arith.constant 16 : index
        %swap3A_748 = tpu.vector_load %arg10[%swap3A_745, %swap3A_746, %swap3A_747] {strides = array<i32>} : memref<2x80x128xf32, #tpu.memory_space<vmem>>, vector<1x1x16xf32>,
        %swap3A_749 = vector.shape_cast %swap3A_748 : vector<1x1x16xf32> to vector<16xf32>
        %swap3A_750 = vector.shape_cast %mul3A_743 : vector<16xf32> to vector<1x1x16xf32>
        tpu.vector_store %arg10[%swap3A_745, %swap3A_746, %swap3A_747], %swap3A_750 {strides = array<i32>} : memref<2x80x128xf32, #tpu.memory_space<vmem>>, vector<1x1x16xf32>,
        %add3A_751 = arith.constant 40 : i32
        %add3A_752 = arith.addi %add3A_751, %scan3A_681 : i32
        %get3A_753 = arith.constant 0 : i32
        %get3A_754 = arith.index_cast %get3A_753 : i32 to index
        %get3A_755 = arith.index_cast %add3A_752 : i32 to index
        %get3A_756 = arith.constant 16 : index
        %get3A_757 = tpu.vector_load %arg10[%get3A_754, %get3A_755, %get3A_756] {strides = array<i32>} : memref<2x80x128xf32, #tpu.memory_space<vmem>>, vector<1x1x16xf32>,
        %get3A_758 = vector.shape_cast %get3A_757 : vector<1x1x16xf32> to vector<16xf32>
        %mul3A_759 = arith.mulf %get3A_758, %bitcast_convert_type3A_736 : vector<16xf32>
        %add3A_760 = arith.constant 40 : i32
        %add3A_761 = arith.addi %add3A_760, %scan3A_681 : i32
        %swap3A_762 = arith.constant 0 : i32
        %swap3A_763 = arith.index_cast %swap3A_762 : i32 to index
        %swap3A_764 = arith.index_cast %add3A_761 : i32 to index
        %swap3A_765 = arith.constant 16 : index
        %swap3A_766 = tpu.vector_load %arg10[%swap3A_763, %swap3A_764, %swap3A_765] {strides = array<i32>} : memref<2x80x128xf32, #tpu.memory_space<vmem>>, vector<1x1x16xf32>,
        %swap3A_767 = vector.shape_cast %swap3A_766 : vector<1x1x16xf32> to vector<16xf32>
        %swap3A_768 = vector.shape_cast %mul3A_759 : vector<16xf32> to vector<1x1x16xf32>
        tpu.vector_store %arg10[%swap3A_763, %swap3A_764, %swap3A_765], %swap3A_768 {strides = array<i32>} : memref<2x80x128xf32, #tpu.memory_space<vmem>>, vector<1x1x16xf32>,
        %get3A_769 = arith.constant 0 : i32
        %get3A_770 = arith.index_cast %get3A_769 : i32 to index
        %get3A_771 = arith.index_cast %scan3A_681 : i32 to index
        %get3A_772 = arith.constant 32 : index
        %get3A_773 = tpu.vector_load %arg11[%get3A_770, %get3A_771, %get3A_772] {strides = array<i32>} : memref<2x40x128xi32, #tpu.memory_space<vmem>>, vector<1x1x16xi32>,
        %get3A_774 = vector.shape_cast %get3A_773 : vector<1x1x16xi32> to vector<16xi32>
        %shift_left3A_775 = arith.constant 16 : i32
        %shift_left3A_776 = vector.broadcast %shift_left3A_775 : i32 to vector<16xi32>
        %shift_left3A_777 = arith.shli %get3A_774, %shift_left3A_776 : vector<16xi32>
        %bitcast_convert_type3A_778 = tpu.bitcast %shift_left3A_777 : vector<16xi32> -> vector<16xf32>
        %and3A_779 = arith.constant -65536 : i32
        %and3A_780 = vector.broadcast %and3A_779 : i32 to vector<16xi32>
        %and3A_781 = arith.andi %get3A_774, %and3A_780 : vector<16xi32>
        %bitcast_convert_type3A_782 = tpu.bitcast %and3A_781 : vector<16xi32> -> vector<16xf32>
        %get3A_783 = arith.constant 0 : i32
        %get3A_784 = arith.index_cast %get3A_783 : i32 to index
        %get3A_785 = arith.index_cast %scan3A_681 : i32 to index
        %get3A_786 = arith.constant 32 : index
        %get3A_787 = tpu.vector_load %arg10[%get3A_784, %get3A_785, %get3A_786] {strides = array<i32>} : memref<2x80x128xf32, #tpu.memory_space<vmem>>, vector<1x1x16xf32>,
        %get3A_788 = vector.shape_cast %get3A_787 : vector<1x1x16xf32> to vector<16xf32>
        %mul3A_789 = arith.mulf %get3A_788, %bitcast_convert_type3A_778 : vector<16xf32>
        %swap3A_790 = arith.constant 0 : i32
        %swap3A_791 = arith.index_cast %swap3A_790 : i32 to index
        %swap3A_792 = arith.index_cast %scan3A_681 : i32 to index
        %swap3A_793 = arith.constant 32 : index
        %swap3A_794 = tpu.vector_load %arg10[%swap3A_791, %swap3A_792, %swap3A_793] {strides = array<i32>} : memref<2x80x128xf32, #tpu.memory_space<vmem>>, vector<1x1x16xf32>,
        %swap3A_795 = vector.shape_cast %swap3A_794 : vector<1x1x16xf32> to vector<16xf32>
        %swap3A_796 = vector.shape_cast %mul3A_789 : vector<16xf32> to vector<1x1x16xf32>
        tpu.vector_store %arg10[%swap3A_791, %swap3A_792, %swap3A_793], %swap3A_796 {strides = array<i32>} : memref<2x80x128xf32, #tpu.memory_space<vmem>>, vector<1x1x16xf32>,
        %add3A_797 = arith.constant 40 : i32
        %add3A_798 = arith.addi %add3A_797, %scan3A_681 : i32
        %get3A_799 = arith.constant 0 : i32
        %get3A_800 = arith.index_cast %get3A_799 : i32 to index
        %get3A_801 = arith.index_cast %add3A_798 : i32 to index
        %get3A_802 = arith.constant 32 : index
        %get3A_803 = tpu.vector_load %arg10[%get3A_800, %get3A_801, %get3A_802] {strides = array<i32>} : memref<2x80x128xf32, #tpu.memory_space<vmem>>, vector<1x1x16xf32>,
        %get3A_804 = vector.shape_cast %get3A_803 : vector<1x1x16xf32> to vector<16xf32>
        %mul3A_805 = arith.mulf %get3A_804, %bitcast_convert_type3A_782 : vector<16xf32>
        %add3A_806 = arith.constant 40 : i32
        %add3A_807 = arith.addi %add3A_806, %scan3A_681 : i32
        %swap3A_808 = arith.constant 0 : i32
        %swap3A_809 = arith.index_cast %swap3A_808 : i32 to index
        %swap3A_810 = arith.index_cast %add3A_807 : i32 to index
        %swap3A_811 = arith.constant 32 : index
        %swap3A_812 = tpu.vector_load %arg10[%swap3A_809, %swap3A_810, %swap3A_811] {strides = array<i32>} : memref<2x80x128xf32, #tpu.memory_space<vmem>>, vector<1x1x16xf32>,
        %swap3A_813 = vector.shape_cast %swap3A_812 : vector<1x1x16xf32> to vector<16xf32>
        %swap3A_814 = vector.shape_cast %mul3A_805 : vector<16xf32> to vector<1x1x16xf32>
        tpu.vector_store %arg10[%swap3A_809, %swap3A_810, %swap3A_811], %swap3A_814 {strides = array<i32>} : memref<2x80x128xf32, #tpu.memory_space<vmem>>, vector<1x1x16xf32>,
        %get3A_815 = arith.constant 0 : i32
        %get3A_816 = arith.index_cast %get3A_815 : i32 to index
        %get3A_817 = arith.index_cast %scan3A_681 : i32 to index
        %get3A_818 = arith.constant 48 : index
        %get3A_819 = tpu.vector_load %arg11[%get3A_816, %get3A_817, %get3A_818] {strides = array<i32>} : memref<2x40x128xi32, #tpu.memory_space<vmem>>, vector<1x1x16xi32>,
        %get3A_820 = vector.shape_cast %get3A_819 : vector<1x1x16xi32> to vector<16xi32>
        %shift_left3A_821 = arith.constant 16 : i32
        %shift_left3A_822 = vector.broadcast %shift_left3A_821 : i32 to vector<16xi32>
        %shift_left3A_823 = arith.shli %get3A_820, %shift_left3A_822 : vector<16xi32>
        %bitcast_convert_type3A_824 = tpu.bitcast %shift_left3A_823 : vector<16xi32> -> vector<16xf32>
        %and3A_825 = arith.constant -65536 : i32
        %and3A_826 = vector.broadcast %and3A_825 : i32 to vector<16xi32>
        %and3A_827 = arith.andi %get3A_820, %and3A_826 : vector<16xi32>
        %bitcast_convert_type3A_828 = tpu.bitcast %and3A_827 : vector<16xi32> -> vector<16xf32>
        %get3A_829 = arith.constant 0 : i32
        %get3A_830 = arith.index_cast %get3A_829 : i32 to index
        %get3A_831 = arith.index_cast %scan3A_681 : i32 to index
        %get3A_832 = arith.constant 48 : index
        %get3A_833 = tpu.vector_load %arg10[%get3A_830, %get3A_831, %get3A_832] {strides = array<i32>} : memref<2x80x128xf32, #tpu.memory_space<vmem>>, vector<1x1x16xf32>,
        %get3A_834 = vector.shape_cast %get3A_833 : vector<1x1x16xf32> to vector<16xf32>
        %mul3A_835 = arith.mulf %get3A_834, %bitcast_convert_type3A_824 : vector<16xf32>
        %swap3A_836 = arith.constant 0 : i32
        %swap3A_837 = arith.index_cast %swap3A_836 : i32 to index
        %swap3A_838 = arith.index_cast %scan3A_681 : i32 to index
        %swap3A_839 = arith.constant 48 : index
        %swap3A_840 = tpu.vector_load %arg10[%swap3A_837, %swap3A_838, %swap3A_839] {strides = array<i32>} : memref<2x80x128xf32, #tpu.memory_space<vmem>>, vector<1x1x16xf32>,
        %swap3A_841 = vector.shape_cast %swap3A_840 : vector<1x1x16xf32> to vector<16xf32>
        %swap3A_842 = vector.shape_cast %mul3A_835 : vector<16xf32> to vector<1x1x16xf32>
        tpu.vector_store %arg10[%swap3A_837, %swap3A_838, %swap3A_839], %swap3A_842 {strides = array<i32>} : memref<2x80x128xf32, #tpu.memory_space<vmem>>, vector<1x1x16xf32>,
        %add3A_843 = arith.constant 40 : i32
        %add3A_844 = arith.addi %add3A_843, %scan3A_681 : i32
        %get3A_845 = arith.constant 0 : i32
        %get3A_846 = arith.index_cast %get3A_845 : i32 to index
        %get3A_847 = arith.index_cast %add3A_844 : i32 to index
        %get3A_848 = arith.constant 48 : index
        %get3A_849 = tpu.vector_load %arg10[%get3A_846, %get3A_847, %get3A_848] {strides = array<i32>} : memref<2x80x128xf32, #tpu.memory_space<vmem>>, vector<1x1x16xf32>,
        %get3A_850 = vector.shape_cast %get3A_849 : vector<1x1x16xf32> to vector<16xf32>
        %mul3A_851 = arith.mulf %get3A_850, %bitcast_convert_type3A_828 : vector<16xf32>
        %add3A_852 = arith.constant 40 : i32
        %add3A_853 = arith.addi %add3A_852, %scan3A_681 : i32
        %swap3A_854 = arith.constant 0 : i32
        %swap3A_855 = arith.index_cast %swap3A_854 : i32 to index
        %swap3A_856 = arith.index_cast %add3A_853 : i32 to index
        %swap3A_857 = arith.constant 48 : index
        %swap3A_858 = tpu.vector_load %arg10[%swap3A_855, %swap3A_856, %swap3A_857] {strides = array<i32>} : memref<2x80x128xf32, #tpu.memory_space<vmem>>, vector<1x1x16xf32>,
        %swap3A_859 = vector.shape_cast %swap3A_858 : vector<1x1x16xf32> to vector<16xf32>
        %swap3A_860 = vector.shape_cast %mul3A_851 : vector<16xf32> to vector<1x1x16xf32>
        tpu.vector_store %arg10[%swap3A_855, %swap3A_856, %swap3A_857], %swap3A_860 {strides = array<i32>} : memref<2x80x128xf32, #tpu.memory_space<vmem>>, vector<1x1x16xf32>,
        %get3A_861 = arith.constant 0 : i32
        %get3A_862 = arith.index_cast %get3A_861 : i32 to index
        %get3A_863 = arith.index_cast %scan3A_681 : i32 to index
        %get3A_864 = arith.constant 64 : index
        %get3A_865 = tpu.vector_load %arg11[%get3A_862, %get3A_863, %get3A_864] {strides = array<i32>} : memref<2x40x128xi32, #tpu.memory_space<vmem>>, vector<1x1x16xi32>,
        %get3A_866 = vector.shape_cast %get3A_865 : vector<1x1x16xi32> to vector<16xi32>
        %shift_left3A_867 = arith.constant 16 : i32
        %shift_left3A_868 = vector.broadcast %shift_left3A_867 : i32 to vector<16xi32>
        %shift_left3A_869 = arith.shli %get3A_866, %shift_left3A_868 : vector<16xi32>
        %bitcast_convert_type3A_870 = tpu.bitcast %shift_left3A_869 : vector<16xi32> -> vector<16xf32>
        %and3A_871 = arith.constant -65536 : i32
        %and3A_872 = vector.broadcast %and3A_871 : i32 to vector<16xi32>
        %and3A_873 = arith.andi %get3A_866, %and3A_872 : vector<16xi32>
        %bitcast_convert_type3A_874 = tpu.bitcast %and3A_873 : vector<16xi32> -> vector<16xf32>
        %get3A_875 = arith.constant 0 : i32
        %get3A_876 = arith.index_cast %get3A_875 : i32 to index
        %get3A_877 = arith.index_cast %scan3A_681 : i32 to index
        %get3A_878 = arith.constant 64 : index
        %get3A_879 = tpu.vector_load %arg10[%get3A_876, %get3A_877, %get3A_878] {strides = array<i32>} : memref<2x80x128xf32, #tpu.memory_space<vmem>>, vector<1x1x16xf32>,
        %get3A_880 = vector.shape_cast %get3A_879 : vector<1x1x16xf32> to vector<16xf32>
        %mul3A_881 = arith.mulf %get3A_880, %bitcast_convert_type3A_870 : vector<16xf32>
        %swap3A_882 = arith.constant 0 : i32
        %swap3A_883 = arith.index_cast %swap3A_882 : i32 to index
        %swap3A_884 = arith.index_cast %scan3A_681 : i32 to index
        %swap3A_885 = arith.constant 64 : index
        %swap3A_886 = tpu.vector_load %arg10[%swap3A_883, %swap3A_884, %swap3A_885] {strides = array<i32>} : memref<2x80x128xf32, #tpu.memory_space<vmem>>, vector<1x1x16xf32>,
        %swap3A_887 = vector.shape_cast %swap3A_886 : vector<1x1x16xf32> to vector<16xf32>
        %swap3A_888 = vector.shape_cast %mul3A_881 : vector<16xf32> to vector<1x1x16xf32>
        tpu.vector_store %arg10[%swap3A_883, %swap3A_884, %swap3A_885], %swap3A_888 {strides = array<i32>} : memref<2x80x128xf32, #tpu.memory_space<vmem>>, vector<1x1x16xf32>,
        %add3A_889 = arith.constant 40 : i32
        %add3A_890 = arith.addi %add3A_889, %scan3A_681 : i32
        %get3A_891 = arith.constant 0 : i32
        %get3A_892 = arith.index_cast %get3A_891 : i32 to index
        %get3A_893 = arith.index_cast %add3A_890 : i32 to index
        %get3A_894 = arith.constant 64 : index
        %get3A_895 = tpu.vector_load %arg10[%get3A_892, %get3A_893, %get3A_894] {strides = array<i32>} : memref<2x80x128xf32, #tpu.memory_space<vmem>>, vector<1x1x16xf32>,
        %get3A_896 = vector.shape_cast %get3A_895 : vector<1x1x16xf32> to vector<16xf32>
        %mul3A_897 = arith.mulf %get3A_896, %bitcast_convert_type3A_874 : vector<16xf32>
        %add3A_898 = arith.constant 40 : i32
        %add3A_899 = arith.addi %add3A_898, %scan3A_681 : i32
        %swap3A_900 = arith.constant 0 : i32
        %swap3A_901 = arith.index_cast %swap3A_900 : i32 to index
        %swap3A_902 = arith.index_cast %add3A_899 : i32 to index
        %swap3A_903 = arith.constant 64 : index
        %swap3A_904 = tpu.vector_load %arg10[%swap3A_901, %swap3A_902, %swap3A_903] {strides = array<i32>} : memref<2x80x128xf32, #tpu.memory_space<vmem>>, vector<1x1x16xf32>,
        %swap3A_905 = vector.shape_cast %swap3A_904 : vector<1x1x16xf32> to vector<16xf32>
        %swap3A_906 = vector.shape_cast %mul3A_897 : vector<16xf32> to vector<1x1x16xf32>
        tpu.vector_store %arg10[%swap3A_901, %swap3A_902, %swap3A_903], %swap3A_906 {strides = array<i32>} : memref<2x80x128xf32, #tpu.memory_space<vmem>>, vector<1x1x16xf32>,
        %get3A_907 = arith.constant 0 : i32
        %get3A_908 = arith.index_cast %get3A_907 : i32 to index
        %get3A_909 = arith.index_cast %scan3A_681 : i32 to index
        %get3A_910 = arith.constant 80 : index
        %get3A_911 = tpu.vector_load %arg11[%get3A_908, %get3A_909, %get3A_910] {strides = array<i32>} : memref<2x40x128xi32, #tpu.memory_space<vmem>>, vector<1x1x16xi32>,
        %get3A_912 = vector.shape_cast %get3A_911 : vector<1x1x16xi32> to vector<16xi32>
        %shift_left3A_913 = arith.constant 16 : i32
        %shift_left3A_914 = vector.broadcast %shift_left3A_913 : i32 to vector<16xi32>
        %shift_left3A_915 = arith.shli %get3A_912, %shift_left3A_914 : vector<16xi32>
        %bitcast_convert_type3A_916 = tpu.bitcast %shift_left3A_915 : vector<16xi32> -> vector<16xf32>
        %and3A_917 = arith.constant -65536 : i32
        %and3A_918 = vector.broadcast %and3A_917 : i32 to vector<16xi32>
        %and3A_919 = arith.andi %get3A_912, %and3A_918 : vector<16xi32>
        %bitcast_convert_type3A_920 = tpu.bitcast %and3A_919 : vector<16xi32> -> vector<16xf32>
        %get3A_921 = arith.constant 0 : i32
        %get3A_922 = arith.index_cast %get3A_921 : i32 to index
        %get3A_923 = arith.index_cast %scan3A_681 : i32 to index
        %get3A_924 = arith.constant 80 : index
        %get3A_925 = tpu.vector_load %arg10[%get3A_922, %get3A_923, %get3A_924] {strides = array<i32>} : memref<2x80x128xf32, #tpu.memory_space<vmem>>, vector<1x1x16xf32>,
        %get3A_926 = vector.shape_cast %get3A_925 : vector<1x1x16xf32> to vector<16xf32>
        %mul3A_927 = arith.mulf %get3A_926, %bitcast_convert_type3A_916 : vector<16xf32>
        %swap3A_928 = arith.constant 0 : i32
        %swap3A_929 = arith.index_cast %swap3A_928 : i32 to index
        %swap3A_930 = arith.index_cast %scan3A_681 : i32 to index
        %swap3A_931 = arith.constant 80 : index
        %swap3A_932 = tpu.vector_load %arg10[%swap3A_929, %swap3A_930, %swap3A_931] {strides = array<i32>} : memref<2x80x128xf32, #tpu.memory_space<vmem>>, vector<1x1x16xf32>,
        %swap3A_933 = vector.shape_cast %swap3A_932 : vector<1x1x16xf32> to vector<16xf32>
        %swap3A_934 = vector.shape_cast %mul3A_927 : vector<16xf32> to vector<1x1x16xf32>
        tpu.vector_store %arg10[%swap3A_929, %swap3A_930, %swap3A_931], %swap3A_934 {strides = array<i32>} : memref<2x80x128xf32, #tpu.memory_space<vmem>>, vector<1x1x16xf32>,
        %add3A_935 = arith.constant 40 : i32
        %add3A_936 = arith.addi %add3A_935, %scan3A_681 : i32
        %get3A_937 = arith.constant 0 : i32
        %get3A_938 = arith.index_cast %get3A_937 : i32 to index
        %get3A_939 = arith.index_cast %add3A_936 : i32 to index
        %get3A_940 = arith.constant 80 : index
        %get3A_941 = tpu.vector_load %arg10[%get3A_938, %get3A_939, %get3A_940] {strides = array<i32>} : memref<2x80x128xf32, #tpu.memory_space<vmem>>, vector<1x1x16xf32>,
        %get3A_942 = vector.shape_cast %get3A_941 : vector<1x1x16xf32> to vector<16xf32>
        %mul3A_943 = arith.mulf %get3A_942, %bitcast_convert_type3A_920 : vector<16xf32>
        %add3A_944 = arith.constant 40 : i32
        %add3A_945 = arith.addi %add3A_944, %scan3A_681 : i32
        %swap3A_946 = arith.constant 0 : i32
        %swap3A_947 = arith.index_cast %swap3A_946 : i32 to index
        %swap3A_948 = arith.index_cast %add3A_945 : i32 to index
        %swap3A_949 = arith.constant 80 : index
        %swap3A_950 = tpu.vector_load %arg10[%swap3A_947, %swap3A_948, %swap3A_949] {strides = array<i32>} : memref<2x80x128xf32, #tpu.memory_space<vmem>>, vector<1x1x16xf32>,
        %swap3A_951 = vector.shape_cast %swap3A_950 : vector<1x1x16xf32> to vector<16xf32>
        %swap3A_952 = vector.shape_cast %mul3A_943 : vector<16xf32> to vector<1x1x16xf32>
        tpu.vector_store %arg10[%swap3A_947, %swap3A_948, %swap3A_949], %swap3A_952 {strides = array<i32>} : memref<2x80x128xf32, #tpu.memory_space<vmem>>, vector<1x1x16xf32>,
        %get3A_953 = arith.constant 0 : i32
        %get3A_954 = arith.index_cast %get3A_953 : i32 to index
        %get3A_955 = arith.index_cast %scan3A_681 : i32 to index
        %get3A_956 = arith.constant 96 : index
        %get3A_957 = tpu.vector_load %arg11[%get3A_954, %get3A_955, %get3A_956] {strides = array<i32>} : memref<2x40x128xi32, #tpu.memory_space<vmem>>, vector<1x1x16xi32>,
        %get3A_958 = vector.shape_cast %get3A_957 : vector<1x1x16xi32> to vector<16xi32>
        %shift_left3A_959 = arith.constant 16 : i32
        %shift_left3A_960 = vector.broadcast %shift_left3A_959 : i32 to vector<16xi32>
        %shift_left3A_961 = arith.shli %get3A_958, %shift_left3A_960 : vector<16xi32>
        %bitcast_convert_type3A_962 = tpu.bitcast %shift_left3A_961 : vector<16xi32> -> vector<16xf32>
        %and3A_963 = arith.constant -65536 : i32
        %and3A_964 = vector.broadcast %and3A_963 : i32 to vector<16xi32>
        %and3A_965 = arith.andi %get3A_958, %and3A_964 : vector<16xi32>
        %bitcast_convert_type3A_966 = tpu.bitcast %and3A_965 : vector<16xi32> -> vector<16xf32>
        %get3A_967 = arith.constant 0 : i32
        %get3A_968 = arith.index_cast %get3A_967 : i32 to index
        %get3A_969 = arith.index_cast %scan3A_681 : i32 to index
        %get3A_970 = arith.constant 96 : index
        %get3A_971 = tpu.vector_load %arg10[%get3A_968, %get3A_969, %get3A_970] {strides = array<i32>} : memref<2x80x128xf32, #tpu.memory_space<vmem>>, vector<1x1x16xf32>,
        %get3A_972 = vector.shape_cast %get3A_971 : vector<1x1x16xf32> to vector<16xf32>
        %mul3A_973 = arith.mulf %get3A_972, %bitcast_convert_type3A_962 : vector<16xf32>
        %swap3A_974 = arith.constant 0 : i32
        %swap3A_975 = arith.index_cast %swap3A_974 : i32 to index
        %swap3A_976 = arith.index_cast %scan3A_681 : i32 to index
        %swap3A_977 = arith.constant 96 : index
        %swap3A_978 = tpu.vector_load %arg10[%swap3A_975, %swap3A_976, %swap3A_977] {strides = array<i32>} : memref<2x80x128xf32, #tpu.memory_space<vmem>>, vector<1x1x16xf32>,
        %swap3A_979 = vector.shape_cast %swap3A_978 : vector<1x1x16xf32> to vector<16xf32>
        %swap3A_980 = vector.shape_cast %mul3A_973 : vector<16xf32> to vector<1x1x16xf32>
        tpu.vector_store %arg10[%swap3A_975, %swap3A_976, %swap3A_977], %swap3A_980 {strides = array<i32>} : memref<2x80x128xf32, #tpu.memory_space<vmem>>, vector<1x1x16xf32>,
        %add3A_981 = arith.constant 40 : i32
        %add3A_982 = arith.addi %add3A_981, %scan3A_681 : i32
        %get3A_983 = arith.constant 0 : i32
        %get3A_984 = arith.index_cast %get3A_983 : i32 to index
        %get3A_985 = arith.index_cast %add3A_982 : i32 to index
        %get3A_986 = arith.constant 96 : index
        %get3A_987 = tpu.vector_load %arg10[%get3A_984, %get3A_985, %get3A_986] {strides = array<i32>} : memref<2x80x128xf32, #tpu.memory_space<vmem>>, vector<1x1x16xf32>,
        %get3A_988 = vector.shape_cast %get3A_987 : vector<1x1x16xf32> to vector<16xf32>
        %mul3A_989 = arith.mulf %get3A_988, %bitcast_convert_type3A_966 : vector<16xf32>
        %add3A_990 = arith.constant 40 : i32
        %add3A_991 = arith.addi %add3A_990, %scan3A_681 : i32
        %swap3A_992 = arith.constant 0 : i32
        %swap3A_993 = arith.index_cast %swap3A_992 : i32 to index
        %swap3A_994 = arith.index_cast %add3A_991 : i32 to index
        %swap3A_995 = arith.constant 96 : index
        %swap3A_996 = tpu.vector_load %arg10[%swap3A_993, %swap3A_994, %swap3A_995] {strides = array<i32>} : memref<2x80x128xf32, #tpu.memory_space<vmem>>, vector<1x1x16xf32>,
        %swap3A_997 = vector.shape_cast %swap3A_996 : vector<1x1x16xf32> to vector<16xf32>
        %swap3A_998 = vector.shape_cast %mul3A_989 : vector<16xf32> to vector<1x1x16xf32>
        tpu.vector_store %arg10[%swap3A_993, %swap3A_994, %swap3A_995], %swap3A_998 {strides = array<i32>} : memref<2x80x128xf32, #tpu.memory_space<vmem>>, vector<1x1x16xf32>,
        %get3A_999 = arith.constant 0 : i32
        %get3A_1000 = arith.index_cast %get3A_999 : i32 to index
        %get3A_1001 = arith.index_cast %scan3A_681 : i32 to index
        %get3A_1002 = arith.constant 112 : index
        %get3A_1003 = tpu.vector_load %arg11[%get3A_1000, %get3A_1001, %get3A_1002] {strides = array<i32>} : memref<2x40x128xi32, #tpu.memory_space<vmem>>, vector<1x1x16xi32>,
        %get3A_1004 = vector.shape_cast %get3A_1003 : vector<1x1x16xi32> to vector<16xi32>
        %shift_left3A_1005 = arith.constant 16 : i32
        %shift_left3A_1006 = vector.broadcast %shift_left3A_1005 : i32 to vector<16xi32>
        %shift_left3A_1007 = arith.shli %get3A_1004, %shift_left3A_1006 : vector<16xi32>
        %bitcast_convert_type3A_1008 = tpu.bitcast %shift_left3A_1007 : vector<16xi32> -> vector<16xf32>
        %and3A_1009 = arith.constant -65536 : i32
        %and3A_1010 = vector.broadcast %and3A_1009 : i32 to vector<16xi32>
        %and3A_1011 = arith.andi %get3A_1004, %and3A_1010 : vector<16xi32>
        %bitcast_convert_type3A_1012 = tpu.bitcast %and3A_1011 : vector<16xi32> -> vector<16xf32>
        %get3A_1013 = arith.constant 0 : i32
        %get3A_1014 = arith.index_cast %get3A_1013 : i32 to index
        %get3A_1015 = arith.index_cast %scan3A_681 : i32 to index
        %get3A_1016 = arith.constant 112 : index
        %get3A_1017 = tpu.vector_load %arg10[%get3A_1014, %get3A_1015, %get3A_1016] {strides = array<i32>} : memref<2x80x128xf32, #tpu.memory_space<vmem>>, vector<1x1x16xf32>,
        %get3A_1018 = vector.shape_cast %get3A_1017 : vector<1x1x16xf32> to vector<16xf32>
        %mul3A_1019 = arith.mulf %get3A_1018, %bitcast_convert_type3A_1008 : vector<16xf32>
        %swap3A_1020 = arith.constant 0 : i32
        %swap3A_1021 = arith.index_cast %swap3A_1020 : i32 to index
        %swap3A_1022 = arith.index_cast %scan3A_681 : i32 to index
        %swap3A_1023 = arith.constant 112 : index
        %swap3A_1024 = tpu.vector_load %arg10[%swap3A_1021, %swap3A_1022, %swap3A_1023] {strides = array<i32>} : memref<2x80x128xf32, #tpu.memory_space<vmem>>, vector<1x1x16xf32>,
        %swap3A_1025 = vector.shape_cast %swap3A_1024 : vector<1x1x16xf32> to vector<16xf32>
        %swap3A_1026 = vector.shape_cast %mul3A_1019 : vector<16xf32> to vector<1x1x16xf32>
        tpu.vector_store %arg10[%swap3A_1021, %swap3A_1022, %swap3A_1023], %swap3A_1026 {strides = array<i32>} : memref<2x80x128xf32, #tpu.memory_space<vmem>>, vector<1x1x16xf32>,
        %add3A_1027 = arith.constant 40 : i32
        %add3A_1028 = arith.addi %add3A_1027, %scan3A_681 : i32
        %get3A_1029 = arith.constant 0 : i32
        %get3A_1030 = arith.index_cast %get3A_1029 : i32 to index
        %get3A_1031 = arith.index_cast %add3A_1028 : i32 to index
        %get3A_1032 = arith.constant 112 : index
        %get3A_1033 = tpu.vector_load %arg10[%get3A_1030, %get3A_1031, %get3A_1032] {strides = array<i32>} : memref<2x80x128xf32, #tpu.memory_space<vmem>>, vector<1x1x16xf32>,
        %get3A_1034 = vector.shape_cast %get3A_1033 : vector<1x1x16xf32> to vector<16xf32>
        %mul3A_1035 = arith.mulf %get3A_1034, %bitcast_convert_type3A_1012 : vector<16xf32>
        %add3A_1036 = arith.constant 40 : i32
        %add3A_1037 = arith.addi %add3A_1036, %scan3A_681 : i32
        %swap3A_1038 = arith.constant 0 : i32
        %swap3A_1039 = arith.index_cast %swap3A_1038 : i32 to index
        %swap3A_1040 = arith.index_cast %add3A_1037 : i32 to index
        %swap3A_1041 = arith.constant 112 : index
        %swap3A_1042 = tpu.vector_load %arg10[%swap3A_1039, %swap3A_1040, %swap3A_1041] {strides = array<i32>} : memref<2x80x128xf32, #tpu.memory_space<vmem>>, vector<1x1x16xf32>,
        %swap3A_1043 = vector.shape_cast %swap3A_1042 : vector<1x1x16xf32> to vector<16xf32>
        %swap3A_1044 = vector.shape_cast %mul3A_1035 : vector<16xf32> to vector<1x1x16xf32>
        tpu.vector_store %arg10[%swap3A_1039, %swap3A_1040, %swap3A_1041], %swap3A_1044 {strides = array<i32>} : memref<2x80x128xf32, #tpu.memory_space<vmem>>, vector<1x1x16xf32>,
      }
      %scan3A_370 = arith.constant 40 : i32
      %dma_start3A_371 = arith.constant 0 : i32
      %dma_start3A_372 = arith.constant 0 : i32
      %dma_start3A_373 = arith.constant 0 : i32
      %dma_start3A_374 = arith.constant 0 : i32
      %dma_start3A_375 = tpu.memref_slice %arg10[%dma_start3A_371, %dma_start3A_373, %dma_start3A_374] : memref<2x80x128xf32, #tpu.memory_space<vmem>> -> memref<1x40x128xf32, #tpu.memory_space<vmem>>
      %dma_start3A_376 = tpu.memref_squeeze %dma_start3A_375 : memref<1x40x128xf32, #tpu.memory_space<vmem>> -> memref<40x128xf32, #tpu.memory_space<vmem>>
      %dma_start3A_377 = arith.constant 0 : i32
      %dma_start3A_378 = tpu.memref_slice %arg9[%dma_start3A_372, %dma_start3A_377] : memref<8x40xi32, #tpu.memory_space<vmem>> -> memref<1x40xi32, #tpu.memory_space<vmem>>
      %dma_start3A_379 = tpu.memref_squeeze %dma_start3A_378 : memref<1x40xi32, #tpu.memory_space<vmem>> -> memref<40xi32, #tpu.memory_space<vmem>>
      %dma_start3A_380 = arith.constant 0 : i32
      %dma_start3A_381 = arith.constant 0 : i32
      %dma_start3A_382 = tpu.memref_slice %arg12[%dma_start3A_380, %dma_start3A_381] : memref<10000x128xf32, #tpu.memory_space<vmem_shared>> -> memref<10000x128xf32, #tpu.memory_space<vmem_shared>>
      tpu.enqueue_indirect_dma source(%dma_start3A_376 : memref<40x128xf32, #tpu.memory_space<vmem>>) target(%dma_start3A_382 : memref<10000x128xf32, #tpu.memory_space<vmem_shared>>) offsets(%dma_start3A_379 : memref<40xi32, #tpu.memory_space<vmem>>) semaphore(%arg19 : memref<!tpu.dma_semaphore, #tpu.memory_space<semaphore_mem>>) {add = true}
      %dma_start3A_383 = arith.constant 0 : i32
      %dma_start3A_384 = arith.constant 1 : i32
      %dma_start3A_385 = arith.constant 40 : i32
      %dma_start3A_386 = arith.constant 0 : i32
      %dma_start3A_387 = tpu.memref_slice %arg10[%dma_start3A_383, %dma_start3A_385, %dma_start3A_386] : memref<2x80x128xf32, #tpu.memory_space<vmem>> -> memref<1x40x128xf32, #tpu.memory_space<vmem>>
      %dma_start3A_388 = tpu.memref_squeeze %dma_start3A_387 : memref<1x40x128xf32, #tpu.memory_space<vmem>> -> memref<40x128xf32, #tpu.memory_space<vmem>>
      %dma_start3A_389 = arith.constant 0 : i32
      %dma_start3A_390 = tpu.memref_slice %arg9[%dma_start3A_384, %dma_start3A_389] : memref<8x40xi32, #tpu.memory_space<vmem>> -> memref<1x40xi32, #tpu.memory_space<vmem>>
      %dma_start3A_391 = tpu.memref_squeeze %dma_start3A_390 : memref<1x40xi32, #tpu.memory_space<vmem>> -> memref<40xi32, #tpu.memory_space<vmem>>
      %dma_start3A_392 = arith.constant 0 : i32
      %dma_start3A_393 = arith.constant 0 : i32
      %dma_start3A_394 = tpu.memref_slice %arg12[%dma_start3A_392, %dma_start3A_393] : memref<10000x128xf32, #tpu.memory_space<vmem_shared>> -> memref<10000x128xf32, #tpu.memory_space<vmem_shared>>
      tpu.enqueue_indirect_dma source(%dma_start3A_388 : memref<40x128xf32, #tpu.memory_space<vmem>>) target(%dma_start3A_394 : memref<10000x128xf32, #tpu.memory_space<vmem_shared>>) offsets(%dma_start3A_391 : memref<40xi32, #tpu.memory_space<vmem>>) semaphore(%arg20 : memref<!tpu.dma_semaphore, #tpu.memory_space<semaphore_mem>>) {add = true}
      %add3A_395 = arith.constant 2 : i32
      %add3A_396 = arith.addi %add3A_313, %add3A_395 : i32
      %lt3A_397 = arith.constant 125 : i32
      %lt3A_398 = arith.cmpi slt, %add3A_396, %lt3A_397 : i32
      %convert_element_type3A_399 = arith.extui %lt3A_398 : i1 to i32
      %cond3A_400 = arith.constant 0 : i32
      %cond3A_401 = arith.cmpi ne, %convert_element_type3A_399, %cond3A_400 : i32
      scf.if %cond3A_401 {
        %add3A_681 = arith.constant 2 : i32
        %add3A_682 = arith.addi %add3A_313, %add3A_681 : i32
        %mul3A_683 = arith.constant 40 : i32
        %mul3A_684 = arith.muli %add3A_682, %mul3A_683 : i32
        %add3A_685 = arith.addi %mul3A_2, %mul3A_684 : i32
        %add3A_686 = arith.constant 160000 : i32
        %add3A_687 = arith.addi %add3A_685, %add3A_686 : i32
        %dma_start3A_688 = arith.constant 4 : i32
        %dma_start3A_689 = arith.constant 0 : i32
        %dma_start3A_690 = tpu.memref_slice %arg8[%dma_start3A_688, %dma_start3A_689] : memref<8x40xi32, #tpu.memory_space<vmem>> -> memref<1x40xi32, #tpu.memory_space<vmem>>
        %dma_start3A_691 = tpu.memref_squeeze %dma_start3A_690 : memref<1x40xi32, #tpu.memory_space<vmem>> -> memref<40xi32, #tpu.memory_space<vmem>>
        %dma_start3A_692 = tpu.memref_slice %arg4[%add3A_685] : memref<320000xi32, #tpu.memory_space<hbm>> -> memref<40xi32, #tpu.memory_space<hbm>>
        %dma_start3A_693 = arith.constant 0 : i32
        %dma_start3A_694 = tpu.memref_slice %arg8[%dma_start3A_688, %dma_start3A_693] : memref<8x40xi32, #tpu.memory_space<vmem>> -> memref<1x40xi32, #tpu.memory_space<vmem>>
        %dma_start3A_695 = tpu.memref_squeeze %dma_start3A_694 : memref<1x40xi32, #tpu.memory_space<vmem>> -> memref<40xi32, #tpu.memory_space<vmem>>
        %dma_start3A_696 = tpu.memref_slice %arg4[%add3A_685] : memref<320000xi32, #tpu.memory_space<hbm>> -> memref<40xi32, #tpu.memory_space<hbm>>
        tpu.enqueue_dma source(%dma_start3A_696 : memref<40xi32, #tpu.memory_space<hbm>>) target(%dma_start3A_695 : memref<40xi32, #tpu.memory_space<vmem>>) target_semaphore(%arg15 : memref<!tpu.dma_semaphore, #tpu.memory_space<semaphore_mem>>)
        %dma_start3A_697 = arith.constant 5 : i32
        %dma_start3A_698 = arith.constant 0 : i32
        %dma_start3A_699 = tpu.memref_slice %arg8[%dma_start3A_697, %dma_start3A_698] : memref<8x40xi32, #tpu.memory_space<vmem>> -> memref<1x40xi32, #tpu.memory_space<vmem>>
        %dma_start3A_700 = tpu.memref_squeeze %dma_start3A_699 : memref<1x40xi32, #tpu.memory_space<vmem>> -> memref<40xi32, #tpu.memory_space<vmem>>
        %dma_start3A_701 = tpu.memref_slice %arg4[%add3A_687] : memref<320000xi32, #tpu.memory_space<hbm>> -> memref<40xi32, #tpu.memory_space<hbm>>
        %dma_start3A_702 = arith.constant 0 : i32
        %dma_start3A_703 = tpu.memref_slice %arg8[%dma_start3A_697, %dma_start3A_702] : memref<8x40xi32, #tpu.memory_space<vmem>> -> memref<1x40xi32, #tpu.memory_space<vmem>>
        %dma_start3A_704 = tpu.memref_squeeze %dma_start3A_703 : memref<1x40xi32, #tpu.memory_space<vmem>> -> memref<40xi32, #tpu.memory_space<vmem>>
        %dma_start3A_705 = tpu.memref_slice %arg4[%add3A_687] : memref<320000xi32, #tpu.memory_space<hbm>> -> memref<40xi32, #tpu.memory_space<hbm>>
        tpu.enqueue_dma source(%dma_start3A_705 : memref<40xi32, #tpu.memory_space<hbm>>) target(%dma_start3A_704 : memref<40xi32, #tpu.memory_space<vmem>>) target_semaphore(%arg15 : memref<!tpu.dma_semaphore, #tpu.memory_space<semaphore_mem>>)
        %dma_start3A_706 = arith.constant 4 : i32
        %dma_start3A_707 = arith.constant 0 : i32
        %dma_start3A_708 = tpu.memref_slice %arg9[%dma_start3A_706, %dma_start3A_707] : memref<8x40xi32, #tpu.memory_space<vmem>> -> memref<1x40xi32, #tpu.memory_space<vmem>>
        %dma_start3A_709 = tpu.memref_squeeze %dma_start3A_708 : memref<1x40xi32, #tpu.memory_space<vmem>> -> memref<40xi32, #tpu.memory_space<vmem>>
        %dma_start3A_710 = tpu.memref_slice %arg5[%add3A_685] : memref<320000xi32, #tpu.memory_space<hbm>> -> memref<40xi32, #tpu.memory_space<hbm>>
        %dma_start3A_711 = arith.constant 0 : i32
        %dma_start3A_712 = tpu.memref_slice %arg9[%dma_start3A_706, %dma_start3A_711] : memref<8x40xi32, #tpu.memory_space<vmem>> -> memref<1x40xi32, #tpu.memory_space<vmem>>
        %dma_start3A_713 = tpu.memref_squeeze %dma_start3A_712 : memref<1x40xi32, #tpu.memory_space<vmem>> -> memref<40xi32, #tpu.memory_space<vmem>>
        %dma_start3A_714 = tpu.memref_slice %arg5[%add3A_685] : memref<320000xi32, #tpu.memory_space<hbm>> -> memref<40xi32, #tpu.memory_space<hbm>>
        tpu.enqueue_dma source(%dma_start3A_714 : memref<40xi32, #tpu.memory_space<hbm>>) target(%dma_start3A_713 : memref<40xi32, #tpu.memory_space<vmem>>) target_semaphore(%arg15 : memref<!tpu.dma_semaphore, #tpu.memory_space<semaphore_mem>>)
        %dma_start3A_715 = arith.constant 5 : i32
        %dma_start3A_716 = arith.constant 0 : i32
        %dma_start3A_717 = tpu.memref_slice %arg9[%dma_start3A_715, %dma_start3A_716] : memref<8x40xi32, #tpu.memory_space<vmem>> -> memref<1x40xi32, #tpu.memory_space<vmem>>
        %dma_start3A_718 = tpu.memref_squeeze %dma_start3A_717 : memref<1x40xi32, #tpu.memory_space<vmem>> -> memref<40xi32, #tpu.memory_space<vmem>>
        %dma_start3A_719 = tpu.memref_slice %arg5[%add3A_687] : memref<320000xi32, #tpu.memory_space<hbm>> -> memref<40xi32, #tpu.memory_space<hbm>>
        %dma_start3A_720 = arith.constant 0 : i32
        %dma_start3A_721 = tpu.memref_slice %arg9[%dma_start3A_715, %dma_start3A_720] : memref<8x40xi32, #tpu.memory_space<vmem>> -> memref<1x40xi32, #tpu.memory_space<vmem>>
        %dma_start3A_722 = tpu.memref_squeeze %dma_start3A_721 : memref<1x40xi32, #tpu.memory_space<vmem>> -> memref<40xi32, #tpu.memory_space<vmem>>
        %dma_start3A_723 = tpu.memref_slice %arg5[%add3A_687] : memref<320000xi32, #tpu.memory_space<hbm>> -> memref<40xi32, #tpu.memory_space<hbm>>
        tpu.enqueue_dma source(%dma_start3A_723 : memref<40xi32, #tpu.memory_space<hbm>>) target(%dma_start3A_722 : memref<40xi32, #tpu.memory_space<vmem>>) target_semaphore(%arg15 : memref<!tpu.dma_semaphore, #tpu.memory_space<semaphore_mem>>)
      } else {
      }
      %mul3A_402 = arith.constant 4 : i32
      %mul3A_403 = arith.muli %scan3A_309, %mul3A_402 : i32
      %add3A_404 = arith.constant 1 : i32
      %add3A_405 = arith.addi %mul3A_403, %add3A_404 : i32
      %add3A_406 = arith.constant 1 : i32
      %add3A_407 = arith.addi %add3A_405, %add3A_406 : i32
      %lt3A_408 = arith.constant 125 : i32
      %lt3A_409 = arith.cmpi slt, %add3A_407, %lt3A_408 : i32
      %convert_element_type3A_410 = arith.extui %lt3A_409 : i1 to i32
      %cond3A_411 = arith.constant 0 : i32
      %cond3A_412 = arith.cmpi ne, %convert_element_type3A_410, %cond3A_411 : i32
      scf.if %cond3A_412 {
        %dma_wait3A_681 = arith.constant 4 : i32
        %dma_wait3A_682 = arith.constant 0 : i32
        %dma_wait3A_683 = tpu.memref_slice %arg8[%dma_wait3A_681, %dma_wait3A_682] : memref<8x40xi32, #tpu.memory_space<vmem>> -> memref<1x40xi32, #tpu.memory_space<vmem>>
        %dma_wait3A_684 = tpu.memref_squeeze %dma_wait3A_683 : memref<1x40xi32, #tpu.memory_space<vmem>> -> memref<40xi32, #tpu.memory_space<vmem>>
        %dma_wait3A_685 = arith.constant 0 : i32
        %dma_wait3A_686 = tpu.memref_slice %arg4[%dma_wait3A_685] : memref<320000xi32, #tpu.memory_space<hbm>> -> memref<40xi32, #tpu.memory_space<hbm>>
        %dma_wait3A_687 = arith.constant 0 : i32
        %dma_wait3A_688 = tpu.memref_slice %arg8[%dma_wait3A_681, %dma_wait3A_687] : memref<8x40xi32, #tpu.memory_space<vmem>> -> memref<1x40xi32, #tpu.memory_space<vmem>>
        %dma_wait3A_689 = tpu.memref_squeeze %dma_wait3A_688 : memref<1x40xi32, #tpu.memory_space<vmem>> -> memref<40xi32, #tpu.memory_space<vmem>>
        %dma_wait3A_690 = arith.constant 0 : i32
        %dma_wait3A_691 = tpu.memref_slice %arg4[%dma_wait3A_690] : memref<320000xi32, #tpu.memory_space<hbm>> -> memref<40xi32, #tpu.memory_space<hbm>>
        tpu.wait_dma2 semaphore(%arg15 : memref<!tpu.dma_semaphore, #tpu.memory_space<semaphore_mem>>) src(%dma_wait3A_691 : memref<40xi32, #tpu.memory_space<hbm>>) dst(%dma_wait3A_689 : memref<40xi32, #tpu.memory_space<vmem>>)
        %dma_wait3A_692 = arith.constant 4 : i32
        %dma_wait3A_693 = arith.constant 0 : i32
        %dma_wait3A_694 = tpu.memref_slice %arg8[%dma_wait3A_692, %dma_wait3A_693] : memref<8x40xi32, #tpu.memory_space<vmem>> -> memref<1x40xi32, #tpu.memory_space<vmem>>
        %dma_wait3A_695 = tpu.memref_squeeze %dma_wait3A_694 : memref<1x40xi32, #tpu.memory_space<vmem>> -> memref<40xi32, #tpu.memory_space<vmem>>
        %dma_wait3A_696 = arith.constant 0 : i32
        %dma_wait3A_697 = tpu.memref_slice %arg4[%dma_wait3A_696] : memref<320000xi32, #tpu.memory_space<hbm>> -> memref<40xi32, #tpu.memory_space<hbm>>
        %dma_wait3A_698 = arith.constant 0 : i32
        %dma_wait3A_699 = tpu.memref_slice %arg8[%dma_wait3A_692, %dma_wait3A_698] : memref<8x40xi32, #tpu.memory_space<vmem>> -> memref<1x40xi32, #tpu.memory_space<vmem>>
        %dma_wait3A_700 = tpu.memref_squeeze %dma_wait3A_699 : memref<1x40xi32, #tpu.memory_space<vmem>> -> memref<40xi32, #tpu.memory_space<vmem>>
        %dma_wait3A_701 = arith.constant 0 : i32
        %dma_wait3A_702 = tpu.memref_slice %arg4[%dma_wait3A_701] : memref<320000xi32, #tpu.memory_space<hbm>> -> memref<40xi32, #tpu.memory_space<hbm>>
        tpu.wait_dma2 semaphore(%arg15 : memref<!tpu.dma_semaphore, #tpu.memory_space<semaphore_mem>>) src(%dma_wait3A_702 : memref<40xi32, #tpu.memory_space<hbm>>) dst(%dma_wait3A_700 : memref<40xi32, #tpu.memory_space<vmem>>)
        %dma_wait3A_703 = arith.constant 4 : i32
        %dma_wait3A_704 = arith.constant 0 : i32
        %dma_wait3A_705 = tpu.memref_slice %arg8[%dma_wait3A_703, %dma_wait3A_704] : memref<8x40xi32, #tpu.memory_space<vmem>> -> memref<1x40xi32, #tpu.memory_space<vmem>>
        %dma_wait3A_706 = tpu.memref_squeeze %dma_wait3A_705 : memref<1x40xi32, #tpu.memory_space<vmem>> -> memref<40xi32, #tpu.memory_space<vmem>>
        %dma_wait3A_707 = arith.constant 0 : i32
        %dma_wait3A_708 = tpu.memref_slice %arg4[%dma_wait3A_707] : memref<320000xi32, #tpu.memory_space<hbm>> -> memref<40xi32, #tpu.memory_space<hbm>>
        %dma_wait3A_709 = arith.constant 0 : i32
        %dma_wait3A_710 = tpu.memref_slice %arg8[%dma_wait3A_703, %dma_wait3A_709] : memref<8x40xi32, #tpu.memory_space<vmem>> -> memref<1x40xi32, #tpu.memory_space<vmem>>
        %dma_wait3A_711 = tpu.memref_squeeze %dma_wait3A_710 : memref<1x40xi32, #tpu.memory_space<vmem>> -> memref<40xi32, #tpu.memory_space<vmem>>
        %dma_wait3A_712 = arith.constant 0 : i32
        %dma_wait3A_713 = tpu.memref_slice %arg4[%dma_wait3A_712] : memref<320000xi32, #tpu.memory_space<hbm>> -> memref<40xi32, #tpu.memory_space<hbm>>
        tpu.wait_dma2 semaphore(%arg15 : memref<!tpu.dma_semaphore, #tpu.memory_space<semaphore_mem>>) src(%dma_wait3A_713 : memref<40xi32, #tpu.memory_space<hbm>>) dst(%dma_wait3A_711 : memref<40xi32, #tpu.memory_space<vmem>>)
        %dma_wait3A_714 = arith.constant 4 : i32
        %dma_wait3A_715 = arith.constant 0 : i32
        %dma_wait3A_716 = tpu.memref_slice %arg8[%dma_wait3A_714, %dma_wait3A_715] : memref<8x40xi32, #tpu.memory_space<vmem>> -> memref<1x40xi32, #tpu.memory_space<vmem>>
        %dma_wait3A_717 = tpu.memref_squeeze %dma_wait3A_716 : memref<1x40xi32, #tpu.memory_space<vmem>> -> memref<40xi32, #tpu.memory_space<vmem>>
        %dma_wait3A_718 = arith.constant 0 : i32
        %dma_wait3A_719 = tpu.memref_slice %arg4[%dma_wait3A_718] : memref<320000xi32, #tpu.memory_space<hbm>> -> memref<40xi32, #tpu.memory_space<hbm>>
        %dma_wait3A_720 = arith.constant 0 : i32
        %dma_wait3A_721 = tpu.memref_slice %arg8[%dma_wait3A_714, %dma_wait3A_720] : memref<8x40xi32, #tpu.memory_space<vmem>> -> memref<1x40xi32, #tpu.memory_space<vmem>>
        %dma_wait3A_722 = tpu.memref_squeeze %dma_wait3A_721 : memref<1x40xi32, #tpu.memory_space<vmem>> -> memref<40xi32, #tpu.memory_space<vmem>>
        %dma_wait3A_723 = arith.constant 0 : i32
        %dma_wait3A_724 = tpu.memref_slice %arg4[%dma_wait3A_723] : memref<320000xi32, #tpu.memory_space<hbm>> -> memref<40xi32, #tpu.memory_space<hbm>>
        tpu.wait_dma2 semaphore(%arg15 : memref<!tpu.dma_semaphore, #tpu.memory_space<semaphore_mem>>) src(%dma_wait3A_724 : memref<40xi32, #tpu.memory_space<hbm>>) dst(%dma_wait3A_722 : memref<40xi32, #tpu.memory_space<vmem>>)
        %ge3A = arith.constant 1 : i32
        %ge3A_725 = arith.cmpi sge, %add3A_405, %ge3A : i32
        %convert_element_type3A_726 = arith.extui %ge3A_725 : i1 to i32
        %cond3A_727 = arith.constant 0 : i32
        %cond3A_728 = arith.cmpi ne, %convert_element_type3A_726, %cond3A_727 : i32
        scf.if %cond3A_728 {
          %dma_wait3A_776 = arith.constant 0 : i32
          %dma_wait3A_777 = arith.constant 0 : i32
          %dma_wait3A_778 = arith.constant 0 : i32
          %dma_wait3A_779 = tpu.memref_slice %arg10[%dma_wait3A_776, %dma_wait3A_777, %dma_wait3A_778] : memref<2x80x128xf32, #tpu.memory_space<vmem>> -> memref<1x40x128xf32, #tpu.memory_space<vmem>>
          %dma_wait3A_780 = tpu.memref_squeeze %dma_wait3A_779 : memref<1x40x128xf32, #tpu.memory_space<vmem>> -> memref<40x128xf32, #tpu.memory_space<vmem>>
          %dma_wait3A_781 = arith.constant 0 : i32
          %dma_wait3A_782 = arith.constant 0 : i32
          %dma_wait3A_783 = tpu.memref_slice %arg2[%dma_wait3A_781, %dma_wait3A_782] : memref<10000x128xf32, #tpu.memory_space<hbm>> -> memref<40x128xf32, #tpu.memory_space<hbm>>
          %dma_wait3A_784 = arith.constant 0 : i32
          %dma_wait3A_785 = arith.constant 0 : i32
          %dma_wait3A_786 = tpu.memref_slice %arg10[%dma_wait3A_776, %dma_wait3A_784, %dma_wait3A_785] : memref<2x80x128xf32, #tpu.memory_space<vmem>> -> memref<1x40x128xf32, #tpu.memory_space<vmem>>
          %dma_wait3A_787 = tpu.memref_squeeze %dma_wait3A_786 : memref<1x40x128xf32, #tpu.memory_space<vmem>> -> memref<40x128xf32, #tpu.memory_space<vmem>>
          %dma_wait3A_788 = arith.constant 0 : i32
          %dma_wait3A_789 = arith.constant 0 : i32
          %dma_wait3A_790 = tpu.memref_slice %arg2[%dma_wait3A_788, %dma_wait3A_789] : memref<10000x128xf32, #tpu.memory_space<hbm>> -> memref<40x128xf32, #tpu.memory_space<hbm>>
          tpu.wait_dma2 semaphore(%arg19 : memref<!tpu.dma_semaphore, #tpu.memory_space<semaphore_mem>>) src(%dma_wait3A_790 : memref<40x128xf32, #tpu.memory_space<hbm>>) dst(%dma_wait3A_787 : memref<40x128xf32, #tpu.memory_space<vmem>>)
        } else {
        }
        %ge3A_729 = arith.constant 1 : i32
        %ge3A_730 = arith.cmpi sge, %add3A_405, %ge3A_729 : i32
        %convert_element_type3A_731 = arith.extui %ge3A_730 : i1 to i32
        %cond3A_732 = arith.constant 0 : i32
        %cond3A_733 = arith.cmpi ne, %convert_element_type3A_731, %cond3A_732 : i32
        scf.if %cond3A_733 {
          %dma_wait3A_776 = arith.constant 0 : i32
          %dma_wait3A_777 = arith.constant 0 : i32
          %dma_wait3A_778 = arith.constant 0 : i32
          %dma_wait3A_779 = tpu.memref_slice %arg10[%dma_wait3A_776, %dma_wait3A_777, %dma_wait3A_778] : memref<2x80x128xf32, #tpu.memory_space<vmem>> -> memref<1x40x128xf32, #tpu.memory_space<vmem>>
          %dma_wait3A_780 = tpu.memref_squeeze %dma_wait3A_779 : memref<1x40x128xf32, #tpu.memory_space<vmem>> -> memref<40x128xf32, #tpu.memory_space<vmem>>
          %dma_wait3A_781 = arith.constant 0 : i32
          %dma_wait3A_782 = arith.constant 0 : i32
          %dma_wait3A_783 = tpu.memref_slice %arg2[%dma_wait3A_781, %dma_wait3A_782] : memref<10000x128xf32, #tpu.memory_space<hbm>> -> memref<40x128xf32, #tpu.memory_space<hbm>>
          %dma_wait3A_784 = arith.constant 0 : i32
          %dma_wait3A_785 = arith.constant 0 : i32
          %dma_wait3A_786 = tpu.memref_slice %arg10[%dma_wait3A_776, %dma_wait3A_784, %dma_wait3A_785] : memref<2x80x128xf32, #tpu.memory_space<vmem>> -> memref<1x40x128xf32, #tpu.memory_space<vmem>>
          %dma_wait3A_787 = tpu.memref_squeeze %dma_wait3A_786 : memref<1x40x128xf32, #tpu.memory_space<vmem>> -> memref<40x128xf32, #tpu.memory_space<vmem>>
          %dma_wait3A_788 = arith.constant 0 : i32
          %dma_wait3A_789 = arith.constant 0 : i32
          %dma_wait3A_790 = tpu.memref_slice %arg2[%dma_wait3A_788, %dma_wait3A_789] : memref<10000x128xf32, #tpu.memory_space<hbm>> -> memref<40x128xf32, #tpu.memory_space<hbm>>
          tpu.wait_dma2 semaphore(%arg20 : memref<!tpu.dma_semaphore, #tpu.memory_space<semaphore_mem>>) src(%dma_wait3A_790 : memref<40x128xf32, #tpu.memory_space<hbm>>) dst(%dma_wait3A_787 : memref<40x128xf32, #tpu.memory_space<vmem>>)
        } else {
        }
        %add3A_734 = arith.constant 1 : i32
        %add3A_735 = arith.addi %add3A_405, %add3A_734 : i32
        %dma_start3A_736 = arith.constant 4 : i32
        %dma_start3A_737 = arith.constant 0 : i32
        %dma_start3A_738 = arith.constant 0 : i32
        %dma_start3A_739 = arith.constant 0 : i32
        %dma_start3A_740 = tpu.memref_slice %arg10[%dma_start3A_737, %dma_start3A_738, %dma_start3A_739] : memref<2x80x128xf32, #tpu.memory_space<vmem>> -> memref<1x40x128xf32, #tpu.memory_space<vmem>>
        %dma_start3A_741 = tpu.memref_squeeze %dma_start3A_740 : memref<1x40x128xf32, #tpu.memory_space<vmem>> -> memref<40x128xf32, #tpu.memory_space<vmem>>
        %dma_start3A_742 = arith.constant 0 : i32
        %dma_start3A_743 = tpu.memref_slice %arg8[%dma_start3A_736, %dma_start3A_742] : memref<8x40xi32, #tpu.memory_space<vmem>> -> memref<1x40xi32, #tpu.memory_space<vmem>>
        %dma_start3A_744 = tpu.memref_squeeze %dma_start3A_743 : memref<1x40xi32, #tpu.memory_space<vmem>> -> memref<40xi32, #tpu.memory_space<vmem>>
        %dma_start3A_745 = arith.constant 0 : i32
        %dma_start3A_746 = arith.constant 0 : i32
        %dma_start3A_747 = tpu.memref_slice %arg2[%dma_start3A_745, %dma_start3A_746] : memref<10000x128xf32, #tpu.memory_space<hbm>> -> memref<10000x128xf32, #tpu.memory_space<hbm>>
        tpu.enqueue_indirect_dma source(%dma_start3A_747 : memref<10000x128xf32, #tpu.memory_space<hbm>>) target(%dma_start3A_741 : memref<40x128xf32, #tpu.memory_space<vmem>>) offsets(%dma_start3A_744 : memref<40xi32, #tpu.memory_space<vmem>>) semaphore(%arg17 : memref<!tpu.dma_semaphore, #tpu.memory_space<semaphore_mem>>)
        %dma_start3A_748 = arith.constant 5 : i32
        %dma_start3A_749 = arith.constant 0 : i32
        %dma_start3A_750 = arith.constant 40 : i32
        %dma_start3A_751 = arith.constant 0 : i32
        %dma_start3A_752 = tpu.memref_slice %arg10[%dma_start3A_749, %dma_start3A_750, %dma_start3A_751] : memref<2x80x128xf32, #tpu.memory_space<vmem>> -> memref<1x40x128xf32, #tpu.memory_space<vmem>>
        %dma_start3A_753 = tpu.memref_squeeze %dma_start3A_752 : memref<1x40x128xf32, #tpu.memory_space<vmem>> -> memref<40x128xf32, #tpu.memory_space<vmem>>
        %dma_start3A_754 = arith.constant 0 : i32
        %dma_start3A_755 = tpu.memref_slice %arg8[%dma_start3A_748, %dma_start3A_754] : memref<8x40xi32, #tpu.memory_space<vmem>> -> memref<1x40xi32, #tpu.memory_space<vmem>>
        %dma_start3A_756 = tpu.memref_squeeze %dma_start3A_755 : memref<1x40xi32, #tpu.memory_space<vmem>> -> memref<40xi32, #tpu.memory_space<vmem>>
        %dma_start3A_757 = arith.constant 0 : i32
        %dma_start3A_758 = arith.constant 0 : i32
        %dma_start3A_759 = tpu.memref_slice %arg2[%dma_start3A_757, %dma_start3A_758] : memref<10000x128xf32, #tpu.memory_space<hbm>> -> memref<10000x128xf32, #tpu.memory_space<hbm>>
        tpu.enqueue_indirect_dma source(%dma_start3A_759 : memref<10000x128xf32, #tpu.memory_space<hbm>>) target(%dma_start3A_753 : memref<40x128xf32, #tpu.memory_space<vmem>>) offsets(%dma_start3A_756 : memref<40xi32, #tpu.memory_space<vmem>>) semaphore(%arg17 : memref<!tpu.dma_semaphore, #tpu.memory_space<semaphore_mem>>)
        %mul3A_760 = arith.constant 40 : i32
        %mul3A_761 = arith.muli %add3A_735, %mul3A_760 : i32
        %add3A_762 = arith.addi %mul3A_2, %mul3A_761 : i32
        %dma_start3A_763 = arith.constant 0 : i32
        %dma_start3A_764 = arith.constant 0 : i32
        %dma_start3A_765 = arith.constant 0 : i32
        %dma_start3A_766 = tpu.memref_slice %arg11[%dma_start3A_763, %dma_start3A_764, %dma_start3A_765] : memref<2x40x128xi32, #tpu.memory_space<vmem>> -> memref<1x40x128xi32, #tpu.memory_space<vmem>>
        %dma_start3A_767 = tpu.memref_squeeze %dma_start3A_766 : memref<1x40x128xi32, #tpu.memory_space<vmem>> -> memref<40x128xi32, #tpu.memory_space<vmem>>
        %dma_start3A_768 = arith.constant 0 : i32
        %dma_start3A_769 = tpu.memref_slice %arg3[%add3A_762, %dma_start3A_768] : memref<160000x128xi32, #tpu.memory_space<hbm>> -> memref<40x128xi32, #tpu.memory_space<hbm>>
        %dma_start3A_770 = arith.constant 0 : i32
        %dma_start3A_771 = arith.constant 0 : i32
        %dma_start3A_772 = tpu.memref_slice %arg11[%dma_start3A_763, %dma_start3A_770, %dma_start3A_771] : memref<2x40x128xi32, #tpu.memory_space<vmem>> -> memref<1x40x128xi32, #tpu.memory_space<vmem>>
        %dma_start3A_773 = tpu.memref_squeeze %dma_start3A_772 : memref<1x40x128xi32, #tpu.memory_space<vmem>> -> memref<40x128xi32, #tpu.memory_space<vmem>>
        %dma_start3A_774 = arith.constant 0 : i32
        %dma_start3A_775 = tpu.memref_slice %arg3[%add3A_762, %dma_start3A_774] : memref<160000x128xi32, #tpu.memory_space<hbm>> -> memref<40x128xi32, #tpu.memory_space<hbm>>
        tpu.enqueue_dma source(%dma_start3A_775 : memref<40x128xi32, #tpu.memory_space<hbm>>) target(%dma_start3A_773 : memref<40x128xi32, #tpu.memory_space<vmem>>) target_semaphore(%arg17 : memref<!tpu.dma_semaphore, #tpu.memory_space<semaphore_mem>>)
      } else {
      }
      %dma_wait3A_413 = arith.constant 1 : i32
      %dma_wait3A_414 = arith.constant 0 : i32
      %dma_wait3A_415 = arith.constant 0 : i32
      %dma_wait3A_416 = tpu.memref_slice %arg10[%dma_wait3A_413, %dma_wait3A_414, %dma_wait3A_415] : memref<2x80x128xf32, #tpu.memory_space<vmem>> -> memref<1x40x128xf32, #tpu.memory_space<vmem>>
      %dma_wait3A_417 = tpu.memref_squeeze %dma_wait3A_416 : memref<1x40x128xf32, #tpu.memory_space<vmem>> -> memref<40x128xf32, #tpu.memory_space<vmem>>
      %dma_wait3A_418 = arith.constant 0 : i32
      %dma_wait3A_419 = arith.constant 0 : i32
      %dma_wait3A_420 = tpu.memref_slice %arg2[%dma_wait3A_418, %dma_wait3A_419] : memref<10000x128xf32, #tpu.memory_space<hbm>> -> memref<40x128xf32, #tpu.memory_space<hbm>>
      %dma_wait3A_421 = arith.constant 0 : i32
      %dma_wait3A_422 = arith.constant 0 : i32
      %dma_wait3A_423 = tpu.memref_slice %arg10[%dma_wait3A_413, %dma_wait3A_421, %dma_wait3A_422] : memref<2x80x128xf32, #tpu.memory_space<vmem>> -> memref<1x40x128xf32, #tpu.memory_space<vmem>>
      %dma_wait3A_424 = tpu.memref_squeeze %dma_wait3A_423 : memref<1x40x128xf32, #tpu.memory_space<vmem>> -> memref<40x128xf32, #tpu.memory_space<vmem>>
      %dma_wait3A_425 = arith.constant 0 : i32
      %dma_wait3A_426 = arith.constant 0 : i32
      %dma_wait3A_427 = tpu.memref_slice %arg2[%dma_wait3A_425, %dma_wait3A_426] : memref<10000x128xf32, #tpu.memory_space<hbm>> -> memref<40x128xf32, #tpu.memory_space<hbm>>
      tpu.wait_dma2 semaphore(%arg18 : memref<!tpu.dma_semaphore, #tpu.memory_space<semaphore_mem>>) src(%dma_wait3A_427 : memref<40x128xf32, #tpu.memory_space<hbm>>) dst(%dma_wait3A_424 : memref<40x128xf32, #tpu.memory_space<vmem>>)
      %dma_wait3A_428 = arith.constant 1 : i32
      %dma_wait3A_429 = arith.constant 0 : i32
      %dma_wait3A_430 = arith.constant 0 : i32
      %dma_wait3A_431 = tpu.memref_slice %arg10[%dma_wait3A_428, %dma_wait3A_429, %dma_wait3A_430] : memref<2x80x128xf32, #tpu.memory_space<vmem>> -> memref<1x40x128xf32, #tpu.memory_space<vmem>>
      %dma_wait3A_432 = tpu.memref_squeeze %dma_wait3A_431 : memref<1x40x128xf32, #tpu.memory_space<vmem>> -> memref<40x128xf32, #tpu.memory_space<vmem>>
      %dma_wait3A_433 = arith.constant 0 : i32
      %dma_wait3A_434 = arith.constant 0 : i32
      %dma_wait3A_435 = tpu.memref_slice %arg2[%dma_wait3A_433, %dma_wait3A_434] : memref<10000x128xf32, #tpu.memory_space<hbm>> -> memref<40x128xf32, #tpu.memory_space<hbm>>
      %dma_wait3A_436 = arith.constant 0 : i32
      %dma_wait3A_437 = arith.constant 0 : i32
      %dma_wait3A_438 = tpu.memref_slice %arg10[%dma_wait3A_428, %dma_wait3A_436, %dma_wait3A_437] : memref<2x80x128xf32, #tpu.memory_space<vmem>> -> memref<1x40x128xf32, #tpu.memory_space<vmem>>
      %dma_wait3A_439 = tpu.memref_squeeze %dma_wait3A_438 : memref<1x40x128xf32, #tpu.memory_space<vmem>> -> memref<40x128xf32, #tpu.memory_space<vmem>>
      %dma_wait3A_440 = arith.constant 0 : i32
      %dma_wait3A_441 = arith.constant 0 : i32
      %dma_wait3A_442 = tpu.memref_slice %arg2[%dma_wait3A_440, %dma_wait3A_441] : memref<10000x128xf32, #tpu.memory_space<hbm>> -> memref<40x128xf32, #tpu.memory_space<hbm>>
      tpu.wait_dma2 semaphore(%arg18 : memref<!tpu.dma_semaphore, #tpu.memory_space<semaphore_mem>>) src(%dma_wait3A_442 : memref<40x128xf32, #tpu.memory_space<hbm>>) dst(%dma_wait3A_439 : memref<40x128xf32, #tpu.memory_space<vmem>>)
      %dma_wait3A_443 = arith.constant 1 : i32
      %dma_wait3A_444 = arith.constant 0 : i32
      %dma_wait3A_445 = arith.constant 0 : i32
      %dma_wait3A_446 = tpu.memref_slice %arg11[%dma_wait3A_443, %dma_wait3A_444, %dma_wait3A_445] : memref<2x40x128xi32, #tpu.memory_space<vmem>> -> memref<1x40x128xi32, #tpu.memory_space<vmem>>
      %dma_wait3A_447 = tpu.memref_squeeze %dma_wait3A_446 : memref<1x40x128xi32, #tpu.memory_space<vmem>> -> memref<40x128xi32, #tpu.memory_space<vmem>>
      %dma_wait3A_448 = arith.constant 0 : i32
      %dma_wait3A_449 = arith.constant 0 : i32
      %dma_wait3A_450 = tpu.memref_slice %arg3[%dma_wait3A_448, %dma_wait3A_449] : memref<160000x128xi32, #tpu.memory_space<hbm>> -> memref<40x128xi32, #tpu.memory_space<hbm>>
      %dma_wait3A_451 = arith.constant 0 : i32
      %dma_wait3A_452 = arith.constant 0 : i32
      %dma_wait3A_453 = tpu.memref_slice %arg11[%dma_wait3A_443, %dma_wait3A_451, %dma_wait3A_452] : memref<2x40x128xi32, #tpu.memory_space<vmem>> -> memref<1x40x128xi32, #tpu.memory_space<vmem>>
      %dma_wait3A_454 = tpu.memref_squeeze %dma_wait3A_453 : memref<1x40x128xi32, #tpu.memory_space<vmem>> -> memref<40x128xi32, #tpu.memory_space<vmem>>
      %dma_wait3A_455 = arith.constant 0 : i32
      %dma_wait3A_456 = arith.constant 0 : i32
      %dma_wait3A_457 = tpu.memref_slice %arg3[%dma_wait3A_455, %dma_wait3A_456] : memref<160000x128xi32, #tpu.memory_space<hbm>> -> memref<40x128xi32, #tpu.memory_space<hbm>>
      tpu.wait_dma2 semaphore(%arg18 : memref<!tpu.dma_semaphore, #tpu.memory_space<semaphore_mem>>) src(%dma_wait3A_457 : memref<40x128xi32, #tpu.memory_space<hbm>>) dst(%dma_wait3A_454 : memref<40x128xi32, #tpu.memory_space<vmem>>)
      %scan3A_458 = arith.constant 0 : i32
      %scan3A_459 = arith.constant 0 : i32
      %scan3A_460 = arith.constant 40 : i32
      %scan3A_461 = arith.addi %scan3A_459, %scan3A_460 : i32
      %scan3A_462 = arith.constant 1 : i32
      scf.for %scan3A_681 = %scan3A_459 to %scan3A_461 step %scan3A_462  : i32 {
        %get3A = arith.constant 1 : i32
        %get3A_682 = arith.index_cast %get3A : i32 to index
        %get3A_683 = arith.index_cast %scan3A_681 : i32 to index
        %get3A_684 = arith.constant 0 : index
        %get3A_685 = tpu.vector_load %arg11[%get3A_682, %get3A_683, %get3A_684] {strides = array<i32>} : memref<2x40x128xi32, #tpu.memory_space<vmem>>, vector<1x1x16xi32>,
        %get3A_686 = vector.shape_cast %get3A_685 : vector<1x1x16xi32> to vector<16xi32>
        %shift_left3A = arith.constant 16 : i32
        %shift_left3A_687 = vector.broadcast %shift_left3A : i32 to vector<16xi32>
        %shift_left3A_688 = arith.shli %get3A_686, %shift_left3A_687 : vector<16xi32>
        %bitcast_convert_type3A = tpu.bitcast %shift_left3A_688 : vector<16xi32> -> vector<16xf32>
        %and3A = arith.constant -65536 : i32
        %and3A_689 = vector.broadcast %and3A : i32 to vector<16xi32>
        %and3A_690 = arith.andi %get3A_686, %and3A_689 : vector<16xi32>
        %bitcast_convert_type3A_691 = tpu.bitcast %and3A_690 : vector<16xi32> -> vector<16xf32>
        %get3A_692 = arith.constant 1 : i32
        %get3A_693 = arith.index_cast %get3A_692 : i32 to index
        %get3A_694 = arith.index_cast %scan3A_681 : i32 to index
        %get3A_695 = arith.constant 0 : index
        %get3A_696 = tpu.vector_load %arg10[%get3A_693, %get3A_694, %get3A_695] {strides = array<i32>} : memref<2x80x128xf32, #tpu.memory_space<vmem>>, vector<1x1x16xf32>,
        %get3A_697 = vector.shape_cast %get3A_696 : vector<1x1x16xf32> to vector<16xf32>
        %mul3A_698 = arith.mulf %get3A_697, %bitcast_convert_type3A : vector<16xf32>
        %swap3A = arith.constant 1 : i32
        %swap3A_699 = arith.index_cast %swap3A : i32 to index
        %swap3A_700 = arith.index_cast %scan3A_681 : i32 to index
        %swap3A_701 = arith.constant 0 : index
        %swap3A_702 = tpu.vector_load %arg10[%swap3A_699, %swap3A_700, %swap3A_701] {strides = array<i32>} : memref<2x80x128xf32, #tpu.memory_space<vmem>>, vector<1x1x16xf32>,
        %swap3A_703 = vector.shape_cast %swap3A_702 : vector<1x1x16xf32> to vector<16xf32>
        %swap3A_704 = vector.shape_cast %mul3A_698 : vector<16xf32> to vector<1x1x16xf32>
        tpu.vector_store %arg10[%swap3A_699, %swap3A_700, %swap3A_701], %swap3A_704 {strides = array<i32>} : memref<2x80x128xf32, #tpu.memory_space<vmem>>, vector<1x1x16xf32>,
        %add3A_705 = arith.constant 40 : i32
        %add3A_706 = arith.addi %add3A_705, %scan3A_681 : i32
        %get3A_707 = arith.constant 1 : i32
        %get3A_708 = arith.index_cast %get3A_707 : i32 to index
        %get3A_709 = arith.index_cast %add3A_706 : i32 to index
        %get3A_710 = arith.constant 0 : index
        %get3A_711 = tpu.vector_load %arg10[%get3A_708, %get3A_709, %get3A_710] {strides = array<i32>} : memref<2x80x128xf32, #tpu.memory_space<vmem>>, vector<1x1x16xf32>,
        %get3A_712 = vector.shape_cast %get3A_711 : vector<1x1x16xf32> to vector<16xf32>
        %mul3A_713 = arith.mulf %get3A_712, %bitcast_convert_type3A_691 : vector<16xf32>
        %add3A_714 = arith.constant 40 : i32
        %add3A_715 = arith.addi %add3A_714, %scan3A_681 : i32
        %swap3A_716 = arith.constant 1 : i32
        %swap3A_717 = arith.index_cast %swap3A_716 : i32 to index
        %swap3A_718 = arith.index_cast %add3A_715 : i32 to index
        %swap3A_719 = arith.constant 0 : index
        %swap3A_720 = tpu.vector_load %arg10[%swap3A_717, %swap3A_718, %swap3A_719] {strides = array<i32>} : memref<2x80x128xf32, #tpu.memory_space<vmem>>, vector<1x1x16xf32>,
        %swap3A_721 = vector.shape_cast %swap3A_720 : vector<1x1x16xf32> to vector<16xf32>
        %swap3A_722 = vector.shape_cast %mul3A_713 : vector<16xf32> to vector<1x1x16xf32>
        tpu.vector_store %arg10[%swap3A_717, %swap3A_718, %swap3A_719], %swap3A_722 {strides = array<i32>} : memref<2x80x128xf32, #tpu.memory_space<vmem>>, vector<1x1x16xf32>,
        %get3A_723 = arith.constant 1 : i32
        %get3A_724 = arith.index_cast %get3A_723 : i32 to index
        %get3A_725 = arith.index_cast %scan3A_681 : i32 to index
        %get3A_726 = arith.constant 16 : index
        %get3A_727 = tpu.vector_load %arg11[%get3A_724, %get3A_725, %get3A_726] {strides = array<i32>} : memref<2x40x128xi32, #tpu.memory_space<vmem>>, vector<1x1x16xi32>,
        %get3A_728 = vector.shape_cast %get3A_727 : vector<1x1x16xi32> to vector<16xi32>
        %shift_left3A_729 = arith.constant 16 : i32
        %shift_left3A_730 = vector.broadcast %shift_left3A_729 : i32 to vector<16xi32>
        %shift_left3A_731 = arith.shli %get3A_728, %shift_left3A_730 : vector<16xi32>
        %bitcast_convert_type3A_732 = tpu.bitcast %shift_left3A_731 : vector<16xi32> -> vector<16xf32>
        %and3A_733 = arith.constant -65536 : i32
        %and3A_734 = vector.broadcast %and3A_733 : i32 to vector<16xi32>
        %and3A_735 = arith.andi %get3A_728, %and3A_734 : vector<16xi32>
        %bitcast_convert_type3A_736 = tpu.bitcast %and3A_735 : vector<16xi32> -> vector<16xf32>
        %get3A_737 = arith.constant 1 : i32
        %get3A_738 = arith.index_cast %get3A_737 : i32 to index
        %get3A_739 = arith.index_cast %scan3A_681 : i32 to index
        %get3A_740 = arith.constant 16 : index
        %get3A_741 = tpu.vector_load %arg10[%get3A_738, %get3A_739, %get3A_740] {strides = array<i32>} : memref<2x80x128xf32, #tpu.memory_space<vmem>>, vector<1x1x16xf32>,
        %get3A_742 = vector.shape_cast %get3A_741 : vector<1x1x16xf32> to vector<16xf32>
        %mul3A_743 = arith.mulf %get3A_742, %bitcast_convert_type3A_732 : vector<16xf32>
        %swap3A_744 = arith.constant 1 : i32
        %swap3A_745 = arith.index_cast %swap3A_744 : i32 to index
        %swap3A_746 = arith.index_cast %scan3A_681 : i32 to index
        %swap3A_747 = arith.constant 16 : index
        %swap3A_748 = tpu.vector_load %arg10[%swap3A_745, %swap3A_746, %swap3A_747] {strides = array<i32>} : memref<2x80x128xf32, #tpu.memory_space<vmem>>, vector<1x1x16xf32>,
        %swap3A_749 = vector.shape_cast %swap3A_748 : vector<1x1x16xf32> to vector<16xf32>
        %swap3A_750 = vector.shape_cast %mul3A_743 : vector<16xf32> to vector<1x1x16xf32>
        tpu.vector_store %arg10[%swap3A_745, %swap3A_746, %swap3A_747], %swap3A_750 {strides = array<i32>} : memref<2x80x128xf32, #tpu.memory_space<vmem>>, vector<1x1x16xf32>,
        %add3A_751 = arith.constant 40 : i32
        %add3A_752 = arith.addi %add3A_751, %scan3A_681 : i32
        %get3A_753 = arith.constant 1 : i32
        %get3A_754 = arith.index_cast %get3A_753 : i32 to index
        %get3A_755 = arith.index_cast %add3A_752 : i32 to index
        %get3A_756 = arith.constant 16 : index
        %get3A_757 = tpu.vector_load %arg10[%get3A_754, %get3A_755, %get3A_756] {strides = array<i32>} : memref<2x80x128xf32, #tpu.memory_space<vmem>>, vector<1x1x16xf32>,
        %get3A_758 = vector.shape_cast %get3A_757 : vector<1x1x16xf32> to vector<16xf32>
        %mul3A_759 = arith.mulf %get3A_758, %bitcast_convert_type3A_736 : vector<16xf32>
        %add3A_760 = arith.constant 40 : i32
        %add3A_761 = arith.addi %add3A_760, %scan3A_681 : i32
        %swap3A_762 = arith.constant 1 : i32
        %swap3A_763 = arith.index_cast %swap3A_762 : i32 to index
        %swap3A_764 = arith.index_cast %add3A_761 : i32 to index
        %swap3A_765 = arith.constant 16 : index
        %swap3A_766 = tpu.vector_load %arg10[%swap3A_763, %swap3A_764, %swap3A_765] {strides = array<i32>} : memref<2x80x128xf32, #tpu.memory_space<vmem>>, vector<1x1x16xf32>,
        %swap3A_767 = vector.shape_cast %swap3A_766 : vector<1x1x16xf32> to vector<16xf32>
        %swap3A_768 = vector.shape_cast %mul3A_759 : vector<16xf32> to vector<1x1x16xf32>
        tpu.vector_store %arg10[%swap3A_763, %swap3A_764, %swap3A_765], %swap3A_768 {strides = array<i32>} : memref<2x80x128xf32, #tpu.memory_space<vmem>>, vector<1x1x16xf32>,
        %get3A_769 = arith.constant 1 : i32
        %get3A_770 = arith.index_cast %get3A_769 : i32 to index
        %get3A_771 = arith.index_cast %scan3A_681 : i32 to index
        %get3A_772 = arith.constant 32 : index
        %get3A_773 = tpu.vector_load %arg11[%get3A_770, %get3A_771, %get3A_772] {strides = array<i32>} : memref<2x40x128xi32, #tpu.memory_space<vmem>>, vector<1x1x16xi32>,
        %get3A_774 = vector.shape_cast %get3A_773 : vector<1x1x16xi32> to vector<16xi32>
        %shift_left3A_775 = arith.constant 16 : i32
        %shift_left3A_776 = vector.broadcast %shift_left3A_775 : i32 to vector<16xi32>
        %shift_left3A_777 = arith.shli %get3A_774, %shift_left3A_776 : vector<16xi32>
        %bitcast_convert_type3A_778 = tpu.bitcast %shift_left3A_777 : vector<16xi32> -> vector<16xf32>
        %and3A_779 = arith.constant -65536 : i32
        %and3A_780 = vector.broadcast %and3A_779 : i32 to vector<16xi32>
        %and3A_781 = arith.andi %get3A_774, %and3A_780 : vector<16xi32>
        %bitcast_convert_type3A_782 = tpu.bitcast %and3A_781 : vector<16xi32> -> vector<16xf32>
        %get3A_783 = arith.constant 1 : i32
        %get3A_784 = arith.index_cast %get3A_783 : i32 to index
        %get3A_785 = arith.index_cast %scan3A_681 : i32 to index
        %get3A_786 = arith.constant 32 : index
        %get3A_787 = tpu.vector_load %arg10[%get3A_784, %get3A_785, %get3A_786] {strides = array<i32>} : memref<2x80x128xf32, #tpu.memory_space<vmem>>, vector<1x1x16xf32>,
        %get3A_788 = vector.shape_cast %get3A_787 : vector<1x1x16xf32> to vector<16xf32>
        %mul3A_789 = arith.mulf %get3A_788, %bitcast_convert_type3A_778 : vector<16xf32>
        %swap3A_790 = arith.constant 1 : i32
        %swap3A_791 = arith.index_cast %swap3A_790 : i32 to index
        %swap3A_792 = arith.index_cast %scan3A_681 : i32 to index
        %swap3A_793 = arith.constant 32 : index
        %swap3A_794 = tpu.vector_load %arg10[%swap3A_791, %swap3A_792, %swap3A_793] {strides = array<i32>} : memref<2x80x128xf32, #tpu.memory_space<vmem>>, vector<1x1x16xf32>,
        %swap3A_795 = vector.shape_cast %swap3A_794 : vector<1x1x16xf32> to vector<16xf32>
        %swap3A_796 = vector.shape_cast %mul3A_789 : vector<16xf32> to vector<1x1x16xf32>
        tpu.vector_store %arg10[%swap3A_791, %swap3A_792, %swap3A_793], %swap3A_796 {strides = array<i32>} : memref<2x80x128xf32, #tpu.memory_space<vmem>>, vector<1x1x16xf32>,
        %add3A_797 = arith.constant 40 : i32
        %add3A_798 = arith.addi %add3A_797, %scan3A_681 : i32
        %get3A_799 = arith.constant 1 : i32
        %get3A_800 = arith.index_cast %get3A_799 : i32 to index
        %get3A_801 = arith.index_cast %add3A_798 : i32 to index
        %get3A_802 = arith.constant 32 : index
        %get3A_803 = tpu.vector_load %arg10[%get3A_800, %get3A_801, %get3A_802] {strides = array<i32>} : memref<2x80x128xf32, #tpu.memory_space<vmem>>, vector<1x1x16xf32>,
        %get3A_804 = vector.shape_cast %get3A_803 : vector<1x1x16xf32> to vector<16xf32>
        %mul3A_805 = arith.mulf %get3A_804, %bitcast_convert_type3A_782 : vector<16xf32>
        %add3A_806 = arith.constant 40 : i32
        %add3A_807 = arith.addi %add3A_806, %scan3A_681 : i32
        %swap3A_808 = arith.constant 1 : i32
        %swap3A_809 = arith.index_cast %swap3A_808 : i32 to index
        %swap3A_810 = arith.index_cast %add3A_807 : i32 to index
        %swap3A_811 = arith.constant 32 : index
        %swap3A_812 = tpu.vector_load %arg10[%swap3A_809, %swap3A_810, %swap3A_811] {strides = array<i32>} : memref<2x80x128xf32, #tpu.memory_space<vmem>>, vector<1x1x16xf32>,
        %swap3A_813 = vector.shape_cast %swap3A_812 : vector<1x1x16xf32> to vector<16xf32>
        %swap3A_814 = vector.shape_cast %mul3A_805 : vector<16xf32> to vector<1x1x16xf32>
        tpu.vector_store %arg10[%swap3A_809, %swap3A_810, %swap3A_811], %swap3A_814 {strides = array<i32>} : memref<2x80x128xf32, #tpu.memory_space<vmem>>, vector<1x1x16xf32>,
        %get3A_815 = arith.constant 1 : i32
        %get3A_816 = arith.index_cast %get3A_815 : i32 to index
        %get3A_817 = arith.index_cast %scan3A_681 : i32 to index
        %get3A_818 = arith.constant 48 : index
        %get3A_819 = tpu.vector_load %arg11[%get3A_816, %get3A_817, %get3A_818] {strides = array<i32>} : memref<2x40x128xi32, #tpu.memory_space<vmem>>, vector<1x1x16xi32>,
        %get3A_820 = vector.shape_cast %get3A_819 : vector<1x1x16xi32> to vector<16xi32>
        %shift_left3A_821 = arith.constant 16 : i32
        %shift_left3A_822 = vector.broadcast %shift_left3A_821 : i32 to vector<16xi32>
        %shift_left3A_823 = arith.shli %get3A_820, %shift_left3A_822 : vector<16xi32>
        %bitcast_convert_type3A_824 = tpu.bitcast %shift_left3A_823 : vector<16xi32> -> vector<16xf32>
        %and3A_825 = arith.constant -65536 : i32
        %and3A_826 = vector.broadcast %and3A_825 : i32 to vector<16xi32>
        %and3A_827 = arith.andi %get3A_820, %and3A_826 : vector<16xi32>
        %bitcast_convert_type3A_828 = tpu.bitcast %and3A_827 : vector<16xi32> -> vector<16xf32>
        %get3A_829 = arith.constant 1 : i32
        %get3A_830 = arith.index_cast %get3A_829 : i32 to index
        %get3A_831 = arith.index_cast %scan3A_681 : i32 to index
        %get3A_832 = arith.constant 48 : index
        %get3A_833 = tpu.vector_load %arg10[%get3A_830, %get3A_831, %get3A_832] {strides = array<i32>} : memref<2x80x128xf32, #tpu.memory_space<vmem>>, vector<1x1x16xf32>,
        %get3A_834 = vector.shape_cast %get3A_833 : vector<1x1x16xf32> to vector<16xf32>
        %mul3A_835 = arith.mulf %get3A_834, %bitcast_convert_type3A_824 : vector<16xf32>
        %swap3A_836 = arith.constant 1 : i32
        %swap3A_837 = arith.index_cast %swap3A_836 : i32 to index
        %swap3A_838 = arith.index_cast %scan3A_681 : i32 to index
        %swap3A_839 = arith.constant 48 : index
        %swap3A_840 = tpu.vector_load %arg10[%swap3A_837, %swap3A_838, %swap3A_839] {strides = array<i32>} : memref<2x80x128xf32, #tpu.memory_space<vmem>>, vector<1x1x16xf32>,
        %swap3A_841 = vector.shape_cast %swap3A_840 : vector<1x1x16xf32> to vector<16xf32>
        %swap3A_842 = vector.shape_cast %mul3A_835 : vector<16xf32> to vector<1x1x16xf32>
        tpu.vector_store %arg10[%swap3A_837, %swap3A_838, %swap3A_839], %swap3A_842 {strides = array<i32>} : memref<2x80x128xf32, #tpu.memory_space<vmem>>, vector<1x1x16xf32>,
        %add3A_843 = arith.constant 40 : i32
        %add3A_844 = arith.addi %add3A_843, %scan3A_681 : i32
        %get3A_845 = arith.constant 1 : i32
        %get3A_846 = arith.index_cast %get3A_845 : i32 to index
        %get3A_847 = arith.index_cast %add3A_844 : i32 to index
        %get3A_848 = arith.constant 48 : index
        %get3A_849 = tpu.vector_load %arg10[%get3A_846, %get3A_847, %get3A_848] {strides = array<i32>} : memref<2x80x128xf32, #tpu.memory_space<vmem>>, vector<1x1x16xf32>,
        %get3A_850 = vector.shape_cast %get3A_849 : vector<1x1x16xf32> to vector<16xf32>
        %mul3A_851 = arith.mulf %get3A_850, %bitcast_convert_type3A_828 : vector<16xf32>
        %add3A_852 = arith.constant 40 : i32
        %add3A_853 = arith.addi %add3A_852, %scan3A_681 : i32
        %swap3A_854 = arith.constant 1 : i32
        %swap3A_855 = arith.index_cast %swap3A_854 : i32 to index
        %swap3A_856 = arith.index_cast %add3A_853 : i32 to index
        %swap3A_857 = arith.constant 48 : index
        %swap3A_858 = tpu.vector_load %arg10[%swap3A_855, %swap3A_856, %swap3A_857] {strides = array<i32>} : memref<2x80x128xf32, #tpu.memory_space<vmem>>, vector<1x1x16xf32>,
        %swap3A_859 = vector.shape_cast %swap3A_858 : vector<1x1x16xf32> to vector<16xf32>
        %swap3A_860 = vector.shape_cast %mul3A_851 : vector<16xf32> to vector<1x1x16xf32>
        tpu.vector_store %arg10[%swap3A_855, %swap3A_856, %swap3A_857], %swap3A_860 {strides = array<i32>} : memref<2x80x128xf32, #tpu.memory_space<vmem>>, vector<1x1x16xf32>,
        %get3A_861 = arith.constant 1 : i32
        %get3A_862 = arith.index_cast %get3A_861 : i32 to index
        %get3A_863 = arith.index_cast %scan3A_681 : i32 to index
        %get3A_864 = arith.constant 64 : index
        %get3A_865 = tpu.vector_load %arg11[%get3A_862, %get3A_863, %get3A_864] {strides = array<i32>} : memref<2x40x128xi32, #tpu.memory_space<vmem>>, vector<1x1x16xi32>,
        %get3A_866 = vector.shape_cast %get3A_865 : vector<1x1x16xi32> to vector<16xi32>
        %shift_left3A_867 = arith.constant 16 : i32
        %shift_left3A_868 = vector.broadcast %shift_left3A_867 : i32 to vector<16xi32>
        %shift_left3A_869 = arith.shli %get3A_866, %shift_left3A_868 : vector<16xi32>
        %bitcast_convert_type3A_870 = tpu.bitcast %shift_left3A_869 : vector<16xi32> -> vector<16xf32>
        %and3A_871 = arith.constant -65536 : i32
        %and3A_872 = vector.broadcast %and3A_871 : i32 to vector<16xi32>
        %and3A_873 = arith.andi %get3A_866, %and3A_872 : vector<16xi32>
        %bitcast_convert_type3A_874 = tpu.bitcast %and3A_873 : vector<16xi32> -> vector<16xf32>
        %get3A_875 = arith.constant 1 : i32
        %get3A_876 = arith.index_cast %get3A_875 : i32 to index
        %get3A_877 = arith.index_cast %scan3A_681 : i32 to index
        %get3A_878 = arith.constant 64 : index
        %get3A_879 = tpu.vector_load %arg10[%get3A_876, %get3A_877, %get3A_878] {strides = array<i32>} : memref<2x80x128xf32, #tpu.memory_space<vmem>>, vector<1x1x16xf32>,
        %get3A_880 = vector.shape_cast %get3A_879 : vector<1x1x16xf32> to vector<16xf32>
        %mul3A_881 = arith.mulf %get3A_880, %bitcast_convert_type3A_870 : vector<16xf32>
        %swap3A_882 = arith.constant 1 : i32
        %swap3A_883 = arith.index_cast %swap3A_882 : i32 to index
        %swap3A_884 = arith.index_cast %scan3A_681 : i32 to index
        %swap3A_885 = arith.constant 64 : index
        %swap3A_886 = tpu.vector_load %arg10[%swap3A_883, %swap3A_884, %swap3A_885] {strides = array<i32>} : memref<2x80x128xf32, #tpu.memory_space<vmem>>, vector<1x1x16xf32>,
        %swap3A_887 = vector.shape_cast %swap3A_886 : vector<1x1x16xf32> to vector<16xf32>
        %swap3A_888 = vector.shape_cast %mul3A_881 : vector<16xf32> to vector<1x1x16xf32>
        tpu.vector_store %arg10[%swap3A_883, %swap3A_884, %swap3A_885], %swap3A_888 {strides = array<i32>} : memref<2x80x128xf32, #tpu.memory_space<vmem>>, vector<1x1x16xf32>,
        %add3A_889 = arith.constant 40 : i32
        %add3A_890 = arith.addi %add3A_889, %scan3A_681 : i32
        %get3A_891 = arith.constant 1 : i32
        %get3A_892 = arith.index_cast %get3A_891 : i32 to index
        %get3A_893 = arith.index_cast %add3A_890 : i32 to index
        %get3A_894 = arith.constant 64 : index
        %get3A_895 = tpu.vector_load %arg10[%get3A_892, %get3A_893, %get3A_894] {strides = array<i32>} : memref<2x80x128xf32, #tpu.memory_space<vmem>>, vector<1x1x16xf32>,
        %get3A_896 = vector.shape_cast %get3A_895 : vector<1x1x16xf32> to vector<16xf32>
        %mul3A_897 = arith.mulf %get3A_896, %bitcast_convert_type3A_874 : vector<16xf32>
        %add3A_898 = arith.constant 40 : i32
        %add3A_899 = arith.addi %add3A_898, %scan3A_681 : i32
        %swap3A_900 = arith.constant 1 : i32
        %swap3A_901 = arith.index_cast %swap3A_900 : i32 to index
        %swap3A_902 = arith.index_cast %add3A_899 : i32 to index
        %swap3A_903 = arith.constant 64 : index
        %swap3A_904 = tpu.vector_load %arg10[%swap3A_901, %swap3A_902, %swap3A_903] {strides = array<i32>} : memref<2x80x128xf32, #tpu.memory_space<vmem>>, vector<1x1x16xf32>,
        %swap3A_905 = vector.shape_cast %swap3A_904 : vector<1x1x16xf32> to vector<16xf32>
        %swap3A_906 = vector.shape_cast %mul3A_897 : vector<16xf32> to vector<1x1x16xf32>
        tpu.vector_store %arg10[%swap3A_901, %swap3A_902, %swap3A_903], %swap3A_906 {strides = array<i32>} : memref<2x80x128xf32, #tpu.memory_space<vmem>>, vector<1x1x16xf32>,
        %get3A_907 = arith.constant 1 : i32
        %get3A_908 = arith.index_cast %get3A_907 : i32 to index
        %get3A_909 = arith.index_cast %scan3A_681 : i32 to index
        %get3A_910 = arith.constant 80 : index
        %get3A_911 = tpu.vector_load %arg11[%get3A_908, %get3A_909, %get3A_910] {strides = array<i32>} : memref<2x40x128xi32, #tpu.memory_space<vmem>>, vector<1x1x16xi32>,
        %get3A_912 = vector.shape_cast %get3A_911 : vector<1x1x16xi32> to vector<16xi32>
        %shift_left3A_913 = arith.constant 16 : i32
        %shift_left3A_914 = vector.broadcast %shift_left3A_913 : i32 to vector<16xi32>
        %shift_left3A_915 = arith.shli %get3A_912, %shift_left3A_914 : vector<16xi32>
        %bitcast_convert_type3A_916 = tpu.bitcast %shift_left3A_915 : vector<16xi32> -> vector<16xf32>
        %and3A_917 = arith.constant -65536 : i32
        %and3A_918 = vector.broadcast %and3A_917 : i32 to vector<16xi32>
        %and3A_919 = arith.andi %get3A_912, %and3A_918 : vector<16xi32>
        %bitcast_convert_type3A_920 = tpu.bitcast %and3A_919 : vector<16xi32> -> vector<16xf32>
        %get3A_921 = arith.constant 1 : i32
        %get3A_922 = arith.index_cast %get3A_921 : i32 to index
        %get3A_923 = arith.index_cast %scan3A_681 : i32 to index
        %get3A_924 = arith.constant 80 : index
        %get3A_925 = tpu.vector_load %arg10[%get3A_922, %get3A_923, %get3A_924] {strides = array<i32>} : memref<2x80x128xf32, #tpu.memory_space<vmem>>, vector<1x1x16xf32>,
        %get3A_926 = vector.shape_cast %get3A_925 : vector<1x1x16xf32> to vector<16xf32>
        %mul3A_927 = arith.mulf %get3A_926, %bitcast_convert_type3A_916 : vector<16xf32>
        %swap3A_928 = arith.constant 1 : i32
        %swap3A_929 = arith.index_cast %swap3A_928 : i32 to index
        %swap3A_930 = arith.index_cast %scan3A_681 : i32 to index
        %swap3A_931 = arith.constant 80 : index
        %swap3A_932 = tpu.vector_load %arg10[%swap3A_929, %swap3A_930, %swap3A_931] {strides = array<i32>} : memref<2x80x128xf32, #tpu.memory_space<vmem>>, vector<1x1x16xf32>,
        %swap3A_933 = vector.shape_cast %swap3A_932 : vector<1x1x16xf32> to vector<16xf32>
        %swap3A_934 = vector.shape_cast %mul3A_927 : vector<16xf32> to vector<1x1x16xf32>
        tpu.vector_store %arg10[%swap3A_929, %swap3A_930, %swap3A_931], %swap3A_934 {strides = array<i32>} : memref<2x80x128xf32, #tpu.memory_space<vmem>>, vector<1x1x16xf32>,
        %add3A_935 = arith.constant 40 : i32
        %add3A_936 = arith.addi %add3A_935, %scan3A_681 : i32
        %get3A_937 = arith.constant 1 : i32
        %get3A_938 = arith.index_cast %get3A_937 : i32 to index
        %get3A_939 = arith.index_cast %add3A_936 : i32 to index
        %get3A_940 = arith.constant 80 : index
        %get3A_941 = tpu.vector_load %arg10[%get3A_938, %get3A_939, %get3A_940] {strides = array<i32>} : memref<2x80x128xf32, #tpu.memory_space<vmem>>, vector<1x1x16xf32>,
        %get3A_942 = vector.shape_cast %get3A_941 : vector<1x1x16xf32> to vector<16xf32>
        %mul3A_943 = arith.mulf %get3A_942, %bitcast_convert_type3A_920 : vector<16xf32>
        %add3A_944 = arith.constant 40 : i32
        %add3A_945 = arith.addi %add3A_944, %scan3A_681 : i32
        %swap3A_946 = arith.constant 1 : i32
        %swap3A_947 = arith.index_cast %swap3A_946 : i32 to index
        %swap3A_948 = arith.index_cast %add3A_945 : i32 to index
        %swap3A_949 = arith.constant 80 : index
        %swap3A_950 = tpu.vector_load %arg10[%swap3A_947, %swap3A_948, %swap3A_949] {strides = array<i32>} : memref<2x80x128xf32, #tpu.memory_space<vmem>>, vector<1x1x16xf32>,
        %swap3A_951 = vector.shape_cast %swap3A_950 : vector<1x1x16xf32> to vector<16xf32>
        %swap3A_952 = vector.shape_cast %mul3A_943 : vector<16xf32> to vector<1x1x16xf32>
        tpu.vector_store %arg10[%swap3A_947, %swap3A_948, %swap3A_949], %swap3A_952 {strides = array<i32>} : memref<2x80x128xf32, #tpu.memory_space<vmem>>, vector<1x1x16xf32>,
        %get3A_953 = arith.constant 1 : i32
        %get3A_954 = arith.index_cast %get3A_953 : i32 to index
        %get3A_955 = arith.index_cast %scan3A_681 : i32 to index
        %get3A_956 = arith.constant 96 : index
        %get3A_957 = tpu.vector_load %arg11[%get3A_954, %get3A_955, %get3A_956] {strides = array<i32>} : memref<2x40x128xi32, #tpu.memory_space<vmem>>, vector<1x1x16xi32>,
        %get3A_958 = vector.shape_cast %get3A_957 : vector<1x1x16xi32> to vector<16xi32>
        %shift_left3A_959 = arith.constant 16 : i32
        %shift_left3A_960 = vector.broadcast %shift_left3A_959 : i32 to vector<16xi32>
        %shift_left3A_961 = arith.shli %get3A_958, %shift_left3A_960 : vector<16xi32>
        %bitcast_convert_type3A_962 = tpu.bitcast %shift_left3A_961 : vector<16xi32> -> vector<16xf32>
        %and3A_963 = arith.constant -65536 : i32
        %and3A_964 = vector.broadcast %and3A_963 : i32 to vector<16xi32>
        %and3A_965 = arith.andi %get3A_958, %and3A_964 : vector<16xi32>
        %bitcast_convert_type3A_966 = tpu.bitcast %and3A_965 : vector<16xi32> -> vector<16xf32>
        %get3A_967 = arith.constant 1 : i32
        %get3A_968 = arith.index_cast %get3A_967 : i32 to index
        %get3A_969 = arith.index_cast %scan3A_681 : i32 to index
        %get3A_970 = arith.constant 96 : index
        %get3A_971 = tpu.vector_load %arg10[%get3A_968, %get3A_969, %get3A_970] {strides = array<i32>} : memref<2x80x128xf32, #tpu.memory_space<vmem>>, vector<1x1x16xf32>,
        %get3A_972 = vector.shape_cast %get3A_971 : vector<1x1x16xf32> to vector<16xf32>
        %mul3A_973 = arith.mulf %get3A_972, %bitcast_convert_type3A_962 : vector<16xf32>
        %swap3A_974 = arith.constant 1 : i32
        %swap3A_975 = arith.index_cast %swap3A_974 : i32 to index
        %swap3A_976 = arith.index_cast %scan3A_681 : i32 to index
        %swap3A_977 = arith.constant 96 : index
        %swap3A_978 = tpu.vector_load %arg10[%swap3A_975, %swap3A_976, %swap3A_977] {strides = array<i32>} : memref<2x80x128xf32, #tpu.memory_space<vmem>>, vector<1x1x16xf32>,
        %swap3A_979 = vector.shape_cast %swap3A_978 : vector<1x1x16xf32> to vector<16xf32>
        %swap3A_980 = vector.shape_cast %mul3A_973 : vector<16xf32> to vector<1x1x16xf32>
        tpu.vector_store %arg10[%swap3A_975, %swap3A_976, %swap3A_977], %swap3A_980 {strides = array<i32>} : memref<2x80x128xf32, #tpu.memory_space<vmem>>, vector<1x1x16xf32>,
        %add3A_981 = arith.constant 40 : i32
        %add3A_982 = arith.addi %add3A_981, %scan3A_681 : i32
        %get3A_983 = arith.constant 1 : i32
        %get3A_984 = arith.index_cast %get3A_983 : i32 to index
        %get3A_985 = arith.index_cast %add3A_982 : i32 to index
        %get3A_986 = arith.constant 96 : index
        %get3A_987 = tpu.vector_load %arg10[%get3A_984, %get3A_985, %get3A_986] {strides = array<i32>} : memref<2x80x128xf32, #tpu.memory_space<vmem>>, vector<1x1x16xf32>,
        %get3A_988 = vector.shape_cast %get3A_987 : vector<1x1x16xf32> to vector<16xf32>
        %mul3A_989 = arith.mulf %get3A_988, %bitcast_convert_type3A_966 : vector<16xf32>
        %add3A_990 = arith.constant 40 : i32
        %add3A_991 = arith.addi %add3A_990, %scan3A_681 : i32
        %swap3A_992 = arith.constant 1 : i32
        %swap3A_993 = arith.index_cast %swap3A_992 : i32 to index
        %swap3A_994 = arith.index_cast %add3A_991 : i32 to index
        %swap3A_995 = arith.constant 96 : index
        %swap3A_996 = tpu.vector_load %arg10[%swap3A_993, %swap3A_994, %swap3A_995] {strides = array<i32>} : memref<2x80x128xf32, #tpu.memory_space<vmem>>, vector<1x1x16xf32>,
        %swap3A_997 = vector.shape_cast %swap3A_996 : vector<1x1x16xf32> to vector<16xf32>
        %swap3A_998 = vector.shape_cast %mul3A_989 : vector<16xf32> to vector<1x1x16xf32>
        tpu.vector_store %arg10[%swap3A_993, %swap3A_994, %swap3A_995], %swap3A_998 {strides = array<i32>} : memref<2x80x128xf32, #tpu.memory_space<vmem>>, vector<1x1x16xf32>,
        %get3A_999 = arith.constant 1 : i32
        %get3A_1000 = arith.index_cast %get3A_999 : i32 to index
        %get3A_1001 = arith.index_cast %scan3A_681 : i32 to index
        %get3A_1002 = arith.constant 112 : index
        %get3A_1003 = tpu.vector_load %arg11[%get3A_1000, %get3A_1001, %get3A_1002] {strides = array<i32>} : memref<2x40x128xi32, #tpu.memory_space<vmem>>, vector<1x1x16xi32>,
        %get3A_1004 = vector.shape_cast %get3A_1003 : vector<1x1x16xi32> to vector<16xi32>
        %shift_left3A_1005 = arith.constant 16 : i32
        %shift_left3A_1006 = vector.broadcast %shift_left3A_1005 : i32 to vector<16xi32>
        %shift_left3A_1007 = arith.shli %get3A_1004, %shift_left3A_1006 : vector<16xi32>
        %bitcast_convert_type3A_1008 = tpu.bitcast %shift_left3A_1007 : vector<16xi32> -> vector<16xf32>
        %and3A_1009 = arith.constant -65536 : i32
        %and3A_1010 = vector.broadcast %and3A_1009 : i32 to vector<16xi32>
        %and3A_1011 = arith.andi %get3A_1004, %and3A_1010 : vector<16xi32>
        %bitcast_convert_type3A_1012 = tpu.bitcast %and3A_1011 : vector<16xi32> -> vector<16xf32>
        %get3A_1013 = arith.constant 1 : i32
        %get3A_1014 = arith.index_cast %get3A_1013 : i32 to index
        %get3A_1015 = arith.index_cast %scan3A_681 : i32 to index
        %get3A_1016 = arith.constant 112 : index
        %get3A_1017 = tpu.vector_load %arg10[%get3A_1014, %get3A_1015, %get3A_1016] {strides = array<i32>} : memref<2x80x128xf32, #tpu.memory_space<vmem>>, vector<1x1x16xf32>,
        %get3A_1018 = vector.shape_cast %get3A_1017 : vector<1x1x16xf32> to vector<16xf32>
        %mul3A_1019 = arith.mulf %get3A_1018, %bitcast_convert_type3A_1008 : vector<16xf32>
        %swap3A_1020 = arith.constant 1 : i32
        %swap3A_1021 = arith.index_cast %swap3A_1020 : i32 to index
        %swap3A_1022 = arith.index_cast %scan3A_681 : i32 to index
        %swap3A_1023 = arith.constant 112 : index
        %swap3A_1024 = tpu.vector_load %arg10[%swap3A_1021, %swap3A_1022, %swap3A_1023] {strides = array<i32>} : memref<2x80x128xf32, #tpu.memory_space<vmem>>, vector<1x1x16xf32>,
        %swap3A_1025 = vector.shape_cast %swap3A_1024 : vector<1x1x16xf32> to vector<16xf32>
        %swap3A_1026 = vector.shape_cast %mul3A_1019 : vector<16xf32> to vector<1x1x16xf32>
        tpu.vector_store %arg10[%swap3A_1021, %swap3A_1022, %swap3A_1023], %swap3A_1026 {strides = array<i32>} : memref<2x80x128xf32, #tpu.memory_space<vmem>>, vector<1x1x16xf32>,
        %add3A_1027 = arith.constant 40 : i32
        %add3A_1028 = arith.addi %add3A_1027, %scan3A_681 : i32
        %get3A_1029 = arith.constant 1 : i32
        %get3A_1030 = arith.index_cast %get3A_1029 : i32 to index
        %get3A_1031 = arith.index_cast %add3A_1028 : i32 to index
        %get3A_1032 = arith.constant 112 : index
        %get3A_1033 = tpu.vector_load %arg10[%get3A_1030, %get3A_1031, %get3A_1032] {strides = array<i32>} : memref<2x80x128xf32, #tpu.memory_space<vmem>>, vector<1x1x16xf32>,
        %get3A_1034 = vector.shape_cast %get3A_1033 : vector<1x1x16xf32> to vector<16xf32>
        %mul3A_1035 = arith.mulf %get3A_1034, %bitcast_convert_type3A_1012 : vector<16xf32>
        %add3A_1036 = arith.constant 40 : i32
        %add3A_1037 = arith.addi %add3A_1036, %scan3A_681 : i32
        %swap3A_1038 = arith.constant 1 : i32
        %swap3A_1039 = arith.index_cast %swap3A_1038 : i32 to index
        %swap3A_1040 = arith.index_cast %add3A_1037 : i32 to index
        %swap3A_1041 = arith.constant 112 : index
        %swap3A_1042 = tpu.vector_load %arg10[%swap3A_1039, %swap3A_1040, %swap3A_1041] {strides = array<i32>} : memref<2x80x128xf32, #tpu.memory_space<vmem>>, vector<1x1x16xf32>,
        %swap3A_1043 = vector.shape_cast %swap3A_1042 : vector<1x1x16xf32> to vector<16xf32>
        %swap3A_1044 = vector.shape_cast %mul3A_1035 : vector<16xf32> to vector<1x1x16xf32>
        tpu.vector_store %arg10[%swap3A_1039, %swap3A_1040, %swap3A_1041], %swap3A_1044 {strides = array<i32>} : memref<2x80x128xf32, #tpu.memory_space<vmem>>, vector<1x1x16xf32>,
      }
      %scan3A_463 = arith.constant 40 : i32
      %dma_start3A_464 = arith.constant 1 : i32
      %dma_start3A_465 = arith.constant 2 : i32
      %dma_start3A_466 = arith.constant 0 : i32
      %dma_start3A_467 = arith.constant 0 : i32
      %dma_start3A_468 = tpu.memref_slice %arg10[%dma_start3A_464, %dma_start3A_466, %dma_start3A_467] : memref<2x80x128xf32, #tpu.memory_space<vmem>> -> memref<1x40x128xf32, #tpu.memory_space<vmem>>
      %dma_start3A_469 = tpu.memref_squeeze %dma_start3A_468 : memref<1x40x128xf32, #tpu.memory_space<vmem>> -> memref<40x128xf32, #tpu.memory_space<vmem>>
      %dma_start3A_470 = arith.constant 0 : i32
      %dma_start3A_471 = tpu.memref_slice %arg9[%dma_start3A_465, %dma_start3A_470] : memref<8x40xi32, #tpu.memory_space<vmem>> -> memref<1x40xi32, #tpu.memory_space<vmem>>
      %dma_start3A_472 = tpu.memref_squeeze %dma_start3A_471 : memref<1x40xi32, #tpu.memory_space<vmem>> -> memref<40xi32, #tpu.memory_space<vmem>>
      %dma_start3A_473 = arith.constant 0 : i32
      %dma_start3A_474 = arith.constant 0 : i32
      %dma_start3A_475 = tpu.memref_slice %arg12[%dma_start3A_473, %dma_start3A_474] : memref<10000x128xf32, #tpu.memory_space<vmem_shared>> -> memref<10000x128xf32, #tpu.memory_space<vmem_shared>>
      tpu.enqueue_indirect_dma source(%dma_start3A_469 : memref<40x128xf32, #tpu.memory_space<vmem>>) target(%dma_start3A_475 : memref<10000x128xf32, #tpu.memory_space<vmem_shared>>) offsets(%dma_start3A_472 : memref<40xi32, #tpu.memory_space<vmem>>) semaphore(%arg19 : memref<!tpu.dma_semaphore, #tpu.memory_space<semaphore_mem>>) {add = true}
      %dma_start3A_476 = arith.constant 1 : i32
      %dma_start3A_477 = arith.constant 3 : i32
      %dma_start3A_478 = arith.constant 40 : i32
      %dma_start3A_479 = arith.constant 0 : i32
      %dma_start3A_480 = tpu.memref_slice %arg10[%dma_start3A_476, %dma_start3A_478, %dma_start3A_479] : memref<2x80x128xf32, #tpu.memory_space<vmem>> -> memref<1x40x128xf32, #tpu.memory_space<vmem>>
      %dma_start3A_481 = tpu.memref_squeeze %dma_start3A_480 : memref<1x40x128xf32, #tpu.memory_space<vmem>> -> memref<40x128xf32, #tpu.memory_space<vmem>>
      %dma_start3A_482 = arith.constant 0 : i32
      %dma_start3A_483 = tpu.memref_slice %arg9[%dma_start3A_477, %dma_start3A_482] : memref<8x40xi32, #tpu.memory_space<vmem>> -> memref<1x40xi32, #tpu.memory_space<vmem>>
      %dma_start3A_484 = tpu.memref_squeeze %dma_start3A_483 : memref<1x40xi32, #tpu.memory_space<vmem>> -> memref<40xi32, #tpu.memory_space<vmem>>
      %dma_start3A_485 = arith.constant 0 : i32
      %dma_start3A_486 = arith.constant 0 : i32
      %dma_start3A_487 = tpu.memref_slice %arg12[%dma_start3A_485, %dma_start3A_486] : memref<10000x128xf32, #tpu.memory_space<vmem_shared>> -> memref<10000x128xf32, #tpu.memory_space<vmem_shared>>
      tpu.enqueue_indirect_dma source(%dma_start3A_481 : memref<40x128xf32, #tpu.memory_space<vmem>>) target(%dma_start3A_487 : memref<10000x128xf32, #tpu.memory_space<vmem_shared>>) offsets(%dma_start3A_484 : memref<40xi32, #tpu.memory_space<vmem>>) semaphore(%arg20 : memref<!tpu.dma_semaphore, #tpu.memory_space<semaphore_mem>>) {add = true}
      %add3A_488 = arith.constant 2 : i32
      %add3A_489 = arith.addi %add3A_405, %add3A_488 : i32
      %lt3A_490 = arith.constant 125 : i32
      %lt3A_491 = arith.cmpi slt, %add3A_489, %lt3A_490 : i32
      %convert_element_type3A_492 = arith.extui %lt3A_491 : i1 to i32
      %cond3A_493 = arith.constant 0 : i32
      %cond3A_494 = arith.cmpi ne, %convert_element_type3A_492, %cond3A_493 : i32
      scf.if %cond3A_494 {
        %add3A_681 = arith.constant 2 : i32
        %add3A_682 = arith.addi %add3A_405, %add3A_681 : i32
        %mul3A_683 = arith.constant 40 : i32
        %mul3A_684 = arith.muli %add3A_682, %mul3A_683 : i32
        %add3A_685 = arith.addi %mul3A_2, %mul3A_684 : i32
        %add3A_686 = arith.constant 160000 : i32
        %add3A_687 = arith.addi %add3A_685, %add3A_686 : i32
        %dma_start3A_688 = arith.constant 6 : i32
        %dma_start3A_689 = arith.constant 0 : i32
        %dma_start3A_690 = tpu.memref_slice %arg8[%dma_start3A_688, %dma_start3A_689] : memref<8x40xi32, #tpu.memory_space<vmem>> -> memref<1x40xi32, #tpu.memory_space<vmem>>
        %dma_start3A_691 = tpu.memref_squeeze %dma_start3A_690 : memref<1x40xi32, #tpu.memory_space<vmem>> -> memref<40xi32, #tpu.memory_space<vmem>>
        %dma_start3A_692 = tpu.memref_slice %arg4[%add3A_685] : memref<320000xi32, #tpu.memory_space<hbm>> -> memref<40xi32, #tpu.memory_space<hbm>>
        %dma_start3A_693 = arith.constant 0 : i32
        %dma_start3A_694 = tpu.memref_slice %arg8[%dma_start3A_688, %dma_start3A_693] : memref<8x40xi32, #tpu.memory_space<vmem>> -> memref<1x40xi32, #tpu.memory_space<vmem>>
        %dma_start3A_695 = tpu.memref_squeeze %dma_start3A_694 : memref<1x40xi32, #tpu.memory_space<vmem>> -> memref<40xi32, #tpu.memory_space<vmem>>
        %dma_start3A_696 = tpu.memref_slice %arg4[%add3A_685] : memref<320000xi32, #tpu.memory_space<hbm>> -> memref<40xi32, #tpu.memory_space<hbm>>
        tpu.enqueue_dma source(%dma_start3A_696 : memref<40xi32, #tpu.memory_space<hbm>>) target(%dma_start3A_695 : memref<40xi32, #tpu.memory_space<vmem>>) target_semaphore(%arg16 : memref<!tpu.dma_semaphore, #tpu.memory_space<semaphore_mem>>)
        %dma_start3A_697 = arith.constant 7 : i32
        %dma_start3A_698 = arith.constant 0 : i32
        %dma_start3A_699 = tpu.memref_slice %arg8[%dma_start3A_697, %dma_start3A_698] : memref<8x40xi32, #tpu.memory_space<vmem>> -> memref<1x40xi32, #tpu.memory_space<vmem>>
        %dma_start3A_700 = tpu.memref_squeeze %dma_start3A_699 : memref<1x40xi32, #tpu.memory_space<vmem>> -> memref<40xi32, #tpu.memory_space<vmem>>
        %dma_start3A_701 = tpu.memref_slice %arg4[%add3A_687] : memref<320000xi32, #tpu.memory_space<hbm>> -> memref<40xi32, #tpu.memory_space<hbm>>
        %dma_start3A_702 = arith.constant 0 : i32
        %dma_start3A_703 = tpu.memref_slice %arg8[%dma_start3A_697, %dma_start3A_702] : memref<8x40xi32, #tpu.memory_space<vmem>> -> memref<1x40xi32, #tpu.memory_space<vmem>>
        %dma_start3A_704 = tpu.memref_squeeze %dma_start3A_703 : memref<1x40xi32, #tpu.memory_space<vmem>> -> memref<40xi32, #tpu.memory_space<vmem>>
        %dma_start3A_705 = tpu.memref_slice %arg4[%add3A_687] : memref<320000xi32, #tpu.memory_space<hbm>> -> memref<40xi32, #tpu.memory_space<hbm>>
        tpu.enqueue_dma source(%dma_start3A_705 : memref<40xi32, #tpu.memory_space<hbm>>) target(%dma_start3A_704 : memref<40xi32, #tpu.memory_space<vmem>>) target_semaphore(%arg16 : memref<!tpu.dma_semaphore, #tpu.memory_space<semaphore_mem>>)
        %dma_start3A_706 = arith.constant 6 : i32
        %dma_start3A_707 = arith.constant 0 : i32
        %dma_start3A_708 = tpu.memref_slice %arg9[%dma_start3A_706, %dma_start3A_707] : memref<8x40xi32, #tpu.memory_space<vmem>> -> memref<1x40xi32, #tpu.memory_space<vmem>>
        %dma_start3A_709 = tpu.memref_squeeze %dma_start3A_708 : memref<1x40xi32, #tpu.memory_space<vmem>> -> memref<40xi32, #tpu.memory_space<vmem>>
        %dma_start3A_710 = tpu.memref_slice %arg5[%add3A_685] : memref<320000xi32, #tpu.memory_space<hbm>> -> memref<40xi32, #tpu.memory_space<hbm>>
        %dma_start3A_711 = arith.constant 0 : i32
        %dma_start3A_712 = tpu.memref_slice %arg9[%dma_start3A_706, %dma_start3A_711] : memref<8x40xi32, #tpu.memory_space<vmem>> -> memref<1x40xi32, #tpu.memory_space<vmem>>
        %dma_start3A_713 = tpu.memref_squeeze %dma_start3A_712 : memref<1x40xi32, #tpu.memory_space<vmem>> -> memref<40xi32, #tpu.memory_space<vmem>>
        %dma_start3A_714 = tpu.memref_slice %arg5[%add3A_685] : memref<320000xi32, #tpu.memory_space<hbm>> -> memref<40xi32, #tpu.memory_space<hbm>>
        tpu.enqueue_dma source(%dma_start3A_714 : memref<40xi32, #tpu.memory_space<hbm>>) target(%dma_start3A_713 : memref<40xi32, #tpu.memory_space<vmem>>) target_semaphore(%arg16 : memref<!tpu.dma_semaphore, #tpu.memory_space<semaphore_mem>>)
        %dma_start3A_715 = arith.constant 7 : i32
        %dma_start3A_716 = arith.constant 0 : i32
        %dma_start3A_717 = tpu.memref_slice %arg9[%dma_start3A_715, %dma_start3A_716] : memref<8x40xi32, #tpu.memory_space<vmem>> -> memref<1x40xi32, #tpu.memory_space<vmem>>
        %dma_start3A_718 = tpu.memref_squeeze %dma_start3A_717 : memref<1x40xi32, #tpu.memory_space<vmem>> -> memref<40xi32, #tpu.memory_space<vmem>>
        %dma_start3A_719 = tpu.memref_slice %arg5[%add3A_687] : memref<320000xi32, #tpu.memory_space<hbm>> -> memref<40xi32, #tpu.memory_space<hbm>>
        %dma_start3A_720 = arith.constant 0 : i32
        %dma_start3A_721 = tpu.memref_slice %arg9[%dma_start3A_715, %dma_start3A_720] : memref<8x40xi32, #tpu.memory_space<vmem>> -> memref<1x40xi32, #tpu.memory_space<vmem>>
        %dma_start3A_722 = tpu.memref_squeeze %dma_start3A_721 : memref<1x40xi32, #tpu.memory_space<vmem>> -> memref<40xi32, #tpu.memory_space<vmem>>
        %dma_start3A_723 = tpu.memref_slice %arg5[%add3A_687] : memref<320000xi32, #tpu.memory_space<hbm>> -> memref<40xi32, #tpu.memory_space<hbm>>
        tpu.enqueue_dma source(%dma_start3A_723 : memref<40xi32, #tpu.memory_space<hbm>>) target(%dma_start3A_722 : memref<40xi32, #tpu.memory_space<vmem>>) target_semaphore(%arg16 : memref<!tpu.dma_semaphore, #tpu.memory_space<semaphore_mem>>)
      } else {
      }
      %mul3A_495 = arith.constant 4 : i32
      %mul3A_496 = arith.muli %scan3A_309, %mul3A_495 : i32
      %add3A_497 = arith.constant 2 : i32
      %add3A_498 = arith.addi %mul3A_496, %add3A_497 : i32
      %add3A_499 = arith.constant 1 : i32
      %add3A_500 = arith.addi %add3A_498, %add3A_499 : i32
      %lt3A_501 = arith.constant 125 : i32
      %lt3A_502 = arith.cmpi slt, %add3A_500, %lt3A_501 : i32
      %convert_element_type3A_503 = arith.extui %lt3A_502 : i1 to i32
      %cond3A_504 = arith.constant 0 : i32
      %cond3A_505 = arith.cmpi ne, %convert_element_type3A_503, %cond3A_504 : i32
      scf.if %cond3A_505 {
        %dma_wait3A_681 = arith.constant 6 : i32
        %dma_wait3A_682 = arith.constant 0 : i32
        %dma_wait3A_683 = tpu.memref_slice %arg8[%dma_wait3A_681, %dma_wait3A_682] : memref<8x40xi32, #tpu.memory_space<vmem>> -> memref<1x40xi32, #tpu.memory_space<vmem>>
        %dma_wait3A_684 = tpu.memref_squeeze %dma_wait3A_683 : memref<1x40xi32, #tpu.memory_space<vmem>> -> memref<40xi32, #tpu.memory_space<vmem>>
        %dma_wait3A_685 = arith.constant 0 : i32
        %dma_wait3A_686 = tpu.memref_slice %arg4[%dma_wait3A_685] : memref<320000xi32, #tpu.memory_space<hbm>> -> memref<40xi32, #tpu.memory_space<hbm>>
        %dma_wait3A_687 = arith.constant 0 : i32
        %dma_wait3A_688 = tpu.memref_slice %arg8[%dma_wait3A_681, %dma_wait3A_687] : memref<8x40xi32, #tpu.memory_space<vmem>> -> memref<1x40xi32, #tpu.memory_space<vmem>>
        %dma_wait3A_689 = tpu.memref_squeeze %dma_wait3A_688 : memref<1x40xi32, #tpu.memory_space<vmem>> -> memref<40xi32, #tpu.memory_space<vmem>>
        %dma_wait3A_690 = arith.constant 0 : i32
        %dma_wait3A_691 = tpu.memref_slice %arg4[%dma_wait3A_690] : memref<320000xi32, #tpu.memory_space<hbm>> -> memref<40xi32, #tpu.memory_space<hbm>>
        tpu.wait_dma2 semaphore(%arg16 : memref<!tpu.dma_semaphore, #tpu.memory_space<semaphore_mem>>) src(%dma_wait3A_691 : memref<40xi32, #tpu.memory_space<hbm>>) dst(%dma_wait3A_689 : memref<40xi32, #tpu.memory_space<vmem>>)
        %dma_wait3A_692 = arith.constant 6 : i32
        %dma_wait3A_693 = arith.constant 0 : i32
        %dma_wait3A_694 = tpu.memref_slice %arg8[%dma_wait3A_692, %dma_wait3A_693] : memref<8x40xi32, #tpu.memory_space<vmem>> -> memref<1x40xi32, #tpu.memory_space<vmem>>
        %dma_wait3A_695 = tpu.memref_squeeze %dma_wait3A_694 : memref<1x40xi32, #tpu.memory_space<vmem>> -> memref<40xi32, #tpu.memory_space<vmem>>
        %dma_wait3A_696 = arith.constant 0 : i32
        %dma_wait3A_697 = tpu.memref_slice %arg4[%dma_wait3A_696] : memref<320000xi32, #tpu.memory_space<hbm>> -> memref<40xi32, #tpu.memory_space<hbm>>
        %dma_wait3A_698 = arith.constant 0 : i32
        %dma_wait3A_699 = tpu.memref_slice %arg8[%dma_wait3A_692, %dma_wait3A_698] : memref<8x40xi32, #tpu.memory_space<vmem>> -> memref<1x40xi32, #tpu.memory_space<vmem>>
        %dma_wait3A_700 = tpu.memref_squeeze %dma_wait3A_699 : memref<1x40xi32, #tpu.memory_space<vmem>> -> memref<40xi32, #tpu.memory_space<vmem>>
        %dma_wait3A_701 = arith.constant 0 : i32
        %dma_wait3A_702 = tpu.memref_slice %arg4[%dma_wait3A_701] : memref<320000xi32, #tpu.memory_space<hbm>> -> memref<40xi32, #tpu.memory_space<hbm>>
        tpu.wait_dma2 semaphore(%arg16 : memref<!tpu.dma_semaphore, #tpu.memory_space<semaphore_mem>>) src(%dma_wait3A_702 : memref<40xi32, #tpu.memory_space<hbm>>) dst(%dma_wait3A_700 : memref<40xi32, #tpu.memory_space<vmem>>)
        %dma_wait3A_703 = arith.constant 6 : i32
        %dma_wait3A_704 = arith.constant 0 : i32
        %dma_wait3A_705 = tpu.memref_slice %arg8[%dma_wait3A_703, %dma_wait3A_704] : memref<8x40xi32, #tpu.memory_space<vmem>> -> memref<1x40xi32, #tpu.memory_space<vmem>>
        %dma_wait3A_706 = tpu.memref_squeeze %dma_wait3A_705 : memref<1x40xi32, #tpu.memory_space<vmem>> -> memref<40xi32, #tpu.memory_space<vmem>>
        %dma_wait3A_707 = arith.constant 0 : i32
        %dma_wait3A_708 = tpu.memref_slice %arg4[%dma_wait3A_707] : memref<320000xi32, #tpu.memory_space<hbm>> -> memref<40xi32, #tpu.memory_space<hbm>>
        %dma_wait3A_709 = arith.constant 0 : i32
        %dma_wait3A_710 = tpu.memref_slice %arg8[%dma_wait3A_703, %dma_wait3A_709] : memref<8x40xi32, #tpu.memory_space<vmem>> -> memref<1x40xi32, #tpu.memory_space<vmem>>
        %dma_wait3A_711 = tpu.memref_squeeze %dma_wait3A_710 : memref<1x40xi32, #tpu.memory_space<vmem>> -> memref<40xi32, #tpu.memory_space<vmem>>
        %dma_wait3A_712 = arith.constant 0 : i32
        %dma_wait3A_713 = tpu.memref_slice %arg4[%dma_wait3A_712] : memref<320000xi32, #tpu.memory_space<hbm>> -> memref<40xi32, #tpu.memory_space<hbm>>
        tpu.wait_dma2 semaphore(%arg16 : memref<!tpu.dma_semaphore, #tpu.memory_space<semaphore_mem>>) src(%dma_wait3A_713 : memref<40xi32, #tpu.memory_space<hbm>>) dst(%dma_wait3A_711 : memref<40xi32, #tpu.memory_space<vmem>>)
        %dma_wait3A_714 = arith.constant 6 : i32
        %dma_wait3A_715 = arith.constant 0 : i32
        %dma_wait3A_716 = tpu.memref_slice %arg8[%dma_wait3A_714, %dma_wait3A_715] : memref<8x40xi32, #tpu.memory_space<vmem>> -> memref<1x40xi32, #tpu.memory_space<vmem>>
        %dma_wait3A_717 = tpu.memref_squeeze %dma_wait3A_716 : memref<1x40xi32, #tpu.memory_space<vmem>> -> memref<40xi32, #tpu.memory_space<vmem>>
        %dma_wait3A_718 = arith.constant 0 : i32
        %dma_wait3A_719 = tpu.memref_slice %arg4[%dma_wait3A_718] : memref<320000xi32, #tpu.memory_space<hbm>> -> memref<40xi32, #tpu.memory_space<hbm>>
        %dma_wait3A_720 = arith.constant 0 : i32
        %dma_wait3A_721 = tpu.memref_slice %arg8[%dma_wait3A_714, %dma_wait3A_720] : memref<8x40xi32, #tpu.memory_space<vmem>> -> memref<1x40xi32, #tpu.memory_space<vmem>>
        %dma_wait3A_722 = tpu.memref_squeeze %dma_wait3A_721 : memref<1x40xi32, #tpu.memory_space<vmem>> -> memref<40xi32, #tpu.memory_space<vmem>>
        %dma_wait3A_723 = arith.constant 0 : i32
        %dma_wait3A_724 = tpu.memref_slice %arg4[%dma_wait3A_723] : memref<320000xi32, #tpu.memory_space<hbm>> -> memref<40xi32, #tpu.memory_space<hbm>>
        tpu.wait_dma2 semaphore(%arg16 : memref<!tpu.dma_semaphore, #tpu.memory_space<semaphore_mem>>) src(%dma_wait3A_724 : memref<40xi32, #tpu.memory_space<hbm>>) dst(%dma_wait3A_722 : memref<40xi32, #tpu.memory_space<vmem>>)
        %ge3A = arith.constant 1 : i32
        %ge3A_725 = arith.cmpi sge, %add3A_498, %ge3A : i32
        %convert_element_type3A_726 = arith.extui %ge3A_725 : i1 to i32
        %cond3A_727 = arith.constant 0 : i32
        %cond3A_728 = arith.cmpi ne, %convert_element_type3A_726, %cond3A_727 : i32
        scf.if %cond3A_728 {
          %dma_wait3A_776 = arith.constant 0 : i32
          %dma_wait3A_777 = arith.constant 0 : i32
          %dma_wait3A_778 = arith.constant 0 : i32
          %dma_wait3A_779 = tpu.memref_slice %arg10[%dma_wait3A_776, %dma_wait3A_777, %dma_wait3A_778] : memref<2x80x128xf32, #tpu.memory_space<vmem>> -> memref<1x40x128xf32, #tpu.memory_space<vmem>>
          %dma_wait3A_780 = tpu.memref_squeeze %dma_wait3A_779 : memref<1x40x128xf32, #tpu.memory_space<vmem>> -> memref<40x128xf32, #tpu.memory_space<vmem>>
          %dma_wait3A_781 = arith.constant 0 : i32
          %dma_wait3A_782 = arith.constant 0 : i32
          %dma_wait3A_783 = tpu.memref_slice %arg2[%dma_wait3A_781, %dma_wait3A_782] : memref<10000x128xf32, #tpu.memory_space<hbm>> -> memref<40x128xf32, #tpu.memory_space<hbm>>
          %dma_wait3A_784 = arith.constant 0 : i32
          %dma_wait3A_785 = arith.constant 0 : i32
          %dma_wait3A_786 = tpu.memref_slice %arg10[%dma_wait3A_776, %dma_wait3A_784, %dma_wait3A_785] : memref<2x80x128xf32, #tpu.memory_space<vmem>> -> memref<1x40x128xf32, #tpu.memory_space<vmem>>
          %dma_wait3A_787 = tpu.memref_squeeze %dma_wait3A_786 : memref<1x40x128xf32, #tpu.memory_space<vmem>> -> memref<40x128xf32, #tpu.memory_space<vmem>>
          %dma_wait3A_788 = arith.constant 0 : i32
          %dma_wait3A_789 = arith.constant 0 : i32
          %dma_wait3A_790 = tpu.memref_slice %arg2[%dma_wait3A_788, %dma_wait3A_789] : memref<10000x128xf32, #tpu.memory_space<hbm>> -> memref<40x128xf32, #tpu.memory_space<hbm>>
          tpu.wait_dma2 semaphore(%arg19 : memref<!tpu.dma_semaphore, #tpu.memory_space<semaphore_mem>>) src(%dma_wait3A_790 : memref<40x128xf32, #tpu.memory_space<hbm>>) dst(%dma_wait3A_787 : memref<40x128xf32, #tpu.memory_space<vmem>>)
        } else {
        }
        %ge3A_729 = arith.constant 1 : i32
        %ge3A_730 = arith.cmpi sge, %add3A_498, %ge3A_729 : i32
        %convert_element_type3A_731 = arith.extui %ge3A_730 : i1 to i32
        %cond3A_732 = arith.constant 0 : i32
        %cond3A_733 = arith.cmpi ne, %convert_element_type3A_731, %cond3A_732 : i32
        scf.if %cond3A_733 {
          %dma_wait3A_776 = arith.constant 0 : i32
          %dma_wait3A_777 = arith.constant 0 : i32
          %dma_wait3A_778 = arith.constant 0 : i32
          %dma_wait3A_779 = tpu.memref_slice %arg10[%dma_wait3A_776, %dma_wait3A_777, %dma_wait3A_778] : memref<2x80x128xf32, #tpu.memory_space<vmem>> -> memref<1x40x128xf32, #tpu.memory_space<vmem>>
          %dma_wait3A_780 = tpu.memref_squeeze %dma_wait3A_779 : memref<1x40x128xf32, #tpu.memory_space<vmem>> -> memref<40x128xf32, #tpu.memory_space<vmem>>
          %dma_wait3A_781 = arith.constant 0 : i32
          %dma_wait3A_782 = arith.constant 0 : i32
          %dma_wait3A_783 = tpu.memref_slice %arg2[%dma_wait3A_781, %dma_wait3A_782] : memref<10000x128xf32, #tpu.memory_space<hbm>> -> memref<40x128xf32, #tpu.memory_space<hbm>>
          %dma_wait3A_784 = arith.constant 0 : i32
          %dma_wait3A_785 = arith.constant 0 : i32
          %dma_wait3A_786 = tpu.memref_slice %arg10[%dma_wait3A_776, %dma_wait3A_784, %dma_wait3A_785] : memref<2x80x128xf32, #tpu.memory_space<vmem>> -> memref<1x40x128xf32, #tpu.memory_space<vmem>>
          %dma_wait3A_787 = tpu.memref_squeeze %dma_wait3A_786 : memref<1x40x128xf32, #tpu.memory_space<vmem>> -> memref<40x128xf32, #tpu.memory_space<vmem>>
          %dma_wait3A_788 = arith.constant 0 : i32
          %dma_wait3A_789 = arith.constant 0 : i32
          %dma_wait3A_790 = tpu.memref_slice %arg2[%dma_wait3A_788, %dma_wait3A_789] : memref<10000x128xf32, #tpu.memory_space<hbm>> -> memref<40x128xf32, #tpu.memory_space<hbm>>
          tpu.wait_dma2 semaphore(%arg20 : memref<!tpu.dma_semaphore, #tpu.memory_space<semaphore_mem>>) src(%dma_wait3A_790 : memref<40x128xf32, #tpu.memory_space<hbm>>) dst(%dma_wait3A_787 : memref<40x128xf32, #tpu.memory_space<vmem>>)
        } else {
        }
        %add3A_734 = arith.constant 1 : i32
        %add3A_735 = arith.addi %add3A_498, %add3A_734 : i32
        %dma_start3A_736 = arith.constant 6 : i32
        %dma_start3A_737 = arith.constant 1 : i32
        %dma_start3A_738 = arith.constant 0 : i32
        %dma_start3A_739 = arith.constant 0 : i32
        %dma_start3A_740 = tpu.memref_slice %arg10[%dma_start3A_737, %dma_start3A_738, %dma_start3A_739] : memref<2x80x128xf32, #tpu.memory_space<vmem>> -> memref<1x40x128xf32, #tpu.memory_space<vmem>>
        %dma_start3A_741 = tpu.memref_squeeze %dma_start3A_740 : memref<1x40x128xf32, #tpu.memory_space<vmem>> -> memref<40x128xf32, #tpu.memory_space<vmem>>
        %dma_start3A_742 = arith.constant 0 : i32
        %dma_start3A_743 = tpu.memref_slice %arg8[%dma_start3A_736, %dma_start3A_742] : memref<8x40xi32, #tpu.memory_space<vmem>> -> memref<1x40xi32, #tpu.memory_space<vmem>>
        %dma_start3A_744 = tpu.memref_squeeze %dma_start3A_743 : memref<1x40xi32, #tpu.memory_space<vmem>> -> memref<40xi32, #tpu.memory_space<vmem>>
        %dma_start3A_745 = arith.constant 0 : i32
        %dma_start3A_746 = arith.constant 0 : i32
        %dma_start3A_747 = tpu.memref_slice %arg2[%dma_start3A_745, %dma_start3A_746] : memref<10000x128xf32, #tpu.memory_space<hbm>> -> memref<10000x128xf32, #tpu.memory_space<hbm>>
        tpu.enqueue_indirect_dma source(%dma_start3A_747 : memref<10000x128xf32, #tpu.memory_space<hbm>>) target(%dma_start3A_741 : memref<40x128xf32, #tpu.memory_space<vmem>>) offsets(%dma_start3A_744 : memref<40xi32, #tpu.memory_space<vmem>>) semaphore(%arg18 : memref<!tpu.dma_semaphore, #tpu.memory_space<semaphore_mem>>)
        %dma_start3A_748 = arith.constant 7 : i32
        %dma_start3A_749 = arith.constant 1 : i32
        %dma_start3A_750 = arith.constant 40 : i32
        %dma_start3A_751 = arith.constant 0 : i32
        %dma_start3A_752 = tpu.memref_slice %arg10[%dma_start3A_749, %dma_start3A_750, %dma_start3A_751] : memref<2x80x128xf32, #tpu.memory_space<vmem>> -> memref<1x40x128xf32, #tpu.memory_space<vmem>>
        %dma_start3A_753 = tpu.memref_squeeze %dma_start3A_752 : memref<1x40x128xf32, #tpu.memory_space<vmem>> -> memref<40x128xf32, #tpu.memory_space<vmem>>
        %dma_start3A_754 = arith.constant 0 : i32
        %dma_start3A_755 = tpu.memref_slice %arg8[%dma_start3A_748, %dma_start3A_754] : memref<8x40xi32, #tpu.memory_space<vmem>> -> memref<1x40xi32, #tpu.memory_space<vmem>>
        %dma_start3A_756 = tpu.memref_squeeze %dma_start3A_755 : memref<1x40xi32, #tpu.memory_space<vmem>> -> memref<40xi32, #tpu.memory_space<vmem>>
        %dma_start3A_757 = arith.constant 0 : i32
        %dma_start3A_758 = arith.constant 0 : i32
        %dma_start3A_759 = tpu.memref_slice %arg2[%dma_start3A_757, %dma_start3A_758] : memref<10000x128xf32, #tpu.memory_space<hbm>> -> memref<10000x128xf32, #tpu.memory_space<hbm>>
        tpu.enqueue_indirect_dma source(%dma_start3A_759 : memref<10000x128xf32, #tpu.memory_space<hbm>>) target(%dma_start3A_753 : memref<40x128xf32, #tpu.memory_space<vmem>>) offsets(%dma_start3A_756 : memref<40xi32, #tpu.memory_space<vmem>>) semaphore(%arg18 : memref<!tpu.dma_semaphore, #tpu.memory_space<semaphore_mem>>)
        %mul3A_760 = arith.constant 40 : i32
        %mul3A_761 = arith.muli %add3A_735, %mul3A_760 : i32
        %add3A_762 = arith.addi %mul3A_2, %mul3A_761 : i32
        %dma_start3A_763 = arith.constant 1 : i32
        %dma_start3A_764 = arith.constant 0 : i32
        %dma_start3A_765 = arith.constant 0 : i32
        %dma_start3A_766 = tpu.memref_slice %arg11[%dma_start3A_763, %dma_start3A_764, %dma_start3A_765] : memref<2x40x128xi32, #tpu.memory_space<vmem>> -> memref<1x40x128xi32, #tpu.memory_space<vmem>>
        %dma_start3A_767 = tpu.memref_squeeze %dma_start3A_766 : memref<1x40x128xi32, #tpu.memory_space<vmem>> -> memref<40x128xi32, #tpu.memory_space<vmem>>
        %dma_start3A_768 = arith.constant 0 : i32
        %dma_start3A_769 = tpu.memref_slice %arg3[%add3A_762, %dma_start3A_768] : memref<160000x128xi32, #tpu.memory_space<hbm>> -> memref<40x128xi32, #tpu.memory_space<hbm>>
        %dma_start3A_770 = arith.constant 0 : i32
        %dma_start3A_771 = arith.constant 0 : i32
        %dma_start3A_772 = tpu.memref_slice %arg11[%dma_start3A_763, %dma_start3A_770, %dma_start3A_771] : memref<2x40x128xi32, #tpu.memory_space<vmem>> -> memref<1x40x128xi32, #tpu.memory_space<vmem>>
        %dma_start3A_773 = tpu.memref_squeeze %dma_start3A_772 : memref<1x40x128xi32, #tpu.memory_space<vmem>> -> memref<40x128xi32, #tpu.memory_space<vmem>>
        %dma_start3A_774 = arith.constant 0 : i32
        %dma_start3A_775 = tpu.memref_slice %arg3[%add3A_762, %dma_start3A_774] : memref<160000x128xi32, #tpu.memory_space<hbm>> -> memref<40x128xi32, #tpu.memory_space<hbm>>
        tpu.enqueue_dma source(%dma_start3A_775 : memref<40x128xi32, #tpu.memory_space<hbm>>) target(%dma_start3A_773 : memref<40x128xi32, #tpu.memory_space<vmem>>) target_semaphore(%arg18 : memref<!tpu.dma_semaphore, #tpu.memory_space<semaphore_mem>>)
      } else {
      }
      %dma_wait3A_506 = arith.constant 0 : i32
      %dma_wait3A_507 = arith.constant 0 : i32
      %dma_wait3A_508 = arith.constant 0 : i32
      %dma_wait3A_509 = tpu.memref_slice %arg10[%dma_wait3A_506, %dma_wait3A_507, %dma_wait3A_508] : memref<2x80x128xf32, #tpu.memory_space<vmem>> -> memref<1x40x128xf32, #tpu.memory_space<vmem>>
      %dma_wait3A_510 = tpu.memref_squeeze %dma_wait3A_509 : memref<1x40x128xf32, #tpu.memory_space<vmem>> -> memref<40x128xf32, #tpu.memory_space<vmem>>
      %dma_wait3A_511 = arith.constant 0 : i32
      %dma_wait3A_512 = arith.constant 0 : i32
      %dma_wait3A_513 = tpu.memref_slice %arg2[%dma_wait3A_511, %dma_wait3A_512] : memref<10000x128xf32, #tpu.memory_space<hbm>> -> memref<40x128xf32, #tpu.memory_space<hbm>>
      %dma_wait3A_514 = arith.constant 0 : i32
      %dma_wait3A_515 = arith.constant 0 : i32
      %dma_wait3A_516 = tpu.memref_slice %arg10[%dma_wait3A_506, %dma_wait3A_514, %dma_wait3A_515] : memref<2x80x128xf32, #tpu.memory_space<vmem>> -> memref<1x40x128xf32, #tpu.memory_space<vmem>>
      %dma_wait3A_517 = tpu.memref_squeeze %dma_wait3A_516 : memref<1x40x128xf32, #tpu.memory_space<vmem>> -> memref<40x128xf32, #tpu.memory_space<vmem>>
      %dma_wait3A_518 = arith.constant 0 : i32
      %dma_wait3A_519 = arith.constant 0 : i32
      %dma_wait3A_520 = tpu.memref_slice %arg2[%dma_wait3A_518, %dma_wait3A_519] : memref<10000x128xf32, #tpu.memory_space<hbm>> -> memref<40x128xf32, #tpu.memory_space<hbm>>
      tpu.wait_dma2 semaphore(%arg17 : memref<!tpu.dma_semaphore, #tpu.memory_space<semaphore_mem>>) src(%dma_wait3A_520 : memref<40x128xf32, #tpu.memory_space<hbm>>) dst(%dma_wait3A_517 : memref<40x128xf32, #tpu.memory_space<vmem>>)
      %dma_wait3A_521 = arith.constant 0 : i32
      %dma_wait3A_522 = arith.constant 0 : i32
      %dma_wait3A_523 = arith.constant 0 : i32
      %dma_wait3A_524 = tpu.memref_slice %arg10[%dma_wait3A_521, %dma_wait3A_522, %dma_wait3A_523] : memref<2x80x128xf32, #tpu.memory_space<vmem>> -> memref<1x40x128xf32, #tpu.memory_space<vmem>>
      %dma_wait3A_525 = tpu.memref_squeeze %dma_wait3A_524 : memref<1x40x128xf32, #tpu.memory_space<vmem>> -> memref<40x128xf32, #tpu.memory_space<vmem>>
      %dma_wait3A_526 = arith.constant 0 : i32
      %dma_wait3A_527 = arith.constant 0 : i32
      %dma_wait3A_528 = tpu.memref_slice %arg2[%dma_wait3A_526, %dma_wait3A_527] : memref<10000x128xf32, #tpu.memory_space<hbm>> -> memref<40x128xf32, #tpu.memory_space<hbm>>
      %dma_wait3A_529 = arith.constant 0 : i32
      %dma_wait3A_530 = arith.constant 0 : i32
      %dma_wait3A_531 = tpu.memref_slice %arg10[%dma_wait3A_521, %dma_wait3A_529, %dma_wait3A_530] : memref<2x80x128xf32, #tpu.memory_space<vmem>> -> memref<1x40x128xf32, #tpu.memory_space<vmem>>
      %dma_wait3A_532 = tpu.memref_squeeze %dma_wait3A_531 : memref<1x40x128xf32, #tpu.memory_space<vmem>> -> memref<40x128xf32, #tpu.memory_space<vmem>>
      %dma_wait3A_533 = arith.constant 0 : i32
      %dma_wait3A_534 = arith.constant 0 : i32
      %dma_wait3A_535 = tpu.memref_slice %arg2[%dma_wait3A_533, %dma_wait3A_534] : memref<10000x128xf32, #tpu.memory_space<hbm>> -> memref<40x128xf32, #tpu.memory_space<hbm>>
      tpu.wait_dma2 semaphore(%arg17 : memref<!tpu.dma_semaphore, #tpu.memory_space<semaphore_mem>>) src(%dma_wait3A_535 : memref<40x128xf32, #tpu.memory_space<hbm>>) dst(%dma_wait3A_532 : memref<40x128xf32, #tpu.memory_space<vmem>>)
      %dma_wait3A_536 = arith.constant 0 : i32
      %dma_wait3A_537 = arith.constant 0 : i32
      %dma_wait3A_538 = arith.constant 0 : i32
      %dma_wait3A_539 = tpu.memref_slice %arg11[%dma_wait3A_536, %dma_wait3A_537, %dma_wait3A_538] : memref<2x40x128xi32, #tpu.memory_space<vmem>> -> memref<1x40x128xi32, #tpu.memory_space<vmem>>
      %dma_wait3A_540 = tpu.memref_squeeze %dma_wait3A_539 : memref<1x40x128xi32, #tpu.memory_space<vmem>> -> memref<40x128xi32, #tpu.memory_space<vmem>>
      %dma_wait3A_541 = arith.constant 0 : i32
      %dma_wait3A_542 = arith.constant 0 : i32
      %dma_wait3A_543 = tpu.memref_slice %arg3[%dma_wait3A_541, %dma_wait3A_542] : memref<160000x128xi32, #tpu.memory_space<hbm>> -> memref<40x128xi32, #tpu.memory_space<hbm>>
      %dma_wait3A_544 = arith.constant 0 : i32
      %dma_wait3A_545 = arith.constant 0 : i32
      %dma_wait3A_546 = tpu.memref_slice %arg11[%dma_wait3A_536, %dma_wait3A_544, %dma_wait3A_545] : memref<2x40x128xi32, #tpu.memory_space<vmem>> -> memref<1x40x128xi32, #tpu.memory_space<vmem>>
      %dma_wait3A_547 = tpu.memref_squeeze %dma_wait3A_546 : memref<1x40x128xi32, #tpu.memory_space<vmem>> -> memref<40x128xi32, #tpu.memory_space<vmem>>
      %dma_wait3A_548 = arith.constant 0 : i32
      %dma_wait3A_549 = arith.constant 0 : i32
      %dma_wait3A_550 = tpu.memref_slice %arg3[%dma_wait3A_548, %dma_wait3A_549] : memref<160000x128xi32, #tpu.memory_space<hbm>> -> memref<40x128xi32, #tpu.memory_space<hbm>>
      tpu.wait_dma2 semaphore(%arg17 : memref<!tpu.dma_semaphore, #tpu.memory_space<semaphore_mem>>) src(%dma_wait3A_550 : memref<40x128xi32, #tpu.memory_space<hbm>>) dst(%dma_wait3A_547 : memref<40x128xi32, #tpu.memory_space<vmem>>)
      %scan3A_551 = arith.constant 0 : i32
      %scan3A_552 = arith.constant 0 : i32
      %scan3A_553 = arith.constant 40 : i32
      %scan3A_554 = arith.addi %scan3A_552, %scan3A_553 : i32
      %scan3A_555 = arith.constant 1 : i32
      scf.for %scan3A_681 = %scan3A_552 to %scan3A_554 step %scan3A_555  : i32 {
        %get3A = arith.constant 0 : i32
        %get3A_682 = arith.index_cast %get3A : i32 to index
        %get3A_683 = arith.index_cast %scan3A_681 : i32 to index
        %get3A_684 = arith.constant 0 : index
        %get3A_685 = tpu.vector_load %arg11[%get3A_682, %get3A_683, %get3A_684] {strides = array<i32>} : memref<2x40x128xi32, #tpu.memory_space<vmem>>, vector<1x1x16xi32>,
        %get3A_686 = vector.shape_cast %get3A_685 : vector<1x1x16xi32> to vector<16xi32>
        %shift_left3A = arith.constant 16 : i32
        %shift_left3A_687 = vector.broadcast %shift_left3A : i32 to vector<16xi32>
        %shift_left3A_688 = arith.shli %get3A_686, %shift_left3A_687 : vector<16xi32>
        %bitcast_convert_type3A = tpu.bitcast %shift_left3A_688 : vector<16xi32> -> vector<16xf32>
        %and3A = arith.constant -65536 : i32
        %and3A_689 = vector.broadcast %and3A : i32 to vector<16xi32>
        %and3A_690 = arith.andi %get3A_686, %and3A_689 : vector<16xi32>
        %bitcast_convert_type3A_691 = tpu.bitcast %and3A_690 : vector<16xi32> -> vector<16xf32>
        %get3A_692 = arith.constant 0 : i32
        %get3A_693 = arith.index_cast %get3A_692 : i32 to index
        %get3A_694 = arith.index_cast %scan3A_681 : i32 to index
        %get3A_695 = arith.constant 0 : index
        %get3A_696 = tpu.vector_load %arg10[%get3A_693, %get3A_694, %get3A_695] {strides = array<i32>} : memref<2x80x128xf32, #tpu.memory_space<vmem>>, vector<1x1x16xf32>,
        %get3A_697 = vector.shape_cast %get3A_696 : vector<1x1x16xf32> to vector<16xf32>
        %mul3A_698 = arith.mulf %get3A_697, %bitcast_convert_type3A : vector<16xf32>
        %swap3A = arith.constant 0 : i32
        %swap3A_699 = arith.index_cast %swap3A : i32 to index
        %swap3A_700 = arith.index_cast %scan3A_681 : i32 to index
        %swap3A_701 = arith.constant 0 : index
        %swap3A_702 = tpu.vector_load %arg10[%swap3A_699, %swap3A_700, %swap3A_701] {strides = array<i32>} : memref<2x80x128xf32, #tpu.memory_space<vmem>>, vector<1x1x16xf32>,
        %swap3A_703 = vector.shape_cast %swap3A_702 : vector<1x1x16xf32> to vector<16xf32>
        %swap3A_704 = vector.shape_cast %mul3A_698 : vector<16xf32> to vector<1x1x16xf32>
        tpu.vector_store %arg10[%swap3A_699, %swap3A_700, %swap3A_701], %swap3A_704 {strides = array<i32>} : memref<2x80x128xf32, #tpu.memory_space<vmem>>, vector<1x1x16xf32>,
        %add3A_705 = arith.constant 40 : i32
        %add3A_706 = arith.addi %add3A_705, %scan3A_681 : i32
        %get3A_707 = arith.constant 0 : i32
        %get3A_708 = arith.index_cast %get3A_707 : i32 to index
        %get3A_709 = arith.index_cast %add3A_706 : i32 to index
        %get3A_710 = arith.constant 0 : index
        %get3A_711 = tpu.vector_load %arg10[%get3A_708, %get3A_709, %get3A_710] {strides = array<i32>} : memref<2x80x128xf32, #tpu.memory_space<vmem>>, vector<1x1x16xf32>,
        %get3A_712 = vector.shape_cast %get3A_711 : vector<1x1x16xf32> to vector<16xf32>
        %mul3A_713 = arith.mulf %get3A_712, %bitcast_convert_type3A_691 : vector<16xf32>
        %add3A_714 = arith.constant 40 : i32
        %add3A_715 = arith.addi %add3A_714, %scan3A_681 : i32
        %swap3A_716 = arith.constant 0 : i32
        %swap3A_717 = arith.index_cast %swap3A_716 : i32 to index
        %swap3A_718 = arith.index_cast %add3A_715 : i32 to index
        %swap3A_719 = arith.constant 0 : index
        %swap3A_720 = tpu.vector_load %arg10[%swap3A_717, %swap3A_718, %swap3A_719] {strides = array<i32>} : memref<2x80x128xf32, #tpu.memory_space<vmem>>, vector<1x1x16xf32>,
        %swap3A_721 = vector.shape_cast %swap3A_720 : vector<1x1x16xf32> to vector<16xf32>
        %swap3A_722 = vector.shape_cast %mul3A_713 : vector<16xf32> to vector<1x1x16xf32>
        tpu.vector_store %arg10[%swap3A_717, %swap3A_718, %swap3A_719], %swap3A_722 {strides = array<i32>} : memref<2x80x128xf32, #tpu.memory_space<vmem>>, vector<1x1x16xf32>,
        %get3A_723 = arith.constant 0 : i32
        %get3A_724 = arith.index_cast %get3A_723 : i32 to index
        %get3A_725 = arith.index_cast %scan3A_681 : i32 to index
        %get3A_726 = arith.constant 16 : index
        %get3A_727 = tpu.vector_load %arg11[%get3A_724, %get3A_725, %get3A_726] {strides = array<i32>} : memref<2x40x128xi32, #tpu.memory_space<vmem>>, vector<1x1x16xi32>,
        %get3A_728 = vector.shape_cast %get3A_727 : vector<1x1x16xi32> to vector<16xi32>
        %shift_left3A_729 = arith.constant 16 : i32
        %shift_left3A_730 = vector.broadcast %shift_left3A_729 : i32 to vector<16xi32>
        %shift_left3A_731 = arith.shli %get3A_728, %shift_left3A_730 : vector<16xi32>
        %bitcast_convert_type3A_732 = tpu.bitcast %shift_left3A_731 : vector<16xi32> -> vector<16xf32>
        %and3A_733 = arith.constant -65536 : i32
        %and3A_734 = vector.broadcast %and3A_733 : i32 to vector<16xi32>
        %and3A_735 = arith.andi %get3A_728, %and3A_734 : vector<16xi32>
        %bitcast_convert_type3A_736 = tpu.bitcast %and3A_735 : vector<16xi32> -> vector<16xf32>
        %get3A_737 = arith.constant 0 : i32
        %get3A_738 = arith.index_cast %get3A_737 : i32 to index
        %get3A_739 = arith.index_cast %scan3A_681 : i32 to index
        %get3A_740 = arith.constant 16 : index
        %get3A_741 = tpu.vector_load %arg10[%get3A_738, %get3A_739, %get3A_740] {strides = array<i32>} : memref<2x80x128xf32, #tpu.memory_space<vmem>>, vector<1x1x16xf32>,
        %get3A_742 = vector.shape_cast %get3A_741 : vector<1x1x16xf32> to vector<16xf32>
        %mul3A_743 = arith.mulf %get3A_742, %bitcast_convert_type3A_732 : vector<16xf32>
        %swap3A_744 = arith.constant 0 : i32
        %swap3A_745 = arith.index_cast %swap3A_744 : i32 to index
        %swap3A_746 = arith.index_cast %scan3A_681 : i32 to index
        %swap3A_747 = arith.constant 16 : index
        %swap3A_748 = tpu.vector_load %arg10[%swap3A_745, %swap3A_746, %swap3A_747] {strides = array<i32>} : memref<2x80x128xf32, #tpu.memory_space<vmem>>, vector<1x1x16xf32>,
        %swap3A_749 = vector.shape_cast %swap3A_748 : vector<1x1x16xf32> to vector<16xf32>
        %swap3A_750 = vector.shape_cast %mul3A_743 : vector<16xf32> to vector<1x1x16xf32>
        tpu.vector_store %arg10[%swap3A_745, %swap3A_746, %swap3A_747], %swap3A_750 {strides = array<i32>} : memref<2x80x128xf32, #tpu.memory_space<vmem>>, vector<1x1x16xf32>,
        %add3A_751 = arith.constant 40 : i32
        %add3A_752 = arith.addi %add3A_751, %scan3A_681 : i32
        %get3A_753 = arith.constant 0 : i32
        %get3A_754 = arith.index_cast %get3A_753 : i32 to index
        %get3A_755 = arith.index_cast %add3A_752 : i32 to index
        %get3A_756 = arith.constant 16 : index
        %get3A_757 = tpu.vector_load %arg10[%get3A_754, %get3A_755, %get3A_756] {strides = array<i32>} : memref<2x80x128xf32, #tpu.memory_space<vmem>>, vector<1x1x16xf32>,
        %get3A_758 = vector.shape_cast %get3A_757 : vector<1x1x16xf32> to vector<16xf32>
        %mul3A_759 = arith.mulf %get3A_758, %bitcast_convert_type3A_736 : vector<16xf32>
        %add3A_760 = arith.constant 40 : i32
        %add3A_761 = arith.addi %add3A_760, %scan3A_681 : i32
        %swap3A_762 = arith.constant 0 : i32
        %swap3A_763 = arith.index_cast %swap3A_762 : i32 to index
        %swap3A_764 = arith.index_cast %add3A_761 : i32 to index
        %swap3A_765 = arith.constant 16 : index
        %swap3A_766 = tpu.vector_load %arg10[%swap3A_763, %swap3A_764, %swap3A_765] {strides = array<i32>} : memref<2x80x128xf32, #tpu.memory_space<vmem>>, vector<1x1x16xf32>,
        %swap3A_767 = vector.shape_cast %swap3A_766 : vector<1x1x16xf32> to vector<16xf32>
        %swap3A_768 = vector.shape_cast %mul3A_759 : vector<16xf32> to vector<1x1x16xf32>
        tpu.vector_store %arg10[%swap3A_763, %swap3A_764, %swap3A_765], %swap3A_768 {strides = array<i32>} : memref<2x80x128xf32, #tpu.memory_space<vmem>>, vector<1x1x16xf32>,
        %get3A_769 = arith.constant 0 : i32
        %get3A_770 = arith.index_cast %get3A_769 : i32 to index
        %get3A_771 = arith.index_cast %scan3A_681 : i32 to index
        %get3A_772 = arith.constant 32 : index
        %get3A_773 = tpu.vector_load %arg11[%get3A_770, %get3A_771, %get3A_772] {strides = array<i32>} : memref<2x40x128xi32, #tpu.memory_space<vmem>>, vector<1x1x16xi32>,
        %get3A_774 = vector.shape_cast %get3A_773 : vector<1x1x16xi32> to vector<16xi32>
        %shift_left3A_775 = arith.constant 16 : i32
        %shift_left3A_776 = vector.broadcast %shift_left3A_775 : i32 to vector<16xi32>
        %shift_left3A_777 = arith.shli %get3A_774, %shift_left3A_776 : vector<16xi32>
        %bitcast_convert_type3A_778 = tpu.bitcast %shift_left3A_777 : vector<16xi32> -> vector<16xf32>
        %and3A_779 = arith.constant -65536 : i32
        %and3A_780 = vector.broadcast %and3A_779 : i32 to vector<16xi32>
        %and3A_781 = arith.andi %get3A_774, %and3A_780 : vector<16xi32>
        %bitcast_convert_type3A_782 = tpu.bitcast %and3A_781 : vector<16xi32> -> vector<16xf32>
        %get3A_783 = arith.constant 0 : i32
        %get3A_784 = arith.index_cast %get3A_783 : i32 to index
        %get3A_785 = arith.index_cast %scan3A_681 : i32 to index
        %get3A_786 = arith.constant 32 : index
        %get3A_787 = tpu.vector_load %arg10[%get3A_784, %get3A_785, %get3A_786] {strides = array<i32>} : memref<2x80x128xf32, #tpu.memory_space<vmem>>, vector<1x1x16xf32>,
        %get3A_788 = vector.shape_cast %get3A_787 : vector<1x1x16xf32> to vector<16xf32>
        %mul3A_789 = arith.mulf %get3A_788, %bitcast_convert_type3A_778 : vector<16xf32>
        %swap3A_790 = arith.constant 0 : i32
        %swap3A_791 = arith.index_cast %swap3A_790 : i32 to index
        %swap3A_792 = arith.index_cast %scan3A_681 : i32 to index
        %swap3A_793 = arith.constant 32 : index
        %swap3A_794 = tpu.vector_load %arg10[%swap3A_791, %swap3A_792, %swap3A_793] {strides = array<i32>} : memref<2x80x128xf32, #tpu.memory_space<vmem>>, vector<1x1x16xf32>,
        %swap3A_795 = vector.shape_cast %swap3A_794 : vector<1x1x16xf32> to vector<16xf32>
        %swap3A_796 = vector.shape_cast %mul3A_789 : vector<16xf32> to vector<1x1x16xf32>
        tpu.vector_store %arg10[%swap3A_791, %swap3A_792, %swap3A_793], %swap3A_796 {strides = array<i32>} : memref<2x80x128xf32, #tpu.memory_space<vmem>>, vector<1x1x16xf32>,
        %add3A_797 = arith.constant 40 : i32
        %add3A_798 = arith.addi %add3A_797, %scan3A_681 : i32
        %get3A_799 = arith.constant 0 : i32
        %get3A_800 = arith.index_cast %get3A_799 : i32 to index
        %get3A_801 = arith.index_cast %add3A_798 : i32 to index
        %get3A_802 = arith.constant 32 : index
        %get3A_803 = tpu.vector_load %arg10[%get3A_800, %get3A_801, %get3A_802] {strides = array<i32>} : memref<2x80x128xf32, #tpu.memory_space<vmem>>, vector<1x1x16xf32>,
        %get3A_804 = vector.shape_cast %get3A_803 : vector<1x1x16xf32> to vector<16xf32>
        %mul3A_805 = arith.mulf %get3A_804, %bitcast_convert_type3A_782 : vector<16xf32>
        %add3A_806 = arith.constant 40 : i32
        %add3A_807 = arith.addi %add3A_806, %scan3A_681 : i32
        %swap3A_808 = arith.constant 0 : i32
        %swap3A_809 = arith.index_cast %swap3A_808 : i32 to index
        %swap3A_810 = arith.index_cast %add3A_807 : i32 to index
        %swap3A_811 = arith.constant 32 : index
        %swap3A_812 = tpu.vector_load %arg10[%swap3A_809, %swap3A_810, %swap3A_811] {strides = array<i32>} : memref<2x80x128xf32, #tpu.memory_space<vmem>>, vector<1x1x16xf32>,
        %swap3A_813 = vector.shape_cast %swap3A_812 : vector<1x1x16xf32> to vector<16xf32>
        %swap3A_814 = vector.shape_cast %mul3A_805 : vector<16xf32> to vector<1x1x16xf32>
        tpu.vector_store %arg10[%swap3A_809, %swap3A_810, %swap3A_811], %swap3A_814 {strides = array<i32>} : memref<2x80x128xf32, #tpu.memory_space<vmem>>, vector<1x1x16xf32>,
        %get3A_815 = arith.constant 0 : i32
        %get3A_816 = arith.index_cast %get3A_815 : i32 to index
        %get3A_817 = arith.index_cast %scan3A_681 : i32 to index
        %get3A_818 = arith.constant 48 : index
        %get3A_819 = tpu.vector_load %arg11[%get3A_816, %get3A_817, %get3A_818] {strides = array<i32>} : memref<2x40x128xi32, #tpu.memory_space<vmem>>, vector<1x1x16xi32>,
        %get3A_820 = vector.shape_cast %get3A_819 : vector<1x1x16xi32> to vector<16xi32>
        %shift_left3A_821 = arith.constant 16 : i32
        %shift_left3A_822 = vector.broadcast %shift_left3A_821 : i32 to vector<16xi32>
        %shift_left3A_823 = arith.shli %get3A_820, %shift_left3A_822 : vector<16xi32>
        %bitcast_convert_type3A_824 = tpu.bitcast %shift_left3A_823 : vector<16xi32> -> vector<16xf32>
        %and3A_825 = arith.constant -65536 : i32
        %and3A_826 = vector.broadcast %and3A_825 : i32 to vector<16xi32>
        %and3A_827 = arith.andi %get3A_820, %and3A_826 : vector<16xi32>
        %bitcast_convert_type3A_828 = tpu.bitcast %and3A_827 : vector<16xi32> -> vector<16xf32>
        %get3A_829 = arith.constant 0 : i32
        %get3A_830 = arith.index_cast %get3A_829 : i32 to index
        %get3A_831 = arith.index_cast %scan3A_681 : i32 to index
        %get3A_832 = arith.constant 48 : index
        %get3A_833 = tpu.vector_load %arg10[%get3A_830, %get3A_831, %get3A_832] {strides = array<i32>} : memref<2x80x128xf32, #tpu.memory_space<vmem>>, vector<1x1x16xf32>,
        %get3A_834 = vector.shape_cast %get3A_833 : vector<1x1x16xf32> to vector<16xf32>
        %mul3A_835 = arith.mulf %get3A_834, %bitcast_convert_type3A_824 : vector<16xf32>
        %swap3A_836 = arith.constant 0 : i32
        %swap3A_837 = arith.index_cast %swap3A_836 : i32 to index
        %swap3A_838 = arith.index_cast %scan3A_681 : i32 to index
        %swap3A_839 = arith.constant 48 : index
        %swap3A_840 = tpu.vector_load %arg10[%swap3A_837, %swap3A_838, %swap3A_839] {strides = array<i32>} : memref<2x80x128xf32, #tpu.memory_space<vmem>>, vector<1x1x16xf32>,
        %swap3A_841 = vector.shape_cast %swap3A_840 : vector<1x1x16xf32> to vector<16xf32>
        %swap3A_842 = vector.shape_cast %mul3A_835 : vector<16xf32> to vector<1x1x16xf32>
        tpu.vector_store %arg10[%swap3A_837, %swap3A_838, %swap3A_839], %swap3A_842 {strides = array<i32>} : memref<2x80x128xf32, #tpu.memory_space<vmem>>, vector<1x1x16xf32>,
        %add3A_843 = arith.constant 40 : i32
        %add3A_844 = arith.addi %add3A_843, %scan3A_681 : i32
        %get3A_845 = arith.constant 0 : i32
        %get3A_846 = arith.index_cast %get3A_845 : i32 to index
        %get3A_847 = arith.index_cast %add3A_844 : i32 to index
        %get3A_848 = arith.constant 48 : index
        %get3A_849 = tpu.vector_load %arg10[%get3A_846, %get3A_847, %get3A_848] {strides = array<i32>} : memref<2x80x128xf32, #tpu.memory_space<vmem>>, vector<1x1x16xf32>,
        %get3A_850 = vector.shape_cast %get3A_849 : vector<1x1x16xf32> to vector<16xf32>
        %mul3A_851 = arith.mulf %get3A_850, %bitcast_convert_type3A_828 : vector<16xf32>
        %add3A_852 = arith.constant 40 : i32
        %add3A_853 = arith.addi %add3A_852, %scan3A_681 : i32
        %swap3A_854 = arith.constant 0 : i32
        %swap3A_855 = arith.index_cast %swap3A_854 : i32 to index
        %swap3A_856 = arith.index_cast %add3A_853 : i32 to index
        %swap3A_857 = arith.constant 48 : index
        %swap3A_858 = tpu.vector_load %arg10[%swap3A_855, %swap3A_856, %swap3A_857] {strides = array<i32>} : memref<2x80x128xf32, #tpu.memory_space<vmem>>, vector<1x1x16xf32>,
        %swap3A_859 = vector.shape_cast %swap3A_858 : vector<1x1x16xf32> to vector<16xf32>
        %swap3A_860 = vector.shape_cast %mul3A_851 : vector<16xf32> to vector<1x1x16xf32>
        tpu.vector_store %arg10[%swap3A_855, %swap3A_856, %swap3A_857], %swap3A_860 {strides = array<i32>} : memref<2x80x128xf32, #tpu.memory_space<vmem>>, vector<1x1x16xf32>,
        %get3A_861 = arith.constant 0 : i32
        %get3A_862 = arith.index_cast %get3A_861 : i32 to index
        %get3A_863 = arith.index_cast %scan3A_681 : i32 to index
        %get3A_864 = arith.constant 64 : index
        %get3A_865 = tpu.vector_load %arg11[%get3A_862, %get3A_863, %get3A_864] {strides = array<i32>} : memref<2x40x128xi32, #tpu.memory_space<vmem>>, vector<1x1x16xi32>,
        %get3A_866 = vector.shape_cast %get3A_865 : vector<1x1x16xi32> to vector<16xi32>
        %shift_left3A_867 = arith.constant 16 : i32
        %shift_left3A_868 = vector.broadcast %shift_left3A_867 : i32 to vector<16xi32>
        %shift_left3A_869 = arith.shli %get3A_866, %shift_left3A_868 : vector<16xi32>
        %bitcast_convert_type3A_870 = tpu.bitcast %shift_left3A_869 : vector<16xi32> -> vector<16xf32>
        %and3A_871 = arith.constant -65536 : i32
        %and3A_872 = vector.broadcast %and3A_871 : i32 to vector<16xi32>
        %and3A_873 = arith.andi %get3A_866, %and3A_872 : vector<16xi32>
        %bitcast_convert_type3A_874 = tpu.bitcast %and3A_873 : vector<16xi32> -> vector<16xf32>
        %get3A_875 = arith.constant 0 : i32
        %get3A_876 = arith.index_cast %get3A_875 : i32 to index
        %get3A_877 = arith.index_cast %scan3A_681 : i32 to index
        %get3A_878 = arith.constant 64 : index
        %get3A_879 = tpu.vector_load %arg10[%get3A_876, %get3A_877, %get3A_878] {strides = array<i32>} : memref<2x80x128xf32, #tpu.memory_space<vmem>>, vector<1x1x16xf32>,
        %get3A_880 = vector.shape_cast %get3A_879 : vector<1x1x16xf32> to vector<16xf32>
        %mul3A_881 = arith.mulf %get3A_880, %bitcast_convert_type3A_870 : vector<16xf32>
        %swap3A_882 = arith.constant 0 : i32
        %swap3A_883 = arith.index_cast %swap3A_882 : i32 to index
        %swap3A_884 = arith.index_cast %scan3A_681 : i32 to index
        %swap3A_885 = arith.constant 64 : index
        %swap3A_886 = tpu.vector_load %arg10[%swap3A_883, %swap3A_884, %swap3A_885] {strides = array<i32>} : memref<2x80x128xf32, #tpu.memory_space<vmem>>, vector<1x1x16xf32>,
        %swap3A_887 = vector.shape_cast %swap3A_886 : vector<1x1x16xf32> to vector<16xf32>
        %swap3A_888 = vector.shape_cast %mul3A_881 : vector<16xf32> to vector<1x1x16xf32>
        tpu.vector_store %arg10[%swap3A_883, %swap3A_884, %swap3A_885], %swap3A_888 {strides = array<i32>} : memref<2x80x128xf32, #tpu.memory_space<vmem>>, vector<1x1x16xf32>,
        %add3A_889 = arith.constant 40 : i32
        %add3A_890 = arith.addi %add3A_889, %scan3A_681 : i32
        %get3A_891 = arith.constant 0 : i32
        %get3A_892 = arith.index_cast %get3A_891 : i32 to index
        %get3A_893 = arith.index_cast %add3A_890 : i32 to index
        %get3A_894 = arith.constant 64 : index
        %get3A_895 = tpu.vector_load %arg10[%get3A_892, %get3A_893, %get3A_894] {strides = array<i32>} : memref<2x80x128xf32, #tpu.memory_space<vmem>>, vector<1x1x16xf32>,
        %get3A_896 = vector.shape_cast %get3A_895 : vector<1x1x16xf32> to vector<16xf32>
        %mul3A_897 = arith.mulf %get3A_896, %bitcast_convert_type3A_874 : vector<16xf32>
        %add3A_898 = arith.constant 40 : i32
        %add3A_899 = arith.addi %add3A_898, %scan3A_681 : i32
        %swap3A_900 = arith.constant 0 : i32
        %swap3A_901 = arith.index_cast %swap3A_900 : i32 to index
        %swap3A_902 = arith.index_cast %add3A_899 : i32 to index
        %swap3A_903 = arith.constant 64 : index
        %swap3A_904 = tpu.vector_load %arg10[%swap3A_901, %swap3A_902, %swap3A_903] {strides = array<i32>} : memref<2x80x128xf32, #tpu.memory_space<vmem>>, vector<1x1x16xf32>,
        %swap3A_905 = vector.shape_cast %swap3A_904 : vector<1x1x16xf32> to vector<16xf32>
        %swap3A_906 = vector.shape_cast %mul3A_897 : vector<16xf32> to vector<1x1x16xf32>
        tpu.vector_store %arg10[%swap3A_901, %swap3A_902, %swap3A_903], %swap3A_906 {strides = array<i32>} : memref<2x80x128xf32, #tpu.memory_space<vmem>>, vector<1x1x16xf32>,
        %get3A_907 = arith.constant 0 : i32
        %get3A_908 = arith.index_cast %get3A_907 : i32 to index
        %get3A_909 = arith.index_cast %scan3A_681 : i32 to index
        %get3A_910 = arith.constant 80 : index
        %get3A_911 = tpu.vector_load %arg11[%get3A_908, %get3A_909, %get3A_910] {strides = array<i32>} : memref<2x40x128xi32, #tpu.memory_space<vmem>>, vector<1x1x16xi32>,
        %get3A_912 = vector.shape_cast %get3A_911 : vector<1x1x16xi32> to vector<16xi32>
        %shift_left3A_913 = arith.constant 16 : i32
        %shift_left3A_914 = vector.broadcast %shift_left3A_913 : i32 to vector<16xi32>
        %shift_left3A_915 = arith.shli %get3A_912, %shift_left3A_914 : vector<16xi32>
        %bitcast_convert_type3A_916 = tpu.bitcast %shift_left3A_915 : vector<16xi32> -> vector<16xf32>
        %and3A_917 = arith.constant -65536 : i32
        %and3A_918 = vector.broadcast %and3A_917 : i32 to vector<16xi32>
        %and3A_919 = arith.andi %get3A_912, %and3A_918 : vector<16xi32>
        %bitcast_convert_type3A_920 = tpu.bitcast %and3A_919 : vector<16xi32> -> vector<16xf32>
        %get3A_921 = arith.constant 0 : i32
        %get3A_922 = arith.index_cast %get3A_921 : i32 to index
        %get3A_923 = arith.index_cast %scan3A_681 : i32 to index
        %get3A_924 = arith.constant 80 : index
        %get3A_925 = tpu.vector_load %arg10[%get3A_922, %get3A_923, %get3A_924] {strides = array<i32>} : memref<2x80x128xf32, #tpu.memory_space<vmem>>, vector<1x1x16xf32>,
        %get3A_926 = vector.shape_cast %get3A_925 : vector<1x1x16xf32> to vector<16xf32>
        %mul3A_927 = arith.mulf %get3A_926, %bitcast_convert_type3A_916 : vector<16xf32>
        %swap3A_928 = arith.constant 0 : i32
        %swap3A_929 = arith.index_cast %swap3A_928 : i32 to index
        %swap3A_930 = arith.index_cast %scan3A_681 : i32 to index
        %swap3A_931 = arith.constant 80 : index
        %swap3A_932 = tpu.vector_load %arg10[%swap3A_929, %swap3A_930, %swap3A_931] {strides = array<i32>} : memref<2x80x128xf32, #tpu.memory_space<vmem>>, vector<1x1x16xf32>,
        %swap3A_933 = vector.shape_cast %swap3A_932 : vector<1x1x16xf32> to vector<16xf32>
        %swap3A_934 = vector.shape_cast %mul3A_927 : vector<16xf32> to vector<1x1x16xf32>
        tpu.vector_store %arg10[%swap3A_929, %swap3A_930, %swap3A_931], %swap3A_934 {strides = array<i32>} : memref<2x80x128xf32, #tpu.memory_space<vmem>>, vector<1x1x16xf32>,
        %add3A_935 = arith.constant 40 : i32
        %add3A_936 = arith.addi %add3A_935, %scan3A_681 : i32
        %get3A_937 = arith.constant 0 : i32
        %get3A_938 = arith.index_cast %get3A_937 : i32 to index
        %get3A_939 = arith.index_cast %add3A_936 : i32 to index
        %get3A_940 = arith.constant 80 : index
        %get3A_941 = tpu.vector_load %arg10[%get3A_938, %get3A_939, %get3A_940] {strides = array<i32>} : memref<2x80x128xf32, #tpu.memory_space<vmem>>, vector<1x1x16xf32>,
        %get3A_942 = vector.shape_cast %get3A_941 : vector<1x1x16xf32> to vector<16xf32>
        %mul3A_943 = arith.mulf %get3A_942, %bitcast_convert_type3A_920 : vector<16xf32>
        %add3A_944 = arith.constant 40 : i32
        %add3A_945 = arith.addi %add3A_944, %scan3A_681 : i32
        %swap3A_946 = arith.constant 0 : i32
        %swap3A_947 = arith.index_cast %swap3A_946 : i32 to index
        %swap3A_948 = arith.index_cast %add3A_945 : i32 to index
        %swap3A_949 = arith.constant 80 : index
        %swap3A_950 = tpu.vector_load %arg10[%swap3A_947, %swap3A_948, %swap3A_949] {strides = array<i32>} : memref<2x80x128xf32, #tpu.memory_space<vmem>>, vector<1x1x16xf32>,
        %swap3A_951 = vector.shape_cast %swap3A_950 : vector<1x1x16xf32> to vector<16xf32>
        %swap3A_952 = vector.shape_cast %mul3A_943 : vector<16xf32> to vector<1x1x16xf32>
        tpu.vector_store %arg10[%swap3A_947, %swap3A_948, %swap3A_949], %swap3A_952 {strides = array<i32>} : memref<2x80x128xf32, #tpu.memory_space<vmem>>, vector<1x1x16xf32>,
        %get3A_953 = arith.constant 0 : i32
        %get3A_954 = arith.index_cast %get3A_953 : i32 to index
        %get3A_955 = arith.index_cast %scan3A_681 : i32 to index
        %get3A_956 = arith.constant 96 : index
        %get3A_957 = tpu.vector_load %arg11[%get3A_954, %get3A_955, %get3A_956] {strides = array<i32>} : memref<2x40x128xi32, #tpu.memory_space<vmem>>, vector<1x1x16xi32>,
        %get3A_958 = vector.shape_cast %get3A_957 : vector<1x1x16xi32> to vector<16xi32>
        %shift_left3A_959 = arith.constant 16 : i32
        %shift_left3A_960 = vector.broadcast %shift_left3A_959 : i32 to vector<16xi32>
        %shift_left3A_961 = arith.shli %get3A_958, %shift_left3A_960 : vector<16xi32>
        %bitcast_convert_type3A_962 = tpu.bitcast %shift_left3A_961 : vector<16xi32> -> vector<16xf32>
        %and3A_963 = arith.constant -65536 : i32
        %and3A_964 = vector.broadcast %and3A_963 : i32 to vector<16xi32>
        %and3A_965 = arith.andi %get3A_958, %and3A_964 : vector<16xi32>
        %bitcast_convert_type3A_966 = tpu.bitcast %and3A_965 : vector<16xi32> -> vector<16xf32>
        %get3A_967 = arith.constant 0 : i32
        %get3A_968 = arith.index_cast %get3A_967 : i32 to index
        %get3A_969 = arith.index_cast %scan3A_681 : i32 to index
        %get3A_970 = arith.constant 96 : index
        %get3A_971 = tpu.vector_load %arg10[%get3A_968, %get3A_969, %get3A_970] {strides = array<i32>} : memref<2x80x128xf32, #tpu.memory_space<vmem>>, vector<1x1x16xf32>,
        %get3A_972 = vector.shape_cast %get3A_971 : vector<1x1x16xf32> to vector<16xf32>
        %mul3A_973 = arith.mulf %get3A_972, %bitcast_convert_type3A_962 : vector<16xf32>
        %swap3A_974 = arith.constant 0 : i32
        %swap3A_975 = arith.index_cast %swap3A_974 : i32 to index
        %swap3A_976 = arith.index_cast %scan3A_681 : i32 to index
        %swap3A_977 = arith.constant 96 : index
        %swap3A_978 = tpu.vector_load %arg10[%swap3A_975, %swap3A_976, %swap3A_977] {strides = array<i32>} : memref<2x80x128xf32, #tpu.memory_space<vmem>>, vector<1x1x16xf32>,
        %swap3A_979 = vector.shape_cast %swap3A_978 : vector<1x1x16xf32> to vector<16xf32>
        %swap3A_980 = vector.shape_cast %mul3A_973 : vector<16xf32> to vector<1x1x16xf32>
        tpu.vector_store %arg10[%swap3A_975, %swap3A_976, %swap3A_977], %swap3A_980 {strides = array<i32>} : memref<2x80x128xf32, #tpu.memory_space<vmem>>, vector<1x1x16xf32>,
        %add3A_981 = arith.constant 40 : i32
        %add3A_982 = arith.addi %add3A_981, %scan3A_681 : i32
        %get3A_983 = arith.constant 0 : i32
        %get3A_984 = arith.index_cast %get3A_983 : i32 to index
        %get3A_985 = arith.index_cast %add3A_982 : i32 to index
        %get3A_986 = arith.constant 96 : index
        %get3A_987 = tpu.vector_load %arg10[%get3A_984, %get3A_985, %get3A_986] {strides = array<i32>} : memref<2x80x128xf32, #tpu.memory_space<vmem>>, vector<1x1x16xf32>,
        %get3A_988 = vector.shape_cast %get3A_987 : vector<1x1x16xf32> to vector<16xf32>
        %mul3A_989 = arith.mulf %get3A_988, %bitcast_convert_type3A_966 : vector<16xf32>
        %add3A_990 = arith.constant 40 : i32
        %add3A_991 = arith.addi %add3A_990, %scan3A_681 : i32
        %swap3A_992 = arith.constant 0 : i32
        %swap3A_993 = arith.index_cast %swap3A_992 : i32 to index
        %swap3A_994 = arith.index_cast %add3A_991 : i32 to index
        %swap3A_995 = arith.constant 96 : index
        %swap3A_996 = tpu.vector_load %arg10[%swap3A_993, %swap3A_994, %swap3A_995] {strides = array<i32>} : memref<2x80x128xf32, #tpu.memory_space<vmem>>, vector<1x1x16xf32>,
        %swap3A_997 = vector.shape_cast %swap3A_996 : vector<1x1x16xf32> to vector<16xf32>
        %swap3A_998 = vector.shape_cast %mul3A_989 : vector<16xf32> to vector<1x1x16xf32>
        tpu.vector_store %arg10[%swap3A_993, %swap3A_994, %swap3A_995], %swap3A_998 {strides = array<i32>} : memref<2x80x128xf32, #tpu.memory_space<vmem>>, vector<1x1x16xf32>,
        %get3A_999 = arith.constant 0 : i32
        %get3A_1000 = arith.index_cast %get3A_999 : i32 to index
        %get3A_1001 = arith.index_cast %scan3A_681 : i32 to index
        %get3A_1002 = arith.constant 112 : index
        %get3A_1003 = tpu.vector_load %arg11[%get3A_1000, %get3A_1001, %get3A_1002] {strides = array<i32>} : memref<2x40x128xi32, #tpu.memory_space<vmem>>, vector<1x1x16xi32>,
        %get3A_1004 = vector.shape_cast %get3A_1003 : vector<1x1x16xi32> to vector<16xi32>
        %shift_left3A_1005 = arith.constant 16 : i32
        %shift_left3A_1006 = vector.broadcast %shift_left3A_1005 : i32 to vector<16xi32>
        %shift_left3A_1007 = arith.shli %get3A_1004, %shift_left3A_1006 : vector<16xi32>
        %bitcast_convert_type3A_1008 = tpu.bitcast %shift_left3A_1007 : vector<16xi32> -> vector<16xf32>
        %and3A_1009 = arith.constant -65536 : i32
        %and3A_1010 = vector.broadcast %and3A_1009 : i32 to vector<16xi32>
        %and3A_1011 = arith.andi %get3A_1004, %and3A_1010 : vector<16xi32>
        %bitcast_convert_type3A_1012 = tpu.bitcast %and3A_1011 : vector<16xi32> -> vector<16xf32>
        %get3A_1013 = arith.constant 0 : i32
        %get3A_1014 = arith.index_cast %get3A_1013 : i32 to index
        %get3A_1015 = arith.index_cast %scan3A_681 : i32 to index
        %get3A_1016 = arith.constant 112 : index
        %get3A_1017 = tpu.vector_load %arg10[%get3A_1014, %get3A_1015, %get3A_1016] {strides = array<i32>} : memref<2x80x128xf32, #tpu.memory_space<vmem>>, vector<1x1x16xf32>,
        %get3A_1018 = vector.shape_cast %get3A_1017 : vector<1x1x16xf32> to vector<16xf32>
        %mul3A_1019 = arith.mulf %get3A_1018, %bitcast_convert_type3A_1008 : vector<16xf32>
        %swap3A_1020 = arith.constant 0 : i32
        %swap3A_1021 = arith.index_cast %swap3A_1020 : i32 to index
        %swap3A_1022 = arith.index_cast %scan3A_681 : i32 to index
        %swap3A_1023 = arith.constant 112 : index
        %swap3A_1024 = tpu.vector_load %arg10[%swap3A_1021, %swap3A_1022, %swap3A_1023] {strides = array<i32>} : memref<2x80x128xf32, #tpu.memory_space<vmem>>, vector<1x1x16xf32>,
        %swap3A_1025 = vector.shape_cast %swap3A_1024 : vector<1x1x16xf32> to vector<16xf32>
        %swap3A_1026 = vector.shape_cast %mul3A_1019 : vector<16xf32> to vector<1x1x16xf32>
        tpu.vector_store %arg10[%swap3A_1021, %swap3A_1022, %swap3A_1023], %swap3A_1026 {strides = array<i32>} : memref<2x80x128xf32, #tpu.memory_space<vmem>>, vector<1x1x16xf32>,
        %add3A_1027 = arith.constant 40 : i32
        %add3A_1028 = arith.addi %add3A_1027, %scan3A_681 : i32
        %get3A_1029 = arith.constant 0 : i32
        %get3A_1030 = arith.index_cast %get3A_1029 : i32 to index
        %get3A_1031 = arith.index_cast %add3A_1028 : i32 to index
        %get3A_1032 = arith.constant 112 : index
        %get3A_1033 = tpu.vector_load %arg10[%get3A_1030, %get3A_1031, %get3A_1032] {strides = array<i32>} : memref<2x80x128xf32, #tpu.memory_space<vmem>>, vector<1x1x16xf32>,
        %get3A_1034 = vector.shape_cast %get3A_1033 : vector<1x1x16xf32> to vector<16xf32>
        %mul3A_1035 = arith.mulf %get3A_1034, %bitcast_convert_type3A_1012 : vector<16xf32>
        %add3A_1036 = arith.constant 40 : i32
        %add3A_1037 = arith.addi %add3A_1036, %scan3A_681 : i32
        %swap3A_1038 = arith.constant 0 : i32
        %swap3A_1039 = arith.index_cast %swap3A_1038 : i32 to index
        %swap3A_1040 = arith.index_cast %add3A_1037 : i32 to index
        %swap3A_1041 = arith.constant 112 : index
        %swap3A_1042 = tpu.vector_load %arg10[%swap3A_1039, %swap3A_1040, %swap3A_1041] {strides = array<i32>} : memref<2x80x128xf32, #tpu.memory_space<vmem>>, vector<1x1x16xf32>,
        %swap3A_1043 = vector.shape_cast %swap3A_1042 : vector<1x1x16xf32> to vector<16xf32>
        %swap3A_1044 = vector.shape_cast %mul3A_1035 : vector<16xf32> to vector<1x1x16xf32>
        tpu.vector_store %arg10[%swap3A_1039, %swap3A_1040, %swap3A_1041], %swap3A_1044 {strides = array<i32>} : memref<2x80x128xf32, #tpu.memory_space<vmem>>, vector<1x1x16xf32>,
      }
      %scan3A_556 = arith.constant 40 : i32
      %dma_start3A_557 = arith.constant 0 : i32
      %dma_start3A_558 = arith.constant 4 : i32
      %dma_start3A_559 = arith.constant 0 : i32
      %dma_start3A_560 = arith.constant 0 : i32
      %dma_start3A_561 = tpu.memref_slice %arg10[%dma_start3A_557, %dma_start3A_559, %dma_start3A_560] : memref<2x80x128xf32, #tpu.memory_space<vmem>> -> memref<1x40x128xf32, #tpu.memory_space<vmem>>
      %dma_start3A_562 = tpu.memref_squeeze %dma_start3A_561 : memref<1x40x128xf32, #tpu.memory_space<vmem>> -> memref<40x128xf32, #tpu.memory_space<vmem>>
      %dma_start3A_563 = arith.constant 0 : i32
      %dma_start3A_564 = tpu.memref_slice %arg9[%dma_start3A_558, %dma_start3A_563] : memref<8x40xi32, #tpu.memory_space<vmem>> -> memref<1x40xi32, #tpu.memory_space<vmem>>
      %dma_start3A_565 = tpu.memref_squeeze %dma_start3A_564 : memref<1x40xi32, #tpu.memory_space<vmem>> -> memref<40xi32, #tpu.memory_space<vmem>>
      %dma_start3A_566 = arith.constant 0 : i32
      %dma_start3A_567 = arith.constant 0 : i32
      %dma_start3A_568 = tpu.memref_slice %arg12[%dma_start3A_566, %dma_start3A_567] : memref<10000x128xf32, #tpu.memory_space<vmem_shared>> -> memref<10000x128xf32, #tpu.memory_space<vmem_shared>>
      tpu.enqueue_indirect_dma source(%dma_start3A_562 : memref<40x128xf32, #tpu.memory_space<vmem>>) target(%dma_start3A_568 : memref<10000x128xf32, #tpu.memory_space<vmem_shared>>) offsets(%dma_start3A_565 : memref<40xi32, #tpu.memory_space<vmem>>) semaphore(%arg19 : memref<!tpu.dma_semaphore, #tpu.memory_space<semaphore_mem>>) {add = true}
      %dma_start3A_569 = arith.constant 0 : i32
      %dma_start3A_570 = arith.constant 5 : i32
      %dma_start3A_571 = arith.constant 40 : i32
      %dma_start3A_572 = arith.constant 0 : i32
      %dma_start3A_573 = tpu.memref_slice %arg10[%dma_start3A_569, %dma_start3A_571, %dma_start3A_572] : memref<2x80x128xf32, #tpu.memory_space<vmem>> -> memref<1x40x128xf32, #tpu.memory_space<vmem>>
      %dma_start3A_574 = tpu.memref_squeeze %dma_start3A_573 : memref<1x40x128xf32, #tpu.memory_space<vmem>> -> memref<40x128xf32, #tpu.memory_space<vmem>>
      %dma_start3A_575 = arith.constant 0 : i32
      %dma_start3A_576 = tpu.memref_slice %arg9[%dma_start3A_570, %dma_start3A_575] : memref<8x40xi32, #tpu.memory_space<vmem>> -> memref<1x40xi32, #tpu.memory_space<vmem>>
      %dma_start3A_577 = tpu.memref_squeeze %dma_start3A_576 : memref<1x40xi32, #tpu.memory_space<vmem>> -> memref<40xi32, #tpu.memory_space<vmem>>
      %dma_start3A_578 = arith.constant 0 : i32
      %dma_start3A_579 = arith.constant 0 : i32
      %dma_start3A_580 = tpu.memref_slice %arg12[%dma_start3A_578, %dma_start3A_579] : memref<10000x128xf32, #tpu.memory_space<vmem_shared>> -> memref<10000x128xf32, #tpu.memory_space<vmem_shared>>
      tpu.enqueue_indirect_dma source(%dma_start3A_574 : memref<40x128xf32, #tpu.memory_space<vmem>>) target(%dma_start3A_580 : memref<10000x128xf32, #tpu.memory_space<vmem_shared>>) offsets(%dma_start3A_577 : memref<40xi32, #tpu.memory_space<vmem>>) semaphore(%arg20 : memref<!tpu.dma_semaphore, #tpu.memory_space<semaphore_mem>>) {add = true}
      %add3A_581 = arith.constant 2 : i32
      %add3A_582 = arith.addi %add3A_498, %add3A_581 : i32
      %lt3A_583 = arith.constant 125 : i32
      %lt3A_584 = arith.cmpi slt, %add3A_582, %lt3A_583 : i32
      %convert_element_type3A_585 = arith.extui %lt3A_584 : i1 to i32
      %cond3A_586 = arith.constant 0 : i32
      %cond3A_587 = arith.cmpi ne, %convert_element_type3A_585, %cond3A_586 : i32
      scf.if %cond3A_587 {
        %add3A_681 = arith.constant 2 : i32
        %add3A_682 = arith.addi %add3A_498, %add3A_681 : i32
        %mul3A_683 = arith.constant 40 : i32
        %mul3A_684 = arith.muli %add3A_682, %mul3A_683 : i32
        %add3A_685 = arith.addi %mul3A_2, %mul3A_684 : i32
        %add3A_686 = arith.constant 160000 : i32
        %add3A_687 = arith.addi %add3A_685, %add3A_686 : i32
        %dma_start3A_688 = arith.constant 0 : i32
        %dma_start3A_689 = arith.constant 0 : i32
        %dma_start3A_690 = tpu.memref_slice %arg8[%dma_start3A_688, %dma_start3A_689] : memref<8x40xi32, #tpu.memory_space<vmem>> -> memref<1x40xi32, #tpu.memory_space<vmem>>
        %dma_start3A_691 = tpu.memref_squeeze %dma_start3A_690 : memref<1x40xi32, #tpu.memory_space<vmem>> -> memref<40xi32, #tpu.memory_space<vmem>>
        %dma_start3A_692 = tpu.memref_slice %arg4[%add3A_685] : memref<320000xi32, #tpu.memory_space<hbm>> -> memref<40xi32, #tpu.memory_space<hbm>>
        %dma_start3A_693 = arith.constant 0 : i32
        %dma_start3A_694 = tpu.memref_slice %arg8[%dma_start3A_688, %dma_start3A_693] : memref<8x40xi32, #tpu.memory_space<vmem>> -> memref<1x40xi32, #tpu.memory_space<vmem>>
        %dma_start3A_695 = tpu.memref_squeeze %dma_start3A_694 : memref<1x40xi32, #tpu.memory_space<vmem>> -> memref<40xi32, #tpu.memory_space<vmem>>
        %dma_start3A_696 = tpu.memref_slice %arg4[%add3A_685] : memref<320000xi32, #tpu.memory_space<hbm>> -> memref<40xi32, #tpu.memory_space<hbm>>
        tpu.enqueue_dma source(%dma_start3A_696 : memref<40xi32, #tpu.memory_space<hbm>>) target(%dma_start3A_695 : memref<40xi32, #tpu.memory_space<vmem>>) target_semaphore(%arg13 : memref<!tpu.dma_semaphore, #tpu.memory_space<semaphore_mem>>)
        %dma_start3A_697 = arith.constant 1 : i32
        %dma_start3A_698 = arith.constant 0 : i32
        %dma_start3A_699 = tpu.memref_slice %arg8[%dma_start3A_697, %dma_start3A_698] : memref<8x40xi32, #tpu.memory_space<vmem>> -> memref<1x40xi32, #tpu.memory_space<vmem>>
        %dma_start3A_700 = tpu.memref_squeeze %dma_start3A_699 : memref<1x40xi32, #tpu.memory_space<vmem>> -> memref<40xi32, #tpu.memory_space<vmem>>
        %dma_start3A_701 = tpu.memref_slice %arg4[%add3A_687] : memref<320000xi32, #tpu.memory_space<hbm>> -> memref<40xi32, #tpu.memory_space<hbm>>
        %dma_start3A_702 = arith.constant 0 : i32
        %dma_start3A_703 = tpu.memref_slice %arg8[%dma_start3A_697, %dma_start3A_702] : memref<8x40xi32, #tpu.memory_space<vmem>> -> memref<1x40xi32, #tpu.memory_space<vmem>>
        %dma_start3A_704 = tpu.memref_squeeze %dma_start3A_703 : memref<1x40xi32, #tpu.memory_space<vmem>> -> memref<40xi32, #tpu.memory_space<vmem>>
        %dma_start3A_705 = tpu.memref_slice %arg4[%add3A_687] : memref<320000xi32, #tpu.memory_space<hbm>> -> memref<40xi32, #tpu.memory_space<hbm>>
        tpu.enqueue_dma source(%dma_start3A_705 : memref<40xi32, #tpu.memory_space<hbm>>) target(%dma_start3A_704 : memref<40xi32, #tpu.memory_space<vmem>>) target_semaphore(%arg13 : memref<!tpu.dma_semaphore, #tpu.memory_space<semaphore_mem>>)
        %dma_start3A_706 = arith.constant 0 : i32
        %dma_start3A_707 = arith.constant 0 : i32
        %dma_start3A_708 = tpu.memref_slice %arg9[%dma_start3A_706, %dma_start3A_707] : memref<8x40xi32, #tpu.memory_space<vmem>> -> memref<1x40xi32, #tpu.memory_space<vmem>>
        %dma_start3A_709 = tpu.memref_squeeze %dma_start3A_708 : memref<1x40xi32, #tpu.memory_space<vmem>> -> memref<40xi32, #tpu.memory_space<vmem>>
        %dma_start3A_710 = tpu.memref_slice %arg5[%add3A_685] : memref<320000xi32, #tpu.memory_space<hbm>> -> memref<40xi32, #tpu.memory_space<hbm>>
        %dma_start3A_711 = arith.constant 0 : i32
        %dma_start3A_712 = tpu.memref_slice %arg9[%dma_start3A_706, %dma_start3A_711] : memref<8x40xi32, #tpu.memory_space<vmem>> -> memref<1x40xi32, #tpu.memory_space<vmem>>
        %dma_start3A_713 = tpu.memref_squeeze %dma_start3A_712 : memref<1x40xi32, #tpu.memory_space<vmem>> -> memref<40xi32, #tpu.memory_space<vmem>>
        %dma_start3A_714 = tpu.memref_slice %arg5[%add3A_685] : memref<320000xi32, #tpu.memory_space<hbm>> -> memref<40xi32, #tpu.memory_space<hbm>>
        tpu.enqueue_dma source(%dma_start3A_714 : memref<40xi32, #tpu.memory_space<hbm>>) target(%dma_start3A_713 : memref<40xi32, #tpu.memory_space<vmem>>) target_semaphore(%arg13 : memref<!tpu.dma_semaphore, #tpu.memory_space<semaphore_mem>>)
        %dma_start3A_715 = arith.constant 1 : i32
        %dma_start3A_716 = arith.constant 0 : i32
        %dma_start3A_717 = tpu.memref_slice %arg9[%dma_start3A_715, %dma_start3A_716] : memref<8x40xi32, #tpu.memory_space<vmem>> -> memref<1x40xi32, #tpu.memory_space<vmem>>
        %dma_start3A_718 = tpu.memref_squeeze %dma_start3A_717 : memref<1x40xi32, #tpu.memory_space<vmem>> -> memref<40xi32, #tpu.memory_space<vmem>>
        %dma_start3A_719 = tpu.memref_slice %arg5[%add3A_687] : memref<320000xi32, #tpu.memory_space<hbm>> -> memref<40xi32, #tpu.memory_space<hbm>>
        %dma_start3A_720 = arith.constant 0 : i32
        %dma_start3A_721 = tpu.memref_slice %arg9[%dma_start3A_715, %dma_start3A_720] : memref<8x40xi32, #tpu.memory_space<vmem>> -> memref<1x40xi32, #tpu.memory_space<vmem>>
        %dma_start3A_722 = tpu.memref_squeeze %dma_start3A_721 : memref<1x40xi32, #tpu.memory_space<vmem>> -> memref<40xi32, #tpu.memory_space<vmem>>
        %dma_start3A_723 = tpu.memref_slice %arg5[%add3A_687] : memref<320000xi32, #tpu.memory_space<hbm>> -> memref<40xi32, #tpu.memory_space<hbm>>
        tpu.enqueue_dma source(%dma_start3A_723 : memref<40xi32, #tpu.memory_space<hbm>>) target(%dma_start3A_722 : memref<40xi32, #tpu.memory_space<vmem>>) target_semaphore(%arg13 : memref<!tpu.dma_semaphore, #tpu.memory_space<semaphore_mem>>)
      } else {
      }
      %mul3A_588 = arith.constant 4 : i32
      %mul3A_589 = arith.muli %scan3A_309, %mul3A_588 : i32
      %add3A_590 = arith.constant 3 : i32
      %add3A_591 = arith.addi %mul3A_589, %add3A_590 : i32
      %add3A_592 = arith.constant 1 : i32
      %add3A_593 = arith.addi %add3A_591, %add3A_592 : i32
      %lt3A_594 = arith.constant 125 : i32
      %lt3A_595 = arith.cmpi slt, %add3A_593, %lt3A_594 : i32
      %convert_element_type3A_596 = arith.extui %lt3A_595 : i1 to i32
      %cond3A_597 = arith.constant 0 : i32
      %cond3A_598 = arith.cmpi ne, %convert_element_type3A_596, %cond3A_597 : i32
      scf.if %cond3A_598 {
        %dma_wait3A_681 = arith.constant 0 : i32
        %dma_wait3A_682 = arith.constant 0 : i32
        %dma_wait3A_683 = tpu.memref_slice %arg8[%dma_wait3A_681, %dma_wait3A_682] : memref<8x40xi32, #tpu.memory_space<vmem>> -> memref<1x40xi32, #tpu.memory_space<vmem>>
        %dma_wait3A_684 = tpu.memref_squeeze %dma_wait3A_683 : memref<1x40xi32, #tpu.memory_space<vmem>> -> memref<40xi32, #tpu.memory_space<vmem>>
        %dma_wait3A_685 = arith.constant 0 : i32
        %dma_wait3A_686 = tpu.memref_slice %arg4[%dma_wait3A_685] : memref<320000xi32, #tpu.memory_space<hbm>> -> memref<40xi32, #tpu.memory_space<hbm>>
        %dma_wait3A_687 = arith.constant 0 : i32
        %dma_wait3A_688 = tpu.memref_slice %arg8[%dma_wait3A_681, %dma_wait3A_687] : memref<8x40xi32, #tpu.memory_space<vmem>> -> memref<1x40xi32, #tpu.memory_space<vmem>>
        %dma_wait3A_689 = tpu.memref_squeeze %dma_wait3A_688 : memref<1x40xi32, #tpu.memory_space<vmem>> -> memref<40xi32, #tpu.memory_space<vmem>>
        %dma_wait3A_690 = arith.constant 0 : i32
        %dma_wait3A_691 = tpu.memref_slice %arg4[%dma_wait3A_690] : memref<320000xi32, #tpu.memory_space<hbm>> -> memref<40xi32, #tpu.memory_space<hbm>>
        tpu.wait_dma2 semaphore(%arg13 : memref<!tpu.dma_semaphore, #tpu.memory_space<semaphore_mem>>) src(%dma_wait3A_691 : memref<40xi32, #tpu.memory_space<hbm>>) dst(%dma_wait3A_689 : memref<40xi32, #tpu.memory_space<vmem>>)
        %dma_wait3A_692 = arith.constant 0 : i32
        %dma_wait3A_693 = arith.constant 0 : i32
        %dma_wait3A_694 = tpu.memref_slice %arg8[%dma_wait3A_692, %dma_wait3A_693] : memref<8x40xi32, #tpu.memory_space<vmem>> -> memref<1x40xi32, #tpu.memory_space<vmem>>
        %dma_wait3A_695 = tpu.memref_squeeze %dma_wait3A_694 : memref<1x40xi32, #tpu.memory_space<vmem>> -> memref<40xi32, #tpu.memory_space<vmem>>
        %dma_wait3A_696 = arith.constant 0 : i32
        %dma_wait3A_697 = tpu.memref_slice %arg4[%dma_wait3A_696] : memref<320000xi32, #tpu.memory_space<hbm>> -> memref<40xi32, #tpu.memory_space<hbm>>
        %dma_wait3A_698 = arith.constant 0 : i32
        %dma_wait3A_699 = tpu.memref_slice %arg8[%dma_wait3A_692, %dma_wait3A_698] : memref<8x40xi32, #tpu.memory_space<vmem>> -> memref<1x40xi32, #tpu.memory_space<vmem>>
        %dma_wait3A_700 = tpu.memref_squeeze %dma_wait3A_699 : memref<1x40xi32, #tpu.memory_space<vmem>> -> memref<40xi32, #tpu.memory_space<vmem>>
        %dma_wait3A_701 = arith.constant 0 : i32
        %dma_wait3A_702 = tpu.memref_slice %arg4[%dma_wait3A_701] : memref<320000xi32, #tpu.memory_space<hbm>> -> memref<40xi32, #tpu.memory_space<hbm>>
        tpu.wait_dma2 semaphore(%arg13 : memref<!tpu.dma_semaphore, #tpu.memory_space<semaphore_mem>>) src(%dma_wait3A_702 : memref<40xi32, #tpu.memory_space<hbm>>) dst(%dma_wait3A_700 : memref<40xi32, #tpu.memory_space<vmem>>)
        %dma_wait3A_703 = arith.constant 0 : i32
        %dma_wait3A_704 = arith.constant 0 : i32
        %dma_wait3A_705 = tpu.memref_slice %arg8[%dma_wait3A_703, %dma_wait3A_704] : memref<8x40xi32, #tpu.memory_space<vmem>> -> memref<1x40xi32, #tpu.memory_space<vmem>>
        %dma_wait3A_706 = tpu.memref_squeeze %dma_wait3A_705 : memref<1x40xi32, #tpu.memory_space<vmem>> -> memref<40xi32, #tpu.memory_space<vmem>>
        %dma_wait3A_707 = arith.constant 0 : i32
        %dma_wait3A_708 = tpu.memref_slice %arg4[%dma_wait3A_707] : memref<320000xi32, #tpu.memory_space<hbm>> -> memref<40xi32, #tpu.memory_space<hbm>>
        %dma_wait3A_709 = arith.constant 0 : i32
        %dma_wait3A_710 = tpu.memref_slice %arg8[%dma_wait3A_703, %dma_wait3A_709] : memref<8x40xi32, #tpu.memory_space<vmem>> -> memref<1x40xi32, #tpu.memory_space<vmem>>
        %dma_wait3A_711 = tpu.memref_squeeze %dma_wait3A_710 : memref<1x40xi32, #tpu.memory_space<vmem>> -> memref<40xi32, #tpu.memory_space<vmem>>
        %dma_wait3A_712 = arith.constant 0 : i32
        %dma_wait3A_713 = tpu.memref_slice %arg4[%dma_wait3A_712] : memref<320000xi32, #tpu.memory_space<hbm>> -> memref<40xi32, #tpu.memory_space<hbm>>
        tpu.wait_dma2 semaphore(%arg13 : memref<!tpu.dma_semaphore, #tpu.memory_space<semaphore_mem>>) src(%dma_wait3A_713 : memref<40xi32, #tpu.memory_space<hbm>>) dst(%dma_wait3A_711 : memref<40xi32, #tpu.memory_space<vmem>>)
        %dma_wait3A_714 = arith.constant 0 : i32
        %dma_wait3A_715 = arith.constant 0 : i32
        %dma_wait3A_716 = tpu.memref_slice %arg8[%dma_wait3A_714, %dma_wait3A_715] : memref<8x40xi32, #tpu.memory_space<vmem>> -> memref<1x40xi32, #tpu.memory_space<vmem>>
        %dma_wait3A_717 = tpu.memref_squeeze %dma_wait3A_716 : memref<1x40xi32, #tpu.memory_space<vmem>> -> memref<40xi32, #tpu.memory_space<vmem>>
        %dma_wait3A_718 = arith.constant 0 : i32
        %dma_wait3A_719 = tpu.memref_slice %arg4[%dma_wait3A_718] : memref<320000xi32, #tpu.memory_space<hbm>> -> memref<40xi32, #tpu.memory_space<hbm>>
        %dma_wait3A_720 = arith.constant 0 : i32
        %dma_wait3A_721 = tpu.memref_slice %arg8[%dma_wait3A_714, %dma_wait3A_720] : memref<8x40xi32, #tpu.memory_space<vmem>> -> memref<1x40xi32, #tpu.memory_space<vmem>>
        %dma_wait3A_722 = tpu.memref_squeeze %dma_wait3A_721 : memref<1x40xi32, #tpu.memory_space<vmem>> -> memref<40xi32, #tpu.memory_space<vmem>>
        %dma_wait3A_723 = arith.constant 0 : i32
        %dma_wait3A_724 = tpu.memref_slice %arg4[%dma_wait3A_723] : memref<320000xi32, #tpu.memory_space<hbm>> -> memref<40xi32, #tpu.memory_space<hbm>>
        tpu.wait_dma2 semaphore(%arg13 : memref<!tpu.dma_semaphore, #tpu.memory_space<semaphore_mem>>) src(%dma_wait3A_724 : memref<40xi32, #tpu.memory_space<hbm>>) dst(%dma_wait3A_722 : memref<40xi32, #tpu.memory_space<vmem>>)
        %ge3A = arith.constant 1 : i32
        %ge3A_725 = arith.cmpi sge, %add3A_591, %ge3A : i32
        %convert_element_type3A_726 = arith.extui %ge3A_725 : i1 to i32
        %cond3A_727 = arith.constant 0 : i32
        %cond3A_728 = arith.cmpi ne, %convert_element_type3A_726, %cond3A_727 : i32
        scf.if %cond3A_728 {
          %dma_wait3A_776 = arith.constant 0 : i32
          %dma_wait3A_777 = arith.constant 0 : i32
          %dma_wait3A_778 = arith.constant 0 : i32
          %dma_wait3A_779 = tpu.memref_slice %arg10[%dma_wait3A_776, %dma_wait3A_777, %dma_wait3A_778] : memref<2x80x128xf32, #tpu.memory_space<vmem>> -> memref<1x40x128xf32, #tpu.memory_space<vmem>>
          %dma_wait3A_780 = tpu.memref_squeeze %dma_wait3A_779 : memref<1x40x128xf32, #tpu.memory_space<vmem>> -> memref<40x128xf32, #tpu.memory_space<vmem>>
          %dma_wait3A_781 = arith.constant 0 : i32
          %dma_wait3A_782 = arith.constant 0 : i32
          %dma_wait3A_783 = tpu.memref_slice %arg2[%dma_wait3A_781, %dma_wait3A_782] : memref<10000x128xf32, #tpu.memory_space<hbm>> -> memref<40x128xf32, #tpu.memory_space<hbm>>
          %dma_wait3A_784 = arith.constant 0 : i32
          %dma_wait3A_785 = arith.constant 0 : i32
          %dma_wait3A_786 = tpu.memref_slice %arg10[%dma_wait3A_776, %dma_wait3A_784, %dma_wait3A_785] : memref<2x80x128xf32, #tpu.memory_space<vmem>> -> memref<1x40x128xf32, #tpu.memory_space<vmem>>
          %dma_wait3A_787 = tpu.memref_squeeze %dma_wait3A_786 : memref<1x40x128xf32, #tpu.memory_space<vmem>> -> memref<40x128xf32, #tpu.memory_space<vmem>>
          %dma_wait3A_788 = arith.constant 0 : i32
          %dma_wait3A_789 = arith.constant 0 : i32
          %dma_wait3A_790 = tpu.memref_slice %arg2[%dma_wait3A_788, %dma_wait3A_789] : memref<10000x128xf32, #tpu.memory_space<hbm>> -> memref<40x128xf32, #tpu.memory_space<hbm>>
          tpu.wait_dma2 semaphore(%arg19 : memref<!tpu.dma_semaphore, #tpu.memory_space<semaphore_mem>>) src(%dma_wait3A_790 : memref<40x128xf32, #tpu.memory_space<hbm>>) dst(%dma_wait3A_787 : memref<40x128xf32, #tpu.memory_space<vmem>>)
        } else {
        }
        %ge3A_729 = arith.constant 1 : i32
        %ge3A_730 = arith.cmpi sge, %add3A_591, %ge3A_729 : i32
        %convert_element_type3A_731 = arith.extui %ge3A_730 : i1 to i32
        %cond3A_732 = arith.constant 0 : i32
        %cond3A_733 = arith.cmpi ne, %convert_element_type3A_731, %cond3A_732 : i32
        scf.if %cond3A_733 {
          %dma_wait3A_776 = arith.constant 0 : i32
          %dma_wait3A_777 = arith.constant 0 : i32
          %dma_wait3A_778 = arith.constant 0 : i32
          %dma_wait3A_779 = tpu.memref_slice %arg10[%dma_wait3A_776, %dma_wait3A_777, %dma_wait3A_778] : memref<2x80x128xf32, #tpu.memory_space<vmem>> -> memref<1x40x128xf32, #tpu.memory_space<vmem>>
          %dma_wait3A_780 = tpu.memref_squeeze %dma_wait3A_779 : memref<1x40x128xf32, #tpu.memory_space<vmem>> -> memref<40x128xf32, #tpu.memory_space<vmem>>
          %dma_wait3A_781 = arith.constant 0 : i32
          %dma_wait3A_782 = arith.constant 0 : i32
          %dma_wait3A_783 = tpu.memref_slice %arg2[%dma_wait3A_781, %dma_wait3A_782] : memref<10000x128xf32, #tpu.memory_space<hbm>> -> memref<40x128xf32, #tpu.memory_space<hbm>>
          %dma_wait3A_784 = arith.constant 0 : i32
          %dma_wait3A_785 = arith.constant 0 : i32
          %dma_wait3A_786 = tpu.memref_slice %arg10[%dma_wait3A_776, %dma_wait3A_784, %dma_wait3A_785] : memref<2x80x128xf32, #tpu.memory_space<vmem>> -> memref<1x40x128xf32, #tpu.memory_space<vmem>>
          %dma_wait3A_787 = tpu.memref_squeeze %dma_wait3A_786 : memref<1x40x128xf32, #tpu.memory_space<vmem>> -> memref<40x128xf32, #tpu.memory_space<vmem>>
          %dma_wait3A_788 = arith.constant 0 : i32
          %dma_wait3A_789 = arith.constant 0 : i32
          %dma_wait3A_790 = tpu.memref_slice %arg2[%dma_wait3A_788, %dma_wait3A_789] : memref<10000x128xf32, #tpu.memory_space<hbm>> -> memref<40x128xf32, #tpu.memory_space<hbm>>
          tpu.wait_dma2 semaphore(%arg20 : memref<!tpu.dma_semaphore, #tpu.memory_space<semaphore_mem>>) src(%dma_wait3A_790 : memref<40x128xf32, #tpu.memory_space<hbm>>) dst(%dma_wait3A_787 : memref<40x128xf32, #tpu.memory_space<vmem>>)
        } else {
        }
        %add3A_734 = arith.constant 1 : i32
        %add3A_735 = arith.addi %add3A_591, %add3A_734 : i32
        %dma_start3A_736 = arith.constant 0 : i32
        %dma_start3A_737 = arith.constant 0 : i32
        %dma_start3A_738 = arith.constant 0 : i32
        %dma_start3A_739 = arith.constant 0 : i32
        %dma_start3A_740 = tpu.memref_slice %arg10[%dma_start3A_737, %dma_start3A_738, %dma_start3A_739] : memref<2x80x128xf32, #tpu.memory_space<vmem>> -> memref<1x40x128xf32, #tpu.memory_space<vmem>>
        %dma_start3A_741 = tpu.memref_squeeze %dma_start3A_740 : memref<1x40x128xf32, #tpu.memory_space<vmem>> -> memref<40x128xf32, #tpu.memory_space<vmem>>
        %dma_start3A_742 = arith.constant 0 : i32
        %dma_start3A_743 = tpu.memref_slice %arg8[%dma_start3A_736, %dma_start3A_742] : memref<8x40xi32, #tpu.memory_space<vmem>> -> memref<1x40xi32, #tpu.memory_space<vmem>>
        %dma_start3A_744 = tpu.memref_squeeze %dma_start3A_743 : memref<1x40xi32, #tpu.memory_space<vmem>> -> memref<40xi32, #tpu.memory_space<vmem>>
        %dma_start3A_745 = arith.constant 0 : i32
        %dma_start3A_746 = arith.constant 0 : i32
        %dma_start3A_747 = tpu.memref_slice %arg2[%dma_start3A_745, %dma_start3A_746] : memref<10000x128xf32, #tpu.memory_space<hbm>> -> memref<10000x128xf32, #tpu.memory_space<hbm>>
        tpu.enqueue_indirect_dma source(%dma_start3A_747 : memref<10000x128xf32, #tpu.memory_space<hbm>>) target(%dma_start3A_741 : memref<40x128xf32, #tpu.memory_space<vmem>>) offsets(%dma_start3A_744 : memref<40xi32, #tpu.memory_space<vmem>>) semaphore(%arg17 : memref<!tpu.dma_semaphore, #tpu.memory_space<semaphore_mem>>)
        %dma_start3A_748 = arith.constant 1 : i32
        %dma_start3A_749 = arith.constant 0 : i32
        %dma_start3A_750 = arith.constant 40 : i32
        %dma_start3A_751 = arith.constant 0 : i32
        %dma_start3A_752 = tpu.memref_slice %arg10[%dma_start3A_749, %dma_start3A_750, %dma_start3A_751] : memref<2x80x128xf32, #tpu.memory_space<vmem>> -> memref<1x40x128xf32, #tpu.memory_space<vmem>>
        %dma_start3A_753 = tpu.memref_squeeze %dma_start3A_752 : memref<1x40x128xf32, #tpu.memory_space<vmem>> -> memref<40x128xf32, #tpu.memory_space<vmem>>
        %dma_start3A_754 = arith.constant 0 : i32
        %dma_start3A_755 = tpu.memref_slice %arg8[%dma_start3A_748, %dma_start3A_754] : memref<8x40xi32, #tpu.memory_space<vmem>> -> memref<1x40xi32, #tpu.memory_space<vmem>>
        %dma_start3A_756 = tpu.memref_squeeze %dma_start3A_755 : memref<1x40xi32, #tpu.memory_space<vmem>> -> memref<40xi32, #tpu.memory_space<vmem>>
        %dma_start3A_757 = arith.constant 0 : i32
        %dma_start3A_758 = arith.constant 0 : i32
        %dma_start3A_759 = tpu.memref_slice %arg2[%dma_start3A_757, %dma_start3A_758] : memref<10000x128xf32, #tpu.memory_space<hbm>> -> memref<10000x128xf32, #tpu.memory_space<hbm>>
        tpu.enqueue_indirect_dma source(%dma_start3A_759 : memref<10000x128xf32, #tpu.memory_space<hbm>>) target(%dma_start3A_753 : memref<40x128xf32, #tpu.memory_space<vmem>>) offsets(%dma_start3A_756 : memref<40xi32, #tpu.memory_space<vmem>>) semaphore(%arg17 : memref<!tpu.dma_semaphore, #tpu.memory_space<semaphore_mem>>)
        %mul3A_760 = arith.constant 40 : i32
        %mul3A_761 = arith.muli %add3A_735, %mul3A_760 : i32
        %add3A_762 = arith.addi %mul3A_2, %mul3A_761 : i32
        %dma_start3A_763 = arith.constant 0 : i32
        %dma_start3A_764 = arith.constant 0 : i32
        %dma_start3A_765 = arith.constant 0 : i32
        %dma_start3A_766 = tpu.memref_slice %arg11[%dma_start3A_763, %dma_start3A_764, %dma_start3A_765] : memref<2x40x128xi32, #tpu.memory_space<vmem>> -> memref<1x40x128xi32, #tpu.memory_space<vmem>>
        %dma_start3A_767 = tpu.memref_squeeze %dma_start3A_766 : memref<1x40x128xi32, #tpu.memory_space<vmem>> -> memref<40x128xi32, #tpu.memory_space<vmem>>
        %dma_start3A_768 = arith.constant 0 : i32
        %dma_start3A_769 = tpu.memref_slice %arg3[%add3A_762, %dma_start3A_768] : memref<160000x128xi32, #tpu.memory_space<hbm>> -> memref<40x128xi32, #tpu.memory_space<hbm>>
        %dma_start3A_770 = arith.constant 0 : i32
        %dma_start3A_771 = arith.constant 0 : i32
        %dma_start3A_772 = tpu.memref_slice %arg11[%dma_start3A_763, %dma_start3A_770, %dma_start3A_771] : memref<2x40x128xi32, #tpu.memory_space<vmem>> -> memref<1x40x128xi32, #tpu.memory_space<vmem>>
        %dma_start3A_773 = tpu.memref_squeeze %dma_start3A_772 : memref<1x40x128xi32, #tpu.memory_space<vmem>> -> memref<40x128xi32, #tpu.memory_space<vmem>>
        %dma_start3A_774 = arith.constant 0 : i32
        %dma_start3A_775 = tpu.memref_slice %arg3[%add3A_762, %dma_start3A_774] : memref<160000x128xi32, #tpu.memory_space<hbm>> -> memref<40x128xi32, #tpu.memory_space<hbm>>
        tpu.enqueue_dma source(%dma_start3A_775 : memref<40x128xi32, #tpu.memory_space<hbm>>) target(%dma_start3A_773 : memref<40x128xi32, #tpu.memory_space<vmem>>) target_semaphore(%arg17 : memref<!tpu.dma_semaphore, #tpu.memory_space<semaphore_mem>>)
      } else {
      }
      %dma_wait3A_599 = arith.constant 1 : i32
      %dma_wait3A_600 = arith.constant 0 : i32
      %dma_wait3A_601 = arith.constant 0 : i32
      %dma_wait3A_602 = tpu.memref_slice %arg10[%dma_wait3A_599, %dma_wait3A_600, %dma_wait3A_601] : memref<2x80x128xf32, #tpu.memory_space<vmem>> -> memref<1x40x128xf32, #tpu.memory_space<vmem>>
      %dma_wait3A_603 = tpu.memref_squeeze %dma_wait3A_602 : memref<1x40x128xf32, #tpu.memory_space<vmem>> -> memref<40x128xf32, #tpu.memory_space<vmem>>
      %dma_wait3A_604 = arith.constant 0 : i32
      %dma_wait3A_605 = arith.constant 0 : i32
      %dma_wait3A_606 = tpu.memref_slice %arg2[%dma_wait3A_604, %dma_wait3A_605] : memref<10000x128xf32, #tpu.memory_space<hbm>> -> memref<40x128xf32, #tpu.memory_space<hbm>>
      %dma_wait3A_607 = arith.constant 0 : i32
      %dma_wait3A_608 = arith.constant 0 : i32
      %dma_wait3A_609 = tpu.memref_slice %arg10[%dma_wait3A_599, %dma_wait3A_607, %dma_wait3A_608] : memref<2x80x128xf32, #tpu.memory_space<vmem>> -> memref<1x40x128xf32, #tpu.memory_space<vmem>>
      %dma_wait3A_610 = tpu.memref_squeeze %dma_wait3A_609 : memref<1x40x128xf32, #tpu.memory_space<vmem>> -> memref<40x128xf32, #tpu.memory_space<vmem>>
      %dma_wait3A_611 = arith.constant 0 : i32
      %dma_wait3A_612 = arith.constant 0 : i32
      %dma_wait3A_613 = tpu.memref_slice %arg2[%dma_wait3A_611, %dma_wait3A_612] : memref<10000x128xf32, #tpu.memory_space<hbm>> -> memref<40x128xf32, #tpu.memory_space<hbm>>
      tpu.wait_dma2 semaphore(%arg18 : memref<!tpu.dma_semaphore, #tpu.memory_space<semaphore_mem>>) src(%dma_wait3A_613 : memref<40x128xf32, #tpu.memory_space<hbm>>) dst(%dma_wait3A_610 : memref<40x128xf32, #tpu.memory_space<vmem>>)
      %dma_wait3A_614 = arith.constant 1 : i32
      %dma_wait3A_615 = arith.constant 0 : i32
      %dma_wait3A_616 = arith.constant 0 : i32
      %dma_wait3A_617 = tpu.memref_slice %arg10[%dma_wait3A_614, %dma_wait3A_615, %dma_wait3A_616] : memref<2x80x128xf32, #tpu.memory_space<vmem>> -> memref<1x40x128xf32, #tpu.memory_space<vmem>>
      %dma_wait3A_618 = tpu.memref_squeeze %dma_wait3A_617 : memref<1x40x128xf32, #tpu.memory_space<vmem>> -> memref<40x128xf32, #tpu.memory_space<vmem>>
      %dma_wait3A_619 = arith.constant 0 : i32
      %dma_wait3A_620 = arith.constant 0 : i32
      %dma_wait3A_621 = tpu.memref_slice %arg2[%dma_wait3A_619, %dma_wait3A_620] : memref<10000x128xf32, #tpu.memory_space<hbm>> -> memref<40x128xf32, #tpu.memory_space<hbm>>
      %dma_wait3A_622 = arith.constant 0 : i32
      %dma_wait3A_623 = arith.constant 0 : i32
      %dma_wait3A_624 = tpu.memref_slice %arg10[%dma_wait3A_614, %dma_wait3A_622, %dma_wait3A_623] : memref<2x80x128xf32, #tpu.memory_space<vmem>> -> memref<1x40x128xf32, #tpu.memory_space<vmem>>
      %dma_wait3A_625 = tpu.memref_squeeze %dma_wait3A_624 : memref<1x40x128xf32, #tpu.memory_space<vmem>> -> memref<40x128xf32, #tpu.memory_space<vmem>>
      %dma_wait3A_626 = arith.constant 0 : i32
      %dma_wait3A_627 = arith.constant 0 : i32
      %dma_wait3A_628 = tpu.memref_slice %arg2[%dma_wait3A_626, %dma_wait3A_627] : memref<10000x128xf32, #tpu.memory_space<hbm>> -> memref<40x128xf32, #tpu.memory_space<hbm>>
      tpu.wait_dma2 semaphore(%arg18 : memref<!tpu.dma_semaphore, #tpu.memory_space<semaphore_mem>>) src(%dma_wait3A_628 : memref<40x128xf32, #tpu.memory_space<hbm>>) dst(%dma_wait3A_625 : memref<40x128xf32, #tpu.memory_space<vmem>>)
      %dma_wait3A_629 = arith.constant 1 : i32
      %dma_wait3A_630 = arith.constant 0 : i32
      %dma_wait3A_631 = arith.constant 0 : i32
      %dma_wait3A_632 = tpu.memref_slice %arg11[%dma_wait3A_629, %dma_wait3A_630, %dma_wait3A_631] : memref<2x40x128xi32, #tpu.memory_space<vmem>> -> memref<1x40x128xi32, #tpu.memory_space<vmem>>
      %dma_wait3A_633 = tpu.memref_squeeze %dma_wait3A_632 : memref<1x40x128xi32, #tpu.memory_space<vmem>> -> memref<40x128xi32, #tpu.memory_space<vmem>>
      %dma_wait3A_634 = arith.constant 0 : i32
      %dma_wait3A_635 = arith.constant 0 : i32
      %dma_wait3A_636 = tpu.memref_slice %arg3[%dma_wait3A_634, %dma_wait3A_635] : memref<160000x128xi32, #tpu.memory_space<hbm>> -> memref<40x128xi32, #tpu.memory_space<hbm>>
      %dma_wait3A_637 = arith.constant 0 : i32
      %dma_wait3A_638 = arith.constant 0 : i32
      %dma_wait3A_639 = tpu.memref_slice %arg11[%dma_wait3A_629, %dma_wait3A_637, %dma_wait3A_638] : memref<2x40x128xi32, #tpu.memory_space<vmem>> -> memref<1x40x128xi32, #tpu.memory_space<vmem>>
      %dma_wait3A_640 = tpu.memref_squeeze %dma_wait3A_639 : memref<1x40x128xi32, #tpu.memory_space<vmem>> -> memref<40x128xi32, #tpu.memory_space<vmem>>
      %dma_wait3A_641 = arith.constant 0 : i32
      %dma_wait3A_642 = arith.constant 0 : i32
      %dma_wait3A_643 = tpu.memref_slice %arg3[%dma_wait3A_641, %dma_wait3A_642] : memref<160000x128xi32, #tpu.memory_space<hbm>> -> memref<40x128xi32, #tpu.memory_space<hbm>>
      tpu.wait_dma2 semaphore(%arg18 : memref<!tpu.dma_semaphore, #tpu.memory_space<semaphore_mem>>) src(%dma_wait3A_643 : memref<40x128xi32, #tpu.memory_space<hbm>>) dst(%dma_wait3A_640 : memref<40x128xi32, #tpu.memory_space<vmem>>)
      %scan3A_644 = arith.constant 0 : i32
      %scan3A_645 = arith.constant 0 : i32
      %scan3A_646 = arith.constant 40 : i32
      %scan3A_647 = arith.addi %scan3A_645, %scan3A_646 : i32
      %scan3A_648 = arith.constant 1 : i32
      scf.for %scan3A_681 = %scan3A_645 to %scan3A_647 step %scan3A_648  : i32 {
        %get3A = arith.constant 1 : i32
        %get3A_682 = arith.index_cast %get3A : i32 to index
        %get3A_683 = arith.index_cast %scan3A_681 : i32 to index
        %get3A_684 = arith.constant 0 : index
        %get3A_685 = tpu.vector_load %arg11[%get3A_682, %get3A_683, %get3A_684] {strides = array<i32>} : memref<2x40x128xi32, #tpu.memory_space<vmem>>, vector<1x1x16xi32>,
        %get3A_686 = vector.shape_cast %get3A_685 : vector<1x1x16xi32> to vector<16xi32>
        %shift_left3A = arith.constant 16 : i32
        %shift_left3A_687 = vector.broadcast %shift_left3A : i32 to vector<16xi32>
        %shift_left3A_688 = arith.shli %get3A_686, %shift_left3A_687 : vector<16xi32>
        %bitcast_convert_type3A = tpu.bitcast %shift_left3A_688 : vector<16xi32> -> vector<16xf32>
        %and3A = arith.constant -65536 : i32
        %and3A_689 = vector.broadcast %and3A : i32 to vector<16xi32>
        %and3A_690 = arith.andi %get3A_686, %and3A_689 : vector<16xi32>
        %bitcast_convert_type3A_691 = tpu.bitcast %and3A_690 : vector<16xi32> -> vector<16xf32>
        %get3A_692 = arith.constant 1 : i32
        %get3A_693 = arith.index_cast %get3A_692 : i32 to index
        %get3A_694 = arith.index_cast %scan3A_681 : i32 to index
        %get3A_695 = arith.constant 0 : index
        %get3A_696 = tpu.vector_load %arg10[%get3A_693, %get3A_694, %get3A_695] {strides = array<i32>} : memref<2x80x128xf32, #tpu.memory_space<vmem>>, vector<1x1x16xf32>,
        %get3A_697 = vector.shape_cast %get3A_696 : vector<1x1x16xf32> to vector<16xf32>
        %mul3A_698 = arith.mulf %get3A_697, %bitcast_convert_type3A : vector<16xf32>
        %swap3A = arith.constant 1 : i32
        %swap3A_699 = arith.index_cast %swap3A : i32 to index
        %swap3A_700 = arith.index_cast %scan3A_681 : i32 to index
        %swap3A_701 = arith.constant 0 : index
        %swap3A_702 = tpu.vector_load %arg10[%swap3A_699, %swap3A_700, %swap3A_701] {strides = array<i32>} : memref<2x80x128xf32, #tpu.memory_space<vmem>>, vector<1x1x16xf32>,
        %swap3A_703 = vector.shape_cast %swap3A_702 : vector<1x1x16xf32> to vector<16xf32>
        %swap3A_704 = vector.shape_cast %mul3A_698 : vector<16xf32> to vector<1x1x16xf32>
        tpu.vector_store %arg10[%swap3A_699, %swap3A_700, %swap3A_701], %swap3A_704 {strides = array<i32>} : memref<2x80x128xf32, #tpu.memory_space<vmem>>, vector<1x1x16xf32>,
        %add3A_705 = arith.constant 40 : i32
        %add3A_706 = arith.addi %add3A_705, %scan3A_681 : i32
        %get3A_707 = arith.constant 1 : i32
        %get3A_708 = arith.index_cast %get3A_707 : i32 to index
        %get3A_709 = arith.index_cast %add3A_706 : i32 to index
        %get3A_710 = arith.constant 0 : index
        %get3A_711 = tpu.vector_load %arg10[%get3A_708, %get3A_709, %get3A_710] {strides = array<i32>} : memref<2x80x128xf32, #tpu.memory_space<vmem>>, vector<1x1x16xf32>,
        %get3A_712 = vector.shape_cast %get3A_711 : vector<1x1x16xf32> to vector<16xf32>
        %mul3A_713 = arith.mulf %get3A_712, %bitcast_convert_type3A_691 : vector<16xf32>
        %add3A_714 = arith.constant 40 : i32
        %add3A_715 = arith.addi %add3A_714, %scan3A_681 : i32
        %swap3A_716 = arith.constant 1 : i32
        %swap3A_717 = arith.index_cast %swap3A_716 : i32 to index
        %swap3A_718 = arith.index_cast %add3A_715 : i32 to index
        %swap3A_719 = arith.constant 0 : index
        %swap3A_720 = tpu.vector_load %arg10[%swap3A_717, %swap3A_718, %swap3A_719] {strides = array<i32>} : memref<2x80x128xf32, #tpu.memory_space<vmem>>, vector<1x1x16xf32>,
        %swap3A_721 = vector.shape_cast %swap3A_720 : vector<1x1x16xf32> to vector<16xf32>
        %swap3A_722 = vector.shape_cast %mul3A_713 : vector<16xf32> to vector<1x1x16xf32>
        tpu.vector_store %arg10[%swap3A_717, %swap3A_718, %swap3A_719], %swap3A_722 {strides = array<i32>} : memref<2x80x128xf32, #tpu.memory_space<vmem>>, vector<1x1x16xf32>,
        %get3A_723 = arith.constant 1 : i32
        %get3A_724 = arith.index_cast %get3A_723 : i32 to index
        %get3A_725 = arith.index_cast %scan3A_681 : i32 to index
        %get3A_726 = arith.constant 16 : index
        %get3A_727 = tpu.vector_load %arg11[%get3A_724, %get3A_725, %get3A_726] {strides = array<i32>} : memref<2x40x128xi32, #tpu.memory_space<vmem>>, vector<1x1x16xi32>,
        %get3A_728 = vector.shape_cast %get3A_727 : vector<1x1x16xi32> to vector<16xi32>
        %shift_left3A_729 = arith.constant 16 : i32
        %shift_left3A_730 = vector.broadcast %shift_left3A_729 : i32 to vector<16xi32>
        %shift_left3A_731 = arith.shli %get3A_728, %shift_left3A_730 : vector<16xi32>
        %bitcast_convert_type3A_732 = tpu.bitcast %shift_left3A_731 : vector<16xi32> -> vector<16xf32>
        %and3A_733 = arith.constant -65536 : i32
        %and3A_734 = vector.broadcast %and3A_733 : i32 to vector<16xi32>
        %and3A_735 = arith.andi %get3A_728, %and3A_734 : vector<16xi32>
        %bitcast_convert_type3A_736 = tpu.bitcast %and3A_735 : vector<16xi32> -> vector<16xf32>
        %get3A_737 = arith.constant 1 : i32
        %get3A_738 = arith.index_cast %get3A_737 : i32 to index
        %get3A_739 = arith.index_cast %scan3A_681 : i32 to index
        %get3A_740 = arith.constant 16 : index
        %get3A_741 = tpu.vector_load %arg10[%get3A_738, %get3A_739, %get3A_740] {strides = array<i32>} : memref<2x80x128xf32, #tpu.memory_space<vmem>>, vector<1x1x16xf32>,
        %get3A_742 = vector.shape_cast %get3A_741 : vector<1x1x16xf32> to vector<16xf32>
        %mul3A_743 = arith.mulf %get3A_742, %bitcast_convert_type3A_732 : vector<16xf32>
        %swap3A_744 = arith.constant 1 : i32
        %swap3A_745 = arith.index_cast %swap3A_744 : i32 to index
        %swap3A_746 = arith.index_cast %scan3A_681 : i32 to index
        %swap3A_747 = arith.constant 16 : index
        %swap3A_748 = tpu.vector_load %arg10[%swap3A_745, %swap3A_746, %swap3A_747] {strides = array<i32>} : memref<2x80x128xf32, #tpu.memory_space<vmem>>, vector<1x1x16xf32>,
        %swap3A_749 = vector.shape_cast %swap3A_748 : vector<1x1x16xf32> to vector<16xf32>
        %swap3A_750 = vector.shape_cast %mul3A_743 : vector<16xf32> to vector<1x1x16xf32>
        tpu.vector_store %arg10[%swap3A_745, %swap3A_746, %swap3A_747], %swap3A_750 {strides = array<i32>} : memref<2x80x128xf32, #tpu.memory_space<vmem>>, vector<1x1x16xf32>,
        %add3A_751 = arith.constant 40 : i32
        %add3A_752 = arith.addi %add3A_751, %scan3A_681 : i32
        %get3A_753 = arith.constant 1 : i32
        %get3A_754 = arith.index_cast %get3A_753 : i32 to index
        %get3A_755 = arith.index_cast %add3A_752 : i32 to index
        %get3A_756 = arith.constant 16 : index
        %get3A_757 = tpu.vector_load %arg10[%get3A_754, %get3A_755, %get3A_756] {strides = array<i32>} : memref<2x80x128xf32, #tpu.memory_space<vmem>>, vector<1x1x16xf32>,
        %get3A_758 = vector.shape_cast %get3A_757 : vector<1x1x16xf32> to vector<16xf32>
        %mul3A_759 = arith.mulf %get3A_758, %bitcast_convert_type3A_736 : vector<16xf32>
        %add3A_760 = arith.constant 40 : i32
        %add3A_761 = arith.addi %add3A_760, %scan3A_681 : i32
        %swap3A_762 = arith.constant 1 : i32
        %swap3A_763 = arith.index_cast %swap3A_762 : i32 to index
        %swap3A_764 = arith.index_cast %add3A_761 : i32 to index
        %swap3A_765 = arith.constant 16 : index
        %swap3A_766 = tpu.vector_load %arg10[%swap3A_763, %swap3A_764, %swap3A_765] {strides = array<i32>} : memref<2x80x128xf32, #tpu.memory_space<vmem>>, vector<1x1x16xf32>,
        %swap3A_767 = vector.shape_cast %swap3A_766 : vector<1x1x16xf32> to vector<16xf32>
        %swap3A_768 = vector.shape_cast %mul3A_759 : vector<16xf32> to vector<1x1x16xf32>
        tpu.vector_store %arg10[%swap3A_763, %swap3A_764, %swap3A_765], %swap3A_768 {strides = array<i32>} : memref<2x80x128xf32, #tpu.memory_space<vmem>>, vector<1x1x16xf32>,
        %get3A_769 = arith.constant 1 : i32
        %get3A_770 = arith.index_cast %get3A_769 : i32 to index
        %get3A_771 = arith.index_cast %scan3A_681 : i32 to index
        %get3A_772 = arith.constant 32 : index
        %get3A_773 = tpu.vector_load %arg11[%get3A_770, %get3A_771, %get3A_772] {strides = array<i32>} : memref<2x40x128xi32, #tpu.memory_space<vmem>>, vector<1x1x16xi32>,
        %get3A_774 = vector.shape_cast %get3A_773 : vector<1x1x16xi32> to vector<16xi32>
        %shift_left3A_775 = arith.constant 16 : i32
        %shift_left3A_776 = vector.broadcast %shift_left3A_775 : i32 to vector<16xi32>
        %shift_left3A_777 = arith.shli %get3A_774, %shift_left3A_776 : vector<16xi32>
        %bitcast_convert_type3A_778 = tpu.bitcast %shift_left3A_777 : vector<16xi32> -> vector<16xf32>
        %and3A_779 = arith.constant -65536 : i32
        %and3A_780 = vector.broadcast %and3A_779 : i32 to vector<16xi32>
        %and3A_781 = arith.andi %get3A_774, %and3A_780 : vector<16xi32>
        %bitcast_convert_type3A_782 = tpu.bitcast %and3A_781 : vector<16xi32> -> vector<16xf32>
        %get3A_783 = arith.constant 1 : i32
        %get3A_784 = arith.index_cast %get3A_783 : i32 to index
        %get3A_785 = arith.index_cast %scan3A_681 : i32 to index
        %get3A_786 = arith.constant 32 : index
        %get3A_787 = tpu.vector_load %arg10[%get3A_784, %get3A_785, %get3A_786] {strides = array<i32>} : memref<2x80x128xf32, #tpu.memory_space<vmem>>, vector<1x1x16xf32>,
        %get3A_788 = vector.shape_cast %get3A_787 : vector<1x1x16xf32> to vector<16xf32>
        %mul3A_789 = arith.mulf %get3A_788, %bitcast_convert_type3A_778 : vector<16xf32>
        %swap3A_790 = arith.constant 1 : i32
        %swap3A_791 = arith.index_cast %swap3A_790 : i32 to index
        %swap3A_792 = arith.index_cast %scan3A_681 : i32 to index
        %swap3A_793 = arith.constant 32 : index
        %swap3A_794 = tpu.vector_load %arg10[%swap3A_791, %swap3A_792, %swap3A_793] {strides = array<i32>} : memref<2x80x128xf32, #tpu.memory_space<vmem>>, vector<1x1x16xf32>,
        %swap3A_795 = vector.shape_cast %swap3A_794 : vector<1x1x16xf32> to vector<16xf32>
        %swap3A_796 = vector.shape_cast %mul3A_789 : vector<16xf32> to vector<1x1x16xf32>
        tpu.vector_store %arg10[%swap3A_791, %swap3A_792, %swap3A_793], %swap3A_796 {strides = array<i32>} : memref<2x80x128xf32, #tpu.memory_space<vmem>>, vector<1x1x16xf32>,
        %add3A_797 = arith.constant 40 : i32
        %add3A_798 = arith.addi %add3A_797, %scan3A_681 : i32
        %get3A_799 = arith.constant 1 : i32
        %get3A_800 = arith.index_cast %get3A_799 : i32 to index
        %get3A_801 = arith.index_cast %add3A_798 : i32 to index
        %get3A_802 = arith.constant 32 : index
        %get3A_803 = tpu.vector_load %arg10[%get3A_800, %get3A_801, %get3A_802] {strides = array<i32>} : memref<2x80x128xf32, #tpu.memory_space<vmem>>, vector<1x1x16xf32>,
        %get3A_804 = vector.shape_cast %get3A_803 : vector<1x1x16xf32> to vector<16xf32>
        %mul3A_805 = arith.mulf %get3A_804, %bitcast_convert_type3A_782 : vector<16xf32>
        %add3A_806 = arith.constant 40 : i32
        %add3A_807 = arith.addi %add3A_806, %scan3A_681 : i32
        %swap3A_808 = arith.constant 1 : i32
        %swap3A_809 = arith.index_cast %swap3A_808 : i32 to index
        %swap3A_810 = arith.index_cast %add3A_807 : i32 to index
        %swap3A_811 = arith.constant 32 : index
        %swap3A_812 = tpu.vector_load %arg10[%swap3A_809, %swap3A_810, %swap3A_811] {strides = array<i32>} : memref<2x80x128xf32, #tpu.memory_space<vmem>>, vector<1x1x16xf32>,
        %swap3A_813 = vector.shape_cast %swap3A_812 : vector<1x1x16xf32> to vector<16xf32>
        %swap3A_814 = vector.shape_cast %mul3A_805 : vector<16xf32> to vector<1x1x16xf32>
        tpu.vector_store %arg10[%swap3A_809, %swap3A_810, %swap3A_811], %swap3A_814 {strides = array<i32>} : memref<2x80x128xf32, #tpu.memory_space<vmem>>, vector<1x1x16xf32>,
        %get3A_815 = arith.constant 1 : i32
        %get3A_816 = arith.index_cast %get3A_815 : i32 to index
        %get3A_817 = arith.index_cast %scan3A_681 : i32 to index
        %get3A_818 = arith.constant 48 : index
        %get3A_819 = tpu.vector_load %arg11[%get3A_816, %get3A_817, %get3A_818] {strides = array<i32>} : memref<2x40x128xi32, #tpu.memory_space<vmem>>, vector<1x1x16xi32>,
        %get3A_820 = vector.shape_cast %get3A_819 : vector<1x1x16xi32> to vector<16xi32>
        %shift_left3A_821 = arith.constant 16 : i32
        %shift_left3A_822 = vector.broadcast %shift_left3A_821 : i32 to vector<16xi32>
        %shift_left3A_823 = arith.shli %get3A_820, %shift_left3A_822 : vector<16xi32>
        %bitcast_convert_type3A_824 = tpu.bitcast %shift_left3A_823 : vector<16xi32> -> vector<16xf32>
        %and3A_825 = arith.constant -65536 : i32
        %and3A_826 = vector.broadcast %and3A_825 : i32 to vector<16xi32>
        %and3A_827 = arith.andi %get3A_820, %and3A_826 : vector<16xi32>
        %bitcast_convert_type3A_828 = tpu.bitcast %and3A_827 : vector<16xi32> -> vector<16xf32>
        %get3A_829 = arith.constant 1 : i32
        %get3A_830 = arith.index_cast %get3A_829 : i32 to index
        %get3A_831 = arith.index_cast %scan3A_681 : i32 to index
        %get3A_832 = arith.constant 48 : index
        %get3A_833 = tpu.vector_load %arg10[%get3A_830, %get3A_831, %get3A_832] {strides = array<i32>} : memref<2x80x128xf32, #tpu.memory_space<vmem>>, vector<1x1x16xf32>,
        %get3A_834 = vector.shape_cast %get3A_833 : vector<1x1x16xf32> to vector<16xf32>
        %mul3A_835 = arith.mulf %get3A_834, %bitcast_convert_type3A_824 : vector<16xf32>
        %swap3A_836 = arith.constant 1 : i32
        %swap3A_837 = arith.index_cast %swap3A_836 : i32 to index
        %swap3A_838 = arith.index_cast %scan3A_681 : i32 to index
        %swap3A_839 = arith.constant 48 : index
        %swap3A_840 = tpu.vector_load %arg10[%swap3A_837, %swap3A_838, %swap3A_839] {strides = array<i32>} : memref<2x80x128xf32, #tpu.memory_space<vmem>>, vector<1x1x16xf32>,
        %swap3A_841 = vector.shape_cast %swap3A_840 : vector<1x1x16xf32> to vector<16xf32>
        %swap3A_842 = vector.shape_cast %mul3A_835 : vector<16xf32> to vector<1x1x16xf32>
        tpu.vector_store %arg10[%swap3A_837, %swap3A_838, %swap3A_839], %swap3A_842 {strides = array<i32>} : memref<2x80x128xf32, #tpu.memory_space<vmem>>, vector<1x1x16xf32>,
        %add3A_843 = arith.constant 40 : i32
        %add3A_844 = arith.addi %add3A_843, %scan3A_681 : i32
        %get3A_845 = arith.constant 1 : i32
        %get3A_846 = arith.index_cast %get3A_845 : i32 to index
        %get3A_847 = arith.index_cast %add3A_844 : i32 to index
        %get3A_848 = arith.constant 48 : index
        %get3A_849 = tpu.vector_load %arg10[%get3A_846, %get3A_847, %get3A_848] {strides = array<i32>} : memref<2x80x128xf32, #tpu.memory_space<vmem>>, vector<1x1x16xf32>,
        %get3A_850 = vector.shape_cast %get3A_849 : vector<1x1x16xf32> to vector<16xf32>
        %mul3A_851 = arith.mulf %get3A_850, %bitcast_convert_type3A_828 : vector<16xf32>
        %add3A_852 = arith.constant 40 : i32
        %add3A_853 = arith.addi %add3A_852, %scan3A_681 : i32
        %swap3A_854 = arith.constant 1 : i32
        %swap3A_855 = arith.index_cast %swap3A_854 : i32 to index
        %swap3A_856 = arith.index_cast %add3A_853 : i32 to index
        %swap3A_857 = arith.constant 48 : index
        %swap3A_858 = tpu.vector_load %arg10[%swap3A_855, %swap3A_856, %swap3A_857] {strides = array<i32>} : memref<2x80x128xf32, #tpu.memory_space<vmem>>, vector<1x1x16xf32>,
        %swap3A_859 = vector.shape_cast %swap3A_858 : vector<1x1x16xf32> to vector<16xf32>
        %swap3A_860 = vector.shape_cast %mul3A_851 : vector<16xf32> to vector<1x1x16xf32>
        tpu.vector_store %arg10[%swap3A_855, %swap3A_856, %swap3A_857], %swap3A_860 {strides = array<i32>} : memref<2x80x128xf32, #tpu.memory_space<vmem>>, vector<1x1x16xf32>,
        %get3A_861 = arith.constant 1 : i32
        %get3A_862 = arith.index_cast %get3A_861 : i32 to index
        %get3A_863 = arith.index_cast %scan3A_681 : i32 to index
        %get3A_864 = arith.constant 64 : index
        %get3A_865 = tpu.vector_load %arg11[%get3A_862, %get3A_863, %get3A_864] {strides = array<i32>} : memref<2x40x128xi32, #tpu.memory_space<vmem>>, vector<1x1x16xi32>,
        %get3A_866 = vector.shape_cast %get3A_865 : vector<1x1x16xi32> to vector<16xi32>
        %shift_left3A_867 = arith.constant 16 : i32
        %shift_left3A_868 = vector.broadcast %shift_left3A_867 : i32 to vector<16xi32>
        %shift_left3A_869 = arith.shli %get3A_866, %shift_left3A_868 : vector<16xi32>
        %bitcast_convert_type3A_870 = tpu.bitcast %shift_left3A_869 : vector<16xi32> -> vector<16xf32>
        %and3A_871 = arith.constant -65536 : i32
        %and3A_872 = vector.broadcast %and3A_871 : i32 to vector<16xi32>
        %and3A_873 = arith.andi %get3A_866, %and3A_872 : vector<16xi32>
        %bitcast_convert_type3A_874 = tpu.bitcast %and3A_873 : vector<16xi32> -> vector<16xf32>
        %get3A_875 = arith.constant 1 : i32
        %get3A_876 = arith.index_cast %get3A_875 : i32 to index
        %get3A_877 = arith.index_cast %scan3A_681 : i32 to index
        %get3A_878 = arith.constant 64 : index
        %get3A_879 = tpu.vector_load %arg10[%get3A_876, %get3A_877, %get3A_878] {strides = array<i32>} : memref<2x80x128xf32, #tpu.memory_space<vmem>>, vector<1x1x16xf32>,
        %get3A_880 = vector.shape_cast %get3A_879 : vector<1x1x16xf32> to vector<16xf32>
        %mul3A_881 = arith.mulf %get3A_880, %bitcast_convert_type3A_870 : vector<16xf32>
        %swap3A_882 = arith.constant 1 : i32
        %swap3A_883 = arith.index_cast %swap3A_882 : i32 to index
        %swap3A_884 = arith.index_cast %scan3A_681 : i32 to index
        %swap3A_885 = arith.constant 64 : index
        %swap3A_886 = tpu.vector_load %arg10[%swap3A_883, %swap3A_884, %swap3A_885] {strides = array<i32>} : memref<2x80x128xf32, #tpu.memory_space<vmem>>, vector<1x1x16xf32>,
        %swap3A_887 = vector.shape_cast %swap3A_886 : vector<1x1x16xf32> to vector<16xf32>
        %swap3A_888 = vector.shape_cast %mul3A_881 : vector<16xf32> to vector<1x1x16xf32>
        tpu.vector_store %arg10[%swap3A_883, %swap3A_884, %swap3A_885], %swap3A_888 {strides = array<i32>} : memref<2x80x128xf32, #tpu.memory_space<vmem>>, vector<1x1x16xf32>,
        %add3A_889 = arith.constant 40 : i32
        %add3A_890 = arith.addi %add3A_889, %scan3A_681 : i32
        %get3A_891 = arith.constant 1 : i32
        %get3A_892 = arith.index_cast %get3A_891 : i32 to index
        %get3A_893 = arith.index_cast %add3A_890 : i32 to index
        %get3A_894 = arith.constant 64 : index
        %get3A_895 = tpu.vector_load %arg10[%get3A_892, %get3A_893, %get3A_894] {strides = array<i32>} : memref<2x80x128xf32, #tpu.memory_space<vmem>>, vector<1x1x16xf32>,
        %get3A_896 = vector.shape_cast %get3A_895 : vector<1x1x16xf32> to vector<16xf32>
        %mul3A_897 = arith.mulf %get3A_896, %bitcast_convert_type3A_874 : vector<16xf32>
        %add3A_898 = arith.constant 40 : i32
        %add3A_899 = arith.addi %add3A_898, %scan3A_681 : i32
        %swap3A_900 = arith.constant 1 : i32
        %swap3A_901 = arith.index_cast %swap3A_900 : i32 to index
        %swap3A_902 = arith.index_cast %add3A_899 : i32 to index
        %swap3A_903 = arith.constant 64 : index
        %swap3A_904 = tpu.vector_load %arg10[%swap3A_901, %swap3A_902, %swap3A_903] {strides = array<i32>} : memref<2x80x128xf32, #tpu.memory_space<vmem>>, vector<1x1x16xf32>,
        %swap3A_905 = vector.shape_cast %swap3A_904 : vector<1x1x16xf32> to vector<16xf32>
        %swap3A_906 = vector.shape_cast %mul3A_897 : vector<16xf32> to vector<1x1x16xf32>
        tpu.vector_store %arg10[%swap3A_901, %swap3A_902, %swap3A_903], %swap3A_906 {strides = array<i32>} : memref<2x80x128xf32, #tpu.memory_space<vmem>>, vector<1x1x16xf32>,
        %get3A_907 = arith.constant 1 : i32
        %get3A_908 = arith.index_cast %get3A_907 : i32 to index
        %get3A_909 = arith.index_cast %scan3A_681 : i32 to index
        %get3A_910 = arith.constant 80 : index
        %get3A_911 = tpu.vector_load %arg11[%get3A_908, %get3A_909, %get3A_910] {strides = array<i32>} : memref<2x40x128xi32, #tpu.memory_space<vmem>>, vector<1x1x16xi32>,
        %get3A_912 = vector.shape_cast %get3A_911 : vector<1x1x16xi32> to vector<16xi32>
        %shift_left3A_913 = arith.constant 16 : i32
        %shift_left3A_914 = vector.broadcast %shift_left3A_913 : i32 to vector<16xi32>
        %shift_left3A_915 = arith.shli %get3A_912, %shift_left3A_914 : vector<16xi32>
        %bitcast_convert_type3A_916 = tpu.bitcast %shift_left3A_915 : vector<16xi32> -> vector<16xf32>
        %and3A_917 = arith.constant -65536 : i32
        %and3A_918 = vector.broadcast %and3A_917 : i32 to vector<16xi32>
        %and3A_919 = arith.andi %get3A_912, %and3A_918 : vector<16xi32>
        %bitcast_convert_type3A_920 = tpu.bitcast %and3A_919 : vector<16xi32> -> vector<16xf32>
        %get3A_921 = arith.constant 1 : i32
        %get3A_922 = arith.index_cast %get3A_921 : i32 to index
        %get3A_923 = arith.index_cast %scan3A_681 : i32 to index
        %get3A_924 = arith.constant 80 : index
        %get3A_925 = tpu.vector_load %arg10[%get3A_922, %get3A_923, %get3A_924] {strides = array<i32>} : memref<2x80x128xf32, #tpu.memory_space<vmem>>, vector<1x1x16xf32>,
        %get3A_926 = vector.shape_cast %get3A_925 : vector<1x1x16xf32> to vector<16xf32>
        %mul3A_927 = arith.mulf %get3A_926, %bitcast_convert_type3A_916 : vector<16xf32>
        %swap3A_928 = arith.constant 1 : i32
        %swap3A_929 = arith.index_cast %swap3A_928 : i32 to index
        %swap3A_930 = arith.index_cast %scan3A_681 : i32 to index
        %swap3A_931 = arith.constant 80 : index
        %swap3A_932 = tpu.vector_load %arg10[%swap3A_929, %swap3A_930, %swap3A_931] {strides = array<i32>} : memref<2x80x128xf32, #tpu.memory_space<vmem>>, vector<1x1x16xf32>,
        %swap3A_933 = vector.shape_cast %swap3A_932 : vector<1x1x16xf32> to vector<16xf32>
        %swap3A_934 = vector.shape_cast %mul3A_927 : vector<16xf32> to vector<1x1x16xf32>
        tpu.vector_store %arg10[%swap3A_929, %swap3A_930, %swap3A_931], %swap3A_934 {strides = array<i32>} : memref<2x80x128xf32, #tpu.memory_space<vmem>>, vector<1x1x16xf32>,
        %add3A_935 = arith.constant 40 : i32
        %add3A_936 = arith.addi %add3A_935, %scan3A_681 : i32
        %get3A_937 = arith.constant 1 : i32
        %get3A_938 = arith.index_cast %get3A_937 : i32 to index
        %get3A_939 = arith.index_cast %add3A_936 : i32 to index
        %get3A_940 = arith.constant 80 : index
        %get3A_941 = tpu.vector_load %arg10[%get3A_938, %get3A_939, %get3A_940] {strides = array<i32>} : memref<2x80x128xf32, #tpu.memory_space<vmem>>, vector<1x1x16xf32>,
        %get3A_942 = vector.shape_cast %get3A_941 : vector<1x1x16xf32> to vector<16xf32>
        %mul3A_943 = arith.mulf %get3A_942, %bitcast_convert_type3A_920 : vector<16xf32>
        %add3A_944 = arith.constant 40 : i32
        %add3A_945 = arith.addi %add3A_944, %scan3A_681 : i32
        %swap3A_946 = arith.constant 1 : i32
        %swap3A_947 = arith.index_cast %swap3A_946 : i32 to index
        %swap3A_948 = arith.index_cast %add3A_945 : i32 to index
        %swap3A_949 = arith.constant 80 : index
        %swap3A_950 = tpu.vector_load %arg10[%swap3A_947, %swap3A_948, %swap3A_949] {strides = array<i32>} : memref<2x80x128xf32, #tpu.memory_space<vmem>>, vector<1x1x16xf32>,
        %swap3A_951 = vector.shape_cast %swap3A_950 : vector<1x1x16xf32> to vector<16xf32>
        %swap3A_952 = vector.shape_cast %mul3A_943 : vector<16xf32> to vector<1x1x16xf32>
        tpu.vector_store %arg10[%swap3A_947, %swap3A_948, %swap3A_949], %swap3A_952 {strides = array<i32>} : memref<2x80x128xf32, #tpu.memory_space<vmem>>, vector<1x1x16xf32>,
        %get3A_953 = arith.constant 1 : i32
        %get3A_954 = arith.index_cast %get3A_953 : i32 to index
        %get3A_955 = arith.index_cast %scan3A_681 : i32 to index
        %get3A_956 = arith.constant 96 : index
        %get3A_957 = tpu.vector_load %arg11[%get3A_954, %get3A_955, %get3A_956] {strides = array<i32>} : memref<2x40x128xi32, #tpu.memory_space<vmem>>, vector<1x1x16xi32>,
        %get3A_958 = vector.shape_cast %get3A_957 : vector<1x1x16xi32> to vector<16xi32>
        %shift_left3A_959 = arith.constant 16 : i32
        %shift_left3A_960 = vector.broadcast %shift_left3A_959 : i32 to vector<16xi32>
        %shift_left3A_961 = arith.shli %get3A_958, %shift_left3A_960 : vector<16xi32>
        %bitcast_convert_type3A_962 = tpu.bitcast %shift_left3A_961 : vector<16xi32> -> vector<16xf32>
        %and3A_963 = arith.constant -65536 : i32
        %and3A_964 = vector.broadcast %and3A_963 : i32 to vector<16xi32>
        %and3A_965 = arith.andi %get3A_958, %and3A_964 : vector<16xi32>
        %bitcast_convert_type3A_966 = tpu.bitcast %and3A_965 : vector<16xi32> -> vector<16xf32>
        %get3A_967 = arith.constant 1 : i32
        %get3A_968 = arith.index_cast %get3A_967 : i32 to index
        %get3A_969 = arith.index_cast %scan3A_681 : i32 to index
        %get3A_970 = arith.constant 96 : index
        %get3A_971 = tpu.vector_load %arg10[%get3A_968, %get3A_969, %get3A_970] {strides = array<i32>} : memref<2x80x128xf32, #tpu.memory_space<vmem>>, vector<1x1x16xf32>,
        %get3A_972 = vector.shape_cast %get3A_971 : vector<1x1x16xf32> to vector<16xf32>
        %mul3A_973 = arith.mulf %get3A_972, %bitcast_convert_type3A_962 : vector<16xf32>
        %swap3A_974 = arith.constant 1 : i32
        %swap3A_975 = arith.index_cast %swap3A_974 : i32 to index
        %swap3A_976 = arith.index_cast %scan3A_681 : i32 to index
        %swap3A_977 = arith.constant 96 : index
        %swap3A_978 = tpu.vector_load %arg10[%swap3A_975, %swap3A_976, %swap3A_977] {strides = array<i32>} : memref<2x80x128xf32, #tpu.memory_space<vmem>>, vector<1x1x16xf32>,
        %swap3A_979 = vector.shape_cast %swap3A_978 : vector<1x1x16xf32> to vector<16xf32>
        %swap3A_980 = vector.shape_cast %mul3A_973 : vector<16xf32> to vector<1x1x16xf32>
        tpu.vector_store %arg10[%swap3A_975, %swap3A_976, %swap3A_977], %swap3A_980 {strides = array<i32>} : memref<2x80x128xf32, #tpu.memory_space<vmem>>, vector<1x1x16xf32>,
        %add3A_981 = arith.constant 40 : i32
        %add3A_982 = arith.addi %add3A_981, %scan3A_681 : i32
        %get3A_983 = arith.constant 1 : i32
        %get3A_984 = arith.index_cast %get3A_983 : i32 to index
        %get3A_985 = arith.index_cast %add3A_982 : i32 to index
        %get3A_986 = arith.constant 96 : index
        %get3A_987 = tpu.vector_load %arg10[%get3A_984, %get3A_985, %get3A_986] {strides = array<i32>} : memref<2x80x128xf32, #tpu.memory_space<vmem>>, vector<1x1x16xf32>,
        %get3A_988 = vector.shape_cast %get3A_987 : vector<1x1x16xf32> to vector<16xf32>
        %mul3A_989 = arith.mulf %get3A_988, %bitcast_convert_type3A_966 : vector<16xf32>
        %add3A_990 = arith.constant 40 : i32
        %add3A_991 = arith.addi %add3A_990, %scan3A_681 : i32
        %swap3A_992 = arith.constant 1 : i32
        %swap3A_993 = arith.index_cast %swap3A_992 : i32 to index
        %swap3A_994 = arith.index_cast %add3A_991 : i32 to index
        %swap3A_995 = arith.constant 96 : index
        %swap3A_996 = tpu.vector_load %arg10[%swap3A_993, %swap3A_994, %swap3A_995] {strides = array<i32>} : memref<2x80x128xf32, #tpu.memory_space<vmem>>, vector<1x1x16xf32>,
        %swap3A_997 = vector.shape_cast %swap3A_996 : vector<1x1x16xf32> to vector<16xf32>
        %swap3A_998 = vector.shape_cast %mul3A_989 : vector<16xf32> to vector<1x1x16xf32>
        tpu.vector_store %arg10[%swap3A_993, %swap3A_994, %swap3A_995], %swap3A_998 {strides = array<i32>} : memref<2x80x128xf32, #tpu.memory_space<vmem>>, vector<1x1x16xf32>,
        %get3A_999 = arith.constant 1 : i32
        %get3A_1000 = arith.index_cast %get3A_999 : i32 to index
        %get3A_1001 = arith.index_cast %scan3A_681 : i32 to index
        %get3A_1002 = arith.constant 112 : index
        %get3A_1003 = tpu.vector_load %arg11[%get3A_1000, %get3A_1001, %get3A_1002] {strides = array<i32>} : memref<2x40x128xi32, #tpu.memory_space<vmem>>, vector<1x1x16xi32>,
        %get3A_1004 = vector.shape_cast %get3A_1003 : vector<1x1x16xi32> to vector<16xi32>
        %shift_left3A_1005 = arith.constant 16 : i32
        %shift_left3A_1006 = vector.broadcast %shift_left3A_1005 : i32 to vector<16xi32>
        %shift_left3A_1007 = arith.shli %get3A_1004, %shift_left3A_1006 : vector<16xi32>
        %bitcast_convert_type3A_1008 = tpu.bitcast %shift_left3A_1007 : vector<16xi32> -> vector<16xf32>
        %and3A_1009 = arith.constant -65536 : i32
        %and3A_1010 = vector.broadcast %and3A_1009 : i32 to vector<16xi32>
        %and3A_1011 = arith.andi %get3A_1004, %and3A_1010 : vector<16xi32>
        %bitcast_convert_type3A_1012 = tpu.bitcast %and3A_1011 : vector<16xi32> -> vector<16xf32>
        %get3A_1013 = arith.constant 1 : i32
        %get3A_1014 = arith.index_cast %get3A_1013 : i32 to index
        %get3A_1015 = arith.index_cast %scan3A_681 : i32 to index
        %get3A_1016 = arith.constant 112 : index
        %get3A_1017 = tpu.vector_load %arg10[%get3A_1014, %get3A_1015, %get3A_1016] {strides = array<i32>} : memref<2x80x128xf32, #tpu.memory_space<vmem>>, vector<1x1x16xf32>,
        %get3A_1018 = vector.shape_cast %get3A_1017 : vector<1x1x16xf32> to vector<16xf32>
        %mul3A_1019 = arith.mulf %get3A_1018, %bitcast_convert_type3A_1008 : vector<16xf32>
        %swap3A_1020 = arith.constant 1 : i32
        %swap3A_1021 = arith.index_cast %swap3A_1020 : i32 to index
        %swap3A_1022 = arith.index_cast %scan3A_681 : i32 to index
        %swap3A_1023 = arith.constant 112 : index
        %swap3A_1024 = tpu.vector_load %arg10[%swap3A_1021, %swap3A_1022, %swap3A_1023] {strides = array<i32>} : memref<2x80x128xf32, #tpu.memory_space<vmem>>, vector<1x1x16xf32>,
        %swap3A_1025 = vector.shape_cast %swap3A_1024 : vector<1x1x16xf32> to vector<16xf32>
        %swap3A_1026 = vector.shape_cast %mul3A_1019 : vector<16xf32> to vector<1x1x16xf32>
        tpu.vector_store %arg10[%swap3A_1021, %swap3A_1022, %swap3A_1023], %swap3A_1026 {strides = array<i32>} : memref<2x80x128xf32, #tpu.memory_space<vmem>>, vector<1x1x16xf32>,
        %add3A_1027 = arith.constant 40 : i32
        %add3A_1028 = arith.addi %add3A_1027, %scan3A_681 : i32
        %get3A_1029 = arith.constant 1 : i32
        %get3A_1030 = arith.index_cast %get3A_1029 : i32 to index
        %get3A_1031 = arith.index_cast %add3A_1028 : i32 to index
        %get3A_1032 = arith.constant 112 : index
        %get3A_1033 = tpu.vector_load %arg10[%get3A_1030, %get3A_1031, %get3A_1032] {strides = array<i32>} : memref<2x80x128xf32, #tpu.memory_space<vmem>>, vector<1x1x16xf32>,
        %get3A_1034 = vector.shape_cast %get3A_1033 : vector<1x1x16xf32> to vector<16xf32>
        %mul3A_1035 = arith.mulf %get3A_1034, %bitcast_convert_type3A_1012 : vector<16xf32>
        %add3A_1036 = arith.constant 40 : i32
        %add3A_1037 = arith.addi %add3A_1036, %scan3A_681 : i32
        %swap3A_1038 = arith.constant 1 : i32
        %swap3A_1039 = arith.index_cast %swap3A_1038 : i32 to index
        %swap3A_1040 = arith.index_cast %add3A_1037 : i32 to index
        %swap3A_1041 = arith.constant 112 : index
        %swap3A_1042 = tpu.vector_load %arg10[%swap3A_1039, %swap3A_1040, %swap3A_1041] {strides = array<i32>} : memref<2x80x128xf32, #tpu.memory_space<vmem>>, vector<1x1x16xf32>,
        %swap3A_1043 = vector.shape_cast %swap3A_1042 : vector<1x1x16xf32> to vector<16xf32>
        %swap3A_1044 = vector.shape_cast %mul3A_1035 : vector<16xf32> to vector<1x1x16xf32>
        tpu.vector_store %arg10[%swap3A_1039, %swap3A_1040, %swap3A_1041], %swap3A_1044 {strides = array<i32>} : memref<2x80x128xf32, #tpu.memory_space<vmem>>, vector<1x1x16xf32>,
      }
      %scan3A_649 = arith.constant 40 : i32
      %dma_start3A_650 = arith.constant 1 : i32
      %dma_start3A_651 = arith.constant 6 : i32
      %dma_start3A_652 = arith.constant 0 : i32
      %dma_start3A_653 = arith.constant 0 : i32
      %dma_start3A_654 = tpu.memref_slice %arg10[%dma_start3A_650, %dma_start3A_652, %dma_start3A_653] : memref<2x80x128xf32, #tpu.memory_space<vmem>> -> memref<1x40x128xf32, #tpu.memory_space<vmem>>
      %dma_start3A_655 = tpu.memref_squeeze %dma_start3A_654 : memref<1x40x128xf32, #tpu.memory_space<vmem>> -> memref<40x128xf32, #tpu.memory_space<vmem>>
      %dma_start3A_656 = arith.constant 0 : i32
      %dma_start3A_657 = tpu.memref_slice %arg9[%dma_start3A_651, %dma_start3A_656] : memref<8x40xi32, #tpu.memory_space<vmem>> -> memref<1x40xi32, #tpu.memory_space<vmem>>
      %dma_start3A_658 = tpu.memref_squeeze %dma_start3A_657 : memref<1x40xi32, #tpu.memory_space<vmem>> -> memref<40xi32, #tpu.memory_space<vmem>>
      %dma_start3A_659 = arith.constant 0 : i32
      %dma_start3A_660 = arith.constant 0 : i32
      %dma_start3A_661 = tpu.memref_slice %arg12[%dma_start3A_659, %dma_start3A_660] : memref<10000x128xf32, #tpu.memory_space<vmem_shared>> -> memref<10000x128xf32, #tpu.memory_space<vmem_shared>>
      tpu.enqueue_indirect_dma source(%dma_start3A_655 : memref<40x128xf32, #tpu.memory_space<vmem>>) target(%dma_start3A_661 : memref<10000x128xf32, #tpu.memory_space<vmem_shared>>) offsets(%dma_start3A_658 : memref<40xi32, #tpu.memory_space<vmem>>) semaphore(%arg19 : memref<!tpu.dma_semaphore, #tpu.memory_space<semaphore_mem>>) {add = true}
      %dma_start3A_662 = arith.constant 1 : i32
      %dma_start3A_663 = arith.constant 7 : i32
      %dma_start3A_664 = arith.constant 40 : i32
      %dma_start3A_665 = arith.constant 0 : i32
      %dma_start3A_666 = tpu.memref_slice %arg10[%dma_start3A_662, %dma_start3A_664, %dma_start3A_665] : memref<2x80x128xf32, #tpu.memory_space<vmem>> -> memref<1x40x128xf32, #tpu.memory_space<vmem>>
      %dma_start3A_667 = tpu.memref_squeeze %dma_start3A_666 : memref<1x40x128xf32, #tpu.memory_space<vmem>> -> memref<40x128xf32, #tpu.memory_space<vmem>>
      %dma_start3A_668 = arith.constant 0 : i32
      %dma_start3A_669 = tpu.memref_slice %arg9[%dma_start3A_663, %dma_start3A_668] : memref<8x40xi32, #tpu.memory_space<vmem>> -> memref<1x40xi32, #tpu.memory_space<vmem>>
      %dma_start3A_670 = tpu.memref_squeeze %dma_start3A_669 : memref<1x40xi32, #tpu.memory_space<vmem>> -> memref<40xi32, #tpu.memory_space<vmem>>
      %dma_start3A_671 = arith.constant 0 : i32
      %dma_start3A_672 = arith.constant 0 : i32
      %dma_start3A_673 = tpu.memref_slice %arg12[%dma_start3A_671, %dma_start3A_672] : memref<10000x128xf32, #tpu.memory_space<vmem_shared>> -> memref<10000x128xf32, #tpu.memory_space<vmem_shared>>
      tpu.enqueue_indirect_dma source(%dma_start3A_667 : memref<40x128xf32, #tpu.memory_space<vmem>>) target(%dma_start3A_673 : memref<10000x128xf32, #tpu.memory_space<vmem_shared>>) offsets(%dma_start3A_670 : memref<40xi32, #tpu.memory_space<vmem>>) semaphore(%arg20 : memref<!tpu.dma_semaphore, #tpu.memory_space<semaphore_mem>>) {add = true}
      %add3A_674 = arith.constant 2 : i32
      %add3A_675 = arith.addi %add3A_591, %add3A_674 : i32
      %lt3A_676 = arith.constant 125 : i32
      %lt3A_677 = arith.cmpi slt, %add3A_675, %lt3A_676 : i32
      %convert_element_type3A_678 = arith.extui %lt3A_677 : i1 to i32
      %cond3A_679 = arith.constant 0 : i32
      %cond3A_680 = arith.cmpi ne, %convert_element_type3A_678, %cond3A_679 : i32
      scf.if %cond3A_680 {
        %add3A_681 = arith.constant 2 : i32
        %add3A_682 = arith.addi %add3A_591, %add3A_681 : i32
        %mul3A_683 = arith.constant 40 : i32
        %mul3A_684 = arith.muli %add3A_682, %mul3A_683 : i32
        %add3A_685 = arith.addi %mul3A_2, %mul3A_684 : i32
        %add3A_686 = arith.constant 160000 : i32
        %add3A_687 = arith.addi %add3A_685, %add3A_686 : i32
        %dma_start3A_688 = arith.constant 2 : i32
        %dma_start3A_689 = arith.constant 0 : i32
        %dma_start3A_690 = tpu.memref_slice %arg8[%dma_start3A_688, %dma_start3A_689] : memref<8x40xi32, #tpu.memory_space<vmem>> -> memref<1x40xi32, #tpu.memory_space<vmem>>
        %dma_start3A_691 = tpu.memref_squeeze %dma_start3A_690 : memref<1x40xi32, #tpu.memory_space<vmem>> -> memref<40xi32, #tpu.memory_space<vmem>>
        %dma_start3A_692 = tpu.memref_slice %arg4[%add3A_685] : memref<320000xi32, #tpu.memory_space<hbm>> -> memref<40xi32, #tpu.memory_space<hbm>>
        %dma_start3A_693 = arith.constant 0 : i32
        %dma_start3A_694 = tpu.memref_slice %arg8[%dma_start3A_688, %dma_start3A_693] : memref<8x40xi32, #tpu.memory_space<vmem>> -> memref<1x40xi32, #tpu.memory_space<vmem>>
        %dma_start3A_695 = tpu.memref_squeeze %dma_start3A_694 : memref<1x40xi32, #tpu.memory_space<vmem>> -> memref<40xi32, #tpu.memory_space<vmem>>
        %dma_start3A_696 = tpu.memref_slice %arg4[%add3A_685] : memref<320000xi32, #tpu.memory_space<hbm>> -> memref<40xi32, #tpu.memory_space<hbm>>
        tpu.enqueue_dma source(%dma_start3A_696 : memref<40xi32, #tpu.memory_space<hbm>>) target(%dma_start3A_695 : memref<40xi32, #tpu.memory_space<vmem>>) target_semaphore(%arg14 : memref<!tpu.dma_semaphore, #tpu.memory_space<semaphore_mem>>)
        %dma_start3A_697 = arith.constant 3 : i32
        %dma_start3A_698 = arith.constant 0 : i32
        %dma_start3A_699 = tpu.memref_slice %arg8[%dma_start3A_697, %dma_start3A_698] : memref<8x40xi32, #tpu.memory_space<vmem>> -> memref<1x40xi32, #tpu.memory_space<vmem>>
        %dma_start3A_700 = tpu.memref_squeeze %dma_start3A_699 : memref<1x40xi32, #tpu.memory_space<vmem>> -> memref<40xi32, #tpu.memory_space<vmem>>
        %dma_start3A_701 = tpu.memref_slice %arg4[%add3A_687] : memref<320000xi32, #tpu.memory_space<hbm>> -> memref<40xi32, #tpu.memory_space<hbm>>
        %dma_start3A_702 = arith.constant 0 : i32
        %dma_start3A_703 = tpu.memref_slice %arg8[%dma_start3A_697, %dma_start3A_702] : memref<8x40xi32, #tpu.memory_space<vmem>> -> memref<1x40xi32, #tpu.memory_space<vmem>>
        %dma_start3A_704 = tpu.memref_squeeze %dma_start3A_703 : memref<1x40xi32, #tpu.memory_space<vmem>> -> memref<40xi32, #tpu.memory_space<vmem>>
        %dma_start3A_705 = tpu.memref_slice %arg4[%add3A_687] : memref<320000xi32, #tpu.memory_space<hbm>> -> memref<40xi32, #tpu.memory_space<hbm>>
        tpu.enqueue_dma source(%dma_start3A_705 : memref<40xi32, #tpu.memory_space<hbm>>) target(%dma_start3A_704 : memref<40xi32, #tpu.memory_space<vmem>>) target_semaphore(%arg14 : memref<!tpu.dma_semaphore, #tpu.memory_space<semaphore_mem>>)
        %dma_start3A_706 = arith.constant 2 : i32
        %dma_start3A_707 = arith.constant 0 : i32
        %dma_start3A_708 = tpu.memref_slice %arg9[%dma_start3A_706, %dma_start3A_707] : memref<8x40xi32, #tpu.memory_space<vmem>> -> memref<1x40xi32, #tpu.memory_space<vmem>>
        %dma_start3A_709 = tpu.memref_squeeze %dma_start3A_708 : memref<1x40xi32, #tpu.memory_space<vmem>> -> memref<40xi32, #tpu.memory_space<vmem>>
        %dma_start3A_710 = tpu.memref_slice %arg5[%add3A_685] : memref<320000xi32, #tpu.memory_space<hbm>> -> memref<40xi32, #tpu.memory_space<hbm>>
        %dma_start3A_711 = arith.constant 0 : i32
        %dma_start3A_712 = tpu.memref_slice %arg9[%dma_start3A_706, %dma_start3A_711] : memref<8x40xi32, #tpu.memory_space<vmem>> -> memref<1x40xi32, #tpu.memory_space<vmem>>
        %dma_start3A_713 = tpu.memref_squeeze %dma_start3A_712 : memref<1x40xi32, #tpu.memory_space<vmem>> -> memref<40xi32, #tpu.memory_space<vmem>>
        %dma_start3A_714 = tpu.memref_slice %arg5[%add3A_685] : memref<320000xi32, #tpu.memory_space<hbm>> -> memref<40xi32, #tpu.memory_space<hbm>>
        tpu.enqueue_dma source(%dma_start3A_714 : memref<40xi32, #tpu.memory_space<hbm>>) target(%dma_start3A_713 : memref<40xi32, #tpu.memory_space<vmem>>) target_semaphore(%arg14 : memref<!tpu.dma_semaphore, #tpu.memory_space<semaphore_mem>>)
        %dma_start3A_715 = arith.constant 3 : i32
        %dma_start3A_716 = arith.constant 0 : i32
        %dma_start3A_717 = tpu.memref_slice %arg9[%dma_start3A_715, %dma_start3A_716] : memref<8x40xi32, #tpu.memory_space<vmem>> -> memref<1x40xi32, #tpu.memory_space<vmem>>
        %dma_start3A_718 = tpu.memref_squeeze %dma_start3A_717 : memref<1x40xi32, #tpu.memory_space<vmem>> -> memref<40xi32, #tpu.memory_space<vmem>>
        %dma_start3A_719 = tpu.memref_slice %arg5[%add3A_687] : memref<320000xi32, #tpu.memory_space<hbm>> -> memref<40xi32, #tpu.memory_space<hbm>>
        %dma_start3A_720 = arith.constant 0 : i32
        %dma_start3A_721 = tpu.memref_slice %arg9[%dma_start3A_715, %dma_start3A_720] : memref<8x40xi32, #tpu.memory_space<vmem>> -> memref<1x40xi32, #tpu.memory_space<vmem>>
        %dma_start3A_722 = tpu.memref_squeeze %dma_start3A_721 : memref<1x40xi32, #tpu.memory_space<vmem>> -> memref<40xi32, #tpu.memory_space<vmem>>
        %dma_start3A_723 = tpu.memref_slice %arg5[%add3A_687] : memref<320000xi32, #tpu.memory_space<hbm>> -> memref<40xi32, #tpu.memory_space<hbm>>
        tpu.enqueue_dma source(%dma_start3A_723 : memref<40xi32, #tpu.memory_space<hbm>>) target(%dma_start3A_722 : memref<40xi32, #tpu.memory_space<vmem>>) target_semaphore(%arg14 : memref<!tpu.dma_semaphore, #tpu.memory_space<semaphore_mem>>)
      } else {
      }
    }
    %scan3A_170 = arith.constant 31 : i32
    %dma_wait3A_171 = arith.constant 0 : i32
    %dma_wait3A_172 = arith.constant 0 : i32
    %dma_wait3A_173 = arith.constant 0 : i32
    %dma_wait3A_174 = tpu.memref_slice %arg10[%dma_wait3A_171, %dma_wait3A_172, %dma_wait3A_173] : memref<2x80x128xf32, #tpu.memory_space<vmem>> -> memref<1x40x128xf32, #tpu.memory_space<vmem>>
    %dma_wait3A_175 = tpu.memref_squeeze %dma_wait3A_174 : memref<1x40x128xf32, #tpu.memory_space<vmem>> -> memref<40x128xf32, #tpu.memory_space<vmem>>
    %dma_wait3A_176 = arith.constant 0 : i32
    %dma_wait3A_177 = arith.constant 0 : i32
    %dma_wait3A_178 = tpu.memref_slice %arg2[%dma_wait3A_176, %dma_wait3A_177] : memref<10000x128xf32, #tpu.memory_space<hbm>> -> memref<40x128xf32, #tpu.memory_space<hbm>>
    %dma_wait3A_179 = arith.constant 0 : i32
    %dma_wait3A_180 = arith.constant 0 : i32
    %dma_wait3A_181 = tpu.memref_slice %arg10[%dma_wait3A_171, %dma_wait3A_179, %dma_wait3A_180] : memref<2x80x128xf32, #tpu.memory_space<vmem>> -> memref<1x40x128xf32, #tpu.memory_space<vmem>>
    %dma_wait3A_182 = tpu.memref_squeeze %dma_wait3A_181 : memref<1x40x128xf32, #tpu.memory_space<vmem>> -> memref<40x128xf32, #tpu.memory_space<vmem>>
    %dma_wait3A_183 = arith.constant 0 : i32
    %dma_wait3A_184 = arith.constant 0 : i32
    %dma_wait3A_185 = tpu.memref_slice %arg2[%dma_wait3A_183, %dma_wait3A_184] : memref<10000x128xf32, #tpu.memory_space<hbm>> -> memref<40x128xf32, #tpu.memory_space<hbm>>
    tpu.wait_dma2 semaphore(%arg17 : memref<!tpu.dma_semaphore, #tpu.memory_space<semaphore_mem>>) src(%dma_wait3A_185 : memref<40x128xf32, #tpu.memory_space<hbm>>) dst(%dma_wait3A_182 : memref<40x128xf32, #tpu.memory_space<vmem>>)
    %dma_wait3A_186 = arith.constant 0 : i32
    %dma_wait3A_187 = arith.constant 0 : i32
    %dma_wait3A_188 = arith.constant 0 : i32
    %dma_wait3A_189 = tpu.memref_slice %arg10[%dma_wait3A_186, %dma_wait3A_187, %dma_wait3A_188] : memref<2x80x128xf32, #tpu.memory_space<vmem>> -> memref<1x40x128xf32, #tpu.memory_space<vmem>>
    %dma_wait3A_190 = tpu.memref_squeeze %dma_wait3A_189 : memref<1x40x128xf32, #tpu.memory_space<vmem>> -> memref<40x128xf32, #tpu.memory_space<vmem>>
    %dma_wait3A_191 = arith.constant 0 : i32
    %dma_wait3A_192 = arith.constant 0 : i32
    %dma_wait3A_193 = tpu.memref_slice %arg2[%dma_wait3A_191, %dma_wait3A_192] : memref<10000x128xf32, #tpu.memory_space<hbm>> -> memref<40x128xf32, #tpu.memory_space<hbm>>
    %dma_wait3A_194 = arith.constant 0 : i32
    %dma_wait3A_195 = arith.constant 0 : i32
    %dma_wait3A_196 = tpu.memref_slice %arg10[%dma_wait3A_186, %dma_wait3A_194, %dma_wait3A_195] : memref<2x80x128xf32, #tpu.memory_space<vmem>> -> memref<1x40x128xf32, #tpu.memory_space<vmem>>
    %dma_wait3A_197 = tpu.memref_squeeze %dma_wait3A_196 : memref<1x40x128xf32, #tpu.memory_space<vmem>> -> memref<40x128xf32, #tpu.memory_space<vmem>>
    %dma_wait3A_198 = arith.constant 0 : i32
    %dma_wait3A_199 = arith.constant 0 : i32
    %dma_wait3A_200 = tpu.memref_slice %arg2[%dma_wait3A_198, %dma_wait3A_199] : memref<10000x128xf32, #tpu.memory_space<hbm>> -> memref<40x128xf32, #tpu.memory_space<hbm>>
    tpu.wait_dma2 semaphore(%arg17 : memref<!tpu.dma_semaphore, #tpu.memory_space<semaphore_mem>>) src(%dma_wait3A_200 : memref<40x128xf32, #tpu.memory_space<hbm>>) dst(%dma_wait3A_197 : memref<40x128xf32, #tpu.memory_space<vmem>>)
    %dma_wait3A_201 = arith.constant 0 : i32
    %dma_wait3A_202 = arith.constant 0 : i32
    %dma_wait3A_203 = arith.constant 0 : i32
    %dma_wait3A_204 = tpu.memref_slice %arg11[%dma_wait3A_201, %dma_wait3A_202, %dma_wait3A_203] : memref<2x40x128xi32, #tpu.memory_space<vmem>> -> memref<1x40x128xi32, #tpu.memory_space<vmem>>
    %dma_wait3A_205 = tpu.memref_squeeze %dma_wait3A_204 : memref<1x40x128xi32, #tpu.memory_space<vmem>> -> memref<40x128xi32, #tpu.memory_space<vmem>>
    %dma_wait3A_206 = arith.constant 0 : i32
    %dma_wait3A_207 = arith.constant 0 : i32
    %dma_wait3A_208 = tpu.memref_slice %arg3[%dma_wait3A_206, %dma_wait3A_207] : memref<160000x128xi32, #tpu.memory_space<hbm>> -> memref<40x128xi32, #tpu.memory_space<hbm>>
    %dma_wait3A_209 = arith.constant 0 : i32
    %dma_wait3A_210 = arith.constant 0 : i32
    %dma_wait3A_211 = tpu.memref_slice %arg11[%dma_wait3A_201, %dma_wait3A_209, %dma_wait3A_210] : memref<2x40x128xi32, #tpu.memory_space<vmem>> -> memref<1x40x128xi32, #tpu.memory_space<vmem>>
    %dma_wait3A_212 = tpu.memref_squeeze %dma_wait3A_211 : memref<1x40x128xi32, #tpu.memory_space<vmem>> -> memref<40x128xi32, #tpu.memory_space<vmem>>
    %dma_wait3A_213 = arith.constant 0 : i32
    %dma_wait3A_214 = arith.constant 0 : i32
    %dma_wait3A_215 = tpu.memref_slice %arg3[%dma_wait3A_213, %dma_wait3A_214] : memref<160000x128xi32, #tpu.memory_space<hbm>> -> memref<40x128xi32, #tpu.memory_space<hbm>>
    tpu.wait_dma2 semaphore(%arg17 : memref<!tpu.dma_semaphore, #tpu.memory_space<semaphore_mem>>) src(%dma_wait3A_215 : memref<40x128xi32, #tpu.memory_space<hbm>>) dst(%dma_wait3A_212 : memref<40x128xi32, #tpu.memory_space<vmem>>)
    %scan3A_216 = arith.constant 0 : i32
    %scan3A_217 = arith.constant 0 : i32
    %scan3A_218 = arith.constant 40 : i32
    %scan3A_219 = arith.addi %scan3A_217, %scan3A_218 : i32
    %scan3A_220 = arith.constant 1 : i32
    scf.for %scan3A_309 = %scan3A_217 to %scan3A_219 step %scan3A_220  : i32 {
      %get3A = arith.constant 0 : i32
      %get3A_310 = arith.index_cast %get3A : i32 to index
      %get3A_311 = arith.index_cast %scan3A_309 : i32 to index
      %get3A_312 = arith.constant 0 : index
      %get3A_313 = tpu.vector_load %arg11[%get3A_310, %get3A_311, %get3A_312] {strides = array<i32>} : memref<2x40x128xi32, #tpu.memory_space<vmem>>, vector<1x1x16xi32>,
      %get3A_314 = vector.shape_cast %get3A_313 : vector<1x1x16xi32> to vector<16xi32>
      %shift_left3A = arith.constant 16 : i32
      %shift_left3A_315 = vector.broadcast %shift_left3A : i32 to vector<16xi32>
      %shift_left3A_316 = arith.shli %get3A_314, %shift_left3A_315 : vector<16xi32>
      %bitcast_convert_type3A = tpu.bitcast %shift_left3A_316 : vector<16xi32> -> vector<16xf32>
      %and3A = arith.constant -65536 : i32
      %and3A_317 = vector.broadcast %and3A : i32 to vector<16xi32>
      %and3A_318 = arith.andi %get3A_314, %and3A_317 : vector<16xi32>
      %bitcast_convert_type3A_319 = tpu.bitcast %and3A_318 : vector<16xi32> -> vector<16xf32>
      %get3A_320 = arith.constant 0 : i32
      %get3A_321 = arith.index_cast %get3A_320 : i32 to index
      %get3A_322 = arith.index_cast %scan3A_309 : i32 to index
      %get3A_323 = arith.constant 0 : index
      %get3A_324 = tpu.vector_load %arg10[%get3A_321, %get3A_322, %get3A_323] {strides = array<i32>} : memref<2x80x128xf32, #tpu.memory_space<vmem>>, vector<1x1x16xf32>,
      %get3A_325 = vector.shape_cast %get3A_324 : vector<1x1x16xf32> to vector<16xf32>
      %mul3A_326 = arith.mulf %get3A_325, %bitcast_convert_type3A : vector<16xf32>
      %swap3A = arith.constant 0 : i32
      %swap3A_327 = arith.index_cast %swap3A : i32 to index
      %swap3A_328 = arith.index_cast %scan3A_309 : i32 to index
      %swap3A_329 = arith.constant 0 : index
      %swap3A_330 = tpu.vector_load %arg10[%swap3A_327, %swap3A_328, %swap3A_329] {strides = array<i32>} : memref<2x80x128xf32, #tpu.memory_space<vmem>>, vector<1x1x16xf32>,
      %swap3A_331 = vector.shape_cast %swap3A_330 : vector<1x1x16xf32> to vector<16xf32>
      %swap3A_332 = vector.shape_cast %mul3A_326 : vector<16xf32> to vector<1x1x16xf32>
      tpu.vector_store %arg10[%swap3A_327, %swap3A_328, %swap3A_329], %swap3A_332 {strides = array<i32>} : memref<2x80x128xf32, #tpu.memory_space<vmem>>, vector<1x1x16xf32>,
      %add3A_333 = arith.constant 40 : i32
      %add3A_334 = arith.addi %add3A_333, %scan3A_309 : i32
      %get3A_335 = arith.constant 0 : i32
      %get3A_336 = arith.index_cast %get3A_335 : i32 to index
      %get3A_337 = arith.index_cast %add3A_334 : i32 to index
      %get3A_338 = arith.constant 0 : index
      %get3A_339 = tpu.vector_load %arg10[%get3A_336, %get3A_337, %get3A_338] {strides = array<i32>} : memref<2x80x128xf32, #tpu.memory_space<vmem>>, vector<1x1x16xf32>,
      %get3A_340 = vector.shape_cast %get3A_339 : vector<1x1x16xf32> to vector<16xf32>
      %mul3A_341 = arith.mulf %get3A_340, %bitcast_convert_type3A_319 : vector<16xf32>
      %add3A_342 = arith.constant 40 : i32
      %add3A_343 = arith.addi %add3A_342, %scan3A_309 : i32
      %swap3A_344 = arith.constant 0 : i32
      %swap3A_345 = arith.index_cast %swap3A_344 : i32 to index
      %swap3A_346 = arith.index_cast %add3A_343 : i32 to index
      %swap3A_347 = arith.constant 0 : index
      %swap3A_348 = tpu.vector_load %arg10[%swap3A_345, %swap3A_346, %swap3A_347] {strides = array<i32>} : memref<2x80x128xf32, #tpu.memory_space<vmem>>, vector<1x1x16xf32>,
      %swap3A_349 = vector.shape_cast %swap3A_348 : vector<1x1x16xf32> to vector<16xf32>
      %swap3A_350 = vector.shape_cast %mul3A_341 : vector<16xf32> to vector<1x1x16xf32>
      tpu.vector_store %arg10[%swap3A_345, %swap3A_346, %swap3A_347], %swap3A_350 {strides = array<i32>} : memref<2x80x128xf32, #tpu.memory_space<vmem>>, vector<1x1x16xf32>,
      %get3A_351 = arith.constant 0 : i32
      %get3A_352 = arith.index_cast %get3A_351 : i32 to index
      %get3A_353 = arith.index_cast %scan3A_309 : i32 to index
      %get3A_354 = arith.constant 16 : index
      %get3A_355 = tpu.vector_load %arg11[%get3A_352, %get3A_353, %get3A_354] {strides = array<i32>} : memref<2x40x128xi32, #tpu.memory_space<vmem>>, vector<1x1x16xi32>,
      %get3A_356 = vector.shape_cast %get3A_355 : vector<1x1x16xi32> to vector<16xi32>
      %shift_left3A_357 = arith.constant 16 : i32
      %shift_left3A_358 = vector.broadcast %shift_left3A_357 : i32 to vector<16xi32>
      %shift_left3A_359 = arith.shli %get3A_356, %shift_left3A_358 : vector<16xi32>
      %bitcast_convert_type3A_360 = tpu.bitcast %shift_left3A_359 : vector<16xi32> -> vector<16xf32>
      %and3A_361 = arith.constant -65536 : i32
      %and3A_362 = vector.broadcast %and3A_361 : i32 to vector<16xi32>
      %and3A_363 = arith.andi %get3A_356, %and3A_362 : vector<16xi32>
      %bitcast_convert_type3A_364 = tpu.bitcast %and3A_363 : vector<16xi32> -> vector<16xf32>
      %get3A_365 = arith.constant 0 : i32
      %get3A_366 = arith.index_cast %get3A_365 : i32 to index
      %get3A_367 = arith.index_cast %scan3A_309 : i32 to index
      %get3A_368 = arith.constant 16 : index
      %get3A_369 = tpu.vector_load %arg10[%get3A_366, %get3A_367, %get3A_368] {strides = array<i32>} : memref<2x80x128xf32, #tpu.memory_space<vmem>>, vector<1x1x16xf32>,
      %get3A_370 = vector.shape_cast %get3A_369 : vector<1x1x16xf32> to vector<16xf32>
      %mul3A_371 = arith.mulf %get3A_370, %bitcast_convert_type3A_360 : vector<16xf32>
      %swap3A_372 = arith.constant 0 : i32
      %swap3A_373 = arith.index_cast %swap3A_372 : i32 to index
      %swap3A_374 = arith.index_cast %scan3A_309 : i32 to index
      %swap3A_375 = arith.constant 16 : index
      %swap3A_376 = tpu.vector_load %arg10[%swap3A_373, %swap3A_374, %swap3A_375] {strides = array<i32>} : memref<2x80x128xf32, #tpu.memory_space<vmem>>, vector<1x1x16xf32>,
      %swap3A_377 = vector.shape_cast %swap3A_376 : vector<1x1x16xf32> to vector<16xf32>
      %swap3A_378 = vector.shape_cast %mul3A_371 : vector<16xf32> to vector<1x1x16xf32>
      tpu.vector_store %arg10[%swap3A_373, %swap3A_374, %swap3A_375], %swap3A_378 {strides = array<i32>} : memref<2x80x128xf32, #tpu.memory_space<vmem>>, vector<1x1x16xf32>,
      %add3A_379 = arith.constant 40 : i32
      %add3A_380 = arith.addi %add3A_379, %scan3A_309 : i32
      %get3A_381 = arith.constant 0 : i32
      %get3A_382 = arith.index_cast %get3A_381 : i32 to index
      %get3A_383 = arith.index_cast %add3A_380 : i32 to index
      %get3A_384 = arith.constant 16 : index
      %get3A_385 = tpu.vector_load %arg10[%get3A_382, %get3A_383, %get3A_384] {strides = array<i32>} : memref<2x80x128xf32, #tpu.memory_space<vmem>>, vector<1x1x16xf32>,
      %get3A_386 = vector.shape_cast %get3A_385 : vector<1x1x16xf32> to vector<16xf32>
      %mul3A_387 = arith.mulf %get3A_386, %bitcast_convert_type3A_364 : vector<16xf32>
      %add3A_388 = arith.constant 40 : i32
      %add3A_389 = arith.addi %add3A_388, %scan3A_309 : i32
      %swap3A_390 = arith.constant 0 : i32
      %swap3A_391 = arith.index_cast %swap3A_390 : i32 to index
      %swap3A_392 = arith.index_cast %add3A_389 : i32 to index
      %swap3A_393 = arith.constant 16 : index
      %swap3A_394 = tpu.vector_load %arg10[%swap3A_391, %swap3A_392, %swap3A_393] {strides = array<i32>} : memref<2x80x128xf32, #tpu.memory_space<vmem>>, vector<1x1x16xf32>,
      %swap3A_395 = vector.shape_cast %swap3A_394 : vector<1x1x16xf32> to vector<16xf32>
      %swap3A_396 = vector.shape_cast %mul3A_387 : vector<16xf32> to vector<1x1x16xf32>
      tpu.vector_store %arg10[%swap3A_391, %swap3A_392, %swap3A_393], %swap3A_396 {strides = array<i32>} : memref<2x80x128xf32, #tpu.memory_space<vmem>>, vector<1x1x16xf32>,
      %get3A_397 = arith.constant 0 : i32
      %get3A_398 = arith.index_cast %get3A_397 : i32 to index
      %get3A_399 = arith.index_cast %scan3A_309 : i32 to index
      %get3A_400 = arith.constant 32 : index
      %get3A_401 = tpu.vector_load %arg11[%get3A_398, %get3A_399, %get3A_400] {strides = array<i32>} : memref<2x40x128xi32, #tpu.memory_space<vmem>>, vector<1x1x16xi32>,
      %get3A_402 = vector.shape_cast %get3A_401 : vector<1x1x16xi32> to vector<16xi32>
      %shift_left3A_403 = arith.constant 16 : i32
      %shift_left3A_404 = vector.broadcast %shift_left3A_403 : i32 to vector<16xi32>
      %shift_left3A_405 = arith.shli %get3A_402, %shift_left3A_404 : vector<16xi32>
      %bitcast_convert_type3A_406 = tpu.bitcast %shift_left3A_405 : vector<16xi32> -> vector<16xf32>
      %and3A_407 = arith.constant -65536 : i32
      %and3A_408 = vector.broadcast %and3A_407 : i32 to vector<16xi32>
      %and3A_409 = arith.andi %get3A_402, %and3A_408 : vector<16xi32>
      %bitcast_convert_type3A_410 = tpu.bitcast %and3A_409 : vector<16xi32> -> vector<16xf32>
      %get3A_411 = arith.constant 0 : i32
      %get3A_412 = arith.index_cast %get3A_411 : i32 to index
      %get3A_413 = arith.index_cast %scan3A_309 : i32 to index
      %get3A_414 = arith.constant 32 : index
      %get3A_415 = tpu.vector_load %arg10[%get3A_412, %get3A_413, %get3A_414] {strides = array<i32>} : memref<2x80x128xf32, #tpu.memory_space<vmem>>, vector<1x1x16xf32>,
      %get3A_416 = vector.shape_cast %get3A_415 : vector<1x1x16xf32> to vector<16xf32>
      %mul3A_417 = arith.mulf %get3A_416, %bitcast_convert_type3A_406 : vector<16xf32>
      %swap3A_418 = arith.constant 0 : i32
      %swap3A_419 = arith.index_cast %swap3A_418 : i32 to index
      %swap3A_420 = arith.index_cast %scan3A_309 : i32 to index
      %swap3A_421 = arith.constant 32 : index
      %swap3A_422 = tpu.vector_load %arg10[%swap3A_419, %swap3A_420, %swap3A_421] {strides = array<i32>} : memref<2x80x128xf32, #tpu.memory_space<vmem>>, vector<1x1x16xf32>,
      %swap3A_423 = vector.shape_cast %swap3A_422 : vector<1x1x16xf32> to vector<16xf32>
      %swap3A_424 = vector.shape_cast %mul3A_417 : vector<16xf32> to vector<1x1x16xf32>
      tpu.vector_store %arg10[%swap3A_419, %swap3A_420, %swap3A_421], %swap3A_424 {strides = array<i32>} : memref<2x80x128xf32, #tpu.memory_space<vmem>>, vector<1x1x16xf32>,
      %add3A_425 = arith.constant 40 : i32
      %add3A_426 = arith.addi %add3A_425, %scan3A_309 : i32
      %get3A_427 = arith.constant 0 : i32
      %get3A_428 = arith.index_cast %get3A_427 : i32 to index
      %get3A_429 = arith.index_cast %add3A_426 : i32 to index
      %get3A_430 = arith.constant 32 : index
      %get3A_431 = tpu.vector_load %arg10[%get3A_428, %get3A_429, %get3A_430] {strides = array<i32>} : memref<2x80x128xf32, #tpu.memory_space<vmem>>, vector<1x1x16xf32>,
      %get3A_432 = vector.shape_cast %get3A_431 : vector<1x1x16xf32> to vector<16xf32>
      %mul3A_433 = arith.mulf %get3A_432, %bitcast_convert_type3A_410 : vector<16xf32>
      %add3A_434 = arith.constant 40 : i32
      %add3A_435 = arith.addi %add3A_434, %scan3A_309 : i32
      %swap3A_436 = arith.constant 0 : i32
      %swap3A_437 = arith.index_cast %swap3A_436 : i32 to index
      %swap3A_438 = arith.index_cast %add3A_435 : i32 to index
      %swap3A_439 = arith.constant 32 : index
      %swap3A_440 = tpu.vector_load %arg10[%swap3A_437, %swap3A_438, %swap3A_439] {strides = array<i32>} : memref<2x80x128xf32, #tpu.memory_space<vmem>>, vector<1x1x16xf32>,
      %swap3A_441 = vector.shape_cast %swap3A_440 : vector<1x1x16xf32> to vector<16xf32>
      %swap3A_442 = vector.shape_cast %mul3A_433 : vector<16xf32> to vector<1x1x16xf32>
      tpu.vector_store %arg10[%swap3A_437, %swap3A_438, %swap3A_439], %swap3A_442 {strides = array<i32>} : memref<2x80x128xf32, #tpu.memory_space<vmem>>, vector<1x1x16xf32>,
      %get3A_443 = arith.constant 0 : i32
      %get3A_444 = arith.index_cast %get3A_443 : i32 to index
      %get3A_445 = arith.index_cast %scan3A_309 : i32 to index
      %get3A_446 = arith.constant 48 : index
      %get3A_447 = tpu.vector_load %arg11[%get3A_444, %get3A_445, %get3A_446] {strides = array<i32>} : memref<2x40x128xi32, #tpu.memory_space<vmem>>, vector<1x1x16xi32>,
      %get3A_448 = vector.shape_cast %get3A_447 : vector<1x1x16xi32> to vector<16xi32>
      %shift_left3A_449 = arith.constant 16 : i32
      %shift_left3A_450 = vector.broadcast %shift_left3A_449 : i32 to vector<16xi32>
      %shift_left3A_451 = arith.shli %get3A_448, %shift_left3A_450 : vector<16xi32>
      %bitcast_convert_type3A_452 = tpu.bitcast %shift_left3A_451 : vector<16xi32> -> vector<16xf32>
      %and3A_453 = arith.constant -65536 : i32
      %and3A_454 = vector.broadcast %and3A_453 : i32 to vector<16xi32>
      %and3A_455 = arith.andi %get3A_448, %and3A_454 : vector<16xi32>
      %bitcast_convert_type3A_456 = tpu.bitcast %and3A_455 : vector<16xi32> -> vector<16xf32>
      %get3A_457 = arith.constant 0 : i32
      %get3A_458 = arith.index_cast %get3A_457 : i32 to index
      %get3A_459 = arith.index_cast %scan3A_309 : i32 to index
      %get3A_460 = arith.constant 48 : index
      %get3A_461 = tpu.vector_load %arg10[%get3A_458, %get3A_459, %get3A_460] {strides = array<i32>} : memref<2x80x128xf32, #tpu.memory_space<vmem>>, vector<1x1x16xf32>,
      %get3A_462 = vector.shape_cast %get3A_461 : vector<1x1x16xf32> to vector<16xf32>
      %mul3A_463 = arith.mulf %get3A_462, %bitcast_convert_type3A_452 : vector<16xf32>
      %swap3A_464 = arith.constant 0 : i32
      %swap3A_465 = arith.index_cast %swap3A_464 : i32 to index
      %swap3A_466 = arith.index_cast %scan3A_309 : i32 to index
      %swap3A_467 = arith.constant 48 : index
      %swap3A_468 = tpu.vector_load %arg10[%swap3A_465, %swap3A_466, %swap3A_467] {strides = array<i32>} : memref<2x80x128xf32, #tpu.memory_space<vmem>>, vector<1x1x16xf32>,
      %swap3A_469 = vector.shape_cast %swap3A_468 : vector<1x1x16xf32> to vector<16xf32>
      %swap3A_470 = vector.shape_cast %mul3A_463 : vector<16xf32> to vector<1x1x16xf32>
      tpu.vector_store %arg10[%swap3A_465, %swap3A_466, %swap3A_467], %swap3A_470 {strides = array<i32>} : memref<2x80x128xf32, #tpu.memory_space<vmem>>, vector<1x1x16xf32>,
      %add3A_471 = arith.constant 40 : i32
      %add3A_472 = arith.addi %add3A_471, %scan3A_309 : i32
      %get3A_473 = arith.constant 0 : i32
      %get3A_474 = arith.index_cast %get3A_473 : i32 to index
      %get3A_475 = arith.index_cast %add3A_472 : i32 to index
      %get3A_476 = arith.constant 48 : index
      %get3A_477 = tpu.vector_load %arg10[%get3A_474, %get3A_475, %get3A_476] {strides = array<i32>} : memref<2x80x128xf32, #tpu.memory_space<vmem>>, vector<1x1x16xf32>,
      %get3A_478 = vector.shape_cast %get3A_477 : vector<1x1x16xf32> to vector<16xf32>
      %mul3A_479 = arith.mulf %get3A_478, %bitcast_convert_type3A_456 : vector<16xf32>
      %add3A_480 = arith.constant 40 : i32
      %add3A_481 = arith.addi %add3A_480, %scan3A_309 : i32
      %swap3A_482 = arith.constant 0 : i32
      %swap3A_483 = arith.index_cast %swap3A_482 : i32 to index
      %swap3A_484 = arith.index_cast %add3A_481 : i32 to index
      %swap3A_485 = arith.constant 48 : index
      %swap3A_486 = tpu.vector_load %arg10[%swap3A_483, %swap3A_484, %swap3A_485] {strides = array<i32>} : memref<2x80x128xf32, #tpu.memory_space<vmem>>, vector<1x1x16xf32>,
      %swap3A_487 = vector.shape_cast %swap3A_486 : vector<1x1x16xf32> to vector<16xf32>
      %swap3A_488 = vector.shape_cast %mul3A_479 : vector<16xf32> to vector<1x1x16xf32>
      tpu.vector_store %arg10[%swap3A_483, %swap3A_484, %swap3A_485], %swap3A_488 {strides = array<i32>} : memref<2x80x128xf32, #tpu.memory_space<vmem>>, vector<1x1x16xf32>,
      %get3A_489 = arith.constant 0 : i32
      %get3A_490 = arith.index_cast %get3A_489 : i32 to index
      %get3A_491 = arith.index_cast %scan3A_309 : i32 to index
      %get3A_492 = arith.constant 64 : index
      %get3A_493 = tpu.vector_load %arg11[%get3A_490, %get3A_491, %get3A_492] {strides = array<i32>} : memref<2x40x128xi32, #tpu.memory_space<vmem>>, vector<1x1x16xi32>,
      %get3A_494 = vector.shape_cast %get3A_493 : vector<1x1x16xi32> to vector<16xi32>
      %shift_left3A_495 = arith.constant 16 : i32
      %shift_left3A_496 = vector.broadcast %shift_left3A_495 : i32 to vector<16xi32>
      %shift_left3A_497 = arith.shli %get3A_494, %shift_left3A_496 : vector<16xi32>
      %bitcast_convert_type3A_498 = tpu.bitcast %shift_left3A_497 : vector<16xi32> -> vector<16xf32>
      %and3A_499 = arith.constant -65536 : i32
      %and3A_500 = vector.broadcast %and3A_499 : i32 to vector<16xi32>
      %and3A_501 = arith.andi %get3A_494, %and3A_500 : vector<16xi32>
      %bitcast_convert_type3A_502 = tpu.bitcast %and3A_501 : vector<16xi32> -> vector<16xf32>
      %get3A_503 = arith.constant 0 : i32
      %get3A_504 = arith.index_cast %get3A_503 : i32 to index
      %get3A_505 = arith.index_cast %scan3A_309 : i32 to index
      %get3A_506 = arith.constant 64 : index
      %get3A_507 = tpu.vector_load %arg10[%get3A_504, %get3A_505, %get3A_506] {strides = array<i32>} : memref<2x80x128xf32, #tpu.memory_space<vmem>>, vector<1x1x16xf32>,
      %get3A_508 = vector.shape_cast %get3A_507 : vector<1x1x16xf32> to vector<16xf32>
      %mul3A_509 = arith.mulf %get3A_508, %bitcast_convert_type3A_498 : vector<16xf32>
      %swap3A_510 = arith.constant 0 : i32
      %swap3A_511 = arith.index_cast %swap3A_510 : i32 to index
      %swap3A_512 = arith.index_cast %scan3A_309 : i32 to index
      %swap3A_513 = arith.constant 64 : index
      %swap3A_514 = tpu.vector_load %arg10[%swap3A_511, %swap3A_512, %swap3A_513] {strides = array<i32>} : memref<2x80x128xf32, #tpu.memory_space<vmem>>, vector<1x1x16xf32>,
      %swap3A_515 = vector.shape_cast %swap3A_514 : vector<1x1x16xf32> to vector<16xf32>
      %swap3A_516 = vector.shape_cast %mul3A_509 : vector<16xf32> to vector<1x1x16xf32>
      tpu.vector_store %arg10[%swap3A_511, %swap3A_512, %swap3A_513], %swap3A_516 {strides = array<i32>} : memref<2x80x128xf32, #tpu.memory_space<vmem>>, vector<1x1x16xf32>,
      %add3A_517 = arith.constant 40 : i32
      %add3A_518 = arith.addi %add3A_517, %scan3A_309 : i32
      %get3A_519 = arith.constant 0 : i32
      %get3A_520 = arith.index_cast %get3A_519 : i32 to index
      %get3A_521 = arith.index_cast %add3A_518 : i32 to index
      %get3A_522 = arith.constant 64 : index
      %get3A_523 = tpu.vector_load %arg10[%get3A_520, %get3A_521, %get3A_522] {strides = array<i32>} : memref<2x80x128xf32, #tpu.memory_space<vmem>>, vector<1x1x16xf32>,
      %get3A_524 = vector.shape_cast %get3A_523 : vector<1x1x16xf32> to vector<16xf32>
      %mul3A_525 = arith.mulf %get3A_524, %bitcast_convert_type3A_502 : vector<16xf32>
      %add3A_526 = arith.constant 40 : i32
      %add3A_527 = arith.addi %add3A_526, %scan3A_309 : i32
      %swap3A_528 = arith.constant 0 : i32
      %swap3A_529 = arith.index_cast %swap3A_528 : i32 to index
      %swap3A_530 = arith.index_cast %add3A_527 : i32 to index
      %swap3A_531 = arith.constant 64 : index
      %swap3A_532 = tpu.vector_load %arg10[%swap3A_529, %swap3A_530, %swap3A_531] {strides = array<i32>} : memref<2x80x128xf32, #tpu.memory_space<vmem>>, vector<1x1x16xf32>,
      %swap3A_533 = vector.shape_cast %swap3A_532 : vector<1x1x16xf32> to vector<16xf32>
      %swap3A_534 = vector.shape_cast %mul3A_525 : vector<16xf32> to vector<1x1x16xf32>
      tpu.vector_store %arg10[%swap3A_529, %swap3A_530, %swap3A_531], %swap3A_534 {strides = array<i32>} : memref<2x80x128xf32, #tpu.memory_space<vmem>>, vector<1x1x16xf32>,
      %get3A_535 = arith.constant 0 : i32
      %get3A_536 = arith.index_cast %get3A_535 : i32 to index
      %get3A_537 = arith.index_cast %scan3A_309 : i32 to index
      %get3A_538 = arith.constant 80 : index
      %get3A_539 = tpu.vector_load %arg11[%get3A_536, %get3A_537, %get3A_538] {strides = array<i32>} : memref<2x40x128xi32, #tpu.memory_space<vmem>>, vector<1x1x16xi32>,
      %get3A_540 = vector.shape_cast %get3A_539 : vector<1x1x16xi32> to vector<16xi32>
      %shift_left3A_541 = arith.constant 16 : i32
      %shift_left3A_542 = vector.broadcast %shift_left3A_541 : i32 to vector<16xi32>
      %shift_left3A_543 = arith.shli %get3A_540, %shift_left3A_542 : vector<16xi32>
      %bitcast_convert_type3A_544 = tpu.bitcast %shift_left3A_543 : vector<16xi32> -> vector<16xf32>
      %and3A_545 = arith.constant -65536 : i32
      %and3A_546 = vector.broadcast %and3A_545 : i32 to vector<16xi32>
      %and3A_547 = arith.andi %get3A_540, %and3A_546 : vector<16xi32>
      %bitcast_convert_type3A_548 = tpu.bitcast %and3A_547 : vector<16xi32> -> vector<16xf32>
      %get3A_549 = arith.constant 0 : i32
      %get3A_550 = arith.index_cast %get3A_549 : i32 to index
      %get3A_551 = arith.index_cast %scan3A_309 : i32 to index
      %get3A_552 = arith.constant 80 : index
      %get3A_553 = tpu.vector_load %arg10[%get3A_550, %get3A_551, %get3A_552] {strides = array<i32>} : memref<2x80x128xf32, #tpu.memory_space<vmem>>, vector<1x1x16xf32>,
      %get3A_554 = vector.shape_cast %get3A_553 : vector<1x1x16xf32> to vector<16xf32>
      %mul3A_555 = arith.mulf %get3A_554, %bitcast_convert_type3A_544 : vector<16xf32>
      %swap3A_556 = arith.constant 0 : i32
      %swap3A_557 = arith.index_cast %swap3A_556 : i32 to index
      %swap3A_558 = arith.index_cast %scan3A_309 : i32 to index
      %swap3A_559 = arith.constant 80 : index
      %swap3A_560 = tpu.vector_load %arg10[%swap3A_557, %swap3A_558, %swap3A_559] {strides = array<i32>} : memref<2x80x128xf32, #tpu.memory_space<vmem>>, vector<1x1x16xf32>,
      %swap3A_561 = vector.shape_cast %swap3A_560 : vector<1x1x16xf32> to vector<16xf32>
      %swap3A_562 = vector.shape_cast %mul3A_555 : vector<16xf32> to vector<1x1x16xf32>
      tpu.vector_store %arg10[%swap3A_557, %swap3A_558, %swap3A_559], %swap3A_562 {strides = array<i32>} : memref<2x80x128xf32, #tpu.memory_space<vmem>>, vector<1x1x16xf32>,
      %add3A_563 = arith.constant 40 : i32
      %add3A_564 = arith.addi %add3A_563, %scan3A_309 : i32
      %get3A_565 = arith.constant 0 : i32
      %get3A_566 = arith.index_cast %get3A_565 : i32 to index
      %get3A_567 = arith.index_cast %add3A_564 : i32 to index
      %get3A_568 = arith.constant 80 : index
      %get3A_569 = tpu.vector_load %arg10[%get3A_566, %get3A_567, %get3A_568] {strides = array<i32>} : memref<2x80x128xf32, #tpu.memory_space<vmem>>, vector<1x1x16xf32>,
      %get3A_570 = vector.shape_cast %get3A_569 : vector<1x1x16xf32> to vector<16xf32>
      %mul3A_571 = arith.mulf %get3A_570, %bitcast_convert_type3A_548 : vector<16xf32>
      %add3A_572 = arith.constant 40 : i32
      %add3A_573 = arith.addi %add3A_572, %scan3A_309 : i32
      %swap3A_574 = arith.constant 0 : i32
      %swap3A_575 = arith.index_cast %swap3A_574 : i32 to index
      %swap3A_576 = arith.index_cast %add3A_573 : i32 to index
      %swap3A_577 = arith.constant 80 : index
      %swap3A_578 = tpu.vector_load %arg10[%swap3A_575, %swap3A_576, %swap3A_577] {strides = array<i32>} : memref<2x80x128xf32, #tpu.memory_space<vmem>>, vector<1x1x16xf32>,
      %swap3A_579 = vector.shape_cast %swap3A_578 : vector<1x1x16xf32> to vector<16xf32>
      %swap3A_580 = vector.shape_cast %mul3A_571 : vector<16xf32> to vector<1x1x16xf32>
      tpu.vector_store %arg10[%swap3A_575, %swap3A_576, %swap3A_577], %swap3A_580 {strides = array<i32>} : memref<2x80x128xf32, #tpu.memory_space<vmem>>, vector<1x1x16xf32>,
      %get3A_581 = arith.constant 0 : i32
      %get3A_582 = arith.index_cast %get3A_581 : i32 to index
      %get3A_583 = arith.index_cast %scan3A_309 : i32 to index
      %get3A_584 = arith.constant 96 : index
      %get3A_585 = tpu.vector_load %arg11[%get3A_582, %get3A_583, %get3A_584] {strides = array<i32>} : memref<2x40x128xi32, #tpu.memory_space<vmem>>, vector<1x1x16xi32>,
      %get3A_586 = vector.shape_cast %get3A_585 : vector<1x1x16xi32> to vector<16xi32>
      %shift_left3A_587 = arith.constant 16 : i32
      %shift_left3A_588 = vector.broadcast %shift_left3A_587 : i32 to vector<16xi32>
      %shift_left3A_589 = arith.shli %get3A_586, %shift_left3A_588 : vector<16xi32>
      %bitcast_convert_type3A_590 = tpu.bitcast %shift_left3A_589 : vector<16xi32> -> vector<16xf32>
      %and3A_591 = arith.constant -65536 : i32
      %and3A_592 = vector.broadcast %and3A_591 : i32 to vector<16xi32>
      %and3A_593 = arith.andi %get3A_586, %and3A_592 : vector<16xi32>
      %bitcast_convert_type3A_594 = tpu.bitcast %and3A_593 : vector<16xi32> -> vector<16xf32>
      %get3A_595 = arith.constant 0 : i32
      %get3A_596 = arith.index_cast %get3A_595 : i32 to index
      %get3A_597 = arith.index_cast %scan3A_309 : i32 to index
      %get3A_598 = arith.constant 96 : index
      %get3A_599 = tpu.vector_load %arg10[%get3A_596, %get3A_597, %get3A_598] {strides = array<i32>} : memref<2x80x128xf32, #tpu.memory_space<vmem>>, vector<1x1x16xf32>,
      %get3A_600 = vector.shape_cast %get3A_599 : vector<1x1x16xf32> to vector<16xf32>
      %mul3A_601 = arith.mulf %get3A_600, %bitcast_convert_type3A_590 : vector<16xf32>
      %swap3A_602 = arith.constant 0 : i32
      %swap3A_603 = arith.index_cast %swap3A_602 : i32 to index
      %swap3A_604 = arith.index_cast %scan3A_309 : i32 to index
      %swap3A_605 = arith.constant 96 : index
      %swap3A_606 = tpu.vector_load %arg10[%swap3A_603, %swap3A_604, %swap3A_605] {strides = array<i32>} : memref<2x80x128xf32, #tpu.memory_space<vmem>>, vector<1x1x16xf32>,
      %swap3A_607 = vector.shape_cast %swap3A_606 : vector<1x1x16xf32> to vector<16xf32>
      %swap3A_608 = vector.shape_cast %mul3A_601 : vector<16xf32> to vector<1x1x16xf32>
      tpu.vector_store %arg10[%swap3A_603, %swap3A_604, %swap3A_605], %swap3A_608 {strides = array<i32>} : memref<2x80x128xf32, #tpu.memory_space<vmem>>, vector<1x1x16xf32>,
      %add3A_609 = arith.constant 40 : i32
      %add3A_610 = arith.addi %add3A_609, %scan3A_309 : i32
      %get3A_611 = arith.constant 0 : i32
      %get3A_612 = arith.index_cast %get3A_611 : i32 to index
      %get3A_613 = arith.index_cast %add3A_610 : i32 to index
      %get3A_614 = arith.constant 96 : index
      %get3A_615 = tpu.vector_load %arg10[%get3A_612, %get3A_613, %get3A_614] {strides = array<i32>} : memref<2x80x128xf32, #tpu.memory_space<vmem>>, vector<1x1x16xf32>,
      %get3A_616 = vector.shape_cast %get3A_615 : vector<1x1x16xf32> to vector<16xf32>
      %mul3A_617 = arith.mulf %get3A_616, %bitcast_convert_type3A_594 : vector<16xf32>
      %add3A_618 = arith.constant 40 : i32
      %add3A_619 = arith.addi %add3A_618, %scan3A_309 : i32
      %swap3A_620 = arith.constant 0 : i32
      %swap3A_621 = arith.index_cast %swap3A_620 : i32 to index
      %swap3A_622 = arith.index_cast %add3A_619 : i32 to index
      %swap3A_623 = arith.constant 96 : index
      %swap3A_624 = tpu.vector_load %arg10[%swap3A_621, %swap3A_622, %swap3A_623] {strides = array<i32>} : memref<2x80x128xf32, #tpu.memory_space<vmem>>, vector<1x1x16xf32>,
      %swap3A_625 = vector.shape_cast %swap3A_624 : vector<1x1x16xf32> to vector<16xf32>
      %swap3A_626 = vector.shape_cast %mul3A_617 : vector<16xf32> to vector<1x1x16xf32>
      tpu.vector_store %arg10[%swap3A_621, %swap3A_622, %swap3A_623], %swap3A_626 {strides = array<i32>} : memref<2x80x128xf32, #tpu.memory_space<vmem>>, vector<1x1x16xf32>,
      %get3A_627 = arith.constant 0 : i32
      %get3A_628 = arith.index_cast %get3A_627 : i32 to index
      %get3A_629 = arith.index_cast %scan3A_309 : i32 to index
      %get3A_630 = arith.constant 112 : index
      %get3A_631 = tpu.vector_load %arg11[%get3A_628, %get3A_629, %get3A_630] {strides = array<i32>} : memref<2x40x128xi32, #tpu.memory_space<vmem>>, vector<1x1x16xi32>,
      %get3A_632 = vector.shape_cast %get3A_631 : vector<1x1x16xi32> to vector<16xi32>
      %shift_left3A_633 = arith.constant 16 : i32
      %shift_left3A_634 = vector.broadcast %shift_left3A_633 : i32 to vector<16xi32>
      %shift_left3A_635 = arith.shli %get3A_632, %shift_left3A_634 : vector<16xi32>
      %bitcast_convert_type3A_636 = tpu.bitcast %shift_left3A_635 : vector<16xi32> -> vector<16xf32>
      %and3A_637 = arith.constant -65536 : i32
      %and3A_638 = vector.broadcast %and3A_637 : i32 to vector<16xi32>
      %and3A_639 = arith.andi %get3A_632, %and3A_638 : vector<16xi32>
      %bitcast_convert_type3A_640 = tpu.bitcast %and3A_639 : vector<16xi32> -> vector<16xf32>
      %get3A_641 = arith.constant 0 : i32
      %get3A_642 = arith.index_cast %get3A_641 : i32 to index
      %get3A_643 = arith.index_cast %scan3A_309 : i32 to index
      %get3A_644 = arith.constant 112 : index
      %get3A_645 = tpu.vector_load %arg10[%get3A_642, %get3A_643, %get3A_644] {strides = array<i32>} : memref<2x80x128xf32, #tpu.memory_space<vmem>>, vector<1x1x16xf32>,
      %get3A_646 = vector.shape_cast %get3A_645 : vector<1x1x16xf32> to vector<16xf32>
      %mul3A_647 = arith.mulf %get3A_646, %bitcast_convert_type3A_636 : vector<16xf32>
      %swap3A_648 = arith.constant 0 : i32
      %swap3A_649 = arith.index_cast %swap3A_648 : i32 to index
      %swap3A_650 = arith.index_cast %scan3A_309 : i32 to index
      %swap3A_651 = arith.constant 112 : index
      %swap3A_652 = tpu.vector_load %arg10[%swap3A_649, %swap3A_650, %swap3A_651] {strides = array<i32>} : memref<2x80x128xf32, #tpu.memory_space<vmem>>, vector<1x1x16xf32>,
      %swap3A_653 = vector.shape_cast %swap3A_652 : vector<1x1x16xf32> to vector<16xf32>
      %swap3A_654 = vector.shape_cast %mul3A_647 : vector<16xf32> to vector<1x1x16xf32>
      tpu.vector_store %arg10[%swap3A_649, %swap3A_650, %swap3A_651], %swap3A_654 {strides = array<i32>} : memref<2x80x128xf32, #tpu.memory_space<vmem>>, vector<1x1x16xf32>,
      %add3A_655 = arith.constant 40 : i32
      %add3A_656 = arith.addi %add3A_655, %scan3A_309 : i32
      %get3A_657 = arith.constant 0 : i32
      %get3A_658 = arith.index_cast %get3A_657 : i32 to index
      %get3A_659 = arith.index_cast %add3A_656 : i32 to index
      %get3A_660 = arith.constant 112 : index
      %get3A_661 = tpu.vector_load %arg10[%get3A_658, %get3A_659, %get3A_660] {strides = array<i32>} : memref<2x80x128xf32, #tpu.memory_space<vmem>>, vector<1x1x16xf32>,
      %get3A_662 = vector.shape_cast %get3A_661 : vector<1x1x16xf32> to vector<16xf32>
      %mul3A_663 = arith.mulf %get3A_662, %bitcast_convert_type3A_640 : vector<16xf32>
      %add3A_664 = arith.constant 40 : i32
      %add3A_665 = arith.addi %add3A_664, %scan3A_309 : i32
      %swap3A_666 = arith.constant 0 : i32
      %swap3A_667 = arith.index_cast %swap3A_666 : i32 to index
      %swap3A_668 = arith.index_cast %add3A_665 : i32 to index
      %swap3A_669 = arith.constant 112 : index
      %swap3A_670 = tpu.vector_load %arg10[%swap3A_667, %swap3A_668, %swap3A_669] {strides = array<i32>} : memref<2x80x128xf32, #tpu.memory_space<vmem>>, vector<1x1x16xf32>,
      %swap3A_671 = vector.shape_cast %swap3A_670 : vector<1x1x16xf32> to vector<16xf32>
      %swap3A_672 = vector.shape_cast %mul3A_663 : vector<16xf32> to vector<1x1x16xf32>
      tpu.vector_store %arg10[%swap3A_667, %swap3A_668, %swap3A_669], %swap3A_672 {strides = array<i32>} : memref<2x80x128xf32, #tpu.memory_space<vmem>>, vector<1x1x16xf32>,
    }
    %scan3A_221 = arith.constant 40 : i32
    %dma_start3A_222 = arith.constant 0 : i32
    %dma_start3A_223 = arith.constant 0 : i32
    %dma_start3A_224 = arith.constant 0 : i32
    %dma_start3A_225 = arith.constant 0 : i32
    %dma_start3A_226 = tpu.memref_slice %arg10[%dma_start3A_222, %dma_start3A_224, %dma_start3A_225] : memref<2x80x128xf32, #tpu.memory_space<vmem>> -> memref<1x40x128xf32, #tpu.memory_space<vmem>>
    %dma_start3A_227 = tpu.memref_squeeze %dma_start3A_226 : memref<1x40x128xf32, #tpu.memory_space<vmem>> -> memref<40x128xf32, #tpu.memory_space<vmem>>
    %dma_start3A_228 = arith.constant 0 : i32
    %dma_start3A_229 = tpu.memref_slice %arg9[%dma_start3A_223, %dma_start3A_228] : memref<8x40xi32, #tpu.memory_space<vmem>> -> memref<1x40xi32, #tpu.memory_space<vmem>>
    %dma_start3A_230 = tpu.memref_squeeze %dma_start3A_229 : memref<1x40xi32, #tpu.memory_space<vmem>> -> memref<40xi32, #tpu.memory_space<vmem>>
    %dma_start3A_231 = arith.constant 0 : i32
    %dma_start3A_232 = arith.constant 0 : i32
    %dma_start3A_233 = tpu.memref_slice %arg12[%dma_start3A_231, %dma_start3A_232] : memref<10000x128xf32, #tpu.memory_space<vmem_shared>> -> memref<10000x128xf32, #tpu.memory_space<vmem_shared>>
    tpu.enqueue_indirect_dma source(%dma_start3A_227 : memref<40x128xf32, #tpu.memory_space<vmem>>) target(%dma_start3A_233 : memref<10000x128xf32, #tpu.memory_space<vmem_shared>>) offsets(%dma_start3A_230 : memref<40xi32, #tpu.memory_space<vmem>>) semaphore(%arg19 : memref<!tpu.dma_semaphore, #tpu.memory_space<semaphore_mem>>) {add = true}
    %dma_start3A_234 = arith.constant 0 : i32
    %dma_start3A_235 = arith.constant 1 : i32
    %dma_start3A_236 = arith.constant 40 : i32
    %dma_start3A_237 = arith.constant 0 : i32
    %dma_start3A_238 = tpu.memref_slice %arg10[%dma_start3A_234, %dma_start3A_236, %dma_start3A_237] : memref<2x80x128xf32, #tpu.memory_space<vmem>> -> memref<1x40x128xf32, #tpu.memory_space<vmem>>
    %dma_start3A_239 = tpu.memref_squeeze %dma_start3A_238 : memref<1x40x128xf32, #tpu.memory_space<vmem>> -> memref<40x128xf32, #tpu.memory_space<vmem>>
    %dma_start3A_240 = arith.constant 0 : i32
    %dma_start3A_241 = tpu.memref_slice %arg9[%dma_start3A_235, %dma_start3A_240] : memref<8x40xi32, #tpu.memory_space<vmem>> -> memref<1x40xi32, #tpu.memory_space<vmem>>
    %dma_start3A_242 = tpu.memref_squeeze %dma_start3A_241 : memref<1x40xi32, #tpu.memory_space<vmem>> -> memref<40xi32, #tpu.memory_space<vmem>>
    %dma_start3A_243 = arith.constant 0 : i32
    %dma_start3A_244 = arith.constant 0 : i32
    %dma_start3A_245 = tpu.memref_slice %arg12[%dma_start3A_243, %dma_start3A_244] : memref<10000x128xf32, #tpu.memory_space<vmem_shared>> -> memref<10000x128xf32, #tpu.memory_space<vmem_shared>>
    tpu.enqueue_indirect_dma source(%dma_start3A_239 : memref<40x128xf32, #tpu.memory_space<vmem>>) target(%dma_start3A_245 : memref<10000x128xf32, #tpu.memory_space<vmem_shared>>) offsets(%dma_start3A_242 : memref<40xi32, #tpu.memory_space<vmem>>) semaphore(%arg20 : memref<!tpu.dma_semaphore, #tpu.memory_space<semaphore_mem>>) {add = true}
    %dma_wait3A_246 = arith.constant 0 : i32
    %dma_wait3A_247 = arith.constant 0 : i32
    %dma_wait3A_248 = arith.constant 0 : i32
    %dma_wait3A_249 = tpu.memref_slice %arg10[%dma_wait3A_246, %dma_wait3A_247, %dma_wait3A_248] : memref<2x80x128xf32, #tpu.memory_space<vmem>> -> memref<1x40x128xf32, #tpu.memory_space<vmem>>
    %dma_wait3A_250 = tpu.memref_squeeze %dma_wait3A_249 : memref<1x40x128xf32, #tpu.memory_space<vmem>> -> memref<40x128xf32, #tpu.memory_space<vmem>>
    %dma_wait3A_251 = arith.constant 0 : i32
    %dma_wait3A_252 = arith.constant 0 : i32
    %dma_wait3A_253 = tpu.memref_slice %arg2[%dma_wait3A_251, %dma_wait3A_252] : memref<10000x128xf32, #tpu.memory_space<hbm>> -> memref<40x128xf32, #tpu.memory_space<hbm>>
    %dma_wait3A_254 = arith.constant 0 : i32
    %dma_wait3A_255 = arith.constant 0 : i32
    %dma_wait3A_256 = tpu.memref_slice %arg10[%dma_wait3A_246, %dma_wait3A_254, %dma_wait3A_255] : memref<2x80x128xf32, #tpu.memory_space<vmem>> -> memref<1x40x128xf32, #tpu.memory_space<vmem>>
    %dma_wait3A_257 = tpu.memref_squeeze %dma_wait3A_256 : memref<1x40x128xf32, #tpu.memory_space<vmem>> -> memref<40x128xf32, #tpu.memory_space<vmem>>
    %dma_wait3A_258 = arith.constant 0 : i32
    %dma_wait3A_259 = arith.constant 0 : i32
    %dma_wait3A_260 = tpu.memref_slice %arg2[%dma_wait3A_258, %dma_wait3A_259] : memref<10000x128xf32, #tpu.memory_space<hbm>> -> memref<40x128xf32, #tpu.memory_space<hbm>>
    tpu.wait_dma2 semaphore(%arg19 : memref<!tpu.dma_semaphore, #tpu.memory_space<semaphore_mem>>) src(%dma_wait3A_260 : memref<40x128xf32, #tpu.memory_space<hbm>>) dst(%dma_wait3A_257 : memref<40x128xf32, #tpu.memory_space<vmem>>)
    %dma_wait3A_261 = arith.constant 0 : i32
    %dma_wait3A_262 = arith.constant 0 : i32
    %dma_wait3A_263 = arith.constant 0 : i32
    %dma_wait3A_264 = tpu.memref_slice %arg10[%dma_wait3A_261, %dma_wait3A_262, %dma_wait3A_263] : memref<2x80x128xf32, #tpu.memory_space<vmem>> -> memref<1x40x128xf32, #tpu.memory_space<vmem>>
    %dma_wait3A_265 = tpu.memref_squeeze %dma_wait3A_264 : memref<1x40x128xf32, #tpu.memory_space<vmem>> -> memref<40x128xf32, #tpu.memory_space<vmem>>
    %dma_wait3A_266 = arith.constant 0 : i32
    %dma_wait3A_267 = arith.constant 0 : i32
    %dma_wait3A_268 = tpu.memref_slice %arg2[%dma_wait3A_266, %dma_wait3A_267] : memref<10000x128xf32, #tpu.memory_space<hbm>> -> memref<40x128xf32, #tpu.memory_space<hbm>>
    %dma_wait3A_269 = arith.constant 0 : i32
    %dma_wait3A_270 = arith.constant 0 : i32
    %dma_wait3A_271 = tpu.memref_slice %arg10[%dma_wait3A_261, %dma_wait3A_269, %dma_wait3A_270] : memref<2x80x128xf32, #tpu.memory_space<vmem>> -> memref<1x40x128xf32, #tpu.memory_space<vmem>>
    %dma_wait3A_272 = tpu.memref_squeeze %dma_wait3A_271 : memref<1x40x128xf32, #tpu.memory_space<vmem>> -> memref<40x128xf32, #tpu.memory_space<vmem>>
    %dma_wait3A_273 = arith.constant 0 : i32
    %dma_wait3A_274 = arith.constant 0 : i32
    %dma_wait3A_275 = tpu.memref_slice %arg2[%dma_wait3A_273, %dma_wait3A_274] : memref<10000x128xf32, #tpu.memory_space<hbm>> -> memref<40x128xf32, #tpu.memory_space<hbm>>
    tpu.wait_dma2 semaphore(%arg20 : memref<!tpu.dma_semaphore, #tpu.memory_space<semaphore_mem>>) src(%dma_wait3A_275 : memref<40x128xf32, #tpu.memory_space<hbm>>) dst(%dma_wait3A_272 : memref<40x128xf32, #tpu.memory_space<vmem>>)
    %dma_wait3A_276 = arith.constant 0 : i32
    %dma_wait3A_277 = arith.constant 0 : i32
    %dma_wait3A_278 = arith.constant 0 : i32
    %dma_wait3A_279 = tpu.memref_slice %arg10[%dma_wait3A_276, %dma_wait3A_277, %dma_wait3A_278] : memref<2x80x128xf32, #tpu.memory_space<vmem>> -> memref<1x40x128xf32, #tpu.memory_space<vmem>>
    %dma_wait3A_280 = tpu.memref_squeeze %dma_wait3A_279 : memref<1x40x128xf32, #tpu.memory_space<vmem>> -> memref<40x128xf32, #tpu.memory_space<vmem>>
    %dma_wait3A_281 = arith.constant 0 : i32
    %dma_wait3A_282 = arith.constant 0 : i32
    %dma_wait3A_283 = tpu.memref_slice %arg2[%dma_wait3A_281, %dma_wait3A_282] : memref<10000x128xf32, #tpu.memory_space<hbm>> -> memref<40x128xf32, #tpu.memory_space<hbm>>
    %dma_wait3A_284 = arith.constant 0 : i32
    %dma_wait3A_285 = arith.constant 0 : i32
    %dma_wait3A_286 = tpu.memref_slice %arg10[%dma_wait3A_276, %dma_wait3A_284, %dma_wait3A_285] : memref<2x80x128xf32, #tpu.memory_space<vmem>> -> memref<1x40x128xf32, #tpu.memory_space<vmem>>
    %dma_wait3A_287 = tpu.memref_squeeze %dma_wait3A_286 : memref<1x40x128xf32, #tpu.memory_space<vmem>> -> memref<40x128xf32, #tpu.memory_space<vmem>>
    %dma_wait3A_288 = arith.constant 0 : i32
    %dma_wait3A_289 = arith.constant 0 : i32
    %dma_wait3A_290 = tpu.memref_slice %arg2[%dma_wait3A_288, %dma_wait3A_289] : memref<10000x128xf32, #tpu.memory_space<hbm>> -> memref<40x128xf32, #tpu.memory_space<hbm>>
    tpu.wait_dma2 semaphore(%arg19 : memref<!tpu.dma_semaphore, #tpu.memory_space<semaphore_mem>>) src(%dma_wait3A_290 : memref<40x128xf32, #tpu.memory_space<hbm>>) dst(%dma_wait3A_287 : memref<40x128xf32, #tpu.memory_space<vmem>>)
    %dma_wait3A_291 = arith.constant 0 : i32
    %dma_wait3A_292 = arith.constant 0 : i32
    %dma_wait3A_293 = arith.constant 0 : i32
    %dma_wait3A_294 = tpu.memref_slice %arg10[%dma_wait3A_291, %dma_wait3A_292, %dma_wait3A_293] : memref<2x80x128xf32, #tpu.memory_space<vmem>> -> memref<1x40x128xf32, #tpu.memory_space<vmem>>
    %dma_wait3A_295 = tpu.memref_squeeze %dma_wait3A_294 : memref<1x40x128xf32, #tpu.memory_space<vmem>> -> memref<40x128xf32, #tpu.memory_space<vmem>>
    %dma_wait3A_296 = arith.constant 0 : i32
    %dma_wait3A_297 = arith.constant 0 : i32
    %dma_wait3A_298 = tpu.memref_slice %arg2[%dma_wait3A_296, %dma_wait3A_297] : memref<10000x128xf32, #tpu.memory_space<hbm>> -> memref<40x128xf32, #tpu.memory_space<hbm>>
    %dma_wait3A_299 = arith.constant 0 : i32
    %dma_wait3A_300 = arith.constant 0 : i32
    %dma_wait3A_301 = tpu.memref_slice %arg10[%dma_wait3A_291, %dma_wait3A_299, %dma_wait3A_300] : memref<2x80x128xf32, #tpu.memory_space<vmem>> -> memref<1x40x128xf32, #tpu.memory_space<vmem>>
    %dma_wait3A_302 = tpu.memref_squeeze %dma_wait3A_301 : memref<1x40x128xf32, #tpu.memory_space<vmem>> -> memref<40x128xf32, #tpu.memory_space<vmem>>
    %dma_wait3A_303 = arith.constant 0 : i32
    %dma_wait3A_304 = arith.constant 0 : i32
    %dma_wait3A_305 = tpu.memref_slice %arg2[%dma_wait3A_303, %dma_wait3A_304] : memref<10000x128xf32, #tpu.memory_space<hbm>> -> memref<40x128xf32, #tpu.memory_space<hbm>>
    tpu.wait_dma2 semaphore(%arg20 : memref<!tpu.dma_semaphore, #tpu.memory_space<semaphore_mem>>) src(%dma_wait3A_305 : memref<40x128xf32, #tpu.memory_space<hbm>>) dst(%dma_wait3A_302 : memref<40x128xf32, #tpu.memory_space<vmem>>)
    %barrier3A_306 = arith.constant 0 : index
    tpu.barrier barrier_id(%barrier3A_306)
    %eq3A = arith.constant 0 : i32
    %eq3A_307 = arith.cmpi eq, %arg1, %eq3A : i32
    %convert_element_type3A = arith.extui %eq3A_307 : i1 to i32
    %cond3A = arith.constant 0 : i32
    %cond3A_308 = arith.cmpi ne, %convert_element_type3A, %cond3A : i32
    scf.if %cond3A_308 {
      "tpu.region"() ({
        %run_scoped3A = tpu.sem_alloc : memref<!tpu.dma_semaphore, #tpu.memory_space<semaphore_mem>>
        %dma_start3A_309 = arith.constant 0 : i32
        %dma_start3A_310 = arith.constant 0 : i32
        %dma_start3A_311 = tpu.memref_slice %arg7[%arg0, %dma_start3A_309, %dma_start3A_310] : memref<2x10000x128xf32, #tpu.memory_space<hbm>> -> memref<1x10000x128xf32, #tpu.memory_space<hbm>>
        %dma_start3A_312 = tpu.memref_squeeze %dma_start3A_311 : memref<1x10000x128xf32, #tpu.memory_space<hbm>> -> memref<10000x128xf32, #tpu.memory_space<hbm>>
        tpu.enqueue_dma source(%arg12 : memref<10000x128xf32, #tpu.memory_space<vmem_shared>>) target(%dma_start3A_312 : memref<10000x128xf32, #tpu.memory_space<hbm>>) target_semaphore(%run_scoped3A : memref<!tpu.dma_semaphore, #tpu.memory_space<semaphore_mem>>)
        %dma_wait3A_313 = arith.constant 0 : i32
        %dma_wait3A_314 = arith.constant 0 : i32
        %dma_wait3A_315 = tpu.memref_slice %arg7[%arg0, %dma_wait3A_313, %dma_wait3A_314] : memref<2x10000x128xf32, #tpu.memory_space<hbm>> -> memref<1x10000x128xf32, #tpu.memory_space<hbm>>
        %dma_wait3A_316 = tpu.memref_squeeze %dma_wait3A_315 : memref<1x10000x128xf32, #tpu.memory_space<hbm>> -> memref<10000x128xf32, #tpu.memory_space<hbm>>
        tpu.wait_dma2 semaphore(%run_scoped3A : memref<!tpu.dma_semaphore, #tpu.memory_space<semaphore_mem>>) src(%arg12 : memref<10000x128xf32, #tpu.memory_space<vmem_shared>>) dst(%dma_wait3A_316 : memref<10000x128xf32, #tpu.memory_space<hbm>>)
        tpu.yield
      }) : () -> ()
    } else {
    }
    return
  }
}

module attributes {stable_mosaic.version = 14 : i64} {
  func.func @_front_body(%arg0: i32, %arg1: memref<200x128xf32, #tpu.memory_space<vmem>>, %arg2: memref<200x4xf32, #tpu.memory_space<vmem>>, %arg3: memref<200x1xf32, #tpu.memory_space<vmem>>, %arg4: memref<4x128x128xf32, #tpu.memory_space<vmem>>, %arg5: memref<10x3200xf32, #tpu.memory_space<vmem>>, %arg6: memref<10x3200xf32, #tpu.memory_space<vmem>>, %arg7: memref<1x1x3200xf32, #tpu.memory_space<vmem>>, %arg8: memref<1x1x3200xf32, #tpu.memory_space<vmem>>, %arg9: memref<10x100xf32, #tpu.memory_space<vmem>>, %arg10: memref<100x128xf32, #tpu.memory_space<vmem>>, %arg11: memref<200x128xf32, #tpu.memory_space<vmem>>, %arg12: memref<3200x128xi32, #tpu.memory_space<vmem>>) attributes {dimension_semantics = [#tpu.dimension_semantics<arbitrary>], iteration_bounds = array<i64: 50>, scalar_prefetch = 0 : i64, scratch_operands = 0 : i64, tpu.core_type = #tpu.core_type<tc>, window_params = [{transform_indices = @transform_0, window_bounds = array<i64: 200, 128>}, {transform_indices = @transform_1, window_bounds = array<i64: 200, 4>}, {transform_indices = @transform_2, window_bounds = array<i64: 200, 1>}, {pipeline_mode = #tpu.pipeline_mode<synchronous>, transform_indices = @transform_3, window_bounds = array<i64: 4, 128, 128>}, {transform_indices = @transform_4, window_bounds = array<i64: 10, 3200>}, {transform_indices = @transform_5, window_bounds = array<i64: 10, 3200>}, {transform_indices = @transform_6, window_bounds = array<i64: 1, 1, 3200>}, {transform_indices = @transform_7, window_bounds = array<i64: 1, 1, 3200>}, {pipeline_mode = #tpu.pipeline_mode<synchronous>, transform_indices = @transform_8, window_bounds = array<i64: 10, 100>}, {pipeline_mode = #tpu.pipeline_mode<synchronous>, transform_indices = @transform_9, window_bounds = array<i64: 100, 128>}, {transform_indices = @transform_10, window_bounds = array<i64: 200, 128>}, {transform_indices = @transform_11, window_bounds = array<i64: 3200, 128>}]} {
    %broadcast_in_dim3A = arith.constant 0.000000e+00 : f32
    %broadcast_in_dim3A_0 = vector.broadcast %broadcast_in_dim3A : f32 to vector<200x128xf32>
    %get3A = arith.constant 0 : index
    %get3A_1 = arith.constant 0 : index
    %get3A_2 = vector.load %arg1[%get3A, %get3A_1] : memref<200x128xf32, #tpu.memory_space<vmem>>, vector<200x128xf32>
    %get3A_3 = arith.constant 0 : index
    %get3A_4 = arith.constant 0 : index
    %get3A_5 = vector.load %arg2[%get3A_3, %get3A_4] : memref<200x4xf32, #tpu.memory_space<vmem>>, vector<200x1xf32>
    %mul3A = vector.broadcast %get3A_5 : vector<200x1xf32> to vector<200x128xf32>
    %mul3A_6 = arith.mulf %get3A_2, %mul3A : vector<200x128xf32>
    %get3A_7 = arith.constant 0 : index
    %get3A_8 = arith.constant 0 : index
    %get3A_9 = arith.constant 0 : index
    %get3A_10 = vector.load %arg4[%get3A_7, %get3A_8, %get3A_9] : memref<4x128x128xf32, #tpu.memory_space<vmem>>, vector<1x128x128xf32>
    %get3A_11 = vector.shape_cast %get3A_10 : vector<1x128x128xf32> to vector<128x128xf32>
    %dot_general3A = arith.constant dense<0.000000e+00> : vector<200x128xf32>
    %dot_general3A_12 = tpu.matmul %mul3A_6, %get3A_11, %dot_general3A {dimension_numbers = #tpu.dot_dimension_numbers<[1], [0], [0], [1], [0, 0, 1, 1], [], []>, transpose_lhs_hint = false} : vector<200x128xf32>, vector<128x128xf32>, vector<200x128xf32> -> vector<200x128xf32>
    %add3A = arith.addf %broadcast_in_dim3A_0, %dot_general3A_12 : vector<200x128xf32>
    %get3A_13 = arith.constant 0 : index
    %get3A_14 = arith.constant 0 : index
    %get3A_15 = vector.load %arg1[%get3A_13, %get3A_14] : memref<200x128xf32, #tpu.memory_space<vmem>>, vector<200x128xf32>
    %get3A_16 = arith.constant 0 : index
    %get3A_17 = arith.constant 1 : index
    %get3A_18 = vector.load %arg2[%get3A_16, %get3A_17] : memref<200x4xf32, #tpu.memory_space<vmem>>, vector<200x1xf32>
    %mul3A_19 = vector.broadcast %get3A_18 : vector<200x1xf32> to vector<200x128xf32>
    %mul3A_20 = arith.mulf %get3A_15, %mul3A_19 : vector<200x128xf32>
    %get3A_21 = arith.constant 1 : index
    %get3A_22 = arith.constant 0 : index
    %get3A_23 = arith.constant 0 : index
    %get3A_24 = vector.load %arg4[%get3A_21, %get3A_22, %get3A_23] : memref<4x128x128xf32, #tpu.memory_space<vmem>>, vector<1x128x128xf32>
    %get3A_25 = vector.shape_cast %get3A_24 : vector<1x128x128xf32> to vector<128x128xf32>
    %dot_general3A_26 = arith.constant dense<0.000000e+00> : vector<200x128xf32>
    %dot_general3A_27 = tpu.matmul %mul3A_20, %get3A_25, %dot_general3A_26 {dimension_numbers = #tpu.dot_dimension_numbers<[1], [0], [0], [1], [0, 0, 1, 1], [], []>, transpose_lhs_hint = false} : vector<200x128xf32>, vector<128x128xf32>, vector<200x128xf32> -> vector<200x128xf32>
    %add3A_28 = arith.addf %add3A, %dot_general3A_27 : vector<200x128xf32>
    %get3A_29 = arith.constant 0 : index
    %get3A_30 = arith.constant 0 : index
    %get3A_31 = vector.load %arg1[%get3A_29, %get3A_30] : memref<200x128xf32, #tpu.memory_space<vmem>>, vector<200x128xf32>
    %get3A_32 = arith.constant 0 : index
    %get3A_33 = arith.constant 2 : index
    %get3A_34 = vector.load %arg2[%get3A_32, %get3A_33] : memref<200x4xf32, #tpu.memory_space<vmem>>, vector<200x1xf32>
    %mul3A_35 = vector.broadcast %get3A_34 : vector<200x1xf32> to vector<200x128xf32>
    %mul3A_36 = arith.mulf %get3A_31, %mul3A_35 : vector<200x128xf32>
    %get3A_37 = arith.constant 2 : index
    %get3A_38 = arith.constant 0 : index
    %get3A_39 = arith.constant 0 : index
    %get3A_40 = vector.load %arg4[%get3A_37, %get3A_38, %get3A_39] : memref<4x128x128xf32, #tpu.memory_space<vmem>>, vector<1x128x128xf32>
    %get3A_41 = vector.shape_cast %get3A_40 : vector<1x128x128xf32> to vector<128x128xf32>
    %dot_general3A_42 = arith.constant dense<0.000000e+00> : vector<200x128xf32>
    %dot_general3A_43 = tpu.matmul %mul3A_36, %get3A_41, %dot_general3A_42 {dimension_numbers = #tpu.dot_dimension_numbers<[1], [0], [0], [1], [0, 0, 1, 1], [], []>, transpose_lhs_hint = false} : vector<200x128xf32>, vector<128x128xf32>, vector<200x128xf32> -> vector<200x128xf32>
    %add3A_44 = arith.addf %add3A_28, %dot_general3A_43 : vector<200x128xf32>
    %get3A_45 = arith.constant 0 : index
    %get3A_46 = arith.constant 0 : index
    %get3A_47 = vector.load %arg1[%get3A_45, %get3A_46] : memref<200x128xf32, #tpu.memory_space<vmem>>, vector<200x128xf32>
    %get3A_48 = arith.constant 0 : index
    %get3A_49 = arith.constant 3 : index
    %get3A_50 = vector.load %arg2[%get3A_48, %get3A_49] : memref<200x4xf32, #tpu.memory_space<vmem>>, vector<200x1xf32>
    %mul3A_51 = vector.broadcast %get3A_50 : vector<200x1xf32> to vector<200x128xf32>
    %mul3A_52 = arith.mulf %get3A_47, %mul3A_51 : vector<200x128xf32>
    %get3A_53 = arith.constant 3 : index
    %get3A_54 = arith.constant 0 : index
    %get3A_55 = arith.constant 0 : index
    %get3A_56 = vector.load %arg4[%get3A_53, %get3A_54, %get3A_55] : memref<4x128x128xf32, #tpu.memory_space<vmem>>, vector<1x128x128xf32>
    %get3A_57 = vector.shape_cast %get3A_56 : vector<1x128x128xf32> to vector<128x128xf32>
    %dot_general3A_58 = arith.constant dense<0.000000e+00> : vector<200x128xf32>
    %dot_general3A_59 = tpu.matmul %mul3A_52, %get3A_57, %dot_general3A_58 {dimension_numbers = #tpu.dot_dimension_numbers<[1], [0], [0], [1], [0, 0, 1, 1], [], []>, transpose_lhs_hint = false} : vector<200x128xf32>, vector<128x128xf32>, vector<200x128xf32> -> vector<200x128xf32>
    %add3A_60 = arith.addf %add3A_44, %dot_general3A_59 : vector<200x128xf32>
    %mul3A_61 = arith.constant 0.0441941731 : f32
    %mul3A_62 = vector.broadcast %mul3A_61 : f32 to vector<200x128xf32>
    %mul3A_63 = arith.mulf %add3A_60, %mul3A_62 : vector<200x128xf32>
    %get3A_64 = arith.constant 0 : index
    %get3A_65 = arith.constant 0 : index
    %get3A_66 = vector.load %arg3[%get3A_64, %get3A_65] : memref<200x1xf32, #tpu.memory_space<vmem>>, vector<200x1xf32>
    %sqrt3A = math.sqrt %get3A_66 : vector<200x1xf32>
    %div3A = vector.broadcast %sqrt3A : vector<200x1xf32> to vector<200x128xf32>
    %div3A_67 = arith.divf %mul3A_63, %div3A : vector<200x128xf32>
    %swap3A = arith.constant 0 : index
    %swap3A_68 = arith.constant 0 : index
    %swap3A_69 = vector.load %arg11[%swap3A, %swap3A_68] : memref<200x128xf32, #tpu.memory_space<vmem>>, vector<200x128xf32>
    tpu.vector_store %arg11[%swap3A, %swap3A_68], %div3A_67 {strides = array<i32>} : memref<200x128xf32, #tpu.memory_space<vmem>>, vector<200x128xf32>,
    %get3A_70 = arith.constant 0 : index
    %get3A_71 = arith.constant 0 : index
    %get3A_72 = vector.load %arg5[%get3A_70, %get3A_71] : memref<10x3200xf32, #tpu.memory_space<vmem>>, vector<10x3200xf32>
    %get3A_73 = arith.constant 0 : index
    %get3A_74 = arith.constant 0 : index
    %get3A_75 = arith.constant 0 : index
    %get3A_76 = vector.load %arg7[%get3A_73, %get3A_74, %get3A_75] : memref<1x1x3200xf32, #tpu.memory_space<vmem>>, vector<1x1x3200xf32>
    %get3A_77 = vector.shape_cast %get3A_76 : vector<1x1x3200xf32> to vector<1x3200xf32>
    %get3A_78 = arith.constant 0 : index
    %get3A_79 = arith.constant 0 : index
    %get3A_80 = vector.load %arg9[%get3A_78, %get3A_79] : memref<10x100xf32, #tpu.memory_space<vmem>>, vector<10x100xf32>
    %dot_general3A_81 = arith.constant dense<0.000000e+00> : vector<3200x100xf32>
    %dot_general3A_82 = tpu.matmul %get3A_72, %get3A_80, %dot_general3A_81 {dimension_numbers = #tpu.dot_dimension_numbers<[0], [0], [1], [1], [0, 1, 1, 1], [], []>, transpose_lhs_hint = false} : vector<10x3200xf32>, vector<10x100xf32>, vector<3200x100xf32> -> vector<3200x100xf32>
    %mul3A_83 = arith.constant 0.316227764 : f32
    %mul3A_84 = vector.broadcast %mul3A_83 : f32 to vector<3200x100xf32>
    %mul3A_85 = arith.mulf %dot_general3A_82, %mul3A_84 : vector<3200x100xf32>
    %logistic3A = arith.negf %mul3A_85 : vector<3200x100xf32>
    %logistic3A_86 = math.exp %logistic3A : vector<3200x100xf32>
    %logistic3A_87 = arith.constant 1.000000e+00 : f32
    %logistic3A_88 = vector.broadcast %logistic3A_87 : f32 to vector<3200x100xf32>
    %logistic3A_89 = arith.addf %logistic3A_88, %logistic3A_86 : vector<3200x100xf32>
    %logistic3A_90 = arith.divf %logistic3A_88, %logistic3A_89 : vector<3200x100xf32>
    %mul3A_91 = arith.mulf %mul3A_85, %logistic3A_90 : vector<3200x100xf32>
    %get3A_92 = arith.constant 0 : index
    %get3A_93 = arith.constant 0 : index
    %get3A_94 = vector.load %arg10[%get3A_92, %get3A_93] : memref<100x128xf32, #tpu.memory_space<vmem>>, vector<100x128xf32>
    %dot_general3A_95 = arith.constant dense<0.000000e+00> : vector<3200x128xf32>
    %dot_general3A_96 = tpu.matmul %mul3A_91, %get3A_94, %dot_general3A_95 {dimension_numbers = #tpu.dot_dimension_numbers<[1], [0], [0], [1], [0, 0, 1, 1], [], []>, transpose_lhs_hint = false} : vector<3200x100xf32>, vector<100x128xf32>, vector<3200x128xf32> -> vector<3200x128xf32>
    %transpose3A = tpu.transpose %get3A_77, [1, 0] : vector<1x3200xf32> -> vector<3200x1xf32>
    %mul3A_97 = arith.constant 1.000000e-01 : f32
    %mul3A_98 = vector.broadcast %mul3A_97 : f32 to vector<3200x128xf32>
    %mul3A_99 = arith.mulf %dot_general3A_96, %mul3A_98 : vector<3200x128xf32>
    %mul3A_100 = vector.broadcast %transpose3A : vector<3200x1xf32> to vector<3200x128xf32>
    %mul3A_101 = arith.mulf %mul3A_99, %mul3A_100 : vector<3200x128xf32>
    %bitcast_convert_type3A = tpu.bitcast %mul3A_101 : vector<3200x128xf32> -> vector<3200x128xi32>
    %add3A_102 = arith.constant 32767 : i32
    %add3A_103 = vector.broadcast %add3A_102 : i32 to vector<3200x128xi32>
    %add3A_104 = arith.addi %bitcast_convert_type3A, %add3A_103 : vector<3200x128xi32>
    %shift_right_logical3A = arith.constant 16 : i32
    %shift_right_logical3A_105 = vector.broadcast %shift_right_logical3A : i32 to vector<3200x128xi32>
    %shift_right_logical3A_106 = arith.shrui %bitcast_convert_type3A, %shift_right_logical3A_105 : vector<3200x128xi32>
    %and3A = arith.constant 1 : i32
    %and3A_107 = vector.broadcast %and3A : i32 to vector<3200x128xi32>
    %and3A_108 = arith.andi %shift_right_logical3A_106, %and3A_107 : vector<3200x128xi32>
    %add3A_109 = arith.addi %add3A_104, %and3A_108 : vector<3200x128xi32>
    %shift_right_logical3A_110 = arith.constant 16 : i32
    %shift_right_logical3A_111 = vector.broadcast %shift_right_logical3A_110 : i32 to vector<3200x128xi32>
    %shift_right_logical3A_112 = arith.shrui %add3A_109, %shift_right_logical3A_111 : vector<3200x128xi32>
    %get3A_113 = arith.constant 0 : index
    %get3A_114 = arith.constant 0 : index
    %get3A_115 = vector.load %arg6[%get3A_113, %get3A_114] : memref<10x3200xf32, #tpu.memory_space<vmem>>, vector<10x3200xf32>
    %get3A_116 = arith.constant 0 : index
    %get3A_117 = arith.constant 0 : index
    %get3A_118 = arith.constant 0 : index
    %get3A_119 = vector.load %arg8[%get3A_116, %get3A_117, %get3A_118] : memref<1x1x3200xf32, #tpu.memory_space<vmem>>, vector<1x1x3200xf32>
    %get3A_120 = vector.shape_cast %get3A_119 : vector<1x1x3200xf32> to vector<1x3200xf32>
    %get3A_121 = arith.constant 0 : index
    %get3A_122 = arith.constant 0 : index
    %get3A_123 = vector.load %arg9[%get3A_121, %get3A_122] : memref<10x100xf32, #tpu.memory_space<vmem>>, vector<10x100xf32>
    %dot_general3A_124 = arith.constant dense<0.000000e+00> : vector<3200x100xf32>
    %dot_general3A_125 = tpu.matmul %get3A_115, %get3A_123, %dot_general3A_124 {dimension_numbers = #tpu.dot_dimension_numbers<[0], [0], [1], [1], [0, 1, 1, 1], [], []>, transpose_lhs_hint = false} : vector<10x3200xf32>, vector<10x100xf32>, vector<3200x100xf32> -> vector<3200x100xf32>
    %mul3A_126 = arith.constant 0.316227764 : f32
    %mul3A_127 = vector.broadcast %mul3A_126 : f32 to vector<3200x100xf32>
    %mul3A_128 = arith.mulf %dot_general3A_125, %mul3A_127 : vector<3200x100xf32>
    %logistic3A_129 = arith.negf %mul3A_128 : vector<3200x100xf32>
    %logistic3A_130 = math.exp %logistic3A_129 : vector<3200x100xf32>
    %logistic3A_131 = arith.constant 1.000000e+00 : f32
    %logistic3A_132 = vector.broadcast %logistic3A_131 : f32 to vector<3200x100xf32>
    %logistic3A_133 = arith.addf %logistic3A_132, %logistic3A_130 : vector<3200x100xf32>
    %logistic3A_134 = arith.divf %logistic3A_132, %logistic3A_133 : vector<3200x100xf32>
    %mul3A_135 = arith.mulf %mul3A_128, %logistic3A_134 : vector<3200x100xf32>
    %get3A_136 = arith.constant 0 : index
    %get3A_137 = arith.constant 0 : index
    %get3A_138 = vector.load %arg10[%get3A_136, %get3A_137] : memref<100x128xf32, #tpu.memory_space<vmem>>, vector<100x128xf32>
    %dot_general3A_139 = arith.constant dense<0.000000e+00> : vector<3200x128xf32>
    %dot_general3A_140 = tpu.matmul %mul3A_135, %get3A_138, %dot_general3A_139 {dimension_numbers = #tpu.dot_dimension_numbers<[1], [0], [0], [1], [0, 0, 1, 1], [], []>, transpose_lhs_hint = false} : vector<3200x100xf32>, vector<100x128xf32>, vector<3200x128xf32> -> vector<3200x128xf32>
    %transpose3A_141 = tpu.transpose %get3A_120, [1, 0] : vector<1x3200xf32> -> vector<3200x1xf32>
    %mul3A_142 = arith.constant 1.000000e-01 : f32
    %mul3A_143 = vector.broadcast %mul3A_142 : f32 to vector<3200x128xf32>
    %mul3A_144 = arith.mulf %dot_general3A_140, %mul3A_143 : vector<3200x128xf32>
    %mul3A_145 = vector.broadcast %transpose3A_141 : vector<3200x1xf32> to vector<3200x128xf32>
    %mul3A_146 = arith.mulf %mul3A_144, %mul3A_145 : vector<3200x128xf32>
    %bitcast_convert_type3A_147 = tpu.bitcast %mul3A_146 : vector<3200x128xf32> -> vector<3200x128xi32>
    %add3A_148 = arith.constant 32767 : i32
    %add3A_149 = vector.broadcast %add3A_148 : i32 to vector<3200x128xi32>
    %add3A_150 = arith.addi %bitcast_convert_type3A_147, %add3A_149 : vector<3200x128xi32>
    %shift_right_logical3A_151 = arith.constant 16 : i32
    %shift_right_logical3A_152 = vector.broadcast %shift_right_logical3A_151 : i32 to vector<3200x128xi32>
    %shift_right_logical3A_153 = arith.shrui %bitcast_convert_type3A_147, %shift_right_logical3A_152 : vector<3200x128xi32>
    %and3A_154 = arith.constant 1 : i32
    %and3A_155 = vector.broadcast %and3A_154 : i32 to vector<3200x128xi32>
    %and3A_156 = arith.andi %shift_right_logical3A_153, %and3A_155 : vector<3200x128xi32>
    %add3A_157 = arith.addi %add3A_150, %and3A_156 : vector<3200x128xi32>
    %shift_right_logical3A_158 = arith.constant 16 : i32
    %shift_right_logical3A_159 = vector.broadcast %shift_right_logical3A_158 : i32 to vector<3200x128xi32>
    %shift_right_logical3A_160 = arith.shrui %add3A_157, %shift_right_logical3A_159 : vector<3200x128xi32>
    %shift_left3A = arith.constant 16 : i32
    %shift_left3A_161 = vector.broadcast %shift_left3A : i32 to vector<3200x128xi32>
    %shift_left3A_162 = arith.shli %shift_right_logical3A_160, %shift_left3A_161 : vector<3200x128xi32>
    %or3A = arith.ori %shift_right_logical3A_112, %shift_left3A_162 : vector<3200x128xi32>
    %bitcast_convert_type3A_163 = tpu.bitcast %or3A : vector<3200x128xi32> -> vector<3200x128xi32>
    %swap3A_164 = arith.constant 0 : index
    %swap3A_165 = arith.constant 0 : index
    %swap3A_166 = vector.load %arg12[%swap3A_164, %swap3A_165] : memref<3200x128xi32, #tpu.memory_space<vmem>>, vector<3200x128xi32>
    tpu.vector_store %arg12[%swap3A_164, %swap3A_165], %bitcast_convert_type3A_163 {strides = array<i32>} : memref<3200x128xi32, #tpu.memory_space<vmem>>, vector<3200x128xi32>,
    return
  }
  func.func @transform_0(%arg0: i32) -> (i32, i32) {
    %c0_i32 = arith.constant 0 : i32
    %c0_i32_0 = arith.constant 0 : i32
    return %arg0, %c0_i32 : i32, i32
  }
  func.func @transform_1(%arg0: i32) -> (i32, i32) {
    %c0_i32 = arith.constant 0 : i32
    %c0_i32_0 = arith.constant 0 : i32
    return %arg0, %c0_i32 : i32, i32
  }
  func.func @transform_2(%arg0: i32) -> (i32, i32) {
    %c0_i32 = arith.constant 0 : i32
    %c0_i32_0 = arith.constant 0 : i32
    return %arg0, %c0_i32 : i32, i32
  }
  func.func @transform_3(%arg0: i32) -> (i32, i32, i32) {
    %c0_i32 = arith.constant 0 : i32
    %c0_i32_0 = arith.constant 0 : i32
    %c0_i32_1 = arith.constant 0 : i32
    %c0_i32_2 = arith.constant 0 : i32
    return %c0_i32, %c0_i32_0, %c0_i32_1 : i32, i32, i32
  }
  func.func @transform_4(%arg0: i32) -> (i32, i32) {
    %c0_i32 = arith.constant 0 : i32
    %c0_i32_0 = arith.constant 0 : i32
    return %c0_i32, %arg0 : i32, i32
  }
  func.func @transform_5(%arg0: i32) -> (i32, i32) {
    %add3A = arith.constant 50 : i32
    %add3A_0 = arith.addi %arg0, %add3A : i32
    %c0_i32 = arith.constant 0 : i32
    %c0_i32_1 = arith.constant 0 : i32
    return %c0_i32, %add3A_0 : i32, i32
  }
  func.func @transform_6(%arg0: i32) -> (i32, i32, i32) {
    %c0_i32 = arith.constant 0 : i32
    %c0_i32_0 = arith.constant 0 : i32
    %c0_i32_1 = arith.constant 0 : i32
    return %arg0, %c0_i32, %c0_i32_0 : i32, i32, i32
  }
  func.func @transform_7(%arg0: i32) -> (i32, i32, i32) {
    %add3A = arith.constant 50 : i32
    %add3A_0 = arith.addi %arg0, %add3A : i32
    %c0_i32 = arith.constant 0 : i32
    %c0_i32_1 = arith.constant 0 : i32
    %c0_i32_2 = arith.constant 0 : i32
    return %add3A_0, %c0_i32, %c0_i32_1 : i32, i32, i32
  }
  func.func @transform_8(%arg0: i32) -> (i32, i32) {
    %c0_i32 = arith.constant 0 : i32
    %c0_i32_0 = arith.constant 0 : i32
    %c0_i32_1 = arith.constant 0 : i32
    return %c0_i32, %c0_i32_0 : i32, i32
  }
  func.func @transform_9(%arg0: i32) -> (i32, i32) {
    %c0_i32 = arith.constant 0 : i32
    %c0_i32_0 = arith.constant 0 : i32
    %c0_i32_1 = arith.constant 0 : i32
    return %c0_i32, %c0_i32_0 : i32, i32
  }
  func.func @transform_10(%arg0: i32) -> (i32, i32) {
    %c0_i32 = arith.constant 0 : i32
    %c0_i32_0 = arith.constant 0 : i32
    return %arg0, %c0_i32 : i32, i32
  }
  func.func @transform_11(%arg0: i32) -> (i32, i32) {
    %c0_i32 = arith.constant 0 : i32
    %c0_i32_0 = arith.constant 0 : i32
    return %arg0, %c0_i32 : i32, i32
  }
}

module attributes {stable_mosaic.version = 14 : i64} {
  func.func @_output_body(%arg0: i32, %arg1: memref<2x400x128xf32, #tpu.memory_space<vmem>>, %arg2: memref<400x128xf32, #tpu.memory_space<vmem>>, %arg3: memref<400x4xf32, #tpu.memory_space<vmem>>, %arg4: memref<400x1xf32, #tpu.memory_space<vmem>>, %arg5: memref<4x128x128xf32, #tpu.memory_space<vmem>>, %arg6: memref<4x128x128xf32, #tpu.memory_space<vmem>>, %arg7: memref<400x128xf32, #tpu.memory_space<vmem>>) attributes {dimension_semantics = [#tpu.dimension_semantics<arbitrary>], iteration_bounds = array<i64: 25>, scalar_prefetch = 0 : i64, scratch_operands = 0 : i64, tpu.core_type = #tpu.core_type<tc>, window_params = [{transform_indices = @transform_0, window_bounds = array<i64: 2, 400, 128>}, {transform_indices = @transform_1, window_bounds = array<i64: 400, 128>}, {transform_indices = @transform_2, window_bounds = array<i64: 400, 4>}, {transform_indices = @transform_3, window_bounds = array<i64: 400, 1>}, {pipeline_mode = #tpu.pipeline_mode<synchronous>, transform_indices = @transform_4, window_bounds = array<i64: 4, 128, 128>}, {pipeline_mode = #tpu.pipeline_mode<synchronous>, transform_indices = @transform_5, window_bounds = array<i64: 4, 128, 128>}, {transform_indices = @transform_6, window_bounds = array<i64: 400, 128>}]} {
    %get3A = arith.constant 0 : index
    %get3A_0 = arith.constant 0 : index
    %get3A_1 = arith.constant 0 : index
    %get3A_2 = vector.load %arg1[%get3A, %get3A_0, %get3A_1] : memref<2x400x128xf32, #tpu.memory_space<vmem>>, vector<1x400x128xf32>
    %get3A_3 = vector.shape_cast %get3A_2 : vector<1x400x128xf32> to vector<400x128xf32>
    %get3A_4 = arith.constant 1 : index
    %get3A_5 = arith.constant 0 : index
    %get3A_6 = arith.constant 0 : index
    %get3A_7 = vector.load %arg1[%get3A_4, %get3A_5, %get3A_6] : memref<2x400x128xf32, #tpu.memory_space<vmem>>, vector<1x400x128xf32>
    %get3A_8 = vector.shape_cast %get3A_7 : vector<1x400x128xf32> to vector<400x128xf32>
    %add3A = arith.addf %get3A_3, %get3A_8 : vector<400x128xf32>
    %get3A_9 = arith.constant 0 : index
    %get3A_10 = arith.constant 0 : index
    %get3A_11 = vector.load %arg4[%get3A_9, %get3A_10] : memref<400x1xf32, #tpu.memory_space<vmem>>, vector<400x1xf32>
    %sqrt3A = math.sqrt %get3A_11 : vector<400x1xf32>
    %div3A = vector.broadcast %sqrt3A : vector<400x1xf32> to vector<400x128xf32>
    %div3A_12 = arith.divf %add3A, %div3A : vector<400x128xf32>
    %broadcast_in_dim3A = arith.constant 0.000000e+00 : f32
    %broadcast_in_dim3A_13 = vector.broadcast %broadcast_in_dim3A : f32 to vector<400x128xf32>
    %broadcast_in_dim3A_14 = arith.constant 0.000000e+00 : f32
    %broadcast_in_dim3A_15 = vector.broadcast %broadcast_in_dim3A_14 : f32 to vector<400x128xf32>
    %get3A_16 = arith.constant 0 : index
    %get3A_17 = arith.constant 0 : index
    %get3A_18 = vector.load %arg3[%get3A_16, %get3A_17] : memref<400x4xf32, #tpu.memory_space<vmem>>, vector<400x1xf32>
    %get3A_19 = arith.constant 0 : index
    %get3A_20 = arith.constant 0 : index
    %get3A_21 = vector.load %arg2[%get3A_19, %get3A_20] : memref<400x128xf32, #tpu.memory_space<vmem>>, vector<400x128xf32>
    %mul3A = vector.broadcast %get3A_18 : vector<400x1xf32> to vector<400x128xf32>
    %mul3A_22 = arith.mulf %get3A_21, %mul3A : vector<400x128xf32>
    %get3A_23 = arith.constant 0 : index
    %get3A_24 = arith.constant 0 : index
    %get3A_25 = arith.constant 0 : index
    %get3A_26 = vector.load %arg5[%get3A_23, %get3A_24, %get3A_25] : memref<4x128x128xf32, #tpu.memory_space<vmem>>, vector<1x128x128xf32>
    %get3A_27 = vector.shape_cast %get3A_26 : vector<1x128x128xf32> to vector<128x128xf32>
    %dot_general3A = arith.constant dense<0.000000e+00> : vector<400x128xf32>
    %dot_general3A_28 = tpu.matmul %mul3A_22, %get3A_27, %dot_general3A {dimension_numbers = #tpu.dot_dimension_numbers<[1], [0], [0], [1], [0, 0, 1, 1], [], []>, transpose_lhs_hint = false} : vector<400x128xf32>, vector<128x128xf32>, vector<400x128xf32> -> vector<400x128xf32>
    %add3A_29 = arith.addf %broadcast_in_dim3A_13, %dot_general3A_28 : vector<400x128xf32>
    %mul3A_30 = vector.broadcast %get3A_18 : vector<400x1xf32> to vector<400x128xf32>
    %mul3A_31 = arith.mulf %div3A_12, %mul3A_30 : vector<400x128xf32>
    %get3A_32 = arith.constant 0 : index
    %get3A_33 = arith.constant 0 : index
    %get3A_34 = arith.constant 0 : index
    %get3A_35 = vector.load %arg6[%get3A_32, %get3A_33, %get3A_34] : memref<4x128x128xf32, #tpu.memory_space<vmem>>, vector<1x128x128xf32>
    %get3A_36 = vector.shape_cast %get3A_35 : vector<1x128x128xf32> to vector<128x128xf32>
    %dot_general3A_37 = arith.constant dense<0.000000e+00> : vector<400x128xf32>
    %dot_general3A_38 = tpu.matmul %mul3A_31, %get3A_36, %dot_general3A_37 {dimension_numbers = #tpu.dot_dimension_numbers<[1], [0], [0], [1], [0, 0, 1, 1], [], []>, transpose_lhs_hint = false} : vector<400x128xf32>, vector<128x128xf32>, vector<400x128xf32> -> vector<400x128xf32>
    %add3A_39 = arith.addf %broadcast_in_dim3A_15, %dot_general3A_38 : vector<400x128xf32>
    %get3A_40 = arith.constant 0 : index
    %get3A_41 = arith.constant 1 : index
    %get3A_42 = vector.load %arg3[%get3A_40, %get3A_41] : memref<400x4xf32, #tpu.memory_space<vmem>>, vector<400x1xf32>
    %get3A_43 = arith.constant 0 : index
    %get3A_44 = arith.constant 0 : index
    %get3A_45 = vector.load %arg2[%get3A_43, %get3A_44] : memref<400x128xf32, #tpu.memory_space<vmem>>, vector<400x128xf32>
    %mul3A_46 = vector.broadcast %get3A_42 : vector<400x1xf32> to vector<400x128xf32>
    %mul3A_47 = arith.mulf %get3A_45, %mul3A_46 : vector<400x128xf32>
    %get3A_48 = arith.constant 1 : index
    %get3A_49 = arith.constant 0 : index
    %get3A_50 = arith.constant 0 : index
    %get3A_51 = vector.load %arg5[%get3A_48, %get3A_49, %get3A_50] : memref<4x128x128xf32, #tpu.memory_space<vmem>>, vector<1x128x128xf32>
    %get3A_52 = vector.shape_cast %get3A_51 : vector<1x128x128xf32> to vector<128x128xf32>
    %dot_general3A_53 = arith.constant dense<0.000000e+00> : vector<400x128xf32>
    %dot_general3A_54 = tpu.matmul %mul3A_47, %get3A_52, %dot_general3A_53 {dimension_numbers = #tpu.dot_dimension_numbers<[1], [0], [0], [1], [0, 0, 1, 1], [], []>, transpose_lhs_hint = false} : vector<400x128xf32>, vector<128x128xf32>, vector<400x128xf32> -> vector<400x128xf32>
    %add3A_55 = arith.addf %add3A_29, %dot_general3A_54 : vector<400x128xf32>
    %mul3A_56 = vector.broadcast %get3A_42 : vector<400x1xf32> to vector<400x128xf32>
    %mul3A_57 = arith.mulf %div3A_12, %mul3A_56 : vector<400x128xf32>
    %get3A_58 = arith.constant 1 : index
    %get3A_59 = arith.constant 0 : index
    %get3A_60 = arith.constant 0 : index
    %get3A_61 = vector.load %arg6[%get3A_58, %get3A_59, %get3A_60] : memref<4x128x128xf32, #tpu.memory_space<vmem>>, vector<1x128x128xf32>
    %get3A_62 = vector.shape_cast %get3A_61 : vector<1x128x128xf32> to vector<128x128xf32>
    %dot_general3A_63 = arith.constant dense<0.000000e+00> : vector<400x128xf32>
    %dot_general3A_64 = tpu.matmul %mul3A_57, %get3A_62, %dot_general3A_63 {dimension_numbers = #tpu.dot_dimension_numbers<[1], [0], [0], [1], [0, 0, 1, 1], [], []>, transpose_lhs_hint = false} : vector<400x128xf32>, vector<128x128xf32>, vector<400x128xf32> -> vector<400x128xf32>
    %add3A_65 = arith.addf %add3A_39, %dot_general3A_64 : vector<400x128xf32>
    %get3A_66 = arith.constant 0 : index
    %get3A_67 = arith.constant 2 : index
    %get3A_68 = vector.load %arg3[%get3A_66, %get3A_67] : memref<400x4xf32, #tpu.memory_space<vmem>>, vector<400x1xf32>
    %get3A_69 = arith.constant 0 : index
    %get3A_70 = arith.constant 0 : index
    %get3A_71 = vector.load %arg2[%get3A_69, %get3A_70] : memref<400x128xf32, #tpu.memory_space<vmem>>, vector<400x128xf32>
    %mul3A_72 = vector.broadcast %get3A_68 : vector<400x1xf32> to vector<400x128xf32>
    %mul3A_73 = arith.mulf %get3A_71, %mul3A_72 : vector<400x128xf32>
    %get3A_74 = arith.constant 2 : index
    %get3A_75 = arith.constant 0 : index
    %get3A_76 = arith.constant 0 : index
    %get3A_77 = vector.load %arg5[%get3A_74, %get3A_75, %get3A_76] : memref<4x128x128xf32, #tpu.memory_space<vmem>>, vector<1x128x128xf32>
    %get3A_78 = vector.shape_cast %get3A_77 : vector<1x128x128xf32> to vector<128x128xf32>
    %dot_general3A_79 = arith.constant dense<0.000000e+00> : vector<400x128xf32>
    %dot_general3A_80 = tpu.matmul %mul3A_73, %get3A_78, %dot_general3A_79 {dimension_numbers = #tpu.dot_dimension_numbers<[1], [0], [0], [1], [0, 0, 1, 1], [], []>, transpose_lhs_hint = false} : vector<400x128xf32>, vector<128x128xf32>, vector<400x128xf32> -> vector<400x128xf32>
    %add3A_81 = arith.addf %add3A_55, %dot_general3A_80 : vector<400x128xf32>
    %mul3A_82 = vector.broadcast %get3A_68 : vector<400x1xf32> to vector<400x128xf32>
    %mul3A_83 = arith.mulf %div3A_12, %mul3A_82 : vector<400x128xf32>
    %get3A_84 = arith.constant 2 : index
    %get3A_85 = arith.constant 0 : index
    %get3A_86 = arith.constant 0 : index
    %get3A_87 = vector.load %arg6[%get3A_84, %get3A_85, %get3A_86] : memref<4x128x128xf32, #tpu.memory_space<vmem>>, vector<1x128x128xf32>
    %get3A_88 = vector.shape_cast %get3A_87 : vector<1x128x128xf32> to vector<128x128xf32>
    %dot_general3A_89 = arith.constant dense<0.000000e+00> : vector<400x128xf32>
    %dot_general3A_90 = tpu.matmul %mul3A_83, %get3A_88, %dot_general3A_89 {dimension_numbers = #tpu.dot_dimension_numbers<[1], [0], [0], [1], [0, 0, 1, 1], [], []>, transpose_lhs_hint = false} : vector<400x128xf32>, vector<128x128xf32>, vector<400x128xf32> -> vector<400x128xf32>
    %add3A_91 = arith.addf %add3A_65, %dot_general3A_90 : vector<400x128xf32>
    %get3A_92 = arith.constant 0 : index
    %get3A_93 = arith.constant 3 : index
    %get3A_94 = vector.load %arg3[%get3A_92, %get3A_93] : memref<400x4xf32, #tpu.memory_space<vmem>>, vector<400x1xf32>
    %get3A_95 = arith.constant 0 : index
    %get3A_96 = arith.constant 0 : index
    %get3A_97 = vector.load %arg2[%get3A_95, %get3A_96] : memref<400x128xf32, #tpu.memory_space<vmem>>, vector<400x128xf32>
    %mul3A_98 = vector.broadcast %get3A_94 : vector<400x1xf32> to vector<400x128xf32>
    %mul3A_99 = arith.mulf %get3A_97, %mul3A_98 : vector<400x128xf32>
    %get3A_100 = arith.constant 3 : index
    %get3A_101 = arith.constant 0 : index
    %get3A_102 = arith.constant 0 : index
    %get3A_103 = vector.load %arg5[%get3A_100, %get3A_101, %get3A_102] : memref<4x128x128xf32, #tpu.memory_space<vmem>>, vector<1x128x128xf32>
    %get3A_104 = vector.shape_cast %get3A_103 : vector<1x128x128xf32> to vector<128x128xf32>
    %dot_general3A_105 = arith.constant dense<0.000000e+00> : vector<400x128xf32>
    %dot_general3A_106 = tpu.matmul %mul3A_99, %get3A_104, %dot_general3A_105 {dimension_numbers = #tpu.dot_dimension_numbers<[1], [0], [0], [1], [0, 0, 1, 1], [], []>, transpose_lhs_hint = false} : vector<400x128xf32>, vector<128x128xf32>, vector<400x128xf32> -> vector<400x128xf32>
    %add3A_107 = arith.addf %add3A_81, %dot_general3A_106 : vector<400x128xf32>
    %mul3A_108 = vector.broadcast %get3A_94 : vector<400x1xf32> to vector<400x128xf32>
    %mul3A_109 = arith.mulf %div3A_12, %mul3A_108 : vector<400x128xf32>
    %get3A_110 = arith.constant 3 : index
    %get3A_111 = arith.constant 0 : index
    %get3A_112 = arith.constant 0 : index
    %get3A_113 = vector.load %arg6[%get3A_110, %get3A_111, %get3A_112] : memref<4x128x128xf32, #tpu.memory_space<vmem>>, vector<1x128x128xf32>
    %get3A_114 = vector.shape_cast %get3A_113 : vector<1x128x128xf32> to vector<128x128xf32>
    %dot_general3A_115 = arith.constant dense<0.000000e+00> : vector<400x128xf32>
    %dot_general3A_116 = tpu.matmul %mul3A_109, %get3A_114, %dot_general3A_115 {dimension_numbers = #tpu.dot_dimension_numbers<[1], [0], [0], [1], [0, 0, 1, 1], [], []>, transpose_lhs_hint = false} : vector<400x128xf32>, vector<128x128xf32>, vector<400x128xf32> -> vector<400x128xf32>
    %add3A_117 = arith.addf %add3A_91, %dot_general3A_116 : vector<400x128xf32>
    %mul3A_118 = arith.constant 0.0169123784 : f32
    %mul3A_119 = vector.broadcast %mul3A_118 : f32 to vector<400x128xf32>
    %mul3A_120 = arith.mulf %mul3A_119, %add3A_107 : vector<400x128xf32>
    %mul3A_121 = arith.constant 0.0408300944 : f32
    %mul3A_122 = vector.broadcast %mul3A_121 : f32 to vector<400x128xf32>
    %mul3A_123 = arith.mulf %mul3A_122, %add3A_117 : vector<400x128xf32>
    %add3A_124 = arith.addf %mul3A_120, %mul3A_123 : vector<400x128xf32>
    %swap3A = arith.constant 0 : index
    %swap3A_125 = arith.constant 0 : index
    %swap3A_126 = vector.load %arg7[%swap3A, %swap3A_125] : memref<400x128xf32, #tpu.memory_space<vmem>>, vector<400x128xf32>
    tpu.vector_store %arg7[%swap3A, %swap3A_125], %add3A_124 {strides = array<i32>} : memref<400x128xf32, #tpu.memory_space<vmem>>, vector<400x128xf32>,
    return
  }
  func.func @transform_0(%arg0: i32) -> (i32, i32, i32) {
    %c0_i32 = arith.constant 0 : i32
    %c0_i32_0 = arith.constant 0 : i32
    %c0_i32_1 = arith.constant 0 : i32
    return %c0_i32, %arg0, %c0_i32_0 : i32, i32, i32
  }
  func.func @transform_1(%arg0: i32) -> (i32, i32) {
    %c0_i32 = arith.constant 0 : i32
    %c0_i32_0 = arith.constant 0 : i32
    return %arg0, %c0_i32 : i32, i32
  }
  func.func @transform_2(%arg0: i32) -> (i32, i32) {
    %c0_i32 = arith.constant 0 : i32
    %c0_i32_0 = arith.constant 0 : i32
    return %arg0, %c0_i32 : i32, i32
  }
  func.func @transform_3(%arg0: i32) -> (i32, i32) {
    %c0_i32 = arith.constant 0 : i32
    %c0_i32_0 = arith.constant 0 : i32
    return %arg0, %c0_i32 : i32, i32
  }
  func.func @transform_4(%arg0: i32) -> (i32, i32, i32) {
    %c0_i32 = arith.constant 0 : i32
    %c0_i32_0 = arith.constant 0 : i32
    %c0_i32_1 = arith.constant 0 : i32
    %c0_i32_2 = arith.constant 0 : i32
    return %c0_i32, %c0_i32_0, %c0_i32_1 : i32, i32, i32
  }
  func.func @transform_5(%arg0: i32) -> (i32, i32, i32) {
    %c0_i32 = arith.constant 0 : i32
    %c0_i32_0 = arith.constant 0 : i32
    %c0_i32_1 = arith.constant 0 : i32
    %c0_i32_2 = arith.constant 0 : i32
    return %c0_i32, %c0_i32_0, %c0_i32_1 : i32, i32, i32
  }
  func.func @transform_6(%arg0: i32) -> (i32, i32) {
    %c0_i32 = arith.constant 0 : i32
    %c0_i32_0 = arith.constant 0 : i32
    return %arg0, %c0_i32 : i32, i32
  }
}

</mosaic_0001>

<sc_bundles>
// kernel: kernel.5.cloned.1.call-start
scs
__scs_entry_jumppad:
0x0: {  	(pc) =	sbr.rel $0x88, $3  }
0x1: {  	(tag) =	ssettag $0x0;
	lr =	simm.s32 $0x1  }
0x2: {  	[smem:$0x3F95] =	sst lr;
	_ =	strace $0xD0000000  }
0x3: {  	_ = 	snop  }
0x4: {  	_ = 	snop  }
0x5: {  	_ = 	snop  }
0x6: {  	_ = 	snop  }
0x7: {  	_ = 	snop  }
__scs_overlays_trampoline_lowered:
0x8: {  	[smem:$0x3FA4] =	sst s0  }
0x9: {  	[smem:$0x3FA5] =	sst s1  }
0xa: {  	[smem:$0x3FA6] =	sst s2  }
0xb: {  	[smem:$0x3FA7] =	sst s3  }
0xc: {  	[smem:$0x3FA8] =	sst s4  }
0xd: {  	[smem:$0x3FA9] =	sst s5  }
0xe: {  	[smem:$0x3FAA] =	sst s6  }
0xf: {  	[smem:$0x3FAB] =	sst s7  }
0x10: {  	[smem:$0x3FAC] =	sst s8  }
0x11: {  	[smem:$0x3FAD] =	sst s9;
	s0 =	simm.s32 @!p0 $0x0  }
0x12: {  	s1 =	sld [smem:$0x3F93];
	s0 =	simm.s32 @p0 $0x1  }
0x13: {  	[smem:$0x3FAE] =	sst s0;
	s0 =	simm.s32 @!p1 $0x0  }
0x14: {  	s2 =	sld [smem:$0x3F92];
	s0 =	simm.s32 @p1 $0x1  }
0x15: {  	[smem:$0x3FAF] =	sst s0;
	s0 =	simm.s32 @!p2 $0x0  }
0x16: {  	s3 =	sld [smem:$0x3FDB];
	s0 =	simm.s32 @p2 $0x1  }
0x17: {  	s4 =	simm.s32 $0x1BF5;
	[smem:$0x3FB1] =	sst s0  }
0x18: {  	s0 =	sld [smem:$0x3F94];
	_ =	swait.ge [sflag:s4], $0x0  }
0x19: {  	s7 =	sld [smem:$0x3F95]  }
0x1a: {  	s8 =	sadd.s32 $0xFFFFE003, lr  }
0x1b: {  	s9 =	sadd.s32 $0xFFFFFEF7, lr;
	s5 =	simm.s32 $0xFFFFFFFF;
	p2 =	slt.u32 s8, $0xFFFFF086  }
0x1c: {  	p1 =	slt.u32 s9, $0xF7A;
	s5 =	simm.s32 @!p2 $0x0  }
0x1d: {  	s5 =	simm.s32 @p1 $0x1;
	p0 =	seq.s32 s7, s2  }
0x1e: {  	s7 =	smul.u32 @!p0 $0xF7A, s2;
	p2 =	seq.s32 @!p0 s5, $0x0  }
0x1f: {  	s9 =	smul.u32 $0xF7A, s1;
	s8 =	simm.s32 @!p0 $0x1BF5;
	p2 =	por !p2, p0  }
0x20: {  	[sflag:s8] =	ssyncset.s32 @!p0 $0xFFFFF086;
	s6 =	sadd.s32 @!p0 s3, s7;
	s7 =	simm.s32 @!p0 $0x108  }
0x21: {  	s3 =	sadd.s32 s3, s9;
	s6 =	sadd.s32 @!p0 $0x88, s6;
	s7 =	simm.s32 @p2 $0x1082  }
0x22: {  	[simem:s7], [sflag:s8] =	dma.local @!p0 [hbm:s6], $0xF7A  }
0x23: {  	s9 =	sor.u32 $0xD0000000, s2;
	s6 =	simm.s32 $0x108;
	_ =	swait.ge @!p0 [sflag:s8], $0x0  }
0x24: {  	s3 =	sadd.s32 $0x88, s3;
	s6 =	simm.s32 @!p1 $0x1082;
	[sflag:s4] =	ssyncset.s32 $0xFFFFF086  }
0x25: {  	[simem:s6], [sflag:s4] =	dma.local [hbm:s3], $0xF7A  }
0x26: {  	[smem:$0x3F95] =	sst s1;
	(tag) =	ssettag s2;
	_ =	strace s9  }
0x27: {  	s1 =	sld [smem:$0x3FA5]  }
0x28: {  	s2 =	sld [smem:$0x3FA6]  }
0x29: {  	s4 =	sld [smem:$0x3FA8]  }
0x2a: {  	p0 =	seq.s32 s5, $0x0;
	s5 =	sld [smem:$0x3FA9]  }
0x2b: {  	s6 =	sld [smem:$0x3FAA]  }
0x2c: {  	s7 =	sld [smem:$0x3FAB]  }
0x2d: {  	s3 =	simm.s32 $0x108;
	s8 =	sld [smem:$0x3FAC]  }
0x2e: {  	s3 =	simm.s32 @!p0 $0x1082;
	s9 =	sld [smem:$0x3FAD]  }
0x2f: {  	lr =	sadd.s32 s0, s3;
	s0 =	sld [smem:$0x3FA4]  }
0x30: {  	s3 =	sld [smem:$0x3FA7]  }
0x31: {  	[smem:$0x3FB0] =	sst s10  }
0x32: {  	s10 =	sld [smem:$0x3FAE];
	_ =	sdelay $0x3  }
0x33: {  	p0 =	seq.s32 s10, $0x1;
	s10 =	sld [smem:$0x3FB0];
	_ =	sdelay $0x3  }
0x34: {  	[smem:$0x3FB0] =	sst s10  }
0x35: {  	s10 =	sld [smem:$0x3FAF];
	_ =	sdelay $0x3  }
0x36: {  	p1 =	seq.s32 s10, $0x1;
	s10 =	sld [smem:$0x3FB0];
	_ =	sdelay $0x3  }
0x37: {  	[smem:$0x3FB0] =	sst s10  }
0x38: {  	s10 =	sld [smem:$0x3FB1]  }
0x39: {  	_ = 	snop;
	(pc) =	sbr.ind lr, $3  }
0x3a: {  	_ = 	snop  }
0x3b: {  	_ = 	snop  }
0x3c: {  	p2 =	seq.s32 s10, $0x1;
	s10 =	sld [smem:$0x3FB0]  }
0x3d: {  	_ =	shalt  }
0x3e: {  	_ =	shalt  }
0x3f: {  	_ =	shalt  }
0x40: {  	_ =	shalt  }
0x41: {  	_ =	shalt  }
0x42: {  	_ =	shalt  }
0x43: {  	_ =	shalt  }
0x44: {  	_ =	shalt  }
0x45: {  	_ =	shalt  }
0x46: {  	_ =	shalt  }
0x47: {  	_ =	shalt  }
0x48: {  	_ =	shalt  }
0x49: {  	_ =	shalt  }
0x4a: {  	_ =	shalt  }
0x4b: {  	_ =	shalt  }
0x4c: {  	_ =	shalt  }
0x4d: {  	_ =	shalt  }
0x4e: {  	_ =	shalt  }
0x4f: {  	_ =	shalt  }
0x50: {  	_ =	shalt  }
0x51: {  	_ =	shalt  }
0x52: {  	_ =	shalt  }
0x53: {  	_ =	shalt  }
0x54: {  	_ =	shalt  }
0x55: {  	_ =	shalt  }
0x56: {  	_ =	shalt  }
0x57: {  	_ =	shalt  }
0x58: {  	_ =	shalt  }
0x59: {  	_ =	shalt  }
0x5a: {  	_ =	shalt  }
0x5b: {  	_ =	shalt  }
0x5c: {  	_ =	shalt  }
0x5d: {  	_ =	shalt  }
0x5e: {  	_ =	shalt  }
0x5f: {  	_ =	shalt  }
0x60: {  	_ =	shalt  }
0x61: {  	_ =	shalt  }
0x62: {  	_ =	shalt  }
0x63: {  	_ =	shalt  }
0x64: {  	_ =	shalt  }
0x65: {  	_ =	shalt  }
0x66: {  	_ =	shalt  }
0x67: {  	_ =	shalt  }
0x68: {  	_ =	shalt  }
0x69: {  	_ =	shalt  }
0x6a: {  	_ =	shalt  }
0x6b: {  	_ =	shalt  }
0x6c: {  	_ =	shalt  }
0x6d: {  	_ =	shalt  }
0x6e: {  	_ =	shalt  }
0x6f: {  	_ =	shalt  }
0x70: {  	_ =	shalt  }
0x71: {  	_ =	shalt  }
0x72: {  	_ =	shalt  }
0x73: {  	_ =	shalt  }
0x74: {  	_ =	shalt  }
0x75: {  	_ =	shalt  }
0x76: {  	_ =	shalt  }
0x77: {  	_ =	shalt  }
0x78: {  	_ =	shalt  }
0x79: {  	_ =	shalt  }
0x7a: {  	_ =	shalt  }
0x7b: {  	_ =	shalt  }
0x7c: {  	_ =	shalt  }
0x7d: {  	_ =	shalt  }
0x7e: {  	_ =	shalt  }
0x7f: {  	_ =	shalt  }
0x80: {  	_ =	shalt  }
0x81: {  	_ =	shalt  }
0x82: {  	_ =	shalt  }
0x83: {  	_ =	shalt  }
0x84: {  	_ =	shalt  }
0x85: {  	_ =	shalt  }
0x86: {  	_ =	shalt  }
0x87: {  	_ =	shalt  }
.Lfunc_end0:
.L_simem_size_0:
called_computation_lowered:
.L_overlay_start_0:
0x88: {  	s2 =	sld [smem:$0x3FD9]  }
0x89: {  	s3 =	sld [smem:$0x3FFE];
	_ =	sdelay $0x1  }
0x8a: {  	s1 =	srdreg.scid  }
0x8b: {  	s0 =	sand.u32 $0x1, s1  }
0x8c: {  	s17 =	sshll.u32 s0, $0xA;
	s2 =	sadd.s32 s3, s2  }
0x8d: {  	s2 =	sadd.s32 s2, s17  }
0x8e: {  	[smem:$0x3FBC] =	sst s2  }
0x8f: {  	_ = 	snop  }
0x90: {  	s2 =	sld [smem:$0x3FC6]  }
0x91: {  	s18 =	sld [smem:$0x3FC5]  }
0x92: {  	s4 =	sld [smem:$0x3FD0];
	(tm) =	ssettm $0x1  }
0x93: {  	s5 =	sld [smem:$0x3FFB];
	_ =	sdelay $0x3  }
0x94: {  	_ =	strace s5  }
0x95: {  	s5 =	sld [smem:$0x3FFC];
	_ =	sdelay $0x3  }
0x96: {  	_ =	strace s5  }
0x97: {  	s5 =	sld [smem:$0x3FFD];
	_ =	sdelay $0x3  }
0x98: {  	_ =	strace s5  }
0x99: {  	_ =	strace $0x8FFFFFFF  }
0x9a: {  	s19 =	sld [smem:$0x3FDB];
	_ =	sdelay $0x1  }
0x9b: {  	s6 =	simm.s32 $_scs_section_size  }
0x9c: {  	s7 =	simm.s32 $_size__tile_overlayer_lowered;
	s8 =	simm.s32 $_tile_overlayer_lowered  }
0x9d: {  	s22 =	simm.s32 $0x1BFF;
	s21 =	sshll.u32 s8, $0x1;
	s5 =	sadd.s32 s6, s19  }
0x9e: {  	s9 =	simm.s32 $0x0;
	s20 =	sshll.u32 s7, $0x1;
	s7 =	sadd.s32 s21, s5  }
0x9f: {  	[timem:s9], [sflag:s22] =	dma.local [hbm:s7], s20  }
0xa0: {  	_ =	swait.ge [sflag:s22], s20  }
0xa1: {  	s6 =	ssub.s32 $0x0, s20;
	[sflag:s22] =	ssyncset.done $0x0  }
0xa2: {  	[sflag:s22] =	ssyncadd.s32 s6;
	_ =	sdelay $0x1  }
0xa3: {  	s23 =	simm.s32 $0x1B8B  }
0xa4: {  	_ =	swait.ge [sflag:s23], $0x1  }
0xa5: {  	[sflag:s23] =	ssyncset.done $0x0  }
0xa6: {  	s25 =	simm.s32 $0x1B8E;
	s24 =	sld [smem:$0x3FFE];
	[sflag:s23] =	ssyncadd.s32 $0xFFFFFFFF  }
0xa7: {  	s26 =	simm.s32 $execute0_lowered;
	[smem:$0x3FD2] =	sst s25  }
0xa8: {  	s7 =	sshll.u32 s26, $0x1;
	_ =	strace $0x80000046;
	[dreg:$0x1] =	wrdreg $0xFFFFFFFF  }
0xa9: {  	s28 =	simm.s32 $_size_execute0_lowered;
	s5 =	sadd.s32 s5, s7;
	[dreg:$0x0] =	wrdreg $0x0  }
0xaa: {  	s7 =	sshll.u32 s28, $0x1;
	[dreg:$0x2] =	wrdreg s5  }
0xab: {  	[dreg:$0x3] =	wrdreg s7  }
0xac: {  	[dreg:$0x4] =	wrdreg $0xC0  }
0xad: {  	_ =	task [dreg:s9], $0x5FFFF  }
0xae: {  	[dreg:$0x1] =	wrdreg $0xFFFFFFFF  }
0xaf: {  	[dreg:$0x0] =	wrdreg $0x60  }
0xb0: {  	[dreg:$0x2] =	wrdreg s4  }
0xb1: {  	[dreg:$0x3] =	wrdreg s24  }
0xb2: {  	[dreg:$0x4] =	wrdreg s2  }
0xb3: {  	[dreg:$0x5] =	wrdreg s18  }
0xb4: {  	[dreg:$0x6] =	wrdreg $0x80000  }
0xb5: {  	[dreg:$0x7] =	wrdreg $0x9  }
0xb6: {  	_ =	task.clear_ibuf [dreg:s9], $0x8FFFF;
	_ =	strace $0x90000046  }
0xb7: {  	s29 =	simm.s32 $0x9;
	_ =	strace $0x80000048  }
0xb8: {  	_ =	swait.ge [sflag:s29], $0x1  }
0xb9: {  	[sflag:s29] =	ssyncadd.s32 $0xFFFFFFFF  }
0xba: {  	_ =	strace $0x90000048  }
0xbb: {  	_ =	sfence  }
0xbc: {  	s30 =	sld [smem:$0x0];
	_ =	sdelay $0x2  }
0xbd: {  	s31 =	sshll.u32 s1, $0xD;
	s1 =	sshrl.u32 s1, $0x2  }
0xbe: {  	s3 =	sand.u32 $0x4000, s31;
	s1 =	sadd.s32 s1, s30  }
0xbf: {  	s0 =	sor.u32 s3, s0;
	s1 =	sshll.u32 s1, $0x11  }
0xc0: {  	s0 =	sor.u32 s1, s0  }
0xc1: {  	s0 =	sadd.s32 $0x8F2B, s0  }
0xc2: {  	[sflag:s0] =	ssyncadd.remote.s32 $0x1  }
0xc3: {  	_ =	sfence.sel $0xFFFF  }
0xc4: {  	[dreg:$0x0] =	wrdreg $0xFFFFFFFF;
	(pc) =	sbr.abs _section_cstart, $3  }
0xc5: {  	[dreg:$0x1] =	wrdreg $0xFFFFFFFF  }
0xc6: {  	_ =	task.clear_ibuf [dreg:s9], $0x2FFFF;
	_ =	strace $0x9FFFFFFF  }
0xc7: {  	(tm) =	ssettm $0x7FFFFFFF  }
tec
execute0_lowered:
.L_overlay_start_1:
0x0: {  	(tag) =	ssettag $0x1  }
0x1: {  	s0 =	rddreg [dreg:$0x0]  }
0x2: {  	s1 =	rddreg [dreg:$0x1]  }
0x3: {  	s2 =	rddreg [dreg:$0x2]  }
0x4: {  	s3 =	rddreg [dreg:$0x3]  }
0x5: {  	s4 =	rddreg [dreg:$0x4]  }
0x6: {  	s5 =	srdreg.scid;
	s7 =	stileid.u32;
	s29 =	simm.s32 $0x400  }
0x7: {  	s30 =	simm.s32 $0x480;
	s31 =	simm.s32 $0x180;
	s28 =	simm.s32 $0x380  }
0x8: {  	s6 =	sand.u32 $0x1, s5;
	s5 =	simm.s32 $0x0;
	s13 =	smul.u32 $0x4E200, s7  }
0x9: {  	s14 =	sadd.s32 $0x272A00, s1;
	s23 =	sshll.u32 s7, $0x6;
	p0 =	sne.s32 s7, $0x0  }
0xa: {  	s8 =	sshll.u32 s6, $0x4;
	[smem:$0x7FF] =	sst s5;
	s9 =	smul.u32 $0x27100, s6  }
0xb: {  	s10 =	ssub.s32 $0x2, s6;
	s6 =	sadd.s32 $0x1A00, s1;
	s20 =	sor.u32 $0x1C09, s23  }
0xc: {  	s8 =	sor.u32 s7, s8;
	_ =	strace $0x80000047;
	s12 =	sshrl.u32 s10, $0x1  }
0xd: {  	[dreg:$0x6] =	wrdreg s14;
	s22 =	sshrl.u32 s13, $0x2;
	s14 =	simm.s32 $0x1C00  }
0xe: {  	[dreg:$0x7] =	wrdreg s20;
	s11 =	smul.u32 $0x1388, s8;
	s1 =	sadd.s32 s9, s1  }
0xf: {  	s9 =	ssub.s32 s10, s12;
	s10 =	sadd.s32 s22, s4;
	s8 =	smul.u32 $0x13880, s8  }
0x10: {  	s1 =	sadd.s32 $0x275200, s1;
	s23 =	smax.u32 s9, $0x1;
	s9 =	simm.s32 $0x5800  }
0x11: {  	s24 =	sshrl.u32 s11, $0x3;
	s16 =	sadd.s32 $0x27128, s11;
	[dreg:$0x14] =	wrdreg s1  }
0x12: {  	s17 =	sadd.s32 $0x28, s11;
	s8 =	sadd.s32 s6, s8;
	[dreg:$0x15] =	wrdreg s23  }
0x13: {  	s21 =	sadd.s32 $0xA0, s11;
	s22 =	sadd.s32 $0xC8, s11;
	[dreg:$0xc] =	wrdreg s17  }
0x14: {  	s23 =	simm.s32 $0x8;
	s25 =	sadd.s32 $0x4E20, s24;
	[dreg:$0x11] =	wrdreg s8  }
0x15: {  	s26 =	sadd.s32 s2, s24;
	s13 =	sadd.s32 s3, s24;
	[dreg:$0x12] =	wrdreg s21  }
0x16: {  	[dreg:$0x13] =	wrdreg s22;
	s24 =	sadd.s32 $0x50, s11;
	s22 =	simm.s32 $0x5  }
0x17: {  	s21 =	simm.s32 $0x4;
	s8 =	simm.s32 $0x0;
	[dreg:$0x8] =	wrdreg s26  }
0x18: {  	s15 =	sadd.s32 s2, s25;
	[dreg:$0xa] =	wrdreg s13;
	s12 =	sadd.s32 s3, s25  }
0x19: {  	s13 =	sshrl.u32 s17, $0x3;
	[dreg:$0x16] =	wrdreg s24;
	s25 =	sadd.s32 $0x78, s11  }
0x1a: {  	s26 =	sshrl.u32 s10, $0x3;
	s10 =	simm.s32 $0x1;
	[dreg:$0x9] =	wrdreg s15  }
0x1b: {  	s11 =	simm.s32 $0x28;
	s17 =	simm.s32 $0x3000;
	[dreg:$0xb] =	wrdreg s12  }
0x1c: {  	s24 =	simm.s32 $0x6;
	s12 =	sshrl.u32 s16, $0x3;
	[dreg:$0x17] =	wrdreg s25  }
0x1d: {  	s18 =	sadd.s32 s2, s13;
	s13 =	sadd.s32 s3, s13;
	[dreg:$0x18] =	wrdreg s26  }
0x1e: {  	s26 =	simm.s32 $0x100;
	s16 =	simm.s32 $0x2;
	[dreg:$0xd] =	wrdreg s18  }
0x1f: {  	s19 =	sadd.s32 s2, s12;
	[dreg:$0xf] =	wrdreg s13;
	s12 =	sadd.s32 s3, s12  }
0x20: {  	s18 =	simm.s32 $0x4400;
	s13 =	simm.s32 $0x3;
	[dreg:$0xe] =	wrdreg s19  }
0x21: {  	[dreg:$0x10] =	wrdreg s12;
	s12 =	simm.s32 $0x800;
	s19 =	simm.s32 $0x7  }
.LBB2_1:
0x22: {  	[dreg:$0x19] =	wrdreg s8  }
0x23: {  	s1 =	rddreg [dreg:$0x6]  }
0x24: {  	s7 =	rddreg [dreg:$0x18]  }
0x25: {  	[spmem:s7], [sflag:s20] =	dma.local [hbm:s1], $0x2710  }
0x26: {  	s7 =	simm.s32 $0x9  }
0x27: {  	_ =	swait.ge [sflag:s7], $0x2710  }
0x28: {  	[sflag:s7] =	ssyncset.done $0x0  }
0x29: {  	[sflag:s7] =	ssyncadd.s32 $0xFFFFD8F0  }
0x2a: {  	[bflag:$0x0] =	sbarrier.arrive $0xFFFF  }
0x2b: {  	s8 =	rddreg [dreg:$0x8]  }
0x2c: {  	[tilespmem:s5], [sflag:$0x1] =	stream.linear.gather [hbm4b:s8+s5], $0x28, $0x38;
	[tilespmem:$0x1B880] =	vst v63  }
0x2d: {  	s15 =	rddreg [dreg:$0x9];
	s8 =	simm.s32 $0x80  }
0x2e: {  	[tilespmem:s8], [sflag:$0x1] =	stream.linear.gather [hbm4b:s15+s5], $0x28, $0x38;
	[tilespmem:$0x1B880] =	vst v63  }
0x2f: {  	s20 =	rddreg [dreg:$0xa]  }
0x30: {  	[tilespmem:s29], [sflag:$0x1] =	stream.linear.gather [hbm4b:s20+s5], $0x28, $0x38;
	[tilespmem:$0x1B880] =	vst v63  }
0x31: {  	s25 =	rddreg [dreg:$0xb]  }
0x32: {  	[tilespmem:s30], [sflag:$0x1] =	stream.linear.gather [hbm4b:s25+s5], $0x28, $0x38;
	[tilespmem:$0x1B880] =	vst v63  }
0x33: {  	s7 =	rddreg [dreg:$0xd]  }
0x34: {  	[tilespmem:s26], [sflag:$0x2] =	stream.linear.gather [hbm4b:s7+s5], $0x28, $0x38;
	[tilespmem:$0x1B880] =	vst v63  }
0x35: {  	s15 =	rddreg [dreg:$0xe]  }
0x36: {  	[tilespmem:s31], [sflag:$0x2] =	stream.linear.gather [hbm4b:s15+s5], $0x28, $0x38;
	[tilespmem:$0x1B880] =	vst v63  }
0x37: {  	s20 =	rddreg [dreg:$0xf];
	s25 =	simm.s32 $0x500  }
0x38: {  	[tilespmem:s25], [sflag:$0x2] =	stream.linear.gather [hbm4b:s20+s5], $0x28, $0x38;
	[tilespmem:$0x1B880] =	vst v63  }
0x39: {  	s15 =	rddreg [dreg:$0x10];
	s20 =	simm.s32 $0x580  }
0x3a: {  	[tilespmem:s20], [sflag:$0x2] =	stream.linear.gather [hbm4b:s15+s5], $0x28, $0x38;
	[tilespmem:$0x1B880] =	vst v63  }
0x3b: {  	_ =	swait.ge [sflag:s10], $0x28  }
0x3c: {  	[sflag:s10] =	ssyncset.done $0x0  }
0x3d: {  	[sflag:s10] =	ssyncadd.s32 $0xFFFFFFD8  }
0x3e: {  	_ =	swait.ge [sflag:s10], $0x28  }
0x3f: {  	[sflag:s10] =	ssyncset.done $0x0  }
0x40: {  	[sflag:s10] =	ssyncadd.s32 $0xFFFFFFD8  }
0x41: {  	_ =	swait.ge [sflag:s10], $0x28  }
0x42: {  	[sflag:s10] =	ssyncset.done $0x0  }
0x43: {  	[sflag:s10] =	ssyncadd.s32 $0xFFFFFFD8  }
0x44: {  	_ =	swait.ge [sflag:s10], $0x28  }
0x45: {  	[sflag:s10] =	ssyncset.done $0x0  }
0x46: {  	[sflag:s10] =	ssyncadd.s32 $0xFFFFFFD8  }
0x47: {  	[tilespmem:s12], [sflag:$0x5] =	stream.indirect.gather [hbm4b:s0+s11], $0x80, s5, s11, $0xb8;
	[tilespmem:$0x1B880] =	vst v63  }
0x48: {  	_ = 	snop  }
0x49: {  	[tilespmem:s14], [sflag:$0x5] =	stream.indirect.gather [hbm4b:s0+s11], $0x80, s8, s11, $0xb8;
	[tilespmem:$0x1B880] =	vst v63  }
0x4a: {  	s25 =	rddreg [dreg:$0x11]  }
0x4b: {  	[tilespmem:s9], [sflag:$0x5] =	stream.linear.gather [hbm4b:s25+s5], $0x1400, $0x38;
	[tilespmem:$0x1B880] =	vst v63  }
0x4c: {  	s25 =	simm.s32 $0x0  }
.LBB2_2:
0x4d: {  	_ =	swait.ge [sflag:s16], $0x28  }
0x4e: {  	[sflag:s16] =	ssyncset.done $0x0  }
0x4f: {  	[sflag:s16] =	ssyncadd.s32 $0xFFFFFFD8  }
0x50: {  	_ =	swait.ge [sflag:s16], $0x28  }
0x51: {  	[sflag:s16] =	ssyncset.done $0x0  }
0x52: {  	[sflag:s16] =	ssyncadd.s32 $0xFFFFFFD8  }
0x53: {  	_ =	swait.ge [sflag:s16], $0x28  }
0x54: {  	[sflag:s16] =	ssyncset.done $0x0  }
0x55: {  	[sflag:s16] =	ssyncadd.s32 $0xFFFFFFD8  }
0x56: {  	_ =	swait.ge [sflag:s16], $0x28  }
0x57: {  	p1 =	seq.s32 s25, $0x0;
	[sflag:s16] =	ssyncset.done $0x0  }
0x58: {  	s8 =	simm.s32 @!p1 $0x7;
	[sflag:s16] =	ssyncadd.s32 $0xFFFFFFD8  }
0x59: {  	_ =	swait.ge @!p1 [sflag:s8], $0x1400  }
0x5a: {  	[sflag:s8] =	ssyncset.done @!p1 $0x0  }
0x5b: {  	[sflag:s8] =	ssyncadd.s32 @!p1 $0xFFFFEC00;
	s8 =	simm.s32 @!p1 $0x8  }
0x5c: {  	_ =	swait.ge @!p1 [sflag:s8], $0x1400  }
0x5d: {  	[sflag:s8] =	ssyncset.done @!p1 $0x0  }
0x5e: {  	[sflag:s8] =	ssyncadd.s32 @!p1 $0xFFFFEC00  }
0x5f: {  	[tilespmem:s17], [sflag:$0x6] =	stream.indirect.gather [hbm4b:s0+s11], $0x80, s26, s11, $0xb8;
	[tilespmem:$0x1B880] =	vst v63  }
0x60: {  	s1 =	rddreg [dreg:$0xc];
	s26 =	smul.u32 $0xA0, s25  }
0x61: {  	[tilespmem:s18], [sflag:$0x6] =	stream.indirect.gather [hbm4b:s0+s11], $0x80, s31, s11, $0xb8;
	[tilespmem:$0x1B880] =	vst v63  }
0x62: {  	s20 =	sadd.s32 s26, s1  }
0x63: {  	s8 =	sshll.u32 s20, $0x4  }
0x64: {  	s31 =	simm.s32 $0x6C00;
	s20 =	simm.s32 $0x0;
	s8 =	sadd.s32 s6, s8  }
0x65: {  	[tilespmem:s31], [sflag:$0x6] =	stream.linear.gather [hbm4b:s8+s20], $0x1400, $0x38;
	[tilespmem:$0x1B880] =	vst v63  }
0x66: {  	_ =	swait.ge [sflag:s22], $0x1400  }
0x67: {  	[sflag:s22] =	ssyncset.done $0x0  }
0x68: {  	[sflag:s22] =	ssyncadd.s32 $0xFFFFEC00  }
0x69: {  	_ =	swait.ge [sflag:s22], $0x1400  }
0x6a: {  	[sflag:s22] =	ssyncset.done $0x0  }
0x6b: {  	[sflag:s22] =	ssyncadd.s32 $0xFFFFEC00  }
0x6c: {  	_ =	swait.ge [sflag:s22], $0x1400  }
0x6d: {  	[sflag:s22] =	ssyncset.done $0x0  }
0x6e: {  	s8 =	simm.s32 $0x0;
	[sflag:s22] =	ssyncadd.s32 $0xFFFFEC00  }
0x6f: {  	v3 =	vld [tilespmem:s8+$0x5800]  }
0x70: {  	v4 =	vld [tilespmem:s8+$0x5810]  }
0x71: {  	v5 =	vld [tilespmem:s8+$0x5820]  }
0x72: {  	v7 =	vld [tilespmem:s8+$0x5830]  }
0x73: {  	v8 =	vld [tilespmem:s8+$0x5840]  }
0x74: {  	v2 =	vld [tilespmem:s8+$0x5850]  }
0x75: {  	v6 =	vld [tilespmem:s8+$0x800]  }
0x76: {  	v9 =	vld [tilespmem:s8+$0x1C00]  }
0x77: {  	v1 =	vld [tilespmem:s8+$0x5860]  }
0x78: {  	v10 =	vld [tilespmem:s8+$0x810]  }
0x79: {  	v11 =	vld [tilespmem:s8+$0x1C10];
	v12 =	vshll.u32 v3, $0x10  }
0x7a: {  	v13 =	vld [tilespmem:s8+$0x820];
	v3 =	vand.u32 $0xFFFF0000, v3;
	v6 =	vmul.f32 v12, v6  }
0x7b: {  	v0 =	vld [tilespmem:s8+$0x5870];
	v3 =	vmul.f32 v3, v9  }
0x7c: {  	v63 =	vld [tilespmem:s8+$0x1C20];
	[tilespmem:s8+$0x800] =	vst v6;
	v6 =	vshll.u32 v4, $0x10  }
0x7d: {  	v14 =	vld [tilespmem:s8+$0x830];
	[tilespmem:s8+$0x1C00] =	vst v3;
	v3 =	vand.u32 $0xFFFF0000, v4;
	v6 =	vmul.f32 v6, v10  }
0x7e: {  	v9 =	vld [tilespmem:s8+$0x1C30];
	v4 =	vshll.u32 v5, $0x10;
	v3 =	vmul.f32 v3, v11  }
0x7f: {  	v15 =	vld [tilespmem:s8+$0x840];
	v10 =	vmul.f32 v4, v13;
	[tilespmem:s8+$0x810] =	vst v6  }
0x80: {  	v6 =	vld [tilespmem:s8+$0x1C40];
	[tilespmem:s8+$0x1C10] =	vst v3;
	v3 =	vand.u32 $0xFFFF0000, v5  }
0x81: {  	v4 =	vld [tilespmem:s8+$0x850];
	[tilespmem:s8+$0x820] =	vst v10;
	v10 =	vshll.u32 v7, $0x10;
	v3 =	vmul.f32 v3, v63  }
0x82: {  	v5 =	vld [tilespmem:s8+$0x1C50];
	v7 =	vand.u32 $0xFFFF0000, v7;
	v10 =	vmul.f32 v10, v14  }
0x83: {  	v11 =	vshll.u32 v8, $0x10;
	v9 =	vmul.f32 v7, v9;
	[tilespmem:s8+$0x1C20] =	vst v3;
	v3 =	vld [tilespmem:s8+$0x860]  }
0x84: {  	s20 =	simm.s32 $0x200;
	v7 =	vld [tilespmem:s8+$0x1C60];
	[tilespmem:s8+$0x830] =	vst v10;
	v10 =	vand.u32 $0xFFFF0000, v8;
	v8 =	vmul.f32 v11, v15  }
.LBB2_3:
0x85: {  	p1 =	sne.s32 s20, $0x4E00;
	[tilespmem:s8+$0x1C30] =	vst v9;
	v6 =	vmul.f32 v10, v6;
	v9 =	vshll.u32 v2, $0x10;
	v10 =	vld [tilespmem:s8+$0x870]  }
0x86: {  	s31 =	sshra.s32 s20, $0x2;
	v2 =	vand.u32 $0xFFFF0000, v2;
	[tilespmem:s8+$0x840] =	vst v8;
	v4 =	vmul.f32 v9, v4;
	v8 =	vld [tilespmem:s8+$0x1C70]  }
0x87: {  	v9 =	vld [tilespmem:s31+$0x5800];
	[tilespmem:s8+$0x1C40] =	vst v6;
	v2 =	vmul.f32 v2, v5;
	v5 =	vshll.u32 v1, $0x10  }
0x88: {  	v1 =	vand.u32 $0xFFFF0000, v1;
	v6 =	vld [tilespmem:s31+$0x5810];
	[tilespmem:s8+$0x850] =	vst v4;
	v3 =	vmul.f32 v5, v3  }
0x89: {  	v4 =	vld [tilespmem:s31+$0x5820];
	[tilespmem:s8+$0x1C50] =	vst v2;
	v1 =	vmul.f32 v1, v7;
	v2 =	vshll.u32 v0, $0x10  }
0x8a: {  	v0 =	vand.u32 $0xFFFF0000, v0;
	v5 =	vld [tilespmem:s31+$0x5830];
	[tilespmem:s8+$0x860] =	vst v3;
	v3 =	vmul.f32 v2, v10  }
0x8b: {  	v7 =	vld [tilespmem:s31+$0x5840];
	[tilespmem:s8+$0x1C60] =	vst v1;
	v0 =	vmul.f32 v0, v8  }
0x8c: {  	v2 =	vld [tilespmem:s31+$0x5850];
	[tilespmem:s8+$0x870] =	vst v3  }
0x8d: {  	v1 =	vld [tilespmem:s31+$0x5860];
	[tilespmem:s8+$0x1C70] =	vst v0;
	s8 =	smov.u32 s31  }
0x8e: {  	v0 =	vld [tilespmem:s8+$0x5870]  }
0x8f: {  	v3 =	vld [tilespmem:s8+$0x800]  }
0x90: {  	v8 =	vld [tilespmem:s8+$0x1C00]  }
0x91: {  	v10 =	vld [tilespmem:s8+$0x810]  }
0x92: {  	v11 =	vld [tilespmem:s8+$0x1C10]  }
0x93: {  	v12 =	vshll.u32 v9, $0x10;
	v13 =	vld [tilespmem:s8+$0x820]  }
0x94: {  	v9 =	vand.u32 $0xFFFF0000, v9;
	v3 =	vmul.f32 v12, v3;
	v12 =	vld [tilespmem:s8+$0x1C20]  }
0x95: {  	v8 =	vmul.f32 v9, v8;
	v9 =	vshll.u32 v6, $0x10;
	v14 =	vld [tilespmem:s8+$0x830]  }
0x96: {  	[tilespmem:s8+$0x800] =	vst v3;
	v3 =	vand.u32 $0xFFFF0000, v6;
	v6 =	vmul.f32 v9, v10;
	v9 =	vld [tilespmem:s8+$0x1C30]  }
0x97: {  	[tilespmem:s8+$0x1C00] =	vst v8;
	v3 =	vmul.f32 v3, v11;
	v8 =	vshll.u32 v4, $0x10;
	v11 =	vld [tilespmem:s8+$0x840]  }
.Ltmp0:
0x98: {  	v4 =	vand.u32 $0xFFFF0000, v4;
	[tilespmem:s8+$0x810] =	vst v6;
	v8 =	vmul.f32 v8, v13;
	v6 =	vld [tilespmem:s8+$0x1C40];
	(pc) =	sbr.rel @p1 .LBB2_3-.Ltmp0, $4  }
0x99: {  	v10 =	vshll.u32 v5, $0x10;
	[tilespmem:s8+$0x1C10] =	vst v3;
	v3 =	vmul.f32 v4, v12;
	v4 =	vld [tilespmem:s8+$0x850]  }
0x9a: {  	[tilespmem:s8+$0x820] =	vst v8;
	v8 =	vand.u32 $0xFFFF0000, v5;
	v10 =	vmul.f32 v10, v14;
	v5 =	vld [tilespmem:s8+$0x1C50]  }
0x9b: {  	[tilespmem:s8+$0x1C20] =	vst v3;
	v9 =	vmul.f32 v8, v9;
	v8 =	vshll.u32 v7, $0x10;
	v3 =	vld [tilespmem:s8+$0x860]  }
0x9c: {  	s20 =	sadd.s32 $0x200, s20;
	[tilespmem:s8+$0x830] =	vst v10;
	v10 =	vand.u32 $0xFFFF0000, v7;
	v8 =	vmul.f32 v8, v11;
	v7 =	vld [tilespmem:s8+$0x1C60]  }
0x9d: {  	[tilespmem:s8+$0x1C30] =	vst v9;
	v9 =	vld [tilespmem:s8+$0x870];
	v6 =	vmul.f32 v10, v6;
	v10 =	vshll.u32 v2, $0x10  }
0x9e: {  	v2 =	vand.u32 $0xFFFF0000, v2;
	[tilespmem:s8+$0x840] =	vst v8;
	v4 =	vmul.f32 v10, v4;
	v8 =	vld [tilespmem:s8+$0x1C70]  }
0x9f: {  	[tilespmem:s8+$0x1C40] =	vst v6;
	v2 =	vmul.f32 v2, v5;
	v5 =	vshll.u32 v1, $0x10  }
0xa0: {  	v1 =	vand.u32 $0xFFFF0000, v1;
	[tilespmem:s8+$0x850] =	vst v4;
	v3 =	vmul.f32 v5, v3  }
0xa1: {  	[tilespmem:s8+$0x1C50] =	vst v2;
	v1 =	vmul.f32 v1, v7;
	v2 =	vshll.u32 v0, $0x10  }
0xa2: {  	v0 =	vand.u32 $0xFFFF0000, v0;
	[tilespmem:s8+$0x860] =	vst v3;
	v2 =	vmul.f32 v2, v9  }
0xa3: {  	[tilespmem:s8+$0x1C60] =	vst v1;
	v0 =	vmul.f32 v0, v8  }
0xa4: {  	s1 =	rddreg [dreg:$0x16];
	[tilespmem:s8+$0x870] =	vst v2  }
0xa5: {  	[tilespmem:s8+$0x1C70] =	vst v0;
	s8 =	sadd.s32 s1, s26  }
0xa6: {  	[spmem:s4] =	stream.indirect.scatter.add.f32 [tilespmem:s12], [sflag:$0x7], $0x80, s29, s11, $0xb8;
	[tilespmem:$0x1B880] =	vst v63  }
0xa7: {  	s20 =	sshrl.u32 s8, $0x3  }
0xa8: {  	[spmem:s4] =	stream.indirect.scatter.add.f32 [tilespmem:s14], [sflag:$0x8], $0x80, s30, s11, $0xb8;
	[tilespmem:$0x1B880] =	vst v63  }
0xa9: {  	s9 =	simm.s32 $0x200;
	s1 =	simm.s32 $0x0;
	s31 =	sadd.s32 s2, s20  }
0xaa: {  	[tilespmem:s9], [sflag:$0x3] =	stream.linear.gather [hbm4b:s31+s1], $0x28, $0x38;
	[tilespmem:$0x1B880] =	vst v63  }
0xab: {  	s31 =	sadd.s32 $0x4E20, s20  }
0xac: {  	s15 =	simm.s32 $0x280;
	s7 =	sadd.s32 s2, s31  }
0xad: {  	[tilespmem:s15], [sflag:$0x3] =	stream.linear.gather [hbm4b:s7+s1], $0x28, $0x38;
	[tilespmem:$0x1B880] =	vst v63  }
0xae: {  	s7 =	sadd.s32 s3, s20;
	s20 =	simm.s32 $0x600  }
0xaf: {  	[tilespmem:s20], [sflag:$0x3] =	stream.linear.gather [hbm4b:s7+s1], $0x28, $0x38;
	[tilespmem:$0x1B880] =	vst v63  }
0xb0: {  	s20 =	sadd.s32 s3, s31;
	s31 =	simm.s32 $0x680  }
0xb1: {  	[tilespmem:s31], [sflag:$0x3] =	stream.linear.gather [hbm4b:s20+s1], $0x28, $0x38;
	[tilespmem:$0x1B880] =	vst v63  }
0xb2: {  	_ =	swait.ge [sflag:s13], $0x28  }
0xb3: {  	[sflag:s13] =	ssyncset.done $0x0  }
0xb4: {  	[sflag:s13] =	ssyncadd.s32 $0xFFFFFFD8  }
0xb5: {  	_ =	swait.ge [sflag:s13], $0x28  }
0xb6: {  	[sflag:s13] =	ssyncset.done $0x0  }
0xb7: {  	[sflag:s13] =	ssyncadd.s32 $0xFFFFFFD8  }
0xb8: {  	_ =	swait.ge [sflag:s13], $0x28  }
0xb9: {  	[sflag:s13] =	ssyncset.done $0x0  }
0xba: {  	[sflag:s13] =	ssyncadd.s32 $0xFFFFFFD8  }
0xbb: {  	_ =	swait.ge [sflag:s13], $0x28  }
0xbc: {  	[sflag:s13] =	ssyncset.done $0x0  }
0xbd: {  	[sflag:s13] =	ssyncadd.s32 $0xFFFFFFD8  }
0xbe: {  	_ =	swait.ge [sflag:s19], $0x1400  }
0xbf: {  	[sflag:s19] =	ssyncset.done $0x0  }
0xc0: {  	[sflag:s19] =	ssyncadd.s32 $0xFFFFEC00  }
0xc1: {  	_ =	swait.ge [sflag:s23], $0x1400  }
0xc2: {  	[sflag:s23] =	ssyncset.done $0x0  }
0xc3: {  	[sflag:s23] =	ssyncadd.s32 $0xFFFFEC00  }
0xc4: {  	[tilespmem:s12], [sflag:$0x5] =	stream.indirect.gather [hbm4b:s0+s11], $0x80, s9, s11, $0xb8;
	[tilespmem:$0x1B880] =	vst v63  }
0xc5: {  	s31 =	sshll.u32 s8, $0x4  }
0xc6: {  	[tilespmem:s14], [sflag:$0x5] =	stream.indirect.gather [hbm4b:s0+s11], $0x80, s15, s11, $0xb8;
	[tilespmem:$0x1B880] =	vst v63  }
0xc7: {  	s7 =	sadd.s32 s6, s31;
	s9 =	simm.s32 $0x5800  }
0xc8: {  	[tilespmem:s9], [sflag:$0x5] =	stream.linear.gather [hbm4b:s7+s1], $0x1400, $0x38;
	[tilespmem:$0x1B880] =	vst v63  }
0xc9: {  	_ =	swait.ge [sflag:s24], $0x1400  }
0xca: {  	[sflag:s24] =	ssyncset.done $0x0  }
0xcb: {  	[sflag:s24] =	ssyncadd.s32 $0xFFFFEC00  }
0xcc: {  	_ =	swait.ge [sflag:s24], $0x1400  }
0xcd: {  	[sflag:s24] =	ssyncset.done $0x0  }
0xce: {  	[sflag:s24] =	ssyncadd.s32 $0xFFFFEC00  }
0xcf: {  	_ =	swait.ge [sflag:s24], $0x1400  }
0xd0: {  	[sflag:s24] =	ssyncset.done $0x0  }
0xd1: {  	s8 =	simm.s32 $0x0;
	[sflag:s24] =	ssyncadd.s32 $0xFFFFEC00  }
0xd2: {  	v3 =	vld [tilespmem:s8+$0x6C00]  }
0xd3: {  	v4 =	vld [tilespmem:s8+$0x6C10]  }
0xd4: {  	v5 =	vld [tilespmem:s8+$0x6C20]  }
0xd5: {  	v7 =	vld [tilespmem:s8+$0x6C30]  }
0xd6: {  	v8 =	vld [tilespmem:s8+$0x6C40]  }
0xd7: {  	v2 =	vld [tilespmem:s8+$0x6C50]  }
0xd8: {  	v6 =	vld [tilespmem:s8+$0x3000]  }
0xd9: {  	v9 =	vld [tilespmem:s8+$0x4400]  }
0xda: {  	v1 =	vld [tilespmem:s8+$0x6C60]  }
0xdb: {  	v10 =	vld [tilespmem:s8+$0x3010]  }
0xdc: {  	v11 =	vld [tilespmem:s8+$0x4410];
	v12 =	vshll.u32 v3, $0x10  }
0xdd: {  	v13 =	vld [tilespmem:s8+$0x3020];
	v3 =	vand.u32 $0xFFFF0000, v3;
	v6 =	vmul.f32 v12, v6  }
0xde: {  	v0 =	vld [tilespmem:s8+$0x6C70];
	v3 =	vmul.f32 v3, v9  }
0xdf: {  	v63 =	vld [tilespmem:s8+$0x4420];
	[tilespmem:s8+$0x3000] =	vst v6;
	v6 =	vshll.u32 v4, $0x10  }
0xe0: {  	v14 =	vld [tilespmem:s8+$0x3030];
	[tilespmem:s8+$0x4400] =	vst v3;
	v3 =	vand.u32 $0xFFFF0000, v4;
	v6 =	vmul.f32 v6, v10  }
0xe1: {  	v9 =	vld [tilespmem:s8+$0x4430];
	v4 =	vshll.u32 v5, $0x10;
	v3 =	vmul.f32 v3, v11  }
0xe2: {  	v15 =	vld [tilespmem:s8+$0x3040];
	v10 =	vmul.f32 v4, v13;
	[tilespmem:s8+$0x3010] =	vst v6  }
0xe3: {  	v6 =	vld [tilespmem:s8+$0x4440];
	[tilespmem:s8+$0x4410] =	vst v3;
	v3 =	vand.u32 $0xFFFF0000, v5  }
0xe4: {  	v4 =	vld [tilespmem:s8+$0x3050];
	[tilespmem:s8+$0x3020] =	vst v10;
	v10 =	vshll.u32 v7, $0x10;
	v3 =	vmul.f32 v3, v63  }
0xe5: {  	v5 =	vld [tilespmem:s8+$0x4450];
	v7 =	vand.u32 $0xFFFF0000, v7;
	v10 =	vmul.f32 v10, v14  }
0xe6: {  	v11 =	vshll.u32 v8, $0x10;
	v9 =	vmul.f32 v7, v9;
	[tilespmem:s8+$0x4420] =	vst v3;
	v3 =	vld [tilespmem:s8+$0x3060]  }
0xe7: {  	s20 =	simm.s32 $0x200;
	v7 =	vld [tilespmem:s8+$0x4460];
	[tilespmem:s8+$0x3030] =	vst v10;
	v10 =	vand.u32 $0xFFFF0000, v8;
	v8 =	vmul.f32 v11, v15  }
.LBB2_5:
0xe8: {  	p1 =	sne.s32 s20, $0x4E00;
	[tilespmem:s8+$0x4430] =	vst v9;
	v6 =	vmul.f32 v10, v6;
	v9 =	vshll.u32 v2, $0x10;
	v10 =	vld [tilespmem:s8+$0x3070]  }
0xe9: {  	s1 =	sshra.s32 s20, $0x2;
	v2 =	vand.u32 $0xFFFF0000, v2;
	[tilespmem:s8+$0x3040] =	vst v8;
	v4 =	vmul.f32 v9, v4;
	v8 =	vld [tilespmem:s8+$0x4470]  }
0xea: {  	v9 =	vld [tilespmem:s1+$0x6C00];
	[tilespmem:s8+$0x4440] =	vst v6;
	v2 =	vmul.f32 v2, v5;
	v5 =	vshll.u32 v1, $0x10  }
0xeb: {  	v1 =	vand.u32 $0xFFFF0000, v1;
	v6 =	vld [tilespmem:s1+$0x6C10];
	[tilespmem:s8+$0x3050] =	vst v4;
	v3 =	vmul.f32 v5, v3  }
0xec: {  	v4 =	vld [tilespmem:s1+$0x6C20];
	[tilespmem:s8+$0x4450] =	vst v2;
	v1 =	vmul.f32 v1, v7;
	v2 =	vshll.u32 v0, $0x10  }
0xed: {  	v0 =	vand.u32 $0xFFFF0000, v0;
	v5 =	vld [tilespmem:s1+$0x6C30];
	[tilespmem:s8+$0x3060] =	vst v3;
	v3 =	vmul.f32 v2, v10  }
0xee: {  	v7 =	vld [tilespmem:s1+$0x6C40];
	[tilespmem:s8+$0x4460] =	vst v1;
	v0 =	vmul.f32 v0, v8  }
0xef: {  	v2 =	vld [tilespmem:s1+$0x6C50];
	[tilespmem:s8+$0x3070] =	vst v3  }
0xf0: {  	v1 =	vld [tilespmem:s1+$0x6C60];
	[tilespmem:s8+$0x4470] =	vst v0;
	s8 =	smov.u32 s1  }
0xf1: {  	v0 =	vld [tilespmem:s8+$0x6C70]  }
0xf2: {  	v3 =	vld [tilespmem:s8+$0x3000]  }
0xf3: {  	v8 =	vld [tilespmem:s8+$0x4400]  }
0xf4: {  	v10 =	vld [tilespmem:s8+$0x3010]  }
0xf5: {  	v11 =	vld [tilespmem:s8+$0x4410]  }
0xf6: {  	v12 =	vshll.u32 v9, $0x10;
	v13 =	vld [tilespmem:s8+$0x3020]  }
0xf7: {  	v9 =	vand.u32 $0xFFFF0000, v9;
	v3 =	vmul.f32 v12, v3;
	v12 =	vld [tilespmem:s8+$0x4420]  }
0xf8: {  	v8 =	vmul.f32 v9, v8;
	v9 =	vshll.u32 v6, $0x10;
	v14 =	vld [tilespmem:s8+$0x3030]  }
0xf9: {  	[tilespmem:s8+$0x3000] =	vst v3;
	v3 =	vand.u32 $0xFFFF0000, v6;
	v6 =	vmul.f32 v9, v10;
	v9 =	vld [tilespmem:s8+$0x4430]  }
0xfa: {  	[tilespmem:s8+$0x4400] =	vst v8;
	v3 =	vmul.f32 v3, v11;
	v8 =	vshll.u32 v4, $0x10;
	v11 =	vld [tilespmem:s8+$0x3040]  }
.Ltmp1:
0xfb: {  	v4 =	vand.u32 $0xFFFF0000, v4;
	[tilespmem:s8+$0x3010] =	vst v6;
	v8 =	vmul.f32 v8, v13;
	v6 =	vld [tilespmem:s8+$0x4440];
	(pc) =	sbr.rel @p1 .LBB2_5-.Ltmp1, $4  }
0xfc: {  	v10 =	vshll.u32 v5, $0x10;
	[tilespmem:s8+$0x4410] =	vst v3;
	v3 =	vmul.f32 v4, v12;
	v4 =	vld [tilespmem:s8+$0x3050]  }
0xfd: {  	[tilespmem:s8+$0x3020] =	vst v8;
	v8 =	vand.u32 $0xFFFF0000, v5;
	v10 =	vmul.f32 v10, v14;
	v5 =	vld [tilespmem:s8+$0x4450]  }
0xfe: {  	[tilespmem:s8+$0x4420] =	vst v3;
	v9 =	vmul.f32 v8, v9;
	v8 =	vshll.u32 v7, $0x10;
	v3 =	vld [tilespmem:s8+$0x3060]  }
0xff: {  	s20 =	sadd.s32 $0x200, s20;
	[tilespmem:s8+$0x3030] =	vst v10;
	v10 =	vand.u32 $0xFFFF0000, v7;
	v8 =	vmul.f32 v8, v11;
	v7 =	vld [tilespmem:s8+$0x4460]  }
0x100: {  	[tilespmem:s8+$0x4430] =	vst v9;
	v9 =	vld [tilespmem:s8+$0x3070];
	v6 =	vmul.f32 v10, v6;
	v10 =	vshll.u32 v2, $0x10  }
0x101: {  	v2 =	vand.u32 $0xFFFF0000, v2;
	[tilespmem:s8+$0x3040] =	vst v8;
	v4 =	vmul.f32 v10, v4;
	v8 =	vld [tilespmem:s8+$0x4470]  }
0x102: {  	[tilespmem:s8+$0x4440] =	vst v6;
	v2 =	vmul.f32 v2, v5;
	v5 =	vshll.u32 v1, $0x10  }
0x103: {  	v1 =	vand.u32 $0xFFFF0000, v1;
	[tilespmem:s8+$0x3050] =	vst v4;
	v3 =	vmul.f32 v5, v3  }
0x104: {  	[tilespmem:s8+$0x4450] =	vst v2;
	v1 =	vmul.f32 v1, v7;
	v2 =	vshll.u32 v0, $0x10  }
0x105: {  	v0 =	vand.u32 $0xFFFF0000, v0;
	[tilespmem:s8+$0x3060] =	vst v3;
	v2 =	vmul.f32 v2, v9  }
0x106: {  	[tilespmem:s8+$0x4460] =	vst v1;
	v0 =	vmul.f32 v0, v8  }
0x107: {  	[tilespmem:s8+$0x3070] =	vst v2  }
0x108: {  	s1 =	simm.s32 $0x500;
	s20 =	rddreg [dreg:$0x17];
	[tilespmem:s8+$0x4470] =	vst v0  }
0x109: {  	[spmem:s4] =	stream.indirect.scatter.add.f32 [tilespmem:s17], [sflag:$0x7], $0x80, s1, s11, $0xb8;
	[tilespmem:$0x1B880] =	vst v63  }
0x10a: {  	s1 =	sadd.s32 s20, s26  }
0x10b: {  	s15 =	simm.s32 $0x580;
	s20 =	simm.s32 $0x0;
	s7 =	sshrl.u32 s1, $0x3  }
0x10c: {  	[spmem:s4] =	stream.indirect.scatter.add.f32 [tilespmem:s18], [sflag:$0x8], $0x80, s15, s11, $0xb8;
	[tilespmem:$0x1B880] =	vst v63  }
0x10d: {  	s31 =	sadd.s32 s2, s7;
	s15 =	simm.s32 $0x300;
	s8 =	sadd.s32 $0x4E20, s7  }
0x10e: {  	[tilespmem:s15], [sflag:$0x4] =	stream.linear.gather [hbm4b:s31+s20], $0x28, $0x38;
	[tilespmem:$0x1B880] =	vst v63  }
0x10f: {  	s31 =	sadd.s32 s2, s8  }
0x110: {  	[tilespmem:s28], [sflag:$0x4] =	stream.linear.gather [hbm4b:s31+s20], $0x28, $0x38;
	[tilespmem:$0x1B880] =	vst v63  }
0x111: {  	s7 =	sadd.s32 s3, s7;
	s31 =	simm.s32 $0x700  }
0x112: {  	[tilespmem:s31], [sflag:$0x4] =	stream.linear.gather [hbm4b:s7+s20], $0x28, $0x38;
	[tilespmem:$0x1B880] =	vst v63  }
0x113: {  	s8 =	sadd.s32 s3, s8;
	s31 =	simm.s32 $0x780  }
0x114: {  	[tilespmem:s31], [sflag:$0x4] =	stream.linear.gather [hbm4b:s8+s20], $0x28, $0x38;
	[tilespmem:$0x1B880] =	vst v63  }
0x115: {  	_ =	swait.ge [sflag:s21], $0x28  }
0x116: {  	[sflag:s21] =	ssyncset.done $0x0  }
0x117: {  	[sflag:s21] =	ssyncadd.s32 $0xFFFFFFD8  }
0x118: {  	_ =	swait.ge [sflag:s21], $0x28  }
0x119: {  	[sflag:s21] =	ssyncset.done $0x0  }
0x11a: {  	[sflag:s21] =	ssyncadd.s32 $0xFFFFFFD8  }
0x11b: {  	_ =	swait.ge [sflag:s21], $0x28  }
0x11c: {  	[sflag:s21] =	ssyncset.done $0x0  }
0x11d: {  	[sflag:s21] =	ssyncadd.s32 $0xFFFFFFD8  }
0x11e: {  	_ =	swait.ge [sflag:s21], $0x28  }
0x11f: {  	[sflag:s21] =	ssyncset.done $0x0  }
0x120: {  	[sflag:s21] =	ssyncadd.s32 $0xFFFFFFD8  }
0x121: {  	_ =	swait.ge [sflag:s19], $0x1400  }
0x122: {  	[sflag:s19] =	ssyncset.done $0x0  }
0x123: {  	[sflag:s19] =	ssyncadd.s32 $0xFFFFEC00  }
0x124: {  	_ =	swait.ge [sflag:s23], $0x1400  }
0x125: {  	[sflag:s23] =	ssyncset.done $0x0  }
0x126: {  	[sflag:s23] =	ssyncadd.s32 $0xFFFFEC00  }
0x127: {  	[tilespmem:s17], [sflag:$0x6] =	stream.indirect.gather [hbm4b:s0+s11], $0x80, s15, s11, $0xb8;
	[tilespmem:$0x1B880] =	vst v63  }
0x128: {  	s1 =	sshll.u32 s1, $0x4  }
0x129: {  	[tilespmem:s18], [sflag:$0x6] =	stream.indirect.gather [hbm4b:s0+s11], $0x80, s28, s11, $0xb8;
	[tilespmem:$0x1B880] =	vst v63  }
0x12a: {  	s1 =	sadd.s32 s6, s1;
	s31 =	simm.s32 $0x6C00  }
0x12b: {  	[tilespmem:s31], [sflag:$0x6] =	stream.linear.gather [hbm4b:s1+s20], $0x1400, $0x38;
	[tilespmem:$0x1B880] =	vst v63  }
0x12c: {  	_ =	swait.ge [sflag:s22], $0x1400  }
0x12d: {  	[sflag:s22] =	ssyncset.done $0x0  }
0x12e: {  	[sflag:s22] =	ssyncadd.s32 $0xFFFFEC00  }
0x12f: {  	_ =	swait.ge [sflag:s22], $0x1400  }
0x130: {  	[sflag:s22] =	ssyncset.done $0x0  }
0x131: {  	[sflag:s22] =	ssyncadd.s32 $0xFFFFEC00  }
0x132: {  	_ =	swait.ge [sflag:s22], $0x1400  }
0x133: {  	[sflag:s22] =	ssyncset.done $0x0  }
0x134: {  	s8 =	simm.s32 $0x0;
	[sflag:s22] =	ssyncadd.s32 $0xFFFFEC00  }
0x135: {  	v3 =	vld [tilespmem:s8+$0x5800]  }
0x136: {  	v4 =	vld [tilespmem:s8+$0x5810]  }
0x137: {  	v5 =	vld [tilespmem:s8+$0x5820]  }
0x138: {  	v7 =	vld [tilespmem:s8+$0x5830]  }
0x139: {  	v8 =	vld [tilespmem:s8+$0x5840]  }
0x13a: {  	v2 =	vld [tilespmem:s8+$0x5850]  }
0x13b: {  	v6 =	vld [tilespmem:s8+$0x800]  }
0x13c: {  	v9 =	vld [tilespmem:s8+$0x1C00]  }
0x13d: {  	v1 =	vld [tilespmem:s8+$0x5860]  }
0x13e: {  	v10 =	vld [tilespmem:s8+$0x810]  }
0x13f: {  	v11 =	vld [tilespmem:s8+$0x1C10];
	v12 =	vshll.u32 v3, $0x10  }
0x140: {  	v13 =	vld [tilespmem:s8+$0x820];
	v3 =	vand.u32 $0xFFFF0000, v3;
	v6 =	vmul.f32 v12, v6  }
0x141: {  	v0 =	vld [tilespmem:s8+$0x5870];
	v3 =	vmul.f32 v3, v9  }
0x142: {  	v63 =	vld [tilespmem:s8+$0x1C20];
	[tilespmem:s8+$0x800] =	vst v6;
	v6 =	vshll.u32 v4, $0x10  }
0x143: {  	v14 =	vld [tilespmem:s8+$0x830];
	[tilespmem:s8+$0x1C00] =	vst v3;
	v3 =	vand.u32 $0xFFFF0000, v4;
	v6 =	vmul.f32 v6, v10  }
0x144: {  	v9 =	vld [tilespmem:s8+$0x1C30];
	v4 =	vshll.u32 v5, $0x10;
	v3 =	vmul.f32 v3, v11  }
0x145: {  	v15 =	vld [tilespmem:s8+$0x840];
	v10 =	vmul.f32 v4, v13;
	[tilespmem:s8+$0x810] =	vst v6  }
0x146: {  	v6 =	vld [tilespmem:s8+$0x1C40];
	[tilespmem:s8+$0x1C10] =	vst v3;
	v3 =	vand.u32 $0xFFFF0000, v5  }
0x147: {  	v4 =	vld [tilespmem:s8+$0x850];
	[tilespmem:s8+$0x820] =	vst v10;
	v10 =	vshll.u32 v7, $0x10;
	v3 =	vmul.f32 v3, v63  }
0x148: {  	v5 =	vld [tilespmem:s8+$0x1C50];
	v7 =	vand.u32 $0xFFFF0000, v7;
	v10 =	vmul.f32 v10, v14  }
0x149: {  	v11 =	vshll.u32 v8, $0x10;
	v9 =	vmul.f32 v7, v9;
	[tilespmem:s8+$0x1C20] =	vst v3;
	v3 =	vld [tilespmem:s8+$0x860]  }
0x14a: {  	s20 =	simm.s32 $0x200;
	v7 =	vld [tilespmem:s8+$0x1C60];
	[tilespmem:s8+$0x830] =	vst v10;
	v10 =	vand.u32 $0xFFFF0000, v8;
	v8 =	vmul.f32 v11, v15  }
.LBB2_7:
0x14b: {  	p1 =	sne.s32 s20, $0x4E00;
	[tilespmem:s8+$0x1C30] =	vst v9;
	v6 =	vmul.f32 v10, v6;
	v9 =	vshll.u32 v2, $0x10;
	v10 =	vld [tilespmem:s8+$0x870]  }
0x14c: {  	s1 =	sshra.s32 s20, $0x2;
	v2 =	vand.u32 $0xFFFF0000, v2;
	[tilespmem:s8+$0x840] =	vst v8;
	v4 =	vmul.f32 v9, v4;
	v8 =	vld [tilespmem:s8+$0x1C70]  }
0x14d: {  	v9 =	vld [tilespmem:s1+$0x5800];
	[tilespmem:s8+$0x1C40] =	vst v6;
	v2 =	vmul.f32 v2, v5;
	v5 =	vshll.u32 v1, $0x10  }
0x14e: {  	v1 =	vand.u32 $0xFFFF0000, v1;
	v6 =	vld [tilespmem:s1+$0x5810];
	[tilespmem:s8+$0x850] =	vst v4;
	v3 =	vmul.f32 v5, v3  }
0x14f: {  	v4 =	vld [tilespmem:s1+$0x5820];
	[tilespmem:s8+$0x1C50] =	vst v2;
	v1 =	vmul.f32 v1, v7;
	v2 =	vshll.u32 v0, $0x10  }
0x150: {  	v0 =	vand.u32 $0xFFFF0000, v0;
	v5 =	vld [tilespmem:s1+$0x5830];
	[tilespmem:s8+$0x860] =	vst v3;
	v3 =	vmul.f32 v2, v10  }
0x151: {  	v7 =	vld [tilespmem:s1+$0x5840];
	[tilespmem:s8+$0x1C60] =	vst v1;
	v0 =	vmul.f32 v0, v8  }
0x152: {  	v2 =	vld [tilespmem:s1+$0x5850];
	[tilespmem:s8+$0x870] =	vst v3  }
0x153: {  	v1 =	vld [tilespmem:s1+$0x5860];
	[tilespmem:s8+$0x1C70] =	vst v0;
	s8 =	smov.u32 s1  }
0x154: {  	v0 =	vld [tilespmem:s8+$0x5870]  }
0x155: {  	v3 =	vld [tilespmem:s8+$0x800]  }
0x156: {  	v8 =	vld [tilespmem:s8+$0x1C00]  }
0x157: {  	v10 =	vld [tilespmem:s8+$0x810]  }
0x158: {  	v11 =	vld [tilespmem:s8+$0x1C10]  }
0x159: {  	v12 =	vshll.u32 v9, $0x10;
	v13 =	vld [tilespmem:s8+$0x820]  }
0x15a: {  	v9 =	vand.u32 $0xFFFF0000, v9;
	v3 =	vmul.f32 v12, v3;
	v12 =	vld [tilespmem:s8+$0x1C20]  }
0x15b: {  	v8 =	vmul.f32 v9, v8;
	v9 =	vshll.u32 v6, $0x10;
	v14 =	vld [tilespmem:s8+$0x830]  }
0x15c: {  	[tilespmem:s8+$0x800] =	vst v3;
	v3 =	vand.u32 $0xFFFF0000, v6;
	v6 =	vmul.f32 v9, v10;
	v9 =	vld [tilespmem:s8+$0x1C30]  }
0x15d: {  	[tilespmem:s8+$0x1C00] =	vst v8;
	v3 =	vmul.f32 v3, v11;
	v8 =	vshll.u32 v4, $0x10;
	v11 =	vld [tilespmem:s8+$0x840]  }
.Ltmp2:
0x15e: {  	v4 =	vand.u32 $0xFFFF0000, v4;
	[tilespmem:s8+$0x810] =	vst v6;
	v8 =	vmul.f32 v8, v13;
	v6 =	vld [tilespmem:s8+$0x1C40];
	(pc) =	sbr.rel @p1 .LBB2_7-.Ltmp2, $4  }
0x15f: {  	v10 =	vshll.u32 v5, $0x10;
	[tilespmem:s8+$0x1C10] =	vst v3;
	v3 =	vmul.f32 v4, v12;
	v4 =	vld [tilespmem:s8+$0x850]  }
0x160: {  	[tilespmem:s8+$0x820] =	vst v8;
	v8 =	vand.u32 $0xFFFF0000, v5;
	v10 =	vmul.f32 v10, v14;
	v5 =	vld [tilespmem:s8+$0x1C50]  }
0x161: {  	[tilespmem:s8+$0x1C20] =	vst v3;
	v9 =	vmul.f32 v8, v9;
	v8 =	vshll.u32 v7, $0x10;
	v3 =	vld [tilespmem:s8+$0x860]  }
0x162: {  	s20 =	sadd.s32 $0x200, s20;
	[tilespmem:s8+$0x830] =	vst v10;
	v10 =	vand.u32 $0xFFFF0000, v7;
	v8 =	vmul.f32 v8, v11;
	v7 =	vld [tilespmem:s8+$0x1C60]  }
0x163: {  	[tilespmem:s8+$0x1C30] =	vst v9;
	v9 =	vld [tilespmem:s8+$0x870];
	v6 =	vmul.f32 v10, v6;
	v10 =	vshll.u32 v2, $0x10  }
0x164: {  	v2 =	vand.u32 $0xFFFF0000, v2;
	[tilespmem:s8+$0x840] =	vst v8;
	v4 =	vmul.f32 v10, v4;
	v8 =	vld [tilespmem:s8+$0x1C70]  }
0x165: {  	[tilespmem:s8+$0x1C40] =	vst v6;
	v2 =	vmul.f32 v2, v5;
	v5 =	vshll.u32 v1, $0x10  }
0x166: {  	v1 =	vand.u32 $0xFFFF0000, v1;
	[tilespmem:s8+$0x850] =	vst v4;
	v3 =	vmul.f32 v5, v3  }
0x167: {  	[tilespmem:s8+$0x1C50] =	vst v2;
	v1 =	vmul.f32 v1, v7;
	v2 =	vshll.u32 v0, $0x10  }
0x168: {  	v0 =	vand.u32 $0xFFFF0000, v0;
	[tilespmem:s8+$0x860] =	vst v3;
	v2 =	vmul.f32 v2, v9  }
0x169: {  	[tilespmem:s8+$0x1C60] =	vst v1;
	v0 =	vmul.f32 v0, v8  }
0x16a: {  	[tilespmem:s8+$0x870] =	vst v2  }
0x16b: {  	s1 =	simm.s32 $0x600;
	[tilespmem:s8+$0x1C70] =	vst v0;
	s8 =	rddreg [dreg:$0x12]  }
0x16c: {  	[spmem:s4] =	stream.indirect.scatter.add.f32 [tilespmem:s12], [sflag:$0x7], $0x80, s1, s11, $0xb8;
	[tilespmem:$0x1B880] =	vst v63  }
0x16d: {  	s7 =	simm.s32 $0x680;
	s1 =	sadd.s32 s26, s8  }
0x16e: {  	[spmem:s4] =	stream.indirect.scatter.add.f32 [tilespmem:s14], [sflag:$0x8], $0x80, s7, s11, $0xb8;
	[tilespmem:$0x1B880] =	vst v63  }
0x16f: {  	s7 =	sshrl.u32 s1, $0x3  }
0x170: {  	s20 =	simm.s32 $0x0;
	s15 =	sadd.s32 s2, s7;
	s8 =	sadd.s32 $0x4E20, s7  }
0x171: {  	[tilespmem:s20], [sflag:$0x1] =	stream.linear.gather [hbm4b:s15+s20], $0x28, $0x38;
	[tilespmem:$0x1B880] =	vst v63  }
0x172: {  	s31 =	sadd.s32 s2, s8;
	s15 =	simm.s32 $0x80  }
0x173: {  	[tilespmem:s15], [sflag:$0x1] =	stream.linear.gather [hbm4b:s31+s20], $0x28, $0x38;
	[tilespmem:$0x1B880] =	vst v63  }
0x174: {  	s7 =	sadd.s32 s3, s7  }
0x175: {  	[tilespmem:s29], [sflag:$0x1] =	stream.linear.gather [hbm4b:s7+s20], $0x28, $0x38;
	[tilespmem:$0x1B880] =	vst v63  }
0x176: {  	s31 =	sadd.s32 s3, s8  }
0x177: {  	[tilespmem:s30], [sflag:$0x1] =	stream.linear.gather [hbm4b:s31+s20], $0x28, $0x38;
	[tilespmem:$0x1B880] =	vst v63  }
0x178: {  	_ =	swait.ge [sflag:s10], $0x28  }
0x179: {  	[sflag:s10] =	ssyncset.done $0x0  }
0x17a: {  	[sflag:s10] =	ssyncadd.s32 $0xFFFFFFD8  }
0x17b: {  	_ =	swait.ge [sflag:s10], $0x28  }
0x17c: {  	[sflag:s10] =	ssyncset.done $0x0  }
0x17d: {  	[sflag:s10] =	ssyncadd.s32 $0xFFFFFFD8  }
0x17e: {  	_ =	swait.ge [sflag:s10], $0x28  }
0x17f: {  	[sflag:s10] =	ssyncset.done $0x0  }
0x180: {  	[sflag:s10] =	ssyncadd.s32 $0xFFFFFFD8  }
0x181: {  	_ =	swait.ge [sflag:s10], $0x28  }
0x182: {  	[sflag:s10] =	ssyncset.done $0x0  }
0x183: {  	[sflag:s10] =	ssyncadd.s32 $0xFFFFFFD8  }
0x184: {  	_ =	swait.ge [sflag:s19], $0x1400  }
0x185: {  	[sflag:s19] =	ssyncset.done $0x0  }
0x186: {  	[sflag:s19] =	ssyncadd.s32 $0xFFFFEC00  }
0x187: {  	_ =	swait.ge [sflag:s23], $0x1400  }
0x188: {  	[sflag:s23] =	ssyncset.done $0x0  }
0x189: {  	[sflag:s23] =	ssyncadd.s32 $0xFFFFEC00  }
0x18a: {  	[tilespmem:s12], [sflag:$0x5] =	stream.indirect.gather [hbm4b:s0+s11], $0x80, s20, s11, $0xb8;
	[tilespmem:$0x1B880] =	vst v63  }
0x18b: {  	s1 =	sshll.u32 s1, $0x4  }
0x18c: {  	[tilespmem:s14], [sflag:$0x5] =	stream.indirect.gather [hbm4b:s0+s11], $0x80, s15, s11, $0xb8;
	[tilespmem:$0x1B880] =	vst v63  }
0x18d: {  	s1 =	sadd.s32 s6, s1  }
0x18e: {  	[tilespmem:s9], [sflag:$0x5] =	stream.linear.gather [hbm4b:s1+s20], $0x1400, $0x38;
	[tilespmem:$0x1B880] =	vst v63  }
0x18f: {  	_ =	swait.ge [sflag:s24], $0x1400  }
0x190: {  	[sflag:s24] =	ssyncset.done $0x0  }
0x191: {  	[sflag:s24] =	ssyncadd.s32 $0xFFFFEC00  }
0x192: {  	_ =	swait.ge [sflag:s24], $0x1400  }
0x193: {  	[sflag:s24] =	ssyncset.done $0x0  }
0x194: {  	[sflag:s24] =	ssyncadd.s32 $0xFFFFEC00  }
0x195: {  	_ =	swait.ge [sflag:s24], $0x1400  }
0x196: {  	[sflag:s24] =	ssyncset.done $0x0  }
0x197: {  	s8 =	simm.s32 $0x0;
	[sflag:s24] =	ssyncadd.s32 $0xFFFFEC00  }
0x198: {  	v3 =	vld [tilespmem:s8+$0x6C00]  }
0x199: {  	v4 =	vld [tilespmem:s8+$0x6C10]  }
0x19a: {  	v5 =	vld [tilespmem:s8+$0x6C20]  }
0x19b: {  	v7 =	vld [tilespmem:s8+$0x6C30]  }
0x19c: {  	v8 =	vld [tilespmem:s8+$0x6C40]  }
0x19d: {  	v2 =	vld [tilespmem:s8+$0x6C50]  }
0x19e: {  	v6 =	vld [tilespmem:s8+$0x3000]  }
0x19f: {  	v9 =	vld [tilespmem:s8+$0x4400]  }
0x1a0: {  	v1 =	vld [tilespmem:s8+$0x6C60]  }
0x1a1: {  	v10 =	vld [tilespmem:s8+$0x3010]  }
0x1a2: {  	v11 =	vld [tilespmem:s8+$0x4410];
	v12 =	vshll.u32 v3, $0x10  }
0x1a3: {  	v13 =	vld [tilespmem:s8+$0x3020];
	v3 =	vand.u32 $0xFFFF0000, v3;
	v6 =	vmul.f32 v12, v6  }
0x1a4: {  	v0 =	vld [tilespmem:s8+$0x6C70];
	v3 =	vmul.f32 v3, v9  }
0x1a5: {  	v63 =	vld [tilespmem:s8+$0x4420];
	[tilespmem:s8+$0x3000] =	vst v6;
	v6 =	vshll.u32 v4, $0x10  }
0x1a6: {  	v14 =	vld [tilespmem:s8+$0x3030];
	[tilespmem:s8+$0x4400] =	vst v3;
	v3 =	vand.u32 $0xFFFF0000, v4;
	v6 =	vmul.f32 v6, v10  }
0x1a7: {  	v9 =	vld [tilespmem:s8+$0x4430];
	v4 =	vshll.u32 v5, $0x10;
	v3 =	vmul.f32 v3, v11  }
0x1a8: {  	v15 =	vld [tilespmem:s8+$0x3040];
	v10 =	vmul.f32 v4, v13;
	[tilespmem:s8+$0x3010] =	vst v6  }
0x1a9: {  	v6 =	vld [tilespmem:s8+$0x4440];
	[tilespmem:s8+$0x4410] =	vst v3;
	v3 =	vand.u32 $0xFFFF0000, v5  }
0x1aa: {  	v4 =	vld [tilespmem:s8+$0x3050];
	[tilespmem:s8+$0x3020] =	vst v10;
	v10 =	vshll.u32 v7, $0x10;
	v3 =	vmul.f32 v3, v63  }
0x1ab: {  	v5 =	vld [tilespmem:s8+$0x4450];
	v7 =	vand.u32 $0xFFFF0000, v7;
	v10 =	vmul.f32 v10, v14  }
0x1ac: {  	v11 =	vshll.u32 v8, $0x10;
	v9 =	vmul.f32 v7, v9;
	[tilespmem:s8+$0x4420] =	vst v3;
	v3 =	vld [tilespmem:s8+$0x3060]  }
0x1ad: {  	s20 =	simm.s32 $0x200;
	v7 =	vld [tilespmem:s8+$0x4460];
	[tilespmem:s8+$0x3030] =	vst v10;
	v10 =	vand.u32 $0xFFFF0000, v8;
	v8 =	vmul.f32 v11, v15  }
.LBB2_9:
0x1ae: {  	p1 =	sne.s32 s20, $0x4E00;
	[tilespmem:s8+$0x4430] =	vst v9;
	v6 =	vmul.f32 v10, v6;
	v9 =	vshll.u32 v2, $0x10;
	v10 =	vld [tilespmem:s8+$0x3070]  }
0x1af: {  	s1 =	sshra.s32 s20, $0x2;
	v2 =	vand.u32 $0xFFFF0000, v2;
	[tilespmem:s8+$0x3040] =	vst v8;
	v4 =	vmul.f32 v9, v4;
	v8 =	vld [tilespmem:s8+$0x4470]  }
0x1b0: {  	v9 =	vld [tilespmem:s1+$0x6C00];
	[tilespmem:s8+$0x4440] =	vst v6;
	v2 =	vmul.f32 v2, v5;
	v5 =	vshll.u32 v1, $0x10  }
0x1b1: {  	v1 =	vand.u32 $0xFFFF0000, v1;
	v6 =	vld [tilespmem:s1+$0x6C10];
	[tilespmem:s8+$0x3050] =	vst v4;
	v3 =	vmul.f32 v5, v3  }
0x1b2: {  	v4 =	vld [tilespmem:s1+$0x6C20];
	[tilespmem:s8+$0x4450] =	vst v2;
	v1 =	vmul.f32 v1, v7;
	v2 =	vshll.u32 v0, $0x10  }
0x1b3: {  	v0 =	vand.u32 $0xFFFF0000, v0;
	v5 =	vld [tilespmem:s1+$0x6C30];
	[tilespmem:s8+$0x3060] =	vst v3;
	v3 =	vmul.f32 v2, v10  }
0x1b4: {  	v7 =	vld [tilespmem:s1+$0x6C40];
	[tilespmem:s8+$0x4460] =	vst v1;
	v0 =	vmul.f32 v0, v8  }
0x1b5: {  	v2 =	vld [tilespmem:s1+$0x6C50];
	[tilespmem:s8+$0x3070] =	vst v3  }
0x1b6: {  	v1 =	vld [tilespmem:s1+$0x6C60];
	[tilespmem:s8+$0x4470] =	vst v0;
	s8 =	smov.u32 s1  }
0x1b7: {  	v0 =	vld [tilespmem:s8+$0x6C70]  }
0x1b8: {  	v3 =	vld [tilespmem:s8+$0x3000]  }
0x1b9: {  	v8 =	vld [tilespmem:s8+$0x4400]  }
0x1ba: {  	v10 =	vld [tilespmem:s8+$0x3010]  }
0x1bb: {  	v11 =	vld [tilespmem:s8+$0x4410]  }
0x1bc: {  	v12 =	vshll.u32 v9, $0x10;
	v13 =	vld [tilespmem:s8+$0x3020]  }
0x1bd: {  	v9 =	vand.u32 $0xFFFF0000, v9;
	v3 =	vmul.f32 v12, v3;
	v12 =	vld [tilespmem:s8+$0x4420]  }
0x1be: {  	v8 =	vmul.f32 v9, v8;
	v9 =	vshll.u32 v6, $0x10;
	v14 =	vld [tilespmem:s8+$0x3030]  }
0x1bf: {  	[tilespmem:s8+$0x3000] =	vst v3;
	v3 =	vand.u32 $0xFFFF0000, v6;
	v6 =	vmul.f32 v9, v10;
	v9 =	vld [tilespmem:s8+$0x4430]  }
0x1c0: {  	[tilespmem:s8+$0x4400] =	vst v8;
	v3 =	vmul.f32 v3, v11;
	v8 =	vshll.u32 v4, $0x10;
	v11 =	vld [tilespmem:s8+$0x3040]  }
.Ltmp3:
0x1c1: {  	v4 =	vand.u32 $0xFFFF0000, v4;
	[tilespmem:s8+$0x3010] =	vst v6;
	v8 =	vmul.f32 v8, v13;
	v6 =	vld [tilespmem:s8+$0x4440];
	(pc) =	sbr.rel @p1 .LBB2_9-.Ltmp3, $4  }
0x1c2: {  	v10 =	vshll.u32 v5, $0x10;
	[tilespmem:s8+$0x4410] =	vst v3;
	v3 =	vmul.f32 v4, v12;
	v4 =	vld [tilespmem:s8+$0x3050]  }
0x1c3: {  	[tilespmem:s8+$0x3020] =	vst v8;
	v8 =	vand.u32 $0xFFFF0000, v5;
	v10 =	vmul.f32 v10, v14;
	v5 =	vld [tilespmem:s8+$0x4450]  }
0x1c4: {  	[tilespmem:s8+$0x4420] =	vst v3;
	v9 =	vmul.f32 v8, v9;
	v8 =	vshll.u32 v7, $0x10;
	v3 =	vld [tilespmem:s8+$0x3060]  }
0x1c5: {  	s20 =	sadd.s32 $0x200, s20;
	[tilespmem:s8+$0x3030] =	vst v10;
	v10 =	vand.u32 $0xFFFF0000, v7;
	v8 =	vmul.f32 v8, v11;
	v7 =	vld [tilespmem:s8+$0x4460]  }
0x1c6: {  	[tilespmem:s8+$0x4430] =	vst v9;
	v56 =	vld [tilespmem:s8+$0x3070];
	v6 =	vmul.f32 v10, v6;
	v57 =	vshll.u32 v2, $0x10  }
0x1c7: {  	v58 =	vand.u32 $0xFFFF0000, v2;
	v59 =	vld [tilespmem:s8+$0x4470];
	[tilespmem:s8+$0x3040] =	vst v8;
	v4 =	vmul.f32 v57, v4  }
0x1c8: {  	v60 =	vshll.u32 v1, $0x10;
	[tilespmem:s8+$0x4440] =	vst v6;
	v2 =	vmul.f32 v58, v5  }
0x1c9: {  	v61 =	vand.u32 $0xFFFF0000, v1;
	[tilespmem:s8+$0x3050] =	vst v4;
	v3 =	vmul.f32 v60, v3  }
0x1ca: {  	v62 =	vshll.u32 v0, $0x10;
	[tilespmem:s8+$0x4450] =	vst v2;
	v1 =	vmul.f32 v61, v7  }
0x1cb: {  	v63 =	vand.u32 $0xFFFF0000, v0;
	[tilespmem:s8+$0x3060] =	vst v3;
	v2 =	vmul.f32 v62, v56  }
0x1cc: {  	p1 =	seq.s32 s25, $0x1E;
	v0 =	vmul.f32 v63, v59;
	[tilespmem:s8+$0x4460] =	vst v1  }
.Ltmp4:
0x1cd: {  	[tilespmem:s8+$0x3070] =	vst v2;
	(pc) =	sbr.rel @p1 .LBB2_12-.Ltmp4, $4  }
0x1ce: {  	s1 =	simm.s32 $0x700;
	[tilespmem:s8+$0x4470] =	vst v0  }
0x1cf: {  	[spmem:s4] =	stream.indirect.scatter.add.f32 [tilespmem:s17], [sflag:$0x7], $0x80, s1, s11, $0xb8;
	[tilespmem:$0x1B880] =	vst v63  }
0x1d0: {  	s20 =	simm.s32 $0x780;
	s31 =	simm.s32 $0x180  }
0x1d1: {  	[spmem:s4] =	stream.indirect.scatter.add.f32 [tilespmem:s18], [sflag:$0x8], $0x80, s20, s11, $0xb8;
	[tilespmem:$0x1B880] =	vst v63  }
0x1d2: {  	s1 =	rddreg [dreg:$0x13]  }
0x1d3: {  	s1 =	sadd.s32 s26, s1  }
0x1d4: {  	s1 =	sshrl.u32 s1, $0x3  }
0x1d5: {  	s26 =	simm.s32 $0x100;
	s7 =	sadd.s32 s2, s1;
	s20 =	sadd.s32 $0x4E20, s1  }
0x1d6: {  	[tilespmem:s26], [sflag:$0x2] =	stream.linear.gather [hbm4b:s7+s5], $0x28, $0x38;
	[tilespmem:$0x1B880] =	vst v63  }
0x1d7: {  	s8 =	sadd.s32 s2, s20  }
0x1d8: {  	[tilespmem:s31], [sflag:$0x2] =	stream.linear.gather [hbm4b:s8+s5], $0x28, $0x38;
	[tilespmem:$0x1B880] =	vst v63  }
.Ltmp5:
0x1d9: {  	_ = 	snop;
	(pc) =	sbr.rel .LBB2_2-.Ltmp5, $4  }
0x1da: {  	s9 =	simm.s32 $0x500;
	s1 =	sadd.s32 s3, s1  }
0x1db: {  	[tilespmem:s9], [sflag:$0x2] =	stream.linear.gather [hbm4b:s1+s5], $0x28, $0x38;
	[tilespmem:$0x1B880] =	vst v63  }
0x1dc: {  	s25 =	sadd.s32 $0x1, s25;
	s15 =	sadd.s32 s3, s20;
	s20 =	simm.s32 $0x580  }
0x1dd: {  	[tilespmem:s20], [sflag:$0x2] =	stream.linear.gather [hbm4b:s15+s5], $0x28, $0x38;
	[tilespmem:$0x1B880] =	vst v63  }
.LBB2_12:
0x1de: {  	_ =	swait.ge [sflag:s22], $0x1400  }
0x1df: {  	[sflag:s22] =	ssyncset.done $0x0  }
0x1e0: {  	[sflag:s22] =	ssyncadd.s32 $0xFFFFEC00  }
0x1e1: {  	_ =	swait.ge [sflag:s22], $0x1400  }
0x1e2: {  	[sflag:s22] =	ssyncset.done $0x0  }
0x1e3: {  	[sflag:s22] =	ssyncadd.s32 $0xFFFFEC00  }
0x1e4: {  	_ =	swait.ge [sflag:s22], $0x1400  }
0x1e5: {  	[sflag:s22] =	ssyncset.done $0x0  }
0x1e6: {  	s8 =	simm.s32 $0x0;
	[sflag:s22] =	ssyncadd.s32 $0xFFFFEC00  }
0x1e7: {  	v3 =	vld [tilespmem:s8+$0x5800]  }
0x1e8: {  	v4 =	vld [tilespmem:s8+$0x5810]  }
0x1e9: {  	v5 =	vld [tilespmem:s8+$0x5820]  }
0x1ea: {  	v7 =	vld [tilespmem:s8+$0x5830]  }
0x1eb: {  	v8 =	vld [tilespmem:s8+$0x5840]  }
0x1ec: {  	v2 =	vld [tilespmem:s8+$0x5850]  }
0x1ed: {  	v6 =	vld [tilespmem:s8+$0x800]  }
0x1ee: {  	v9 =	vld [tilespmem:s8+$0x1C00]  }
0x1ef: {  	v1 =	vld [tilespmem:s8+$0x5860]  }
0x1f0: {  	v10 =	vld [tilespmem:s8+$0x810]  }
0x1f1: {  	v11 =	vld [tilespmem:s8+$0x1C10];
	v12 =	vshll.u32 v3, $0x10  }
0x1f2: {  	v13 =	vld [tilespmem:s8+$0x820];
	v3 =	vand.u32 $0xFFFF0000, v3;
	v6 =	vmul.f32 v12, v6  }
0x1f3: {  	v0 =	vld [tilespmem:s8+$0x5870];
	v3 =	vmul.f32 v3, v9  }
0x1f4: {  	v63 =	vld [tilespmem:s8+$0x1C20];
	[tilespmem:s8+$0x800] =	vst v6;
	v6 =	vshll.u32 v4, $0x10  }
0x1f5: {  	v14 =	vld [tilespmem:s8+$0x830];
	[tilespmem:s8+$0x1C00] =	vst v3;
	v3 =	vand.u32 $0xFFFF0000, v4;
	v6 =	vmul.f32 v6, v10  }
0x1f6: {  	v9 =	vld [tilespmem:s8+$0x1C30];
	v4 =	vshll.u32 v5, $0x10;
	v3 =	vmul.f32 v3, v11  }
0x1f7: {  	v15 =	vld [tilespmem:s8+$0x840];
	v10 =	vmul.f32 v4, v13;
	[tilespmem:s8+$0x810] =	vst v6  }
0x1f8: {  	v6 =	vld [tilespmem:s8+$0x1C40];
	[tilespmem:s8+$0x1C10] =	vst v3;
	v3 =	vand.u32 $0xFFFF0000, v5  }
0x1f9: {  	v4 =	vld [tilespmem:s8+$0x850];
	[tilespmem:s8+$0x820] =	vst v10;
	v10 =	vshll.u32 v7, $0x10;
	v3 =	vmul.f32 v3, v63  }
0x1fa: {  	v5 =	vld [tilespmem:s8+$0x1C50];
	v7 =	vand.u32 $0xFFFF0000, v7;
	v10 =	vmul.f32 v10, v14  }
0x1fb: {  	v11 =	vshll.u32 v8, $0x10;
	v9 =	vmul.f32 v7, v9;
	[tilespmem:s8+$0x1C20] =	vst v3;
	v3 =	vld [tilespmem:s8+$0x860]  }
0x1fc: {  	s20 =	simm.s32 $0x200;
	v7 =	vld [tilespmem:s8+$0x1C60];
	[tilespmem:s8+$0x830] =	vst v10;
	v10 =	vand.u32 $0xFFFF0000, v8;
	v8 =	vmul.f32 v11, v15  }
.LBB2_13:
0x1fd: {  	p1 =	sne.s32 s20, $0x4E00;
	[tilespmem:s8+$0x1C30] =	vst v9;
	v6 =	vmul.f32 v10, v6;
	v9 =	vshll.u32 v2, $0x10;
	v10 =	vld [tilespmem:s8+$0x870]  }
0x1fe: {  	s1 =	sshra.s32 s20, $0x2;
	v2 =	vand.u32 $0xFFFF0000, v2;
	[tilespmem:s8+$0x840] =	vst v8;
	v4 =	vmul.f32 v9, v4;
	v8 =	vld [tilespmem:s8+$0x1C70]  }
0x1ff: {  	v9 =	vld [tilespmem:s1+$0x5800];
	[tilespmem:s8+$0x1C40] =	vst v6;
	v2 =	vmul.f32 v2, v5;
	v5 =	vshll.u32 v1, $0x10  }
0x200: {  	v1 =	vand.u32 $0xFFFF0000, v1;
	v6 =	vld [tilespmem:s1+$0x5810];
	[tilespmem:s8+$0x850] =	vst v4;
	v3 =	vmul.f32 v5, v3  }
0x201: {  	v4 =	vld [tilespmem:s1+$0x5820];
	[tilespmem:s8+$0x1C50] =	vst v2;
	v1 =	vmul.f32 v1, v7;
	v2 =	vshll.u32 v0, $0x10  }
0x202: {  	v0 =	vand.u32 $0xFFFF0000, v0;
	v5 =	vld [tilespmem:s1+$0x5830];
	[tilespmem:s8+$0x860] =	vst v3;
	v3 =	vmul.f32 v2, v10  }
0x203: {  	v7 =	vld [tilespmem:s1+$0x5840];
	[tilespmem:s8+$0x1C60] =	vst v1;
	v0 =	vmul.f32 v0, v8  }
0x204: {  	v2 =	vld [tilespmem:s1+$0x5850];
	[tilespmem:s8+$0x870] =	vst v3  }
0x205: {  	v1 =	vld [tilespmem:s1+$0x5860];
	[tilespmem:s8+$0x1C70] =	vst v0;
	s8 =	smov.u32 s1  }
0x206: {  	v0 =	vld [tilespmem:s8+$0x5870]  }
0x207: {  	v3 =	vld [tilespmem:s8+$0x800]  }
0x208: {  	v8 =	vld [tilespmem:s8+$0x1C00]  }
0x209: {  	v10 =	vld [tilespmem:s8+$0x810]  }
0x20a: {  	v11 =	vld [tilespmem:s8+$0x1C10]  }
0x20b: {  	v12 =	vshll.u32 v9, $0x10;
	v13 =	vld [tilespmem:s8+$0x820]  }
0x20c: {  	v9 =	vand.u32 $0xFFFF0000, v9;
	v3 =	vmul.f32 v12, v3;
	v12 =	vld [tilespmem:s8+$0x1C20]  }
0x20d: {  	v8 =	vmul.f32 v9, v8;
	v9 =	vshll.u32 v6, $0x10;
	v14 =	vld [tilespmem:s8+$0x830]  }
0x20e: {  	[tilespmem:s8+$0x800] =	vst v3;
	v3 =	vand.u32 $0xFFFF0000, v6;
	v6 =	vmul.f32 v9, v10;
	v9 =	vld [tilespmem:s8+$0x1C30]  }
0x20f: {  	[tilespmem:s8+$0x1C00] =	vst v8;
	v3 =	vmul.f32 v3, v11;
	v8 =	vshll.u32 v4, $0x10;
	v11 =	vld [tilespmem:s8+$0x840]  }
.Ltmp6:
0x210: {  	v4 =	vand.u32 $0xFFFF0000, v4;
	[tilespmem:s8+$0x810] =	vst v6;
	v8 =	vmul.f32 v8, v13;
	v6 =	vld [tilespmem:s8+$0x1C40];
	(pc) =	sbr.rel @p1 .LBB2_13-.Ltmp6, $4  }
0x211: {  	v10 =	vshll.u32 v5, $0x10;
	[tilespmem:s8+$0x1C10] =	vst v3;
	v3 =	vmul.f32 v4, v12;
	v4 =	vld [tilespmem:s8+$0x850]  }
0x212: {  	[tilespmem:s8+$0x820] =	vst v8;
	v8 =	vand.u32 $0xFFFF0000, v5;
	v10 =	vmul.f32 v10, v14;
	v5 =	vld [tilespmem:s8+$0x1C50]  }
0x213: {  	[tilespmem:s8+$0x1C20] =	vst v3;
	v9 =	vmul.f32 v8, v9;
	v8 =	vshll.u32 v7, $0x10;
	v3 =	vld [tilespmem:s8+$0x860]  }
0x214: {  	s20 =	sadd.s32 $0x200, s20;
	[tilespmem:s8+$0x830] =	vst v10;
	v10 =	vand.u32 $0xFFFF0000, v7;
	v8 =	vmul.f32 v8, v11;
	v7 =	vld [tilespmem:s8+$0x1C60]  }
0x215: {  	[tilespmem:s8+$0x1C30] =	vst v9;
	v56 =	vld [tilespmem:s8+$0x870];
	v6 =	vmul.f32 v10, v6;
	v57 =	vshll.u32 v2, $0x10  }
0x216: {  	v58 =	vand.u32 $0xFFFF0000, v2;
	v59 =	vld [tilespmem:s8+$0x1C70];
	[tilespmem:s8+$0x840] =	vst v8;
	v4 =	vmul.f32 v57, v4  }
0x217: {  	v60 =	vshll.u32 v1, $0x10;
	[tilespmem:s8+$0x1C40] =	vst v6;
	v2 =	vmul.f32 v58, v5  }
0x218: {  	v61 =	vand.u32 $0xFFFF0000, v1;
	[tilespmem:s8+$0x850] =	vst v4;
	v3 =	vmul.f32 v60, v3  }
0x219: {  	v62 =	vshll.u32 v0, $0x10;
	[tilespmem:s8+$0x1C50] =	vst v2;
	v1 =	vmul.f32 v61, v7  }
0x21a: {  	v63 =	vand.u32 $0xFFFF0000, v0;
	[tilespmem:s8+$0x860] =	vst v3;
	v2 =	vmul.f32 v62, v56  }
0x21b: {  	v0 =	vmul.f32 v63, v59;
	[tilespmem:s8+$0x1C60] =	vst v1  }
0x21c: {  	[tilespmem:s8+$0x870] =	vst v2  }
0x21d: {  	[tilespmem:s8+$0x1C70] =	vst v0  }
0x21e: {  	[spmem:s4] =	stream.indirect.scatter.add.f32 [tilespmem:s12], [sflag:$0x7], $0x80, s29, s11, $0xb8;
	[tilespmem:$0x1B880] =	vst v63  }
0x21f: {  	_ = 	snop  }
0x220: {  	[spmem:s4] =	stream.indirect.scatter.add.f32 [tilespmem:s14], [sflag:$0x8], $0x80, s30, s11, $0xb8;
	[tilespmem:$0x1B880] =	vst v63  }
0x221: {  	_ =	swait.ge [sflag:s19], $0x1400  }
0x222: {  	[sflag:s19] =	ssyncset.done $0x0  }
0x223: {  	[sflag:s19] =	ssyncadd.s32 $0xFFFFEC00  }
0x224: {  	_ =	swait.ge [sflag:s23], $0x1400  }
0x225: {  	[sflag:s23] =	ssyncset.done $0x0  }
0x226: {  	[sflag:s23] =	ssyncadd.s32 $0xFFFFEC00  }
0x227: {  	_ =	swait.ge [sflag:s19], $0x1400  }
0x228: {  	[sflag:s19] =	ssyncset.done $0x0  }
0x229: {  	[sflag:s19] =	ssyncadd.s32 $0xFFFFEC00  }
0x22a: {  	_ =	swait.ge [sflag:s23], $0x1400  }
0x22b: {  	[sflag:s23] =	ssyncset.done $0x0  }
0x22c: {  	[sflag:s23] =	ssyncadd.s32 $0xFFFFEC00  }
0x22d: {  	[bflag:$0x0] =	sbarrier.arrive $0xFFFF  }
0x22e: {  	s20 =	rddreg [dreg:$0x7]  }
0x22f: {  	s1 =	sshrl.u32 @!p0 s4, $0x3;
	s7 =	rddreg [dreg:$0x14]  }
0x230: {  	[hbm:s7], [sflag:s20] =	dma.local @!p0 [spmem:s1], $0x27100  }
0x231: {  	s1 =	simm.s32 @!p0 $0x9  }
0x232: {  	_ =	swait.ge @!p0 [sflag:s1], $0x27100  }
0x233: {  	s25 =	rddreg [dreg:$0x19]  }
0x234: {  	s26 =	rddreg [dreg:$0x15];
	s8 =	sadd.s32 $0x1, s25  }
0x235: {  	p1 =	sne.s32 s8, s26  }
.Ltmp7:
0x236: {  	_ = 	snop;
	(pc) =	sbr.rel @p1 .LBB2_1-.Ltmp7, $3  }
0x237: {  	_ =	sdelay $0x1  }
0x238: {  	[sflag:s1] =	ssyncset.done @!p0 $0x0  }
0x239: {  	[sflag:s1] =	ssyncadd.s32 @!p0 $0xFFFD8F00;
	s26 =	simm.s32 $0x100  }
0x23a: {  	_ =	sfence.sel $0x180000  }
0x23b: {  	[bflag:$0x0] =	sbarrier.arrive $0xFFFF  }
0x23c: {  	_ =	strace $0x90000047  }
0x23d: {  	[bflag:$0x2] =	sbarrier.arrive $0xFFFF  }
0x23e: {  	s0 =	rddreg [dreg:$0x5]  }
0x23f: {  	s0 =	sadd.s32 @!p0 $0x100000, s0  }
0x240: {  	[sflag:s0] =	ssyncadd.tile.s32 @!p0 $0x1;
	_ =	shalt  }
.Lfunc_end2:
_tile_overlayer_lowered:
.L_overlay_start_2:
0x241: {  	(tag) =	ssettag $0x2  }
0x242: {  	s0 =	rddreg [dreg:$0x0];
	s2 =	stileid.u32  }
0x243: {  	s1 =	rddreg [dreg:$0x1];
	p0 =	sne.s32 s2, $0x0  }
0x244: {  	s3 =	rddreg [dreg:$0x2];
	[bflag:$0x3] =	sbarrier.arrive $0xFFFF;
	s2 =	simm.s32 @!p0 $0x1C09  }
0x245: {  	[timem:s3], [sflag:s2] =	dma.local @!p0 [hbm:s0], s1  }
0x246: {  	s0 =	simm.s32 @!p0 $0x9  }
0x247: {  	_ =	swait.ge @!p0 [sflag:s0], s1  }
0x248: {  	s1 =	ssub.s32 @!p0 $0x0, s1;
	[sflag:s0] =	ssyncset.done @!p0 $0x0  }
0x249: {  	[sflag:s0] =	ssyncadd.s32 @!p0 s1  }
0x24a: {  	[bflag:$0x3] =	sbarrier.arrive $0xFFFF  }
0x24b: {  	_ =	shalt  }

</sc_bundles>
